<compile_context>
chip_gen: v7x
topology: tpu7x:2x2x1
jax: 0.10.2.dev20260603
libtpu: 0.0.44.dev20260713+nightly
codegen_flags: <defaults>
</compile_context>

<pallas_src>
import functools

import jax
import jax.numpy as jnp
from jax import lax
from jax.experimental import pallas as pl
from jax.experimental.pallas import tpu as pltpu
from jax.experimental.pallas import tpu_sc as plsc

BATCH = 16384
SEQ = 20
EMBED_DIM = 32
HALF = 16
LANES = 128

NUM_CORES = 2
NUM_SUBCORES = 16
NUM_WORKERS = NUM_CORES * NUM_SUBCORES
B_PER_W = BATCH // NUM_WORKERS
IDX_PER_W = B_PER_W * SEQ

CHUNK_B = 64
CHUNK_IDX = CHUNK_B * SEQ
CHUNK_STREAMS = CHUNK_IDX // LANES
NUM_CHUNKS = B_PER_W // CHUNK_B

_MESH = plsc.VectorSubcoreMesh(core_axis_name="c", subcore_axis_name="s")


def _worker_id():
    return lax.axis_index("s") * NUM_CORES + lax.axis_index("c")


@functools.partial(
    pl.kernel,
    out_type=jax.ShapeDtypeStruct((BATCH * SEQ,), jnp.int32),
    mesh=_MESH,
    compiler_params=pltpu.CompilerParams(use_tc_tiling_on_sc=True),
    scratch_types=[
        pltpu.VMEM((B_PER_W, SEQ), jnp.int32),
        pltpu.VMEM((IDX_PER_W,), jnp.int32),
    ],
)
def _sc_flatten(x_hbm, out_hbm, xin_v, xout_v):
    wid = _worker_id()
    pltpu.sync_copy(x_hbm.at[pl.ds(wid * B_PER_W, B_PER_W), :], xin_v)

    @pl.loop(0, B_PER_W)
    def _(r):
        a = xin_v[r, pl.ds(0, HALF)]
        b = xin_v[r, pl.ds(SEQ - HALF, HALF)]
        xout_v[pl.ds(r * SEQ, HALF)] = a
        xout_v[pl.ds(r * SEQ + (SEQ - HALF), HALF)] = b

    pltpu.sync_copy(xout_v, out_hbm.at[pl.ds(wid * IDX_PER_W, IDX_PER_W)])


@functools.partial(
    pl.kernel,
    out_type=jax.ShapeDtypeStruct((BATCH, EMBED_DIM), jnp.float32),
    mesh=_MESH,
    compiler_params=pltpu.CompilerParams(use_tc_tiling_on_sc=False),
    scratch_types=[
        pltpu.VMEM((IDX_PER_W,), jnp.int32),
        pltpu.VMEM((CHUNK_IDX, EMBED_DIM), jnp.float32),
        pltpu.VMEM((CHUNK_IDX, EMBED_DIM), jnp.float32),
        pltpu.VMEM((B_PER_W, EMBED_DIM), jnp.float32),
        pltpu.SemaphoreType.DMA,
        pltpu.SemaphoreType.DMA,
    ],
)
def _sc_embed_sum(table_hbm, idx_hbm, out_hbm, idx_v, rows0, rows1, out_v,
                  sem0, sem1):
    wid = _worker_id()
    base_b = wid * B_PER_W
    pltpu.sync_copy(idx_hbm.at[pl.ds(wid * IDX_PER_W, IDX_PER_W)], idx_v)

    rows = (rows0, rows1)
    sems = (sem0, sem1)

    def fire(c):
        buf, sem = rows[c % 2], sems[c % 2]
        cps = []
        for g in range(CHUNK_STREAMS):
            cps.append(pltpu.async_copy(
                table_hbm.at[idx_v.at[pl.ds(c * CHUNK_IDX + g * LANES, LANES)]],
                buf.at[pl.ds(g * LANES, LANES)],
                sem))
        return cps

    pending = fire(0)
    for c in range(NUM_CHUNKS):
        for cp in pending:
            cp.wait()
        if c + 1 < NUM_CHUNKS:
            pending = fire(c + 1)
        buf = rows[c % 2]

        @pl.loop(0, CHUNK_B)
        def _(b, _c=c, _buf=buf):
            r0 = b * SEQ
            acc0 = _buf[r0, pl.ds(0, HALF)]
            acc1 = _buf[r0, pl.ds(HALF, HALF)]
            for l in range(1, SEQ):
                acc0 = acc0 + _buf[r0 + l, pl.ds(0, HALF)]
                acc1 = acc1 + _buf[r0 + l, pl.ds(HALF, HALF)]
            ob = _c * CHUNK_B + b
            out_v[ob, pl.ds(0, HALF)] = acc0
            out_v[ob, pl.ds(HALF, HALF)] = acc1

    pltpu.sync_copy(out_v, out_hbm.at[pl.ds(base_b, B_PER_W)])


def kernel(x, action_emb):
    x_flat = _sc_flatten(x.astype(jnp.int32))
    return _sc_embed_sum(action_emb, x_flat)

# --- scband reference (transcript-rebuilt; emitter-appended) ---
"""Pipeline reference for scband-action-tokenized-embedding-39101382263546 (READ-ONLY COPY).

The authoritative reference and input builder live on the scoring server;
editing this copy changes nothing except your own understanding.
"""

import jax, jax.numpy as jnp
import numpy as np

TOKEN_SIZE = 100000
EMBED_DIM = 32
BATCH = 16384
SEQ = 20

def setup_inputs(seed: int = 0) -> dict:
    key = jax.random.key(seed)
    k1, k2 = jax.random.split(key)
    x = jax.random.randint(k1, (BATCH, SEQ), 0, TOKEN_SIZE, dtype=jnp.int64) if jax.config.jax_enable_x64 else jax.random.randint(k1, (BATCH, SEQ), 0, TOKEN_SIZE, dtype=jnp.int32)
    action_emb = jax.random.normal(k2, (TOKEN_SIZE, EMBED_DIM), dtype=jnp.float32)
    return {"x": x, "action_emb": action_emb}

def reference(x, action_emb):
    # nn.Embedding lookup: gather rows of the table
    emb = jnp.take(action_emb, x, axis=0)  # [B, L, D]
    # pool_fn = torch.sum over dim=-2, then squeeze
    out = jnp.sum(emb, axis=-2)  # [B, D]
    out = jnp.squeeze(out)
    return out

if __name__ == "__main__":
    import jax
    _d = setup_inputs()
    print(jax.jit(kernel)(*tuple(_d.values())))

</pallas_src>

<mosaic_0001>
#map = affine_map<(d0, d1) -> (0, 0)>
#map1 = affine_map<(d0, d1) -> (0)>
module attributes {stable_mosaic.version = 14 : i64} {
  func.func @_sc_embed_sum(%arg0: i32, %arg1: i32, %arg2: memref<100000x32xf32, #tpu.memory_space<hbm>>, %arg3: memref<327680xi32, #tpu.memory_space<hbm>>, %arg4: memref<16384x32xf32, #tpu.memory_space<hbm>>, %arg5: memref<10240xi32, #tpu.memory_space<vmem>>, %arg6: memref<1280x32xf32, #tpu.memory_space<vmem>>, %arg7: memref<1280x32xf32, #tpu.memory_space<vmem>>, %arg8: memref<512x32xf32, #tpu.memory_space<vmem>>, %arg9: memref<!tpu.dma_semaphore, #tpu.memory_space<semaphore_mem>>, %arg10: memref<!tpu.dma_semaphore, #tpu.memory_space<semaphore_mem>>) attributes {dimension_semantics = [#tpu.dimension_semantics<core_parallel>, #tpu.dimension_semantics<subcore_parallel>], iteration_bounds = array<i64: 2, 16>, scalar_prefetch = 0 : i64, scratch_operands = 6 : i64, tpu.core_type = #tpu.core_type<sc_vector_subcore>, window_params = [{transform_indices = #map}, {transform_indices = #map1}, {transform_indices = #map}]} {
    %mul3A = arith.constant 2 : i32
    %mul3A_0 = arith.muli %arg1, %mul3A : i32
    %add3A = arith.addi %mul3A_0, %arg0 : i32
    %mul3A_1 = arith.constant 512 : i32
    %mul3A_2 = arith.muli %add3A, %mul3A_1 : i32
    %mul3A_3 = arith.constant 10240 : i32
    %mul3A_4 = arith.muli %add3A, %mul3A_3 : i32
    "tpu.region"() ({
      %run_scoped3A = tpu.sem_alloc : memref<!tpu.dma_semaphore, #tpu.memory_space<semaphore_mem>>
      %dma_start3A_1322 = tpu.memref_slice %arg3[%mul3A_4] : memref<327680xi32, #tpu.memory_space<hbm>> -> memref<10240xi32, #tpu.memory_space<hbm>>
      %dma_start3A_1323 = tpu.memref_slice %arg3[%mul3A_4] : memref<327680xi32, #tpu.memory_space<hbm>> -> memref<10240xi32, #tpu.memory_space<hbm>>
      tpu.enqueue_dma source(%dma_start3A_1323 : memref<10240xi32, #tpu.memory_space<hbm>>) target(%arg5 : memref<10240xi32, #tpu.memory_space<vmem>>) target_semaphore(%run_scoped3A : memref<!tpu.dma_semaphore, #tpu.memory_space<semaphore_mem>>)
      %dma_wait3A_1324 = tpu.memref_slice %arg3[%mul3A_4] : memref<327680xi32, #tpu.memory_space<hbm>> -> memref<10240xi32, #tpu.memory_space<hbm>>
      %dma_wait3A_1325 = tpu.memref_slice %arg3[%mul3A_4] : memref<327680xi32, #tpu.memory_space<hbm>> -> memref<10240xi32, #tpu.memory_space<hbm>>
      tpu.wait_dma2 semaphore(%run_scoped3A : memref<!tpu.dma_semaphore, #tpu.memory_space<semaphore_mem>>) src(%dma_wait3A_1325 : memref<10240xi32, #tpu.memory_space<hbm>>) dst(%arg5 : memref<10240xi32, #tpu.memory_space<vmem>>)
      tpu.yield
    }) : () -> ()
    %dma_start3A = arith.constant 0 : i32
    %dma_start3A_5 = arith.constant 0 : i32
    %dma_start3A_6 = tpu.memref_slice %arg6[%dma_start3A, %dma_start3A_5] : memref<1280x32xf32, #tpu.memory_space<vmem>> -> memref<128x32xf32, #tpu.memory_space<vmem>>
    %dma_start3A_7 = arith.constant 0 : i32
    %dma_start3A_8 = tpu.memref_slice %arg5[%dma_start3A_7] : memref<10240xi32, #tpu.memory_space<vmem>> -> memref<128xi32, #tpu.memory_space<vmem>>
    %dma_start3A_9 = arith.constant 0 : i32
    %dma_start3A_10 = arith.constant 0 : i32
    %dma_start3A_11 = tpu.memref_slice %arg2[%dma_start3A_9, %dma_start3A_10] : memref<100000x32xf32, #tpu.memory_space<hbm>> -> memref<100000x32xf32, #tpu.memory_space<hbm>>
    tpu.enqueue_indirect_dma source(%dma_start3A_11 : memref<100000x32xf32, #tpu.memory_space<hbm>>) target(%dma_start3A_6 : memref<128x32xf32, #tpu.memory_space<vmem>>) offsets(%dma_start3A_8 : memref<128xi32, #tpu.memory_space<vmem>>) semaphore(%arg9 : memref<!tpu.dma_semaphore, #tpu.memory_space<semaphore_mem>>)
    %dma_start3A_12 = arith.constant 128 : i32
    %dma_start3A_13 = arith.constant 0 : i32
    %dma_start3A_14 = tpu.memref_slice %arg6[%dma_start3A_12, %dma_start3A_13] : memref<1280x32xf32, #tpu.memory_space<vmem>> -> memref<128x32xf32, #tpu.memory_space<vmem>>
    %dma_start3A_15 = arith.constant 128 : i32
    %dma_start3A_16 = tpu.memref_slice %arg5[%dma_start3A_15] : memref<10240xi32, #tpu.memory_space<vmem>> -> memref<128xi32, #tpu.memory_space<vmem>>
    %dma_start3A_17 = arith.constant 0 : i32
    %dma_start3A_18 = arith.constant 0 : i32
    %dma_start3A_19 = tpu.memref_slice %arg2[%dma_start3A_17, %dma_start3A_18] : memref<100000x32xf32, #tpu.memory_space<hbm>> -> memref<100000x32xf32, #tpu.memory_space<hbm>>
    tpu.enqueue_indirect_dma source(%dma_start3A_19 : memref<100000x32xf32, #tpu.memory_space<hbm>>) target(%dma_start3A_14 : memref<128x32xf32, #tpu.memory_space<vmem>>) offsets(%dma_start3A_16 : memref<128xi32, #tpu.memory_space<vmem>>) semaphore(%arg9 : memref<!tpu.dma_semaphore, #tpu.memory_space<semaphore_mem>>)
    %dma_start3A_20 = arith.constant 256 : i32
    %dma_start3A_21 = arith.constant 0 : i32
    %dma_start3A_22 = tpu.memref_slice %arg6[%dma_start3A_20, %dma_start3A_21] : memref<1280x32xf32, #tpu.memory_space<vmem>> -> memref<128x32xf32, #tpu.memory_space<vmem>>
    %dma_start3A_23 = arith.constant 256 : i32
    %dma_start3A_24 = tpu.memref_slice %arg5[%dma_start3A_23] : memref<10240xi32, #tpu.memory_space<vmem>> -> memref<128xi32, #tpu.memory_space<vmem>>
    %dma_start3A_25 = arith.constant 0 : i32
    %dma_start3A_26 = arith.constant 0 : i32
    %dma_start3A_27 = tpu.memref_slice %arg2[%dma_start3A_25, %dma_start3A_26] : memref<100000x32xf32, #tpu.memory_space<hbm>> -> memref<100000x32xf32, #tpu.memory_space<hbm>>
    tpu.enqueue_indirect_dma source(%dma_start3A_27 : memref<100000x32xf32, #tpu.memory_space<hbm>>) target(%dma_start3A_22 : memref<128x32xf32, #tpu.memory_space<vmem>>) offsets(%dma_start3A_24 : memref<128xi32, #tpu.memory_space<vmem>>) semaphore(%arg9 : memref<!tpu.dma_semaphore, #tpu.memory_space<semaphore_mem>>)
    %dma_start3A_28 = arith.constant 384 : i32
    %dma_start3A_29 = arith.constant 0 : i32
    %dma_start3A_30 = tpu.memref_slice %arg6[%dma_start3A_28, %dma_start3A_29] : memref<1280x32xf32, #tpu.memory_space<vmem>> -> memref<128x32xf32, #tpu.memory_space<vmem>>
    %dma_start3A_31 = arith.constant 384 : i32
    %dma_start3A_32 = tpu.memref_slice %arg5[%dma_start3A_31] : memref<10240xi32, #tpu.memory_space<vmem>> -> memref<128xi32, #tpu.memory_space<vmem>>
    %dma_start3A_33 = arith.constant 0 : i32
    %dma_start3A_34 = arith.constant 0 : i32
    %dma_start3A_35 = tpu.memref_slice %arg2[%dma_start3A_33, %dma_start3A_34] : memref<100000x32xf32, #tpu.memory_space<hbm>> -> memref<100000x32xf32, #tpu.memory_space<hbm>>
    tpu.enqueue_indirect_dma source(%dma_start3A_35 : memref<100000x32xf32, #tpu.memory_space<hbm>>) target(%dma_start3A_30 : memref<128x32xf32, #tpu.memory_space<vmem>>) offsets(%dma_start3A_32 : memref<128xi32, #tpu.memory_space<vmem>>) semaphore(%arg9 : memref<!tpu.dma_semaphore, #tpu.memory_space<semaphore_mem>>)
    %dma_start3A_36 = arith.constant 512 : i32
    %dma_start3A_37 = arith.constant 0 : i32
    %dma_start3A_38 = tpu.memref_slice %arg6[%dma_start3A_36, %dma_start3A_37] : memref<1280x32xf32, #tpu.memory_space<vmem>> -> memref<128x32xf32, #tpu.memory_space<vmem>>
    %dma_start3A_39 = arith.constant 512 : i32
    %dma_start3A_40 = tpu.memref_slice %arg5[%dma_start3A_39] : memref<10240xi32, #tpu.memory_space<vmem>> -> memref<128xi32, #tpu.memory_space<vmem>>
    %dma_start3A_41 = arith.constant 0 : i32
    %dma_start3A_42 = arith.constant 0 : i32
    %dma_start3A_43 = tpu.memref_slice %arg2[%dma_start3A_41, %dma_start3A_42] : memref<100000x32xf32, #tpu.memory_space<hbm>> -> memref<100000x32xf32, #tpu.memory_space<hbm>>
    tpu.enqueue_indirect_dma source(%dma_start3A_43 : memref<100000x32xf32, #tpu.memory_space<hbm>>) target(%dma_start3A_38 : memref<128x32xf32, #tpu.memory_space<vmem>>) offsets(%dma_start3A_40 : memref<128xi32, #tpu.memory_space<vmem>>) semaphore(%arg9 : memref<!tpu.dma_semaphore, #tpu.memory_space<semaphore_mem>>)
    %dma_start3A_44 = arith.constant 640 : i32
    %dma_start3A_45 = arith.constant 0 : i32
    %dma_start3A_46 = tpu.memref_slice %arg6[%dma_start3A_44, %dma_start3A_45] : memref<1280x32xf32, #tpu.memory_space<vmem>> -> memref<128x32xf32, #tpu.memory_space<vmem>>
    %dma_start3A_47 = arith.constant 640 : i32
    %dma_start3A_48 = tpu.memref_slice %arg5[%dma_start3A_47] : memref<10240xi32, #tpu.memory_space<vmem>> -> memref<128xi32, #tpu.memory_space<vmem>>
    %dma_start3A_49 = arith.constant 0 : i32
    %dma_start3A_50 = arith.constant 0 : i32
    %dma_start3A_51 = tpu.memref_slice %arg2[%dma_start3A_49, %dma_start3A_50] : memref<100000x32xf32, #tpu.memory_space<hbm>> -> memref<100000x32xf32, #tpu.memory_space<hbm>>
    tpu.enqueue_indirect_dma source(%dma_start3A_51 : memref<100000x32xf32, #tpu.memory_space<hbm>>) target(%dma_start3A_46 : memref<128x32xf32, #tpu.memory_space<vmem>>) offsets(%dma_start3A_48 : memref<128xi32, #tpu.memory_space<vmem>>) semaphore(%arg9 : memref<!tpu.dma_semaphore, #tpu.memory_space<semaphore_mem>>)
    %dma_start3A_52 = arith.constant 768 : i32
    %dma_start3A_53 = arith.constant 0 : i32
    %dma_start3A_54 = tpu.memref_slice %arg6[%dma_start3A_52, %dma_start3A_53] : memref<1280x32xf32, #tpu.memory_space<vmem>> -> memref<128x32xf32, #tpu.memory_space<vmem>>
    %dma_start3A_55 = arith.constant 768 : i32
    %dma_start3A_56 = tpu.memref_slice %arg5[%dma_start3A_55] : memref<10240xi32, #tpu.memory_space<vmem>> -> memref<128xi32, #tpu.memory_space<vmem>>
    %dma_start3A_57 = arith.constant 0 : i32
    %dma_start3A_58 = arith.constant 0 : i32
    %dma_start3A_59 = tpu.memref_slice %arg2[%dma_start3A_57, %dma_start3A_58] : memref<100000x32xf32, #tpu.memory_space<hbm>> -> memref<100000x32xf32, #tpu.memory_space<hbm>>
    tpu.enqueue_indirect_dma source(%dma_start3A_59 : memref<100000x32xf32, #tpu.memory_space<hbm>>) target(%dma_start3A_54 : memref<128x32xf32, #tpu.memory_space<vmem>>) offsets(%dma_start3A_56 : memref<128xi32, #tpu.memory_space<vmem>>) semaphore(%arg9 : memref<!tpu.dma_semaphore, #tpu.memory_space<semaphore_mem>>)
    %dma_start3A_60 = arith.constant 896 : i32
    %dma_start3A_61 = arith.constant 0 : i32
    %dma_start3A_62 = tpu.memref_slice %arg6[%dma_start3A_60, %dma_start3A_61] : memref<1280x32xf32, #tpu.memory_space<vmem>> -> memref<128x32xf32, #tpu.memory_space<vmem>>
    %dma_start3A_63 = arith.constant 896 : i32
    %dma_start3A_64 = tpu.memref_slice %arg5[%dma_start3A_63] : memref<10240xi32, #tpu.memory_space<vmem>> -> memref<128xi32, #tpu.memory_space<vmem>>
    %dma_start3A_65 = arith.constant 0 : i32
    %dma_start3A_66 = arith.constant 0 : i32
    %dma_start3A_67 = tpu.memref_slice %arg2[%dma_start3A_65, %dma_start3A_66] : memref<100000x32xf32, #tpu.memory_space<hbm>> -> memref<100000x32xf32, #tpu.memory_space<hbm>>
    tpu.enqueue_indirect_dma source(%dma_start3A_67 : memref<100000x32xf32, #tpu.memory_space<hbm>>) target(%dma_start3A_62 : memref<128x32xf32, #tpu.memory_space<vmem>>) offsets(%dma_start3A_64 : memref<128xi32, #tpu.memory_space<vmem>>) semaphore(%arg9 : memref<!tpu.dma_semaphore, #tpu.memory_space<semaphore_mem>>)
    %dma_start3A_68 = arith.constant 1024 : i32
    %dma_start3A_69 = arith.constant 0 : i32
    %dma_start3A_70 = tpu.memref_slice %arg6[%dma_start3A_68, %dma_start3A_69] : memref<1280x32xf32, #tpu.memory_space<vmem>> -> memref<128x32xf32, #tpu.memory_space<vmem>>
    %dma_start3A_71 = arith.constant 1024 : i32
    %dma_start3A_72 = tpu.memref_slice %arg5[%dma_start3A_71] : memref<10240xi32, #tpu.memory_space<vmem>> -> memref<128xi32, #tpu.memory_space<vmem>>
    %dma_start3A_73 = arith.constant 0 : i32
    %dma_start3A_74 = arith.constant 0 : i32
    %dma_start3A_75 = tpu.memref_slice %arg2[%dma_start3A_73, %dma_start3A_74] : memref<100000x32xf32, #tpu.memory_space<hbm>> -> memref<100000x32xf32, #tpu.memory_space<hbm>>
    tpu.enqueue_indirect_dma source(%dma_start3A_75 : memref<100000x32xf32, #tpu.memory_space<hbm>>) target(%dma_start3A_70 : memref<128x32xf32, #tpu.memory_space<vmem>>) offsets(%dma_start3A_72 : memref<128xi32, #tpu.memory_space<vmem>>) semaphore(%arg9 : memref<!tpu.dma_semaphore, #tpu.memory_space<semaphore_mem>>)
    %dma_start3A_76 = arith.constant 1152 : i32
    %dma_start3A_77 = arith.constant 0 : i32
    %dma_start3A_78 = tpu.memref_slice %arg6[%dma_start3A_76, %dma_start3A_77] : memref<1280x32xf32, #tpu.memory_space<vmem>> -> memref<128x32xf32, #tpu.memory_space<vmem>>
    %dma_start3A_79 = arith.constant 1152 : i32
    %dma_start3A_80 = tpu.memref_slice %arg5[%dma_start3A_79] : memref<10240xi32, #tpu.memory_space<vmem>> -> memref<128xi32, #tpu.memory_space<vmem>>
    %dma_start3A_81 = arith.constant 0 : i32
    %dma_start3A_82 = arith.constant 0 : i32
    %dma_start3A_83 = tpu.memref_slice %arg2[%dma_start3A_81, %dma_start3A_82] : memref<100000x32xf32, #tpu.memory_space<hbm>> -> memref<100000x32xf32, #tpu.memory_space<hbm>>
    tpu.enqueue_indirect_dma source(%dma_start3A_83 : memref<100000x32xf32, #tpu.memory_space<hbm>>) target(%dma_start3A_78 : memref<128x32xf32, #tpu.memory_space<vmem>>) offsets(%dma_start3A_80 : memref<128xi32, #tpu.memory_space<vmem>>) semaphore(%arg9 : memref<!tpu.dma_semaphore, #tpu.memory_space<semaphore_mem>>)
    %dma_wait3A = arith.constant 0 : i32
    %dma_wait3A_84 = arith.constant 0 : i32
    %dma_wait3A_85 = tpu.memref_slice %arg6[%dma_wait3A, %dma_wait3A_84] : memref<1280x32xf32, #tpu.memory_space<vmem>> -> memref<128x32xf32, #tpu.memory_space<vmem>>
    %dma_wait3A_86 = arith.constant 0 : i32
    %dma_wait3A_87 = tpu.memref_slice %arg5[%dma_wait3A_86] : memref<10240xi32, #tpu.memory_space<vmem>> -> memref<128xi32, #tpu.memory_space<vmem>>
    %dma_wait3A_88 = arith.constant 0 : i32
    %dma_wait3A_89 = arith.constant 0 : i32
    %dma_wait3A_90 = tpu.memref_slice %arg2[%dma_wait3A_88, %dma_wait3A_89] : memref<100000x32xf32, #tpu.memory_space<hbm>> -> memref<100000x32xf32, #tpu.memory_space<hbm>>
    tpu.wait_indirect_dma semaphore(%arg9 : memref<!tpu.dma_semaphore, #tpu.memory_space<semaphore_mem>>) src(%dma_wait3A_90 : memref<100000x32xf32, #tpu.memory_space<hbm>>) dst(%dma_wait3A_85 : memref<128x32xf32, #tpu.memory_space<vmem>>)
    %dma_wait3A_91 = arith.constant 128 : i32
    %dma_wait3A_92 = arith.constant 0 : i32
    %dma_wait3A_93 = tpu.memref_slice %arg6[%dma_wait3A_91, %dma_wait3A_92] : memref<1280x32xf32, #tpu.memory_space<vmem>> -> memref<128x32xf32, #tpu.memory_space<vmem>>
    %dma_wait3A_94 = arith.constant 128 : i32
    %dma_wait3A_95 = tpu.memref_slice %arg5[%dma_wait3A_94] : memref<10240xi32, #tpu.memory_space<vmem>> -> memref<128xi32, #tpu.memory_space<vmem>>
    %dma_wait3A_96 = arith.constant 0 : i32
    %dma_wait3A_97 = arith.constant 0 : i32
    %dma_wait3A_98 = tpu.memref_slice %arg2[%dma_wait3A_96, %dma_wait3A_97] : memref<100000x32xf32, #tpu.memory_space<hbm>> -> memref<100000x32xf32, #tpu.memory_space<hbm>>
    tpu.wait_indirect_dma semaphore(%arg9 : memref<!tpu.dma_semaphore, #tpu.memory_space<semaphore_mem>>) src(%dma_wait3A_98 : memref<100000x32xf32, #tpu.memory_space<hbm>>) dst(%dma_wait3A_93 : memref<128x32xf32, #tpu.memory_space<vmem>>)
    %dma_wait3A_99 = arith.constant 256 : i32
    %dma_wait3A_100 = arith.constant 0 : i32
    %dma_wait3A_101 = tpu.memref_slice %arg6[%dma_wait3A_99, %dma_wait3A_100] : memref<1280x32xf32, #tpu.memory_space<vmem>> -> memref<128x32xf32, #tpu.memory_space<vmem>>
    %dma_wait3A_102 = arith.constant 256 : i32
    %dma_wait3A_103 = tpu.memref_slice %arg5[%dma_wait3A_102] : memref<10240xi32, #tpu.memory_space<vmem>> -> memref<128xi32, #tpu.memory_space<vmem>>
    %dma_wait3A_104 = arith.constant 0 : i32
    %dma_wait3A_105 = arith.constant 0 : i32
    %dma_wait3A_106 = tpu.memref_slice %arg2[%dma_wait3A_104, %dma_wait3A_105] : memref<100000x32xf32, #tpu.memory_space<hbm>> -> memref<100000x32xf32, #tpu.memory_space<hbm>>
    tpu.wait_indirect_dma semaphore(%arg9 : memref<!tpu.dma_semaphore, #tpu.memory_space<semaphore_mem>>) src(%dma_wait3A_106 : memref<100000x32xf32, #tpu.memory_space<hbm>>) dst(%dma_wait3A_101 : memref<128x32xf32, #tpu.memory_space<vmem>>)
    %dma_wait3A_107 = arith.constant 384 : i32
    %dma_wait3A_108 = arith.constant 0 : i32
    %dma_wait3A_109 = tpu.memref_slice %arg6[%dma_wait3A_107, %dma_wait3A_108] : memref<1280x32xf32, #tpu.memory_space<vmem>> -> memref<128x32xf32, #tpu.memory_space<vmem>>
    %dma_wait3A_110 = arith.constant 384 : i32
    %dma_wait3A_111 = tpu.memref_slice %arg5[%dma_wait3A_110] : memref<10240xi32, #tpu.memory_space<vmem>> -> memref<128xi32, #tpu.memory_space<vmem>>
    %dma_wait3A_112 = arith.constant 0 : i32
    %dma_wait3A_113 = arith.constant 0 : i32
    %dma_wait3A_114 = tpu.memref_slice %arg2[%dma_wait3A_112, %dma_wait3A_113] : memref<100000x32xf32, #tpu.memory_space<hbm>> -> memref<100000x32xf32, #tpu.memory_space<hbm>>
    tpu.wait_indirect_dma semaphore(%arg9 : memref<!tpu.dma_semaphore, #tpu.memory_space<semaphore_mem>>) src(%dma_wait3A_114 : memref<100000x32xf32, #tpu.memory_space<hbm>>) dst(%dma_wait3A_109 : memref<128x32xf32, #tpu.memory_space<vmem>>)
    %dma_wait3A_115 = arith.constant 512 : i32
    %dma_wait3A_116 = arith.constant 0 : i32
    %dma_wait3A_117 = tpu.memref_slice %arg6[%dma_wait3A_115, %dma_wait3A_116] : memref<1280x32xf32, #tpu.memory_space<vmem>> -> memref<128x32xf32, #tpu.memory_space<vmem>>
    %dma_wait3A_118 = arith.constant 512 : i32
    %dma_wait3A_119 = tpu.memref_slice %arg5[%dma_wait3A_118] : memref<10240xi32, #tpu.memory_space<vmem>> -> memref<128xi32, #tpu.memory_space<vmem>>
    %dma_wait3A_120 = arith.constant 0 : i32
    %dma_wait3A_121 = arith.constant 0 : i32
    %dma_wait3A_122 = tpu.memref_slice %arg2[%dma_wait3A_120, %dma_wait3A_121] : memref<100000x32xf32, #tpu.memory_space<hbm>> -> memref<100000x32xf32, #tpu.memory_space<hbm>>
    tpu.wait_indirect_dma semaphore(%arg9 : memref<!tpu.dma_semaphore, #tpu.memory_space<semaphore_mem>>) src(%dma_wait3A_122 : memref<100000x32xf32, #tpu.memory_space<hbm>>) dst(%dma_wait3A_117 : memref<128x32xf32, #tpu.memory_space<vmem>>)
    %dma_wait3A_123 = arith.constant 640 : i32
    %dma_wait3A_124 = arith.constant 0 : i32
    %dma_wait3A_125 = tpu.memref_slice %arg6[%dma_wait3A_123, %dma_wait3A_124] : memref<1280x32xf32, #tpu.memory_space<vmem>> -> memref<128x32xf32, #tpu.memory_space<vmem>>
    %dma_wait3A_126 = arith.constant 640 : i32
    %dma_wait3A_127 = tpu.memref_slice %arg5[%dma_wait3A_126] : memref<10240xi32, #tpu.memory_space<vmem>> -> memref<128xi32, #tpu.memory_space<vmem>>
    %dma_wait3A_128 = arith.constant 0 : i32
    %dma_wait3A_129 = arith.constant 0 : i32
    %dma_wait3A_130 = tpu.memref_slice %arg2[%dma_wait3A_128, %dma_wait3A_129] : memref<100000x32xf32, #tpu.memory_space<hbm>> -> memref<100000x32xf32, #tpu.memory_space<hbm>>
    tpu.wait_indirect_dma semaphore(%arg9 : memref<!tpu.dma_semaphore, #tpu.memory_space<semaphore_mem>>) src(%dma_wait3A_130 : memref<100000x32xf32, #tpu.memory_space<hbm>>) dst(%dma_wait3A_125 : memref<128x32xf32, #tpu.memory_space<vmem>>)
    %dma_wait3A_131 = arith.constant 768 : i32
    %dma_wait3A_132 = arith.constant 0 : i32
    %dma_wait3A_133 = tpu.memref_slice %arg6[%dma_wait3A_131, %dma_wait3A_132] : memref<1280x32xf32, #tpu.memory_space<vmem>> -> memref<128x32xf32, #tpu.memory_space<vmem>>
    %dma_wait3A_134 = arith.constant 768 : i32
    %dma_wait3A_135 = tpu.memref_slice %arg5[%dma_wait3A_134] : memref<10240xi32, #tpu.memory_space<vmem>> -> memref<128xi32, #tpu.memory_space<vmem>>
    %dma_wait3A_136 = arith.constant 0 : i32
    %dma_wait3A_137 = arith.constant 0 : i32
    %dma_wait3A_138 = tpu.memref_slice %arg2[%dma_wait3A_136, %dma_wait3A_137] : memref<100000x32xf32, #tpu.memory_space<hbm>> -> memref<100000x32xf32, #tpu.memory_space<hbm>>
    tpu.wait_indirect_dma semaphore(%arg9 : memref<!tpu.dma_semaphore, #tpu.memory_space<semaphore_mem>>) src(%dma_wait3A_138 : memref<100000x32xf32, #tpu.memory_space<hbm>>) dst(%dma_wait3A_133 : memref<128x32xf32, #tpu.memory_space<vmem>>)
    %dma_wait3A_139 = arith.constant 896 : i32
    %dma_wait3A_140 = arith.constant 0 : i32
    %dma_wait3A_141 = tpu.memref_slice %arg6[%dma_wait3A_139, %dma_wait3A_140] : memref<1280x32xf32, #tpu.memory_space<vmem>> -> memref<128x32xf32, #tpu.memory_space<vmem>>
    %dma_wait3A_142 = arith.constant 896 : i32
    %dma_wait3A_143 = tpu.memref_slice %arg5[%dma_wait3A_142] : memref<10240xi32, #tpu.memory_space<vmem>> -> memref<128xi32, #tpu.memory_space<vmem>>
    %dma_wait3A_144 = arith.constant 0 : i32
    %dma_wait3A_145 = arith.constant 0 : i32
    %dma_wait3A_146 = tpu.memref_slice %arg2[%dma_wait3A_144, %dma_wait3A_145] : memref<100000x32xf32, #tpu.memory_space<hbm>> -> memref<100000x32xf32, #tpu.memory_space<hbm>>
    tpu.wait_indirect_dma semaphore(%arg9 : memref<!tpu.dma_semaphore, #tpu.memory_space<semaphore_mem>>) src(%dma_wait3A_146 : memref<100000x32xf32, #tpu.memory_space<hbm>>) dst(%dma_wait3A_141 : memref<128x32xf32, #tpu.memory_space<vmem>>)
    %dma_wait3A_147 = arith.constant 1024 : i32
    %dma_wait3A_148 = arith.constant 0 : i32
    %dma_wait3A_149 = tpu.memref_slice %arg6[%dma_wait3A_147, %dma_wait3A_148] : memref<1280x32xf32, #tpu.memory_space<vmem>> -> memref<128x32xf32, #tpu.memory_space<vmem>>
    %dma_wait3A_150 = arith.constant 1024 : i32
    %dma_wait3A_151 = tpu.memref_slice %arg5[%dma_wait3A_150] : memref<10240xi32, #tpu.memory_space<vmem>> -> memref<128xi32, #tpu.memory_space<vmem>>
    %dma_wait3A_152 = arith.constant 0 : i32
    %dma_wait3A_153 = arith.constant 0 : i32
    %dma_wait3A_154 = tpu.memref_slice %arg2[%dma_wait3A_152, %dma_wait3A_153] : memref<100000x32xf32, #tpu.memory_space<hbm>> -> memref<100000x32xf32, #tpu.memory_space<hbm>>
    tpu.wait_indirect_dma semaphore(%arg9 : memref<!tpu.dma_semaphore, #tpu.memory_space<semaphore_mem>>) src(%dma_wait3A_154 : memref<100000x32xf32, #tpu.memory_space<hbm>>) dst(%dma_wait3A_149 : memref<128x32xf32, #tpu.memory_space<vmem>>)
    %dma_wait3A_155 = arith.constant 1152 : i32
    %dma_wait3A_156 = arith.constant 0 : i32
    %dma_wait3A_157 = tpu.memref_slice %arg6[%dma_wait3A_155, %dma_wait3A_156] : memref<1280x32xf32, #tpu.memory_space<vmem>> -> memref<128x32xf32, #tpu.memory_space<vmem>>
    %dma_wait3A_158 = arith.constant 1152 : i32
    %dma_wait3A_159 = tpu.memref_slice %arg5[%dma_wait3A_158] : memref<10240xi32, #tpu.memory_space<vmem>> -> memref<128xi32, #tpu.memory_space<vmem>>
    %dma_wait3A_160 = arith.constant 0 : i32
    %dma_wait3A_161 = arith.constant 0 : i32
    %dma_wait3A_162 = tpu.memref_slice %arg2[%dma_wait3A_160, %dma_wait3A_161] : memref<100000x32xf32, #tpu.memory_space<hbm>> -> memref<100000x32xf32, #tpu.memory_space<hbm>>
    tpu.wait_indirect_dma semaphore(%arg9 : memref<!tpu.dma_semaphore, #tpu.memory_space<semaphore_mem>>) src(%dma_wait3A_162 : memref<100000x32xf32, #tpu.memory_space<hbm>>) dst(%dma_wait3A_157 : memref<128x32xf32, #tpu.memory_space<vmem>>)
    %dma_start3A_163 = arith.constant 0 : i32
    %dma_start3A_164 = arith.constant 0 : i32
    %dma_start3A_165 = tpu.memref_slice %arg7[%dma_start3A_163, %dma_start3A_164] : memref<1280x32xf32, #tpu.memory_space<vmem>> -> memref<128x32xf32, #tpu.memory_space<vmem>>
    %dma_start3A_166 = arith.constant 1280 : i32
    %dma_start3A_167 = tpu.memref_slice %arg5[%dma_start3A_166] : memref<10240xi32, #tpu.memory_space<vmem>> -> memref<128xi32, #tpu.memory_space<vmem>>
    %dma_start3A_168 = arith.constant 0 : i32
    %dma_start3A_169 = arith.constant 0 : i32
    %dma_start3A_170 = tpu.memref_slice %arg2[%dma_start3A_168, %dma_start3A_169] : memref<100000x32xf32, #tpu.memory_space<hbm>> -> memref<100000x32xf32, #tpu.memory_space<hbm>>
    tpu.enqueue_indirect_dma source(%dma_start3A_170 : memref<100000x32xf32, #tpu.memory_space<hbm>>) target(%dma_start3A_165 : memref<128x32xf32, #tpu.memory_space<vmem>>) offsets(%dma_start3A_167 : memref<128xi32, #tpu.memory_space<vmem>>) semaphore(%arg10 : memref<!tpu.dma_semaphore, #tpu.memory_space<semaphore_mem>>)
    %dma_start3A_171 = arith.constant 128 : i32
    %dma_start3A_172 = arith.constant 0 : i32
    %dma_start3A_173 = tpu.memref_slice %arg7[%dma_start3A_171, %dma_start3A_172] : memref<1280x32xf32, #tpu.memory_space<vmem>> -> memref<128x32xf32, #tpu.memory_space<vmem>>
    %dma_start3A_174 = arith.constant 1408 : i32
    %dma_start3A_175 = tpu.memref_slice %arg5[%dma_start3A_174] : memref<10240xi32, #tpu.memory_space<vmem>> -> memref<128xi32, #tpu.memory_space<vmem>>
    %dma_start3A_176 = arith.constant 0 : i32
    %dma_start3A_177 = arith.constant 0 : i32
    %dma_start3A_178 = tpu.memref_slice %arg2[%dma_start3A_176, %dma_start3A_177] : memref<100000x32xf32, #tpu.memory_space<hbm>> -> memref<100000x32xf32, #tpu.memory_space<hbm>>
    tpu.enqueue_indirect_dma source(%dma_start3A_178 : memref<100000x32xf32, #tpu.memory_space<hbm>>) target(%dma_start3A_173 : memref<128x32xf32, #tpu.memory_space<vmem>>) offsets(%dma_start3A_175 : memref<128xi32, #tpu.memory_space<vmem>>) semaphore(%arg10 : memref<!tpu.dma_semaphore, #tpu.memory_space<semaphore_mem>>)
    %dma_start3A_179 = arith.constant 256 : i32
    %dma_start3A_180 = arith.constant 0 : i32
    %dma_start3A_181 = tpu.memref_slice %arg7[%dma_start3A_179, %dma_start3A_180] : memref<1280x32xf32, #tpu.memory_space<vmem>> -> memref<128x32xf32, #tpu.memory_space<vmem>>
    %dma_start3A_182 = arith.constant 1536 : i32
    %dma_start3A_183 = tpu.memref_slice %arg5[%dma_start3A_182] : memref<10240xi32, #tpu.memory_space<vmem>> -> memref<128xi32, #tpu.memory_space<vmem>>
    %dma_start3A_184 = arith.constant 0 : i32
    %dma_start3A_185 = arith.constant 0 : i32
    %dma_start3A_186 = tpu.memref_slice %arg2[%dma_start3A_184, %dma_start3A_185] : memref<100000x32xf32, #tpu.memory_space<hbm>> -> memref<100000x32xf32, #tpu.memory_space<hbm>>
    tpu.enqueue_indirect_dma source(%dma_start3A_186 : memref<100000x32xf32, #tpu.memory_space<hbm>>) target(%dma_start3A_181 : memref<128x32xf32, #tpu.memory_space<vmem>>) offsets(%dma_start3A_183 : memref<128xi32, #tpu.memory_space<vmem>>) semaphore(%arg10 : memref<!tpu.dma_semaphore, #tpu.memory_space<semaphore_mem>>)
    %dma_start3A_187 = arith.constant 384 : i32
    %dma_start3A_188 = arith.constant 0 : i32
    %dma_start3A_189 = tpu.memref_slice %arg7[%dma_start3A_187, %dma_start3A_188] : memref<1280x32xf32, #tpu.memory_space<vmem>> -> memref<128x32xf32, #tpu.memory_space<vmem>>
    %dma_start3A_190 = arith.constant 1664 : i32
    %dma_start3A_191 = tpu.memref_slice %arg5[%dma_start3A_190] : memref<10240xi32, #tpu.memory_space<vmem>> -> memref<128xi32, #tpu.memory_space<vmem>>
    %dma_start3A_192 = arith.constant 0 : i32
    %dma_start3A_193 = arith.constant 0 : i32
    %dma_start3A_194 = tpu.memref_slice %arg2[%dma_start3A_192, %dma_start3A_193] : memref<100000x32xf32, #tpu.memory_space<hbm>> -> memref<100000x32xf32, #tpu.memory_space<hbm>>
    tpu.enqueue_indirect_dma source(%dma_start3A_194 : memref<100000x32xf32, #tpu.memory_space<hbm>>) target(%dma_start3A_189 : memref<128x32xf32, #tpu.memory_space<vmem>>) offsets(%dma_start3A_191 : memref<128xi32, #tpu.memory_space<vmem>>) semaphore(%arg10 : memref<!tpu.dma_semaphore, #tpu.memory_space<semaphore_mem>>)
    %dma_start3A_195 = arith.constant 512 : i32
    %dma_start3A_196 = arith.constant 0 : i32
    %dma_start3A_197 = tpu.memref_slice %arg7[%dma_start3A_195, %dma_start3A_196] : memref<1280x32xf32, #tpu.memory_space<vmem>> -> memref<128x32xf32, #tpu.memory_space<vmem>>
    %dma_start3A_198 = arith.constant 1792 : i32
    %dma_start3A_199 = tpu.memref_slice %arg5[%dma_start3A_198] : memref<10240xi32, #tpu.memory_space<vmem>> -> memref<128xi32, #tpu.memory_space<vmem>>
    %dma_start3A_200 = arith.constant 0 : i32
    %dma_start3A_201 = arith.constant 0 : i32
    %dma_start3A_202 = tpu.memref_slice %arg2[%dma_start3A_200, %dma_start3A_201] : memref<100000x32xf32, #tpu.memory_space<hbm>> -> memref<100000x32xf32, #tpu.memory_space<hbm>>
    tpu.enqueue_indirect_dma source(%dma_start3A_202 : memref<100000x32xf32, #tpu.memory_space<hbm>>) target(%dma_start3A_197 : memref<128x32xf32, #tpu.memory_space<vmem>>) offsets(%dma_start3A_199 : memref<128xi32, #tpu.memory_space<vmem>>) semaphore(%arg10 : memref<!tpu.dma_semaphore, #tpu.memory_space<semaphore_mem>>)
    %dma_start3A_203 = arith.constant 640 : i32
    %dma_start3A_204 = arith.constant 0 : i32
    %dma_start3A_205 = tpu.memref_slice %arg7[%dma_start3A_203, %dma_start3A_204] : memref<1280x32xf32, #tpu.memory_space<vmem>> -> memref<128x32xf32, #tpu.memory_space<vmem>>
    %dma_start3A_206 = arith.constant 1920 : i32
    %dma_start3A_207 = tpu.memref_slice %arg5[%dma_start3A_206] : memref<10240xi32, #tpu.memory_space<vmem>> -> memref<128xi32, #tpu.memory_space<vmem>>
    %dma_start3A_208 = arith.constant 0 : i32
    %dma_start3A_209 = arith.constant 0 : i32
    %dma_start3A_210 = tpu.memref_slice %arg2[%dma_start3A_208, %dma_start3A_209] : memref<100000x32xf32, #tpu.memory_space<hbm>> -> memref<100000x32xf32, #tpu.memory_space<hbm>>
    tpu.enqueue_indirect_dma source(%dma_start3A_210 : memref<100000x32xf32, #tpu.memory_space<hbm>>) target(%dma_start3A_205 : memref<128x32xf32, #tpu.memory_space<vmem>>) offsets(%dma_start3A_207 : memref<128xi32, #tpu.memory_space<vmem>>) semaphore(%arg10 : memref<!tpu.dma_semaphore, #tpu.memory_space<semaphore_mem>>)
    %dma_start3A_211 = arith.constant 768 : i32
    %dma_start3A_212 = arith.constant 0 : i32
    %dma_start3A_213 = tpu.memref_slice %arg7[%dma_start3A_211, %dma_start3A_212] : memref<1280x32xf32, #tpu.memory_space<vmem>> -> memref<128x32xf32, #tpu.memory_space<vmem>>
    %dma_start3A_214 = arith.constant 2048 : i32
    %dma_start3A_215 = tpu.memref_slice %arg5[%dma_start3A_214] : memref<10240xi32, #tpu.memory_space<vmem>> -> memref<128xi32, #tpu.memory_space<vmem>>
    %dma_start3A_216 = arith.constant 0 : i32
    %dma_start3A_217 = arith.constant 0 : i32
    %dma_start3A_218 = tpu.memref_slice %arg2[%dma_start3A_216, %dma_start3A_217] : memref<100000x32xf32, #tpu.memory_space<hbm>> -> memref<100000x32xf32, #tpu.memory_space<hbm>>
    tpu.enqueue_indirect_dma source(%dma_start3A_218 : memref<100000x32xf32, #tpu.memory_space<hbm>>) target(%dma_start3A_213 : memref<128x32xf32, #tpu.memory_space<vmem>>) offsets(%dma_start3A_215 : memref<128xi32, #tpu.memory_space<vmem>>) semaphore(%arg10 : memref<!tpu.dma_semaphore, #tpu.memory_space<semaphore_mem>>)
    %dma_start3A_219 = arith.constant 896 : i32
    %dma_start3A_220 = arith.constant 0 : i32
    %dma_start3A_221 = tpu.memref_slice %arg7[%dma_start3A_219, %dma_start3A_220] : memref<1280x32xf32, #tpu.memory_space<vmem>> -> memref<128x32xf32, #tpu.memory_space<vmem>>
    %dma_start3A_222 = arith.constant 2176 : i32
    %dma_start3A_223 = tpu.memref_slice %arg5[%dma_start3A_222] : memref<10240xi32, #tpu.memory_space<vmem>> -> memref<128xi32, #tpu.memory_space<vmem>>
    %dma_start3A_224 = arith.constant 0 : i32
    %dma_start3A_225 = arith.constant 0 : i32
    %dma_start3A_226 = tpu.memref_slice %arg2[%dma_start3A_224, %dma_start3A_225] : memref<100000x32xf32, #tpu.memory_space<hbm>> -> memref<100000x32xf32, #tpu.memory_space<hbm>>
    tpu.enqueue_indirect_dma source(%dma_start3A_226 : memref<100000x32xf32, #tpu.memory_space<hbm>>) target(%dma_start3A_221 : memref<128x32xf32, #tpu.memory_space<vmem>>) offsets(%dma_start3A_223 : memref<128xi32, #tpu.memory_space<vmem>>) semaphore(%arg10 : memref<!tpu.dma_semaphore, #tpu.memory_space<semaphore_mem>>)
    %dma_start3A_227 = arith.constant 1024 : i32
    %dma_start3A_228 = arith.constant 0 : i32
    %dma_start3A_229 = tpu.memref_slice %arg7[%dma_start3A_227, %dma_start3A_228] : memref<1280x32xf32, #tpu.memory_space<vmem>> -> memref<128x32xf32, #tpu.memory_space<vmem>>
    %dma_start3A_230 = arith.constant 2304 : i32
    %dma_start3A_231 = tpu.memref_slice %arg5[%dma_start3A_230] : memref<10240xi32, #tpu.memory_space<vmem>> -> memref<128xi32, #tpu.memory_space<vmem>>
    %dma_start3A_232 = arith.constant 0 : i32
    %dma_start3A_233 = arith.constant 0 : i32
    %dma_start3A_234 = tpu.memref_slice %arg2[%dma_start3A_232, %dma_start3A_233] : memref<100000x32xf32, #tpu.memory_space<hbm>> -> memref<100000x32xf32, #tpu.memory_space<hbm>>
    tpu.enqueue_indirect_dma source(%dma_start3A_234 : memref<100000x32xf32, #tpu.memory_space<hbm>>) target(%dma_start3A_229 : memref<128x32xf32, #tpu.memory_space<vmem>>) offsets(%dma_start3A_231 : memref<128xi32, #tpu.memory_space<vmem>>) semaphore(%arg10 : memref<!tpu.dma_semaphore, #tpu.memory_space<semaphore_mem>>)
    %dma_start3A_235 = arith.constant 1152 : i32
    %dma_start3A_236 = arith.constant 0 : i32
    %dma_start3A_237 = tpu.memref_slice %arg7[%dma_start3A_235, %dma_start3A_236] : memref<1280x32xf32, #tpu.memory_space<vmem>> -> memref<128x32xf32, #tpu.memory_space<vmem>>
    %dma_start3A_238 = arith.constant 2432 : i32
    %dma_start3A_239 = tpu.memref_slice %arg5[%dma_start3A_238] : memref<10240xi32, #tpu.memory_space<vmem>> -> memref<128xi32, #tpu.memory_space<vmem>>
    %dma_start3A_240 = arith.constant 0 : i32
    %dma_start3A_241 = arith.constant 0 : i32
    %dma_start3A_242 = tpu.memref_slice %arg2[%dma_start3A_240, %dma_start3A_241] : memref<100000x32xf32, #tpu.memory_space<hbm>> -> memref<100000x32xf32, #tpu.memory_space<hbm>>
    tpu.enqueue_indirect_dma source(%dma_start3A_242 : memref<100000x32xf32, #tpu.memory_space<hbm>>) target(%dma_start3A_237 : memref<128x32xf32, #tpu.memory_space<vmem>>) offsets(%dma_start3A_239 : memref<128xi32, #tpu.memory_space<vmem>>) semaphore(%arg10 : memref<!tpu.dma_semaphore, #tpu.memory_space<semaphore_mem>>)
    %scan3A = arith.constant 0 : i32
    %scan3A_243 = arith.constant 64 : i32
    %scan3A_244 = arith.addi %scan3A, %scan3A_243 : i32
    %scan3A_245 = arith.constant 1 : i32
    scf.for %scan3A_1322 = %scan3A to %scan3A_244 step %scan3A_245  : i32 {
      %mul3A_1323 = arith.constant 1 : i32
      %mul3A_1324 = arith.muli %scan3A_1322, %mul3A_1323 : i32
      %add3A_1325 = arith.constant 0 : i32
      %add3A_1326 = arith.addi %add3A_1325, %mul3A_1324 : i32
      %mul3A_1327 = arith.constant 20 : i32
      %mul3A_1328 = arith.muli %add3A_1326, %mul3A_1327 : i32
      %get3A = arith.index_cast %mul3A_1328 : i32 to index
      %get3A_1329 = arith.constant 0 : index
      %get3A_1330 = tpu.vector_load %arg6[%get3A, %get3A_1329] {strides = array<i32>} : memref<1280x32xf32, #tpu.memory_space<vmem>>, vector<1x16xf32>,
      %get3A_1331 = vector.shape_cast %get3A_1330 : vector<1x16xf32> to vector<16xf32>
      %get3A_1332 = arith.index_cast %mul3A_1328 : i32 to index
      %get3A_1333 = arith.constant 16 : index
      %get3A_1334 = tpu.vector_load %arg6[%get3A_1332, %get3A_1333] {strides = array<i32>} : memref<1280x32xf32, #tpu.memory_space<vmem>>, vector<1x16xf32>,
      %get3A_1335 = vector.shape_cast %get3A_1334 : vector<1x16xf32> to vector<16xf32>
      %add3A_1336 = arith.constant 1 : i32
      %add3A_1337 = arith.addi %mul3A_1328, %add3A_1336 : i32
      %get3A_1338 = arith.index_cast %add3A_1337 : i32 to index
      %get3A_1339 = arith.constant 0 : index
      %get3A_1340 = tpu.vector_load %arg6[%get3A_1338, %get3A_1339] {strides = array<i32>} : memref<1280x32xf32, #tpu.memory_space<vmem>>, vector<1x16xf32>,
      %get3A_1341 = vector.shape_cast %get3A_1340 : vector<1x16xf32> to vector<16xf32>
      %add3A_1342 = arith.addf %get3A_1331, %get3A_1341 : vector<16xf32>
      %add3A_1343 = arith.constant 1 : i32
      %add3A_1344 = arith.addi %mul3A_1328, %add3A_1343 : i32
      %get3A_1345 = arith.index_cast %add3A_1344 : i32 to index
      %get3A_1346 = arith.constant 16 : index
      %get3A_1347 = tpu.vector_load %arg6[%get3A_1345, %get3A_1346] {strides = array<i32>} : memref<1280x32xf32, #tpu.memory_space<vmem>>, vector<1x16xf32>,
      %get3A_1348 = vector.shape_cast %get3A_1347 : vector<1x16xf32> to vector<16xf32>
      %add3A_1349 = arith.addf %get3A_1335, %get3A_1348 : vector<16xf32>
      %add3A_1350 = arith.constant 2 : i32
      %add3A_1351 = arith.addi %mul3A_1328, %add3A_1350 : i32
      %get3A_1352 = arith.index_cast %add3A_1351 : i32 to index
      %get3A_1353 = arith.constant 0 : index
      %get3A_1354 = tpu.vector_load %arg6[%get3A_1352, %get3A_1353] {strides = array<i32>} : memref<1280x32xf32, #tpu.memory_space<vmem>>, vector<1x16xf32>,
      %get3A_1355 = vector.shape_cast %get3A_1354 : vector<1x16xf32> to vector<16xf32>
      %add3A_1356 = arith.addf %add3A_1342, %get3A_1355 : vector<16xf32>
      %add3A_1357 = arith.constant 2 : i32
      %add3A_1358 = arith.addi %mul3A_1328, %add3A_1357 : i32
      %get3A_1359 = arith.index_cast %add3A_1358 : i32 to index
      %get3A_1360 = arith.constant 16 : index
      %get3A_1361 = tpu.vector_load %arg6[%get3A_1359, %get3A_1360] {strides = array<i32>} : memref<1280x32xf32, #tpu.memory_space<vmem>>, vector<1x16xf32>,
      %get3A_1362 = vector.shape_cast %get3A_1361 : vector<1x16xf32> to vector<16xf32>
      %add3A_1363 = arith.addf %add3A_1349, %get3A_1362 : vector<16xf32>
      %add3A_1364 = arith.constant 3 : i32
      %add3A_1365 = arith.addi %mul3A_1328, %add3A_1364 : i32
      %get3A_1366 = arith.index_cast %add3A_1365 : i32 to index
      %get3A_1367 = arith.constant 0 : index
      %get3A_1368 = tpu.vector_load %arg6[%get3A_1366, %get3A_1367] {strides = array<i32>} : memref<1280x32xf32, #tpu.memory_space<vmem>>, vector<1x16xf32>,
      %get3A_1369 = vector.shape_cast %get3A_1368 : vector<1x16xf32> to vector<16xf32>
      %add3A_1370 = arith.addf %add3A_1356, %get3A_1369 : vector<16xf32>
      %add3A_1371 = arith.constant 3 : i32
      %add3A_1372 = arith.addi %mul3A_1328, %add3A_1371 : i32
      %get3A_1373 = arith.index_cast %add3A_1372 : i32 to index
      %get3A_1374 = arith.constant 16 : index
      %get3A_1375 = tpu.vector_load %arg6[%get3A_1373, %get3A_1374] {strides = array<i32>} : memref<1280x32xf32, #tpu.memory_space<vmem>>, vector<1x16xf32>,
      %get3A_1376 = vector.shape_cast %get3A_1375 : vector<1x16xf32> to vector<16xf32>
      %add3A_1377 = arith.addf %add3A_1363, %get3A_1376 : vector<16xf32>
      %add3A_1378 = arith.constant 4 : i32
      %add3A_1379 = arith.addi %mul3A_1328, %add3A_1378 : i32
      %get3A_1380 = arith.index_cast %add3A_1379 : i32 to index
      %get3A_1381 = arith.constant 0 : index
      %get3A_1382 = tpu.vector_load %arg6[%get3A_1380, %get3A_1381] {strides = array<i32>} : memref<1280x32xf32, #tpu.memory_space<vmem>>, vector<1x16xf32>,
      %get3A_1383 = vector.shape_cast %get3A_1382 : vector<1x16xf32> to vector<16xf32>
      %add3A_1384 = arith.addf %add3A_1370, %get3A_1383 : vector<16xf32>
      %add3A_1385 = arith.constant 4 : i32
      %add3A_1386 = arith.addi %mul3A_1328, %add3A_1385 : i32
      %get3A_1387 = arith.index_cast %add3A_1386 : i32 to index
      %get3A_1388 = arith.constant 16 : index
      %get3A_1389 = tpu.vector_load %arg6[%get3A_1387, %get3A_1388] {strides = array<i32>} : memref<1280x32xf32, #tpu.memory_space<vmem>>, vector<1x16xf32>,
      %get3A_1390 = vector.shape_cast %get3A_1389 : vector<1x16xf32> to vector<16xf32>
      %add3A_1391 = arith.addf %add3A_1377, %get3A_1390 : vector<16xf32>
      %add3A_1392 = arith.constant 5 : i32
      %add3A_1393 = arith.addi %mul3A_1328, %add3A_1392 : i32
      %get3A_1394 = arith.index_cast %add3A_1393 : i32 to index
      %get3A_1395 = arith.constant 0 : index
      %get3A_1396 = tpu.vector_load %arg6[%get3A_1394, %get3A_1395] {strides = array<i32>} : memref<1280x32xf32, #tpu.memory_space<vmem>>, vector<1x16xf32>,
      %get3A_1397 = vector.shape_cast %get3A_1396 : vector<1x16xf32> to vector<16xf32>
      %add3A_1398 = arith.addf %add3A_1384, %get3A_1397 : vector<16xf32>
      %add3A_1399 = arith.constant 5 : i32
      %add3A_1400 = arith.addi %mul3A_1328, %add3A_1399 : i32
      %get3A_1401 = arith.index_cast %add3A_1400 : i32 to index
      %get3A_1402 = arith.constant 16 : index
      %get3A_1403 = tpu.vector_load %arg6[%get3A_1401, %get3A_1402] {strides = array<i32>} : memref<1280x32xf32, #tpu.memory_space<vmem>>, vector<1x16xf32>,
      %get3A_1404 = vector.shape_cast %get3A_1403 : vector<1x16xf32> to vector<16xf32>
      %add3A_1405 = arith.addf %add3A_1391, %get3A_1404 : vector<16xf32>
      %add3A_1406 = arith.constant 6 : i32
      %add3A_1407 = arith.addi %mul3A_1328, %add3A_1406 : i32
      %get3A_1408 = arith.index_cast %add3A_1407 : i32 to index
      %get3A_1409 = arith.constant 0 : index
      %get3A_1410 = tpu.vector_load %arg6[%get3A_1408, %get3A_1409] {strides = array<i32>} : memref<1280x32xf32, #tpu.memory_space<vmem>>, vector<1x16xf32>,
      %get3A_1411 = vector.shape_cast %get3A_1410 : vector<1x16xf32> to vector<16xf32>
      %add3A_1412 = arith.addf %add3A_1398, %get3A_1411 : vector<16xf32>
      %add3A_1413 = arith.constant 6 : i32
      %add3A_1414 = arith.addi %mul3A_1328, %add3A_1413 : i32
      %get3A_1415 = arith.index_cast %add3A_1414 : i32 to index
      %get3A_1416 = arith.constant 16 : index
      %get3A_1417 = tpu.vector_load %arg6[%get3A_1415, %get3A_1416] {strides = array<i32>} : memref<1280x32xf32, #tpu.memory_space<vmem>>, vector<1x16xf32>,
      %get3A_1418 = vector.shape_cast %get3A_1417 : vector<1x16xf32> to vector<16xf32>
      %add3A_1419 = arith.addf %add3A_1405, %get3A_1418 : vector<16xf32>
      %add3A_1420 = arith.constant 7 : i32
      %add3A_1421 = arith.addi %mul3A_1328, %add3A_1420 : i32
      %get3A_1422 = arith.index_cast %add3A_1421 : i32 to index
      %get3A_1423 = arith.constant 0 : index
      %get3A_1424 = tpu.vector_load %arg6[%get3A_1422, %get3A_1423] {strides = array<i32>} : memref<1280x32xf32, #tpu.memory_space<vmem>>, vector<1x16xf32>,
      %get3A_1425 = vector.shape_cast %get3A_1424 : vector<1x16xf32> to vector<16xf32>
      %add3A_1426 = arith.addf %add3A_1412, %get3A_1425 : vector<16xf32>
      %add3A_1427 = arith.constant 7 : i32
      %add3A_1428 = arith.addi %mul3A_1328, %add3A_1427 : i32
      %get3A_1429 = arith.index_cast %add3A_1428 : i32 to index
      %get3A_1430 = arith.constant 16 : index
      %get3A_1431 = tpu.vector_load %arg6[%get3A_1429, %get3A_1430] {strides = array<i32>} : memref<1280x32xf32, #tpu.memory_space<vmem>>, vector<1x16xf32>,
      %get3A_1432 = vector.shape_cast %get3A_1431 : vector<1x16xf32> to vector<16xf32>
      %add3A_1433 = arith.addf %add3A_1419, %get3A_1432 : vector<16xf32>
      %add3A_1434 = arith.constant 8 : i32
      %add3A_1435 = arith.addi %mul3A_1328, %add3A_1434 : i32
      %get3A_1436 = arith.index_cast %add3A_1435 : i32 to index
      %get3A_1437 = arith.constant 0 : index
      %get3A_1438 = tpu.vector_load %arg6[%get3A_1436, %get3A_1437] {strides = array<i32>} : memref<1280x32xf32, #tpu.memory_space<vmem>>, vector<1x16xf32>,
      %get3A_1439 = vector.shape_cast %get3A_1438 : vector<1x16xf32> to vector<16xf32>
      %add3A_1440 = arith.addf %add3A_1426, %get3A_1439 : vector<16xf32>
      %add3A_1441 = arith.constant 8 : i32
      %add3A_1442 = arith.addi %mul3A_1328, %add3A_1441 : i32
      %get3A_1443 = arith.index_cast %add3A_1442 : i32 to index
      %get3A_1444 = arith.constant 16 : index
      %get3A_1445 = tpu.vector_load %arg6[%get3A_1443, %get3A_1444] {strides = array<i32>} : memref<1280x32xf32, #tpu.memory_space<vmem>>, vector<1x16xf32>,
      %get3A_1446 = vector.shape_cast %get3A_1445 : vector<1x16xf32> to vector<16xf32>
      %add3A_1447 = arith.addf %add3A_1433, %get3A_1446 : vector<16xf32>
      %add3A_1448 = arith.constant 9 : i32
      %add3A_1449 = arith.addi %mul3A_1328, %add3A_1448 : i32
      %get3A_1450 = arith.index_cast %add3A_1449 : i32 to index
      %get3A_1451 = arith.constant 0 : index
      %get3A_1452 = tpu.vector_load %arg6[%get3A_1450, %get3A_1451] {strides = array<i32>} : memref<1280x32xf32, #tpu.memory_space<vmem>>, vector<1x16xf32>,
      %get3A_1453 = vector.shape_cast %get3A_1452 : vector<1x16xf32> to vector<16xf32>
      %add3A_1454 = arith.addf %add3A_1440, %get3A_1453 : vector<16xf32>
      %add3A_1455 = arith.constant 9 : i32
      %add3A_1456 = arith.addi %mul3A_1328, %add3A_1455 : i32
      %get3A_1457 = arith.index_cast %add3A_1456 : i32 to index
      %get3A_1458 = arith.constant 16 : index
      %get3A_1459 = tpu.vector_load %arg6[%get3A_1457, %get3A_1458] {strides = array<i32>} : memref<1280x32xf32, #tpu.memory_space<vmem>>, vector<1x16xf32>,
      %get3A_1460 = vector.shape_cast %get3A_1459 : vector<1x16xf32> to vector<16xf32>
      %add3A_1461 = arith.addf %add3A_1447, %get3A_1460 : vector<16xf32>
      %add3A_1462 = arith.constant 10 : i32
      %add3A_1463 = arith.addi %mul3A_1328, %add3A_1462 : i32
      %get3A_1464 = arith.index_cast %add3A_1463 : i32 to index
      %get3A_1465 = arith.constant 0 : index
      %get3A_1466 = tpu.vector_load %arg6[%get3A_1464, %get3A_1465] {strides = array<i32>} : memref<1280x32xf32, #tpu.memory_space<vmem>>, vector<1x16xf32>,
      %get3A_1467 = vector.shape_cast %get3A_1466 : vector<1x16xf32> to vector<16xf32>
      %add3A_1468 = arith.addf %add3A_1454, %get3A_1467 : vector<16xf32>
      %add3A_1469 = arith.constant 10 : i32
      %add3A_1470 = arith.addi %mul3A_1328, %add3A_1469 : i32
      %get3A_1471 = arith.index_cast %add3A_1470 : i32 to index
      %get3A_1472 = arith.constant 16 : index
      %get3A_1473 = tpu.vector_load %arg6[%get3A_1471, %get3A_1472] {strides = array<i32>} : memref<1280x32xf32, #tpu.memory_space<vmem>>, vector<1x16xf32>,
      %get3A_1474 = vector.shape_cast %get3A_1473 : vector<1x16xf32> to vector<16xf32>
      %add3A_1475 = arith.addf %add3A_1461, %get3A_1474 : vector<16xf32>
      %add3A_1476 = arith.constant 11 : i32
      %add3A_1477 = arith.addi %mul3A_1328, %add3A_1476 : i32
      %get3A_1478 = arith.index_cast %add3A_1477 : i32 to index
      %get3A_1479 = arith.constant 0 : index
      %get3A_1480 = tpu.vector_load %arg6[%get3A_1478, %get3A_1479] {strides = array<i32>} : memref<1280x32xf32, #tpu.memory_space<vmem>>, vector<1x16xf32>,
      %get3A_1481 = vector.shape_cast %get3A_1480 : vector<1x16xf32> to vector<16xf32>
      %add3A_1482 = arith.addf %add3A_1468, %get3A_1481 : vector<16xf32>
      %add3A_1483 = arith.constant 11 : i32
      %add3A_1484 = arith.addi %mul3A_1328, %add3A_1483 : i32
      %get3A_1485 = arith.index_cast %add3A_1484 : i32 to index
      %get3A_1486 = arith.constant 16 : index
      %get3A_1487 = tpu.vector_load %arg6[%get3A_1485, %get3A_1486] {strides = array<i32>} : memref<1280x32xf32, #tpu.memory_space<vmem>>, vector<1x16xf32>,
      %get3A_1488 = vector.shape_cast %get3A_1487 : vector<1x16xf32> to vector<16xf32>
      %add3A_1489 = arith.addf %add3A_1475, %get3A_1488 : vector<16xf32>
      %add3A_1490 = arith.constant 12 : i32
      %add3A_1491 = arith.addi %mul3A_1328, %add3A_1490 : i32
      %get3A_1492 = arith.index_cast %add3A_1491 : i32 to index
      %get3A_1493 = arith.constant 0 : index
      %get3A_1494 = tpu.vector_load %arg6[%get3A_1492, %get3A_1493] {strides = array<i32>} : memref<1280x32xf32, #tpu.memory_space<vmem>>, vector<1x16xf32>,
      %get3A_1495 = vector.shape_cast %get3A_1494 : vector<1x16xf32> to vector<16xf32>
      %add3A_1496 = arith.addf %add3A_1482, %get3A_1495 : vector<16xf32>
      %add3A_1497 = arith.constant 12 : i32
      %add3A_1498 = arith.addi %mul3A_1328, %add3A_1497 : i32
      %get3A_1499 = arith.index_cast %add3A_1498 : i32 to index
      %get3A_1500 = arith.constant 16 : index
      %get3A_1501 = tpu.vector_load %arg6[%get3A_1499, %get3A_1500] {strides = array<i32>} : memref<1280x32xf32, #tpu.memory_space<vmem>>, vector<1x16xf32>,
      %get3A_1502 = vector.shape_cast %get3A_1501 : vector<1x16xf32> to vector<16xf32>
      %add3A_1503 = arith.addf %add3A_1489, %get3A_1502 : vector<16xf32>
      %add3A_1504 = arith.constant 13 : i32
      %add3A_1505 = arith.addi %mul3A_1328, %add3A_1504 : i32
      %get3A_1506 = arith.index_cast %add3A_1505 : i32 to index
      %get3A_1507 = arith.constant 0 : index
      %get3A_1508 = tpu.vector_load %arg6[%get3A_1506, %get3A_1507] {strides = array<i32>} : memref<1280x32xf32, #tpu.memory_space<vmem>>, vector<1x16xf32>,
      %get3A_1509 = vector.shape_cast %get3A_1508 : vector<1x16xf32> to vector<16xf32>
      %add3A_1510 = arith.addf %add3A_1496, %get3A_1509 : vector<16xf32>
      %add3A_1511 = arith.constant 13 : i32
      %add3A_1512 = arith.addi %mul3A_1328, %add3A_1511 : i32
      %get3A_1513 = arith.index_cast %add3A_1512 : i32 to index
      %get3A_1514 = arith.constant 16 : index
      %get3A_1515 = tpu.vector_load %arg6[%get3A_1513, %get3A_1514] {strides = array<i32>} : memref<1280x32xf32, #tpu.memory_space<vmem>>, vector<1x16xf32>,
      %get3A_1516 = vector.shape_cast %get3A_1515 : vector<1x16xf32> to vector<16xf32>
      %add3A_1517 = arith.addf %add3A_1503, %get3A_1516 : vector<16xf32>
      %add3A_1518 = arith.constant 14 : i32
      %add3A_1519 = arith.addi %mul3A_1328, %add3A_1518 : i32
      %get3A_1520 = arith.index_cast %add3A_1519 : i32 to index
      %get3A_1521 = arith.constant 0 : index
      %get3A_1522 = tpu.vector_load %arg6[%get3A_1520, %get3A_1521] {strides = array<i32>} : memref<1280x32xf32, #tpu.memory_space<vmem>>, vector<1x16xf32>,
      %get3A_1523 = vector.shape_cast %get3A_1522 : vector<1x16xf32> to vector<16xf32>
      %add3A_1524 = arith.addf %add3A_1510, %get3A_1523 : vector<16xf32>
      %add3A_1525 = arith.constant 14 : i32
      %add3A_1526 = arith.addi %mul3A_1328, %add3A_1525 : i32
      %get3A_1527 = arith.index_cast %add3A_1526 : i32 to index
      %get3A_1528 = arith.constant 16 : index
      %get3A_1529 = tpu.vector_load %arg6[%get3A_1527, %get3A_1528] {strides = array<i32>} : memref<1280x32xf32, #tpu.memory_space<vmem>>, vector<1x16xf32>,
      %get3A_1530 = vector.shape_cast %get3A_1529 : vector<1x16xf32> to vector<16xf32>
      %add3A_1531 = arith.addf %add3A_1517, %get3A_1530 : vector<16xf32>
      %add3A_1532 = arith.constant 15 : i32
      %add3A_1533 = arith.addi %mul3A_1328, %add3A_1532 : i32
      %get3A_1534 = arith.index_cast %add3A_1533 : i32 to index
      %get3A_1535 = arith.constant 0 : index
      %get3A_1536 = tpu.vector_load %arg6[%get3A_1534, %get3A_1535] {strides = array<i32>} : memref<1280x32xf32, #tpu.memory_space<vmem>>, vector<1x16xf32>,
      %get3A_1537 = vector.shape_cast %get3A_1536 : vector<1x16xf32> to vector<16xf32>
      %add3A_1538 = arith.addf %add3A_1524, %get3A_1537 : vector<16xf32>
      %add3A_1539 = arith.constant 15 : i32
      %add3A_1540 = arith.addi %mul3A_1328, %add3A_1539 : i32
      %get3A_1541 = arith.index_cast %add3A_1540 : i32 to index
      %get3A_1542 = arith.constant 16 : index
      %get3A_1543 = tpu.vector_load %arg6[%get3A_1541, %get3A_1542] {strides = array<i32>} : memref<1280x32xf32, #tpu.memory_space<vmem>>, vector<1x16xf32>,
      %get3A_1544 = vector.shape_cast %get3A_1543 : vector<1x16xf32> to vector<16xf32>
      %add3A_1545 = arith.addf %add3A_1531, %get3A_1544 : vector<16xf32>
      %add3A_1546 = arith.constant 16 : i32
      %add3A_1547 = arith.addi %mul3A_1328, %add3A_1546 : i32
      %get3A_1548 = arith.index_cast %add3A_1547 : i32 to index
      %get3A_1549 = arith.constant 0 : index
      %get3A_1550 = tpu.vector_load %arg6[%get3A_1548, %get3A_1549] {strides = array<i32>} : memref<1280x32xf32, #tpu.memory_space<vmem>>, vector<1x16xf32>,
      %get3A_1551 = vector.shape_cast %get3A_1550 : vector<1x16xf32> to vector<16xf32>
      %add3A_1552 = arith.addf %add3A_1538, %get3A_1551 : vector<16xf32>
      %add3A_1553 = arith.constant 16 : i32
      %add3A_1554 = arith.addi %mul3A_1328, %add3A_1553 : i32
      %get3A_1555 = arith.index_cast %add3A_1554 : i32 to index
      %get3A_1556 = arith.constant 16 : index
      %get3A_1557 = tpu.vector_load %arg6[%get3A_1555, %get3A_1556] {strides = array<i32>} : memref<1280x32xf32, #tpu.memory_space<vmem>>, vector<1x16xf32>,
      %get3A_1558 = vector.shape_cast %get3A_1557 : vector<1x16xf32> to vector<16xf32>
      %add3A_1559 = arith.addf %add3A_1545, %get3A_1558 : vector<16xf32>
      %add3A_1560 = arith.constant 17 : i32
      %add3A_1561 = arith.addi %mul3A_1328, %add3A_1560 : i32
      %get3A_1562 = arith.index_cast %add3A_1561 : i32 to index
      %get3A_1563 = arith.constant 0 : index
      %get3A_1564 = tpu.vector_load %arg6[%get3A_1562, %get3A_1563] {strides = array<i32>} : memref<1280x32xf32, #tpu.memory_space<vmem>>, vector<1x16xf32>,
      %get3A_1565 = vector.shape_cast %get3A_1564 : vector<1x16xf32> to vector<16xf32>
      %add3A_1566 = arith.addf %add3A_1552, %get3A_1565 : vector<16xf32>
      %add3A_1567 = arith.constant 17 : i32
      %add3A_1568 = arith.addi %mul3A_1328, %add3A_1567 : i32
      %get3A_1569 = arith.index_cast %add3A_1568 : i32 to index
      %get3A_1570 = arith.constant 16 : index
      %get3A_1571 = tpu.vector_load %arg6[%get3A_1569, %get3A_1570] {strides = array<i32>} : memref<1280x32xf32, #tpu.memory_space<vmem>>, vector<1x16xf32>,
      %get3A_1572 = vector.shape_cast %get3A_1571 : vector<1x16xf32> to vector<16xf32>
      %add3A_1573 = arith.addf %add3A_1559, %get3A_1572 : vector<16xf32>
      %add3A_1574 = arith.constant 18 : i32
      %add3A_1575 = arith.addi %mul3A_1328, %add3A_1574 : i32
      %get3A_1576 = arith.index_cast %add3A_1575 : i32 to index
      %get3A_1577 = arith.constant 0 : index
      %get3A_1578 = tpu.vector_load %arg6[%get3A_1576, %get3A_1577] {strides = array<i32>} : memref<1280x32xf32, #tpu.memory_space<vmem>>, vector<1x16xf32>,
      %get3A_1579 = vector.shape_cast %get3A_1578 : vector<1x16xf32> to vector<16xf32>
      %add3A_1580 = arith.addf %add3A_1566, %get3A_1579 : vector<16xf32>
      %add3A_1581 = arith.constant 18 : i32
      %add3A_1582 = arith.addi %mul3A_1328, %add3A_1581 : i32
      %get3A_1583 = arith.index_cast %add3A_1582 : i32 to index
      %get3A_1584 = arith.constant 16 : index
      %get3A_1585 = tpu.vector_load %arg6[%get3A_1583, %get3A_1584] {strides = array<i32>} : memref<1280x32xf32, #tpu.memory_space<vmem>>, vector<1x16xf32>,
      %get3A_1586 = vector.shape_cast %get3A_1585 : vector<1x16xf32> to vector<16xf32>
      %add3A_1587 = arith.addf %add3A_1573, %get3A_1586 : vector<16xf32>
      %add3A_1588 = arith.constant 19 : i32
      %add3A_1589 = arith.addi %mul3A_1328, %add3A_1588 : i32
      %get3A_1590 = arith.index_cast %add3A_1589 : i32 to index
      %get3A_1591 = arith.constant 0 : index
      %get3A_1592 = tpu.vector_load %arg6[%get3A_1590, %get3A_1591] {strides = array<i32>} : memref<1280x32xf32, #tpu.memory_space<vmem>>, vector<1x16xf32>,
      %get3A_1593 = vector.shape_cast %get3A_1592 : vector<1x16xf32> to vector<16xf32>
      %add3A_1594 = arith.addf %add3A_1580, %get3A_1593 : vector<16xf32>
      %add3A_1595 = arith.constant 19 : i32
      %add3A_1596 = arith.addi %mul3A_1328, %add3A_1595 : i32
      %get3A_1597 = arith.index_cast %add3A_1596 : i32 to index
      %get3A_1598 = arith.constant 16 : index
      %get3A_1599 = tpu.vector_load %arg6[%get3A_1597, %get3A_1598] {strides = array<i32>} : memref<1280x32xf32, #tpu.memory_space<vmem>>, vector<1x16xf32>,
      %get3A_1600 = vector.shape_cast %get3A_1599 : vector<1x16xf32> to vector<16xf32>
      %add3A_1601 = arith.addf %add3A_1587, %get3A_1600 : vector<16xf32>
      %add3A_1602 = arith.constant 0 : i32
      %add3A_1603 = arith.addi %add3A_1602, %add3A_1326 : i32
      %swap3A = arith.index_cast %add3A_1603 : i32 to index
      %swap3A_1604 = arith.constant 0 : index
      %swap3A_1605 = tpu.vector_load %arg8[%swap3A, %swap3A_1604] {strides = array<i32>} : memref<512x32xf32, #tpu.memory_space<vmem>>, vector<1x16xf32>,
      %swap3A_1606 = vector.shape_cast %swap3A_1605 : vector<1x16xf32> to vector<16xf32>
      %swap3A_1607 = vector.shape_cast %add3A_1594 : vector<16xf32> to vector<1x16xf32>
      tpu.vector_store %arg8[%swap3A, %swap3A_1604], %swap3A_1607 {strides = array<i32>} : memref<512x32xf32, #tpu.memory_space<vmem>>, vector<1x16xf32>,
      %swap3A_1608 = arith.index_cast %add3A_1603 : i32 to index
      %swap3A_1609 = arith.constant 16 : index
      %swap3A_1610 = tpu.vector_load %arg8[%swap3A_1608, %swap3A_1609] {strides = array<i32>} : memref<512x32xf32, #tpu.memory_space<vmem>>, vector<1x16xf32>,
      %swap3A_1611 = vector.shape_cast %swap3A_1610 : vector<1x16xf32> to vector<16xf32>
      %swap3A_1612 = vector.shape_cast %add3A_1601 : vector<16xf32> to vector<1x16xf32>
      tpu.vector_store %arg8[%swap3A_1608, %swap3A_1609], %swap3A_1612 {strides = array<i32>} : memref<512x32xf32, #tpu.memory_space<vmem>>, vector<1x16xf32>,
    }
    %scan3A_246 = arith.constant 64 : i32
    %dma_wait3A_247 = arith.constant 0 : i32
    %dma_wait3A_248 = arith.constant 0 : i32
    %dma_wait3A_249 = tpu.memref_slice %arg7[%dma_wait3A_247, %dma_wait3A_248] : memref<1280x32xf32, #tpu.memory_space<vmem>> -> memref<128x32xf32, #tpu.memory_space<vmem>>
    %dma_wait3A_250 = arith.constant 1280 : i32
    %dma_wait3A_251 = tpu.memref_slice %arg5[%dma_wait3A_250] : memref<10240xi32, #tpu.memory_space<vmem>> -> memref<128xi32, #tpu.memory_space<vmem>>
    %dma_wait3A_252 = arith.constant 0 : i32
    %dma_wait3A_253 = arith.constant 0 : i32
    %dma_wait3A_254 = tpu.memref_slice %arg2[%dma_wait3A_252, %dma_wait3A_253] : memref<100000x32xf32, #tpu.memory_space<hbm>> -> memref<100000x32xf32, #tpu.memory_space<hbm>>
    tpu.wait_indirect_dma semaphore(%arg10 : memref<!tpu.dma_semaphore, #tpu.memory_space<semaphore_mem>>) src(%dma_wait3A_254 : memref<100000x32xf32, #tpu.memory_space<hbm>>) dst(%dma_wait3A_249 : memref<128x32xf32, #tpu.memory_space<vmem>>)
    %dma_wait3A_255 = arith.constant 128 : i32
    %dma_wait3A_256 = arith.constant 0 : i32
    %dma_wait3A_257 = tpu.memref_slice %arg7[%dma_wait3A_255, %dma_wait3A_256] : memref<1280x32xf32, #tpu.memory_space<vmem>> -> memref<128x32xf32, #tpu.memory_space<vmem>>
    %dma_wait3A_258 = arith.constant 1408 : i32
    %dma_wait3A_259 = tpu.memref_slice %arg5[%dma_wait3A_258] : memref<10240xi32, #tpu.memory_space<vmem>> -> memref<128xi32, #tpu.memory_space<vmem>>
    %dma_wait3A_260 = arith.constant 0 : i32
    %dma_wait3A_261 = arith.constant 0 : i32
    %dma_wait3A_262 = tpu.memref_slice %arg2[%dma_wait3A_260, %dma_wait3A_261] : memref<100000x32xf32, #tpu.memory_space<hbm>> -> memref<100000x32xf32, #tpu.memory_space<hbm>>
    tpu.wait_indirect_dma semaphore(%arg10 : memref<!tpu.dma_semaphore, #tpu.memory_space<semaphore_mem>>) src(%dma_wait3A_262 : memref<100000x32xf32, #tpu.memory_space<hbm>>) dst(%dma_wait3A_257 : memref<128x32xf32, #tpu.memory_space<vmem>>)
    %dma_wait3A_263 = arith.constant 256 : i32
    %dma_wait3A_264 = arith.constant 0 : i32
    %dma_wait3A_265 = tpu.memref_slice %arg7[%dma_wait3A_263, %dma_wait3A_264] : memref<1280x32xf32, #tpu.memory_space<vmem>> -> memref<128x32xf32, #tpu.memory_space<vmem>>
    %dma_wait3A_266 = arith.constant 1536 : i32
    %dma_wait3A_267 = tpu.memref_slice %arg5[%dma_wait3A_266] : memref<10240xi32, #tpu.memory_space<vmem>> -> memref<128xi32, #tpu.memory_space<vmem>>
    %dma_wait3A_268 = arith.constant 0 : i32
    %dma_wait3A_269 = arith.constant 0 : i32
    %dma_wait3A_270 = tpu.memref_slice %arg2[%dma_wait3A_268, %dma_wait3A_269] : memref<100000x32xf32, #tpu.memory_space<hbm>> -> memref<100000x32xf32, #tpu.memory_space<hbm>>
    tpu.wait_indirect_dma semaphore(%arg10 : memref<!tpu.dma_semaphore, #tpu.memory_space<semaphore_mem>>) src(%dma_wait3A_270 : memref<100000x32xf32, #tpu.memory_space<hbm>>) dst(%dma_wait3A_265 : memref<128x32xf32, #tpu.memory_space<vmem>>)
    %dma_wait3A_271 = arith.constant 384 : i32
    %dma_wait3A_272 = arith.constant 0 : i32
    %dma_wait3A_273 = tpu.memref_slice %arg7[%dma_wait3A_271, %dma_wait3A_272] : memref<1280x32xf32, #tpu.memory_space<vmem>> -> memref<128x32xf32, #tpu.memory_space<vmem>>
    %dma_wait3A_274 = arith.constant 1664 : i32
    %dma_wait3A_275 = tpu.memref_slice %arg5[%dma_wait3A_274] : memref<10240xi32, #tpu.memory_space<vmem>> -> memref<128xi32, #tpu.memory_space<vmem>>
    %dma_wait3A_276 = arith.constant 0 : i32
    %dma_wait3A_277 = arith.constant 0 : i32
    %dma_wait3A_278 = tpu.memref_slice %arg2[%dma_wait3A_276, %dma_wait3A_277] : memref<100000x32xf32, #tpu.memory_space<hbm>> -> memref<100000x32xf32, #tpu.memory_space<hbm>>
    tpu.wait_indirect_dma semaphore(%arg10 : memref<!tpu.dma_semaphore, #tpu.memory_space<semaphore_mem>>) src(%dma_wait3A_278 : memref<100000x32xf32, #tpu.memory_space<hbm>>) dst(%dma_wait3A_273 : memref<128x32xf32, #tpu.memory_space<vmem>>)
    %dma_wait3A_279 = arith.constant 512 : i32
    %dma_wait3A_280 = arith.constant 0 : i32
    %dma_wait3A_281 = tpu.memref_slice %arg7[%dma_wait3A_279, %dma_wait3A_280] : memref<1280x32xf32, #tpu.memory_space<vmem>> -> memref<128x32xf32, #tpu.memory_space<vmem>>
    %dma_wait3A_282 = arith.constant 1792 : i32
    %dma_wait3A_283 = tpu.memref_slice %arg5[%dma_wait3A_282] : memref<10240xi32, #tpu.memory_space<vmem>> -> memref<128xi32, #tpu.memory_space<vmem>>
    %dma_wait3A_284 = arith.constant 0 : i32
    %dma_wait3A_285 = arith.constant 0 : i32
    %dma_wait3A_286 = tpu.memref_slice %arg2[%dma_wait3A_284, %dma_wait3A_285] : memref<100000x32xf32, #tpu.memory_space<hbm>> -> memref<100000x32xf32, #tpu.memory_space<hbm>>
    tpu.wait_indirect_dma semaphore(%arg10 : memref<!tpu.dma_semaphore, #tpu.memory_space<semaphore_mem>>) src(%dma_wait3A_286 : memref<100000x32xf32, #tpu.memory_space<hbm>>) dst(%dma_wait3A_281 : memref<128x32xf32, #tpu.memory_space<vmem>>)
    %dma_wait3A_287 = arith.constant 640 : i32
    %dma_wait3A_288 = arith.constant 0 : i32
    %dma_wait3A_289 = tpu.memref_slice %arg7[%dma_wait3A_287, %dma_wait3A_288] : memref<1280x32xf32, #tpu.memory_space<vmem>> -> memref<128x32xf32, #tpu.memory_space<vmem>>
    %dma_wait3A_290 = arith.constant 1920 : i32
    %dma_wait3A_291 = tpu.memref_slice %arg5[%dma_wait3A_290] : memref<10240xi32, #tpu.memory_space<vmem>> -> memref<128xi32, #tpu.memory_space<vmem>>
    %dma_wait3A_292 = arith.constant 0 : i32
    %dma_wait3A_293 = arith.constant 0 : i32
    %dma_wait3A_294 = tpu.memref_slice %arg2[%dma_wait3A_292, %dma_wait3A_293] : memref<100000x32xf32, #tpu.memory_space<hbm>> -> memref<100000x32xf32, #tpu.memory_space<hbm>>
    tpu.wait_indirect_dma semaphore(%arg10 : memref<!tpu.dma_semaphore, #tpu.memory_space<semaphore_mem>>) src(%dma_wait3A_294 : memref<100000x32xf32, #tpu.memory_space<hbm>>) dst(%dma_wait3A_289 : memref<128x32xf32, #tpu.memory_space<vmem>>)
    %dma_wait3A_295 = arith.constant 768 : i32
    %dma_wait3A_296 = arith.constant 0 : i32
    %dma_wait3A_297 = tpu.memref_slice %arg7[%dma_wait3A_295, %dma_wait3A_296] : memref<1280x32xf32, #tpu.memory_space<vmem>> -> memref<128x32xf32, #tpu.memory_space<vmem>>
    %dma_wait3A_298 = arith.constant 2048 : i32
    %dma_wait3A_299 = tpu.memref_slice %arg5[%dma_wait3A_298] : memref<10240xi32, #tpu.memory_space<vmem>> -> memref<128xi32, #tpu.memory_space<vmem>>
    %dma_wait3A_300 = arith.constant 0 : i32
    %dma_wait3A_301 = arith.constant 0 : i32
    %dma_wait3A_302 = tpu.memref_slice %arg2[%dma_wait3A_300, %dma_wait3A_301] : memref<100000x32xf32, #tpu.memory_space<hbm>> -> memref<100000x32xf32, #tpu.memory_space<hbm>>
    tpu.wait_indirect_dma semaphore(%arg10 : memref<!tpu.dma_semaphore, #tpu.memory_space<semaphore_mem>>) src(%dma_wait3A_302 : memref<100000x32xf32, #tpu.memory_space<hbm>>) dst(%dma_wait3A_297 : memref<128x32xf32, #tpu.memory_space<vmem>>)
    %dma_wait3A_303 = arith.constant 896 : i32
    %dma_wait3A_304 = arith.constant 0 : i32
    %dma_wait3A_305 = tpu.memref_slice %arg7[%dma_wait3A_303, %dma_wait3A_304] : memref<1280x32xf32, #tpu.memory_space<vmem>> -> memref<128x32xf32, #tpu.memory_space<vmem>>
    %dma_wait3A_306 = arith.constant 2176 : i32
    %dma_wait3A_307 = tpu.memref_slice %arg5[%dma_wait3A_306] : memref<10240xi32, #tpu.memory_space<vmem>> -> memref<128xi32, #tpu.memory_space<vmem>>
    %dma_wait3A_308 = arith.constant 0 : i32
    %dma_wait3A_309 = arith.constant 0 : i32
    %dma_wait3A_310 = tpu.memref_slice %arg2[%dma_wait3A_308, %dma_wait3A_309] : memref<100000x32xf32, #tpu.memory_space<hbm>> -> memref<100000x32xf32, #tpu.memory_space<hbm>>
    tpu.wait_indirect_dma semaphore(%arg10 : memref<!tpu.dma_semaphore, #tpu.memory_space<semaphore_mem>>) src(%dma_wait3A_310 : memref<100000x32xf32, #tpu.memory_space<hbm>>) dst(%dma_wait3A_305 : memref<128x32xf32, #tpu.memory_space<vmem>>)
    %dma_wait3A_311 = arith.constant 1024 : i32
    %dma_wait3A_312 = arith.constant 0 : i32
    %dma_wait3A_313 = tpu.memref_slice %arg7[%dma_wait3A_311, %dma_wait3A_312] : memref<1280x32xf32, #tpu.memory_space<vmem>> -> memref<128x32xf32, #tpu.memory_space<vmem>>
    %dma_wait3A_314 = arith.constant 2304 : i32
    %dma_wait3A_315 = tpu.memref_slice %arg5[%dma_wait3A_314] : memref<10240xi32, #tpu.memory_space<vmem>> -> memref<128xi32, #tpu.memory_space<vmem>>
    %dma_wait3A_316 = arith.constant 0 : i32
    %dma_wait3A_317 = arith.constant 0 : i32
    %dma_wait3A_318 = tpu.memref_slice %arg2[%dma_wait3A_316, %dma_wait3A_317] : memref<100000x32xf32, #tpu.memory_space<hbm>> -> memref<100000x32xf32, #tpu.memory_space<hbm>>
    tpu.wait_indirect_dma semaphore(%arg10 : memref<!tpu.dma_semaphore, #tpu.memory_space<semaphore_mem>>) src(%dma_wait3A_318 : memref<100000x32xf32, #tpu.memory_space<hbm>>) dst(%dma_wait3A_313 : memref<128x32xf32, #tpu.memory_space<vmem>>)
    %dma_wait3A_319 = arith.constant 1152 : i32
    %dma_wait3A_320 = arith.constant 0 : i32
    %dma_wait3A_321 = tpu.memref_slice %arg7[%dma_wait3A_319, %dma_wait3A_320] : memref<1280x32xf32, #tpu.memory_space<vmem>> -> memref<128x32xf32, #tpu.memory_space<vmem>>
    %dma_wait3A_322 = arith.constant 2432 : i32
    %dma_wait3A_323 = tpu.memref_slice %arg5[%dma_wait3A_322] : memref<10240xi32, #tpu.memory_space<vmem>> -> memref<128xi32, #tpu.memory_space<vmem>>
    %dma_wait3A_324 = arith.constant 0 : i32
    %dma_wait3A_325 = arith.constant 0 : i32
    %dma_wait3A_326 = tpu.memref_slice %arg2[%dma_wait3A_324, %dma_wait3A_325] : memref<100000x32xf32, #tpu.memory_space<hbm>> -> memref<100000x32xf32, #tpu.memory_space<hbm>>
    tpu.wait_indirect_dma semaphore(%arg10 : memref<!tpu.dma_semaphore, #tpu.memory_space<semaphore_mem>>) src(%dma_wait3A_326 : memref<100000x32xf32, #tpu.memory_space<hbm>>) dst(%dma_wait3A_321 : memref<128x32xf32, #tpu.memory_space<vmem>>)
    %dma_start3A_327 = arith.constant 0 : i32
    %dma_start3A_328 = arith.constant 0 : i32
    %dma_start3A_329 = tpu.memref_slice %arg6[%dma_start3A_327, %dma_start3A_328] : memref<1280x32xf32, #tpu.memory_space<vmem>> -> memref<128x32xf32, #tpu.memory_space<vmem>>
    %dma_start3A_330 = arith.constant 2560 : i32
    %dma_start3A_331 = tpu.memref_slice %arg5[%dma_start3A_330] : memref<10240xi32, #tpu.memory_space<vmem>> -> memref<128xi32, #tpu.memory_space<vmem>>
    %dma_start3A_332 = arith.constant 0 : i32
    %dma_start3A_333 = arith.constant 0 : i32
    %dma_start3A_334 = tpu.memref_slice %arg2[%dma_start3A_332, %dma_start3A_333] : memref<100000x32xf32, #tpu.memory_space<hbm>> -> memref<100000x32xf32, #tpu.memory_space<hbm>>
    tpu.enqueue_indirect_dma source(%dma_start3A_334 : memref<100000x32xf32, #tpu.memory_space<hbm>>) target(%dma_start3A_329 : memref<128x32xf32, #tpu.memory_space<vmem>>) offsets(%dma_start3A_331 : memref<128xi32, #tpu.memory_space<vmem>>) semaphore(%arg9 : memref<!tpu.dma_semaphore, #tpu.memory_space<semaphore_mem>>)
    %dma_start3A_335 = arith.constant 128 : i32
    %dma_start3A_336 = arith.constant 0 : i32
    %dma_start3A_337 = tpu.memref_slice %arg6[%dma_start3A_335, %dma_start3A_336] : memref<1280x32xf32, #tpu.memory_space<vmem>> -> memref<128x32xf32, #tpu.memory_space<vmem>>
    %dma_start3A_338 = arith.constant 2688 : i32
    %dma_start3A_339 = tpu.memref_slice %arg5[%dma_start3A_338] : memref<10240xi32, #tpu.memory_space<vmem>> -> memref<128xi32, #tpu.memory_space<vmem>>
    %dma_start3A_340 = arith.constant 0 : i32
    %dma_start3A_341 = arith.constant 0 : i32
    %dma_start3A_342 = tpu.memref_slice %arg2[%dma_start3A_340, %dma_start3A_341] : memref<100000x32xf32, #tpu.memory_space<hbm>> -> memref<100000x32xf32, #tpu.memory_space<hbm>>
    tpu.enqueue_indirect_dma source(%dma_start3A_342 : memref<100000x32xf32, #tpu.memory_space<hbm>>) target(%dma_start3A_337 : memref<128x32xf32, #tpu.memory_space<vmem>>) offsets(%dma_start3A_339 : memref<128xi32, #tpu.memory_space<vmem>>) semaphore(%arg9 : memref<!tpu.dma_semaphore, #tpu.memory_space<semaphore_mem>>)
    %dma_start3A_343 = arith.constant 256 : i32
    %dma_start3A_344 = arith.constant 0 : i32
    %dma_start3A_345 = tpu.memref_slice %arg6[%dma_start3A_343, %dma_start3A_344] : memref<1280x32xf32, #tpu.memory_space<vmem>> -> memref<128x32xf32, #tpu.memory_space<vmem>>
    %dma_start3A_346 = arith.constant 2816 : i32
    %dma_start3A_347 = tpu.memref_slice %arg5[%dma_start3A_346] : memref<10240xi32, #tpu.memory_space<vmem>> -> memref<128xi32, #tpu.memory_space<vmem>>
    %dma_start3A_348 = arith.constant 0 : i32
    %dma_start3A_349 = arith.constant 0 : i32
    %dma_start3A_350 = tpu.memref_slice %arg2[%dma_start3A_348, %dma_start3A_349] : memref<100000x32xf32, #tpu.memory_space<hbm>> -> memref<100000x32xf32, #tpu.memory_space<hbm>>
    tpu.enqueue_indirect_dma source(%dma_start3A_350 : memref<100000x32xf32, #tpu.memory_space<hbm>>) target(%dma_start3A_345 : memref<128x32xf32, #tpu.memory_space<vmem>>) offsets(%dma_start3A_347 : memref<128xi32, #tpu.memory_space<vmem>>) semaphore(%arg9 : memref<!tpu.dma_semaphore, #tpu.memory_space<semaphore_mem>>)
    %dma_start3A_351 = arith.constant 384 : i32
    %dma_start3A_352 = arith.constant 0 : i32
    %dma_start3A_353 = tpu.memref_slice %arg6[%dma_start3A_351, %dma_start3A_352] : memref<1280x32xf32, #tpu.memory_space<vmem>> -> memref<128x32xf32, #tpu.memory_space<vmem>>
    %dma_start3A_354 = arith.constant 2944 : i32
    %dma_start3A_355 = tpu.memref_slice %arg5[%dma_start3A_354] : memref<10240xi32, #tpu.memory_space<vmem>> -> memref<128xi32, #tpu.memory_space<vmem>>
    %dma_start3A_356 = arith.constant 0 : i32
    %dma_start3A_357 = arith.constant 0 : i32
    %dma_start3A_358 = tpu.memref_slice %arg2[%dma_start3A_356, %dma_start3A_357] : memref<100000x32xf32, #tpu.memory_space<hbm>> -> memref<100000x32xf32, #tpu.memory_space<hbm>>
    tpu.enqueue_indirect_dma source(%dma_start3A_358 : memref<100000x32xf32, #tpu.memory_space<hbm>>) target(%dma_start3A_353 : memref<128x32xf32, #tpu.memory_space<vmem>>) offsets(%dma_start3A_355 : memref<128xi32, #tpu.memory_space<vmem>>) semaphore(%arg9 : memref<!tpu.dma_semaphore, #tpu.memory_space<semaphore_mem>>)
    %dma_start3A_359 = arith.constant 512 : i32
    %dma_start3A_360 = arith.constant 0 : i32
    %dma_start3A_361 = tpu.memref_slice %arg6[%dma_start3A_359, %dma_start3A_360] : memref<1280x32xf32, #tpu.memory_space<vmem>> -> memref<128x32xf32, #tpu.memory_space<vmem>>
    %dma_start3A_362 = arith.constant 3072 : i32
    %dma_start3A_363 = tpu.memref_slice %arg5[%dma_start3A_362] : memref<10240xi32, #tpu.memory_space<vmem>> -> memref<128xi32, #tpu.memory_space<vmem>>
    %dma_start3A_364 = arith.constant 0 : i32
    %dma_start3A_365 = arith.constant 0 : i32
    %dma_start3A_366 = tpu.memref_slice %arg2[%dma_start3A_364, %dma_start3A_365] : memref<100000x32xf32, #tpu.memory_space<hbm>> -> memref<100000x32xf32, #tpu.memory_space<hbm>>
    tpu.enqueue_indirect_dma source(%dma_start3A_366 : memref<100000x32xf32, #tpu.memory_space<hbm>>) target(%dma_start3A_361 : memref<128x32xf32, #tpu.memory_space<vmem>>) offsets(%dma_start3A_363 : memref<128xi32, #tpu.memory_space<vmem>>) semaphore(%arg9 : memref<!tpu.dma_semaphore, #tpu.memory_space<semaphore_mem>>)
    %dma_start3A_367 = arith.constant 640 : i32
    %dma_start3A_368 = arith.constant 0 : i32
    %dma_start3A_369 = tpu.memref_slice %arg6[%dma_start3A_367, %dma_start3A_368] : memref<1280x32xf32, #tpu.memory_space<vmem>> -> memref<128x32xf32, #tpu.memory_space<vmem>>
    %dma_start3A_370 = arith.constant 3200 : i32
    %dma_start3A_371 = tpu.memref_slice %arg5[%dma_start3A_370] : memref<10240xi32, #tpu.memory_space<vmem>> -> memref<128xi32, #tpu.memory_space<vmem>>
    %dma_start3A_372 = arith.constant 0 : i32
    %dma_start3A_373 = arith.constant 0 : i32
    %dma_start3A_374 = tpu.memref_slice %arg2[%dma_start3A_372, %dma_start3A_373] : memref<100000x32xf32, #tpu.memory_space<hbm>> -> memref<100000x32xf32, #tpu.memory_space<hbm>>
    tpu.enqueue_indirect_dma source(%dma_start3A_374 : memref<100000x32xf32, #tpu.memory_space<hbm>>) target(%dma_start3A_369 : memref<128x32xf32, #tpu.memory_space<vmem>>) offsets(%dma_start3A_371 : memref<128xi32, #tpu.memory_space<vmem>>) semaphore(%arg9 : memref<!tpu.dma_semaphore, #tpu.memory_space<semaphore_mem>>)
    %dma_start3A_375 = arith.constant 768 : i32
    %dma_start3A_376 = arith.constant 0 : i32
    %dma_start3A_377 = tpu.memref_slice %arg6[%dma_start3A_375, %dma_start3A_376] : memref<1280x32xf32, #tpu.memory_space<vmem>> -> memref<128x32xf32, #tpu.memory_space<vmem>>
    %dma_start3A_378 = arith.constant 3328 : i32
    %dma_start3A_379 = tpu.memref_slice %arg5[%dma_start3A_378] : memref<10240xi32, #tpu.memory_space<vmem>> -> memref<128xi32, #tpu.memory_space<vmem>>
    %dma_start3A_380 = arith.constant 0 : i32
    %dma_start3A_381 = arith.constant 0 : i32
    %dma_start3A_382 = tpu.memref_slice %arg2[%dma_start3A_380, %dma_start3A_381] : memref<100000x32xf32, #tpu.memory_space<hbm>> -> memref<100000x32xf32, #tpu.memory_space<hbm>>
    tpu.enqueue_indirect_dma source(%dma_start3A_382 : memref<100000x32xf32, #tpu.memory_space<hbm>>) target(%dma_start3A_377 : memref<128x32xf32, #tpu.memory_space<vmem>>) offsets(%dma_start3A_379 : memref<128xi32, #tpu.memory_space<vmem>>) semaphore(%arg9 : memref<!tpu.dma_semaphore, #tpu.memory_space<semaphore_mem>>)
    %dma_start3A_383 = arith.constant 896 : i32
    %dma_start3A_384 = arith.constant 0 : i32
    %dma_start3A_385 = tpu.memref_slice %arg6[%dma_start3A_383, %dma_start3A_384] : memref<1280x32xf32, #tpu.memory_space<vmem>> -> memref<128x32xf32, #tpu.memory_space<vmem>>
    %dma_start3A_386 = arith.constant 3456 : i32
    %dma_start3A_387 = tpu.memref_slice %arg5[%dma_start3A_386] : memref<10240xi32, #tpu.memory_space<vmem>> -> memref<128xi32, #tpu.memory_space<vmem>>
    %dma_start3A_388 = arith.constant 0 : i32
    %dma_start3A_389 = arith.constant 0 : i32
    %dma_start3A_390 = tpu.memref_slice %arg2[%dma_start3A_388, %dma_start3A_389] : memref<100000x32xf32, #tpu.memory_space<hbm>> -> memref<100000x32xf32, #tpu.memory_space<hbm>>
    tpu.enqueue_indirect_dma source(%dma_start3A_390 : memref<100000x32xf32, #tpu.memory_space<hbm>>) target(%dma_start3A_385 : memref<128x32xf32, #tpu.memory_space<vmem>>) offsets(%dma_start3A_387 : memref<128xi32, #tpu.memory_space<vmem>>) semaphore(%arg9 : memref<!tpu.dma_semaphore, #tpu.memory_space<semaphore_mem>>)
    %dma_start3A_391 = arith.constant 1024 : i32
    %dma_start3A_392 = arith.constant 0 : i32
    %dma_start3A_393 = tpu.memref_slice %arg6[%dma_start3A_391, %dma_start3A_392] : memref<1280x32xf32, #tpu.memory_space<vmem>> -> memref<128x32xf32, #tpu.memory_space<vmem>>
    %dma_start3A_394 = arith.constant 3584 : i32
    %dma_start3A_395 = tpu.memref_slice %arg5[%dma_start3A_394] : memref<10240xi32, #tpu.memory_space<vmem>> -> memref<128xi32, #tpu.memory_space<vmem>>
    %dma_start3A_396 = arith.constant 0 : i32
    %dma_start3A_397 = arith.constant 0 : i32
    %dma_start3A_398 = tpu.memref_slice %arg2[%dma_start3A_396, %dma_start3A_397] : memref<100000x32xf32, #tpu.memory_space<hbm>> -> memref<100000x32xf32, #tpu.memory_space<hbm>>
    tpu.enqueue_indirect_dma source(%dma_start3A_398 : memref<100000x32xf32, #tpu.memory_space<hbm>>) target(%dma_start3A_393 : memref<128x32xf32, #tpu.memory_space<vmem>>) offsets(%dma_start3A_395 : memref<128xi32, #tpu.memory_space<vmem>>) semaphore(%arg9 : memref<!tpu.dma_semaphore, #tpu.memory_space<semaphore_mem>>)
    %dma_start3A_399 = arith.constant 1152 : i32
    %dma_start3A_400 = arith.constant 0 : i32
    %dma_start3A_401 = tpu.memref_slice %arg6[%dma_start3A_399, %dma_start3A_400] : memref<1280x32xf32, #tpu.memory_space<vmem>> -> memref<128x32xf32, #tpu.memory_space<vmem>>
    %dma_start3A_402 = arith.constant 3712 : i32
    %dma_start3A_403 = tpu.memref_slice %arg5[%dma_start3A_402] : memref<10240xi32, #tpu.memory_space<vmem>> -> memref<128xi32, #tpu.memory_space<vmem>>
    %dma_start3A_404 = arith.constant 0 : i32
    %dma_start3A_405 = arith.constant 0 : i32
    %dma_start3A_406 = tpu.memref_slice %arg2[%dma_start3A_404, %dma_start3A_405] : memref<100000x32xf32, #tpu.memory_space<hbm>> -> memref<100000x32xf32, #tpu.memory_space<hbm>>
    tpu.enqueue_indirect_dma source(%dma_start3A_406 : memref<100000x32xf32, #tpu.memory_space<hbm>>) target(%dma_start3A_401 : memref<128x32xf32, #tpu.memory_space<vmem>>) offsets(%dma_start3A_403 : memref<128xi32, #tpu.memory_space<vmem>>) semaphore(%arg9 : memref<!tpu.dma_semaphore, #tpu.memory_space<semaphore_mem>>)
    %scan3A_407 = arith.constant 0 : i32
    %scan3A_408 = arith.constant 64 : i32
    %scan3A_409 = arith.addi %scan3A_407, %scan3A_408 : i32
    %scan3A_410 = arith.constant 1 : i32
    scf.for %scan3A_1322 = %scan3A_407 to %scan3A_409 step %scan3A_410  : i32 {
      %mul3A_1323 = arith.constant 1 : i32
      %mul3A_1324 = arith.muli %scan3A_1322, %mul3A_1323 : i32
      %add3A_1325 = arith.constant 0 : i32
      %add3A_1326 = arith.addi %add3A_1325, %mul3A_1324 : i32
      %mul3A_1327 = arith.constant 20 : i32
      %mul3A_1328 = arith.muli %add3A_1326, %mul3A_1327 : i32
      %get3A = arith.index_cast %mul3A_1328 : i32 to index
      %get3A_1329 = arith.constant 0 : index
      %get3A_1330 = tpu.vector_load %arg7[%get3A, %get3A_1329] {strides = array<i32>} : memref<1280x32xf32, #tpu.memory_space<vmem>>, vector<1x16xf32>,
      %get3A_1331 = vector.shape_cast %get3A_1330 : vector<1x16xf32> to vector<16xf32>
      %get3A_1332 = arith.index_cast %mul3A_1328 : i32 to index
      %get3A_1333 = arith.constant 16 : index
      %get3A_1334 = tpu.vector_load %arg7[%get3A_1332, %get3A_1333] {strides = array<i32>} : memref<1280x32xf32, #tpu.memory_space<vmem>>, vector<1x16xf32>,
      %get3A_1335 = vector.shape_cast %get3A_1334 : vector<1x16xf32> to vector<16xf32>
      %add3A_1336 = arith.constant 1 : i32
      %add3A_1337 = arith.addi %mul3A_1328, %add3A_1336 : i32
      %get3A_1338 = arith.index_cast %add3A_1337 : i32 to index
      %get3A_1339 = arith.constant 0 : index
      %get3A_1340 = tpu.vector_load %arg7[%get3A_1338, %get3A_1339] {strides = array<i32>} : memref<1280x32xf32, #tpu.memory_space<vmem>>, vector<1x16xf32>,
      %get3A_1341 = vector.shape_cast %get3A_1340 : vector<1x16xf32> to vector<16xf32>
      %add3A_1342 = arith.addf %get3A_1331, %get3A_1341 : vector<16xf32>
      %add3A_1343 = arith.constant 1 : i32
      %add3A_1344 = arith.addi %mul3A_1328, %add3A_1343 : i32
      %get3A_1345 = arith.index_cast %add3A_1344 : i32 to index
      %get3A_1346 = arith.constant 16 : index
      %get3A_1347 = tpu.vector_load %arg7[%get3A_1345, %get3A_1346] {strides = array<i32>} : memref<1280x32xf32, #tpu.memory_space<vmem>>, vector<1x16xf32>,
      %get3A_1348 = vector.shape_cast %get3A_1347 : vector<1x16xf32> to vector<16xf32>
      %add3A_1349 = arith.addf %get3A_1335, %get3A_1348 : vector<16xf32>
      %add3A_1350 = arith.constant 2 : i32
      %add3A_1351 = arith.addi %mul3A_1328, %add3A_1350 : i32
      %get3A_1352 = arith.index_cast %add3A_1351 : i32 to index
      %get3A_1353 = arith.constant 0 : index
      %get3A_1354 = tpu.vector_load %arg7[%get3A_1352, %get3A_1353] {strides = array<i32>} : memref<1280x32xf32, #tpu.memory_space<vmem>>, vector<1x16xf32>,
      %get3A_1355 = vector.shape_cast %get3A_1354 : vector<1x16xf32> to vector<16xf32>
      %add3A_1356 = arith.addf %add3A_1342, %get3A_1355 : vector<16xf32>
      %add3A_1357 = arith.constant 2 : i32
      %add3A_1358 = arith.addi %mul3A_1328, %add3A_1357 : i32
      %get3A_1359 = arith.index_cast %add3A_1358 : i32 to index
      %get3A_1360 = arith.constant 16 : index
      %get3A_1361 = tpu.vector_load %arg7[%get3A_1359, %get3A_1360] {strides = array<i32>} : memref<1280x32xf32, #tpu.memory_space<vmem>>, vector<1x16xf32>,
      %get3A_1362 = vector.shape_cast %get3A_1361 : vector<1x16xf32> to vector<16xf32>
      %add3A_1363 = arith.addf %add3A_1349, %get3A_1362 : vector<16xf32>
      %add3A_1364 = arith.constant 3 : i32
      %add3A_1365 = arith.addi %mul3A_1328, %add3A_1364 : i32
      %get3A_1366 = arith.index_cast %add3A_1365 : i32 to index
      %get3A_1367 = arith.constant 0 : index
      %get3A_1368 = tpu.vector_load %arg7[%get3A_1366, %get3A_1367] {strides = array<i32>} : memref<1280x32xf32, #tpu.memory_space<vmem>>, vector<1x16xf32>,
      %get3A_1369 = vector.shape_cast %get3A_1368 : vector<1x16xf32> to vector<16xf32>
      %add3A_1370 = arith.addf %add3A_1356, %get3A_1369 : vector<16xf32>
      %add3A_1371 = arith.constant 3 : i32
      %add3A_1372 = arith.addi %mul3A_1328, %add3A_1371 : i32
      %get3A_1373 = arith.index_cast %add3A_1372 : i32 to index
      %get3A_1374 = arith.constant 16 : index
      %get3A_1375 = tpu.vector_load %arg7[%get3A_1373, %get3A_1374] {strides = array<i32>} : memref<1280x32xf32, #tpu.memory_space<vmem>>, vector<1x16xf32>,
      %get3A_1376 = vector.shape_cast %get3A_1375 : vector<1x16xf32> to vector<16xf32>
      %add3A_1377 = arith.addf %add3A_1363, %get3A_1376 : vector<16xf32>
      %add3A_1378 = arith.constant 4 : i32
      %add3A_1379 = arith.addi %mul3A_1328, %add3A_1378 : i32
      %get3A_1380 = arith.index_cast %add3A_1379 : i32 to index
      %get3A_1381 = arith.constant 0 : index
      %get3A_1382 = tpu.vector_load %arg7[%get3A_1380, %get3A_1381] {strides = array<i32>} : memref<1280x32xf32, #tpu.memory_space<vmem>>, vector<1x16xf32>,
      %get3A_1383 = vector.shape_cast %get3A_1382 : vector<1x16xf32> to vector<16xf32>
      %add3A_1384 = arith.addf %add3A_1370, %get3A_1383 : vector<16xf32>
      %add3A_1385 = arith.constant 4 : i32
      %add3A_1386 = arith.addi %mul3A_1328, %add3A_1385 : i32
      %get3A_1387 = arith.index_cast %add3A_1386 : i32 to index
      %get3A_1388 = arith.constant 16 : index
      %get3A_1389 = tpu.vector_load %arg7[%get3A_1387, %get3A_1388] {strides = array<i32>} : memref<1280x32xf32, #tpu.memory_space<vmem>>, vector<1x16xf32>,
      %get3A_1390 = vector.shape_cast %get3A_1389 : vector<1x16xf32> to vector<16xf32>
      %add3A_1391 = arith.addf %add3A_1377, %get3A_1390 : vector<16xf32>
      %add3A_1392 = arith.constant 5 : i32
      %add3A_1393 = arith.addi %mul3A_1328, %add3A_1392 : i32
      %get3A_1394 = arith.index_cast %add3A_1393 : i32 to index
      %get3A_1395 = arith.constant 0 : index
      %get3A_1396 = tpu.vector_load %arg7[%get3A_1394, %get3A_1395] {strides = array<i32>} : memref<1280x32xf32, #tpu.memory_space<vmem>>, vector<1x16xf32>,
      %get3A_1397 = vector.shape_cast %get3A_1396 : vector<1x16xf32> to vector<16xf32>
      %add3A_1398 = arith.addf %add3A_1384, %get3A_1397 : vector<16xf32>
      %add3A_1399 = arith.constant 5 : i32
      %add3A_1400 = arith.addi %mul3A_1328, %add3A_1399 : i32
      %get3A_1401 = arith.index_cast %add3A_1400 : i32 to index
      %get3A_1402 = arith.constant 16 : index
      %get3A_1403 = tpu.vector_load %arg7[%get3A_1401, %get3A_1402] {strides = array<i32>} : memref<1280x32xf32, #tpu.memory_space<vmem>>, vector<1x16xf32>,
      %get3A_1404 = vector.shape_cast %get3A_1403 : vector<1x16xf32> to vector<16xf32>
      %add3A_1405 = arith.addf %add3A_1391, %get3A_1404 : vector<16xf32>
      %add3A_1406 = arith.constant 6 : i32
      %add3A_1407 = arith.addi %mul3A_1328, %add3A_1406 : i32
      %get3A_1408 = arith.index_cast %add3A_1407 : i32 to index
      %get3A_1409 = arith.constant 0 : index
      %get3A_1410 = tpu.vector_load %arg7[%get3A_1408, %get3A_1409] {strides = array<i32>} : memref<1280x32xf32, #tpu.memory_space<vmem>>, vector<1x16xf32>,
      %get3A_1411 = vector.shape_cast %get3A_1410 : vector<1x16xf32> to vector<16xf32>
      %add3A_1412 = arith.addf %add3A_1398, %get3A_1411 : vector<16xf32>
      %add3A_1413 = arith.constant 6 : i32
      %add3A_1414 = arith.addi %mul3A_1328, %add3A_1413 : i32
      %get3A_1415 = arith.index_cast %add3A_1414 : i32 to index
      %get3A_1416 = arith.constant 16 : index
      %get3A_1417 = tpu.vector_load %arg7[%get3A_1415, %get3A_1416] {strides = array<i32>} : memref<1280x32xf32, #tpu.memory_space<vmem>>, vector<1x16xf32>,
      %get3A_1418 = vector.shape_cast %get3A_1417 : vector<1x16xf32> to vector<16xf32>
      %add3A_1419 = arith.addf %add3A_1405, %get3A_1418 : vector<16xf32>
      %add3A_1420 = arith.constant 7 : i32
      %add3A_1421 = arith.addi %mul3A_1328, %add3A_1420 : i32
      %get3A_1422 = arith.index_cast %add3A_1421 : i32 to index
      %get3A_1423 = arith.constant 0 : index
      %get3A_1424 = tpu.vector_load %arg7[%get3A_1422, %get3A_1423] {strides = array<i32>} : memref<1280x32xf32, #tpu.memory_space<vmem>>, vector<1x16xf32>,
      %get3A_1425 = vector.shape_cast %get3A_1424 : vector<1x16xf32> to vector<16xf32>
      %add3A_1426 = arith.addf %add3A_1412, %get3A_1425 : vector<16xf32>
      %add3A_1427 = arith.constant 7 : i32
      %add3A_1428 = arith.addi %mul3A_1328, %add3A_1427 : i32
      %get3A_1429 = arith.index_cast %add3A_1428 : i32 to index
      %get3A_1430 = arith.constant 16 : index
      %get3A_1431 = tpu.vector_load %arg7[%get3A_1429, %get3A_1430] {strides = array<i32>} : memref<1280x32xf32, #tpu.memory_space<vmem>>, vector<1x16xf32>,
      %get3A_1432 = vector.shape_cast %get3A_1431 : vector<1x16xf32> to vector<16xf32>
      %add3A_1433 = arith.addf %add3A_1419, %get3A_1432 : vector<16xf32>
      %add3A_1434 = arith.constant 8 : i32
      %add3A_1435 = arith.addi %mul3A_1328, %add3A_1434 : i32
      %get3A_1436 = arith.index_cast %add3A_1435 : i32 to index
      %get3A_1437 = arith.constant 0 : index
      %get3A_1438 = tpu.vector_load %arg7[%get3A_1436, %get3A_1437] {strides = array<i32>} : memref<1280x32xf32, #tpu.memory_space<vmem>>, vector<1x16xf32>,
      %get3A_1439 = vector.shape_cast %get3A_1438 : vector<1x16xf32> to vector<16xf32>
      %add3A_1440 = arith.addf %add3A_1426, %get3A_1439 : vector<16xf32>
      %add3A_1441 = arith.constant 8 : i32
      %add3A_1442 = arith.addi %mul3A_1328, %add3A_1441 : i32
      %get3A_1443 = arith.index_cast %add3A_1442 : i32 to index
      %get3A_1444 = arith.constant 16 : index
      %get3A_1445 = tpu.vector_load %arg7[%get3A_1443, %get3A_1444] {strides = array<i32>} : memref<1280x32xf32, #tpu.memory_space<vmem>>, vector<1x16xf32>,
      %get3A_1446 = vector.shape_cast %get3A_1445 : vector<1x16xf32> to vector<16xf32>
      %add3A_1447 = arith.addf %add3A_1433, %get3A_1446 : vector<16xf32>
      %add3A_1448 = arith.constant 9 : i32
      %add3A_1449 = arith.addi %mul3A_1328, %add3A_1448 : i32
      %get3A_1450 = arith.index_cast %add3A_1449 : i32 to index
      %get3A_1451 = arith.constant 0 : index
      %get3A_1452 = tpu.vector_load %arg7[%get3A_1450, %get3A_1451] {strides = array<i32>} : memref<1280x32xf32, #tpu.memory_space<vmem>>, vector<1x16xf32>,
      %get3A_1453 = vector.shape_cast %get3A_1452 : vector<1x16xf32> to vector<16xf32>
      %add3A_1454 = arith.addf %add3A_1440, %get3A_1453 : vector<16xf32>
      %add3A_1455 = arith.constant 9 : i32
      %add3A_1456 = arith.addi %mul3A_1328, %add3A_1455 : i32
      %get3A_1457 = arith.index_cast %add3A_1456 : i32 to index
      %get3A_1458 = arith.constant 16 : index
      %get3A_1459 = tpu.vector_load %arg7[%get3A_1457, %get3A_1458] {strides = array<i32>} : memref<1280x32xf32, #tpu.memory_space<vmem>>, vector<1x16xf32>,
      %get3A_1460 = vector.shape_cast %get3A_1459 : vector<1x16xf32> to vector<16xf32>
      %add3A_1461 = arith.addf %add3A_1447, %get3A_1460 : vector<16xf32>
      %add3A_1462 = arith.constant 10 : i32
      %add3A_1463 = arith.addi %mul3A_1328, %add3A_1462 : i32
      %get3A_1464 = arith.index_cast %add3A_1463 : i32 to index
      %get3A_1465 = arith.constant 0 : index
      %get3A_1466 = tpu.vector_load %arg7[%get3A_1464, %get3A_1465] {strides = array<i32>} : memref<1280x32xf32, #tpu.memory_space<vmem>>, vector<1x16xf32>,
      %get3A_1467 = vector.shape_cast %get3A_1466 : vector<1x16xf32> to vector<16xf32>
      %add3A_1468 = arith.addf %add3A_1454, %get3A_1467 : vector<16xf32>
      %add3A_1469 = arith.constant 10 : i32
      %add3A_1470 = arith.addi %mul3A_1328, %add3A_1469 : i32
      %get3A_1471 = arith.index_cast %add3A_1470 : i32 to index
      %get3A_1472 = arith.constant 16 : index
      %get3A_1473 = tpu.vector_load %arg7[%get3A_1471, %get3A_1472] {strides = array<i32>} : memref<1280x32xf32, #tpu.memory_space<vmem>>, vector<1x16xf32>,
      %get3A_1474 = vector.shape_cast %get3A_1473 : vector<1x16xf32> to vector<16xf32>
      %add3A_1475 = arith.addf %add3A_1461, %get3A_1474 : vector<16xf32>
      %add3A_1476 = arith.constant 11 : i32
      %add3A_1477 = arith.addi %mul3A_1328, %add3A_1476 : i32
      %get3A_1478 = arith.index_cast %add3A_1477 : i32 to index
      %get3A_1479 = arith.constant 0 : index
      %get3A_1480 = tpu.vector_load %arg7[%get3A_1478, %get3A_1479] {strides = array<i32>} : memref<1280x32xf32, #tpu.memory_space<vmem>>, vector<1x16xf32>,
      %get3A_1481 = vector.shape_cast %get3A_1480 : vector<1x16xf32> to vector<16xf32>
      %add3A_1482 = arith.addf %add3A_1468, %get3A_1481 : vector<16xf32>
      %add3A_1483 = arith.constant 11 : i32
      %add3A_1484 = arith.addi %mul3A_1328, %add3A_1483 : i32
      %get3A_1485 = arith.index_cast %add3A_1484 : i32 to index
      %get3A_1486 = arith.constant 16 : index
      %get3A_1487 = tpu.vector_load %arg7[%get3A_1485, %get3A_1486] {strides = array<i32>} : memref<1280x32xf32, #tpu.memory_space<vmem>>, vector<1x16xf32>,
      %get3A_1488 = vector.shape_cast %get3A_1487 : vector<1x16xf32> to vector<16xf32>
      %add3A_1489 = arith.addf %add3A_1475, %get3A_1488 : vector<16xf32>
      %add3A_1490 = arith.constant 12 : i32
      %add3A_1491 = arith.addi %mul3A_1328, %add3A_1490 : i32
      %get3A_1492 = arith.index_cast %add3A_1491 : i32 to index
      %get3A_1493 = arith.constant 0 : index
      %get3A_1494 = tpu.vector_load %arg7[%get3A_1492, %get3A_1493] {strides = array<i32>} : memref<1280x32xf32, #tpu.memory_space<vmem>>, vector<1x16xf32>,
      %get3A_1495 = vector.shape_cast %get3A_1494 : vector<1x16xf32> to vector<16xf32>
      %add3A_1496 = arith.addf %add3A_1482, %get3A_1495 : vector<16xf32>
      %add3A_1497 = arith.constant 12 : i32
      %add3A_1498 = arith.addi %mul3A_1328, %add3A_1497 : i32
      %get3A_1499 = arith.index_cast %add3A_1498 : i32 to index
      %get3A_1500 = arith.constant 16 : index
      %get3A_1501 = tpu.vector_load %arg7[%get3A_1499, %get3A_1500] {strides = array<i32>} : memref<1280x32xf32, #tpu.memory_space<vmem>>, vector<1x16xf32>,
      %get3A_1502 = vector.shape_cast %get3A_1501 : vector<1x16xf32> to vector<16xf32>
      %add3A_1503 = arith.addf %add3A_1489, %get3A_1502 : vector<16xf32>
      %add3A_1504 = arith.constant 13 : i32
      %add3A_1505 = arith.addi %mul3A_1328, %add3A_1504 : i32
      %get3A_1506 = arith.index_cast %add3A_1505 : i32 to index
      %get3A_1507 = arith.constant 0 : index
      %get3A_1508 = tpu.vector_load %arg7[%get3A_1506, %get3A_1507] {strides = array<i32>} : memref<1280x32xf32, #tpu.memory_space<vmem>>, vector<1x16xf32>,
      %get3A_1509 = vector.shape_cast %get3A_1508 : vector<1x16xf32> to vector<16xf32>
      %add3A_1510 = arith.addf %add3A_1496, %get3A_1509 : vector<16xf32>
      %add3A_1511 = arith.constant 13 : i32
      %add3A_1512 = arith.addi %mul3A_1328, %add3A_1511 : i32
      %get3A_1513 = arith.index_cast %add3A_1512 : i32 to index
      %get3A_1514 = arith.constant 16 : index
      %get3A_1515 = tpu.vector_load %arg7[%get3A_1513, %get3A_1514] {strides = array<i32>} : memref<1280x32xf32, #tpu.memory_space<vmem>>, vector<1x16xf32>,
      %get3A_1516 = vector.shape_cast %get3A_1515 : vector<1x16xf32> to vector<16xf32>
      %add3A_1517 = arith.addf %add3A_1503, %get3A_1516 : vector<16xf32>
      %add3A_1518 = arith.constant 14 : i32
      %add3A_1519 = arith.addi %mul3A_1328, %add3A_1518 : i32
      %get3A_1520 = arith.index_cast %add3A_1519 : i32 to index
      %get3A_1521 = arith.constant 0 : index
      %get3A_1522 = tpu.vector_load %arg7[%get3A_1520, %get3A_1521] {strides = array<i32>} : memref<1280x32xf32, #tpu.memory_space<vmem>>, vector<1x16xf32>,
      %get3A_1523 = vector.shape_cast %get3A_1522 : vector<1x16xf32> to vector<16xf32>
      %add3A_1524 = arith.addf %add3A_1510, %get3A_1523 : vector<16xf32>
      %add3A_1525 = arith.constant 14 : i32
      %add3A_1526 = arith.addi %mul3A_1328, %add3A_1525 : i32
      %get3A_1527 = arith.index_cast %add3A_1526 : i32 to index
      %get3A_1528 = arith.constant 16 : index
      %get3A_1529 = tpu.vector_load %arg7[%get3A_1527, %get3A_1528] {strides = array<i32>} : memref<1280x32xf32, #tpu.memory_space<vmem>>, vector<1x16xf32>,
      %get3A_1530 = vector.shape_cast %get3A_1529 : vector<1x16xf32> to vector<16xf32>
      %add3A_1531 = arith.addf %add3A_1517, %get3A_1530 : vector<16xf32>
      %add3A_1532 = arith.constant 15 : i32
      %add3A_1533 = arith.addi %mul3A_1328, %add3A_1532 : i32
      %get3A_1534 = arith.index_cast %add3A_1533 : i32 to index
      %get3A_1535 = arith.constant 0 : index
      %get3A_1536 = tpu.vector_load %arg7[%get3A_1534, %get3A_1535] {strides = array<i32>} : memref<1280x32xf32, #tpu.memory_space<vmem>>, vector<1x16xf32>,
      %get3A_1537 = vector.shape_cast %get3A_1536 : vector<1x16xf32> to vector<16xf32>
      %add3A_1538 = arith.addf %add3A_1524, %get3A_1537 : vector<16xf32>
      %add3A_1539 = arith.constant 15 : i32
      %add3A_1540 = arith.addi %mul3A_1328, %add3A_1539 : i32
      %get3A_1541 = arith.index_cast %add3A_1540 : i32 to index
      %get3A_1542 = arith.constant 16 : index
      %get3A_1543 = tpu.vector_load %arg7[%get3A_1541, %get3A_1542] {strides = array<i32>} : memref<1280x32xf32, #tpu.memory_space<vmem>>, vector<1x16xf32>,
      %get3A_1544 = vector.shape_cast %get3A_1543 : vector<1x16xf32> to vector<16xf32>
      %add3A_1545 = arith.addf %add3A_1531, %get3A_1544 : vector<16xf32>
      %add3A_1546 = arith.constant 16 : i32
      %add3A_1547 = arith.addi %mul3A_1328, %add3A_1546 : i32
      %get3A_1548 = arith.index_cast %add3A_1547 : i32 to index
      %get3A_1549 = arith.constant 0 : index
      %get3A_1550 = tpu.vector_load %arg7[%get3A_1548, %get3A_1549] {strides = array<i32>} : memref<1280x32xf32, #tpu.memory_space<vmem>>, vector<1x16xf32>,
      %get3A_1551 = vector.shape_cast %get3A_1550 : vector<1x16xf32> to vector<16xf32>
      %add3A_1552 = arith.addf %add3A_1538, %get3A_1551 : vector<16xf32>
      %add3A_1553 = arith.constant 16 : i32
      %add3A_1554 = arith.addi %mul3A_1328, %add3A_1553 : i32
      %get3A_1555 = arith.index_cast %add3A_1554 : i32 to index
      %get3A_1556 = arith.constant 16 : index
      %get3A_1557 = tpu.vector_load %arg7[%get3A_1555, %get3A_1556] {strides = array<i32>} : memref<1280x32xf32, #tpu.memory_space<vmem>>, vector<1x16xf32>,
      %get3A_1558 = vector.shape_cast %get3A_1557 : vector<1x16xf32> to vector<16xf32>
      %add3A_1559 = arith.addf %add3A_1545, %get3A_1558 : vector<16xf32>
      %add3A_1560 = arith.constant 17 : i32
      %add3A_1561 = arith.addi %mul3A_1328, %add3A_1560 : i32
      %get3A_1562 = arith.index_cast %add3A_1561 : i32 to index
      %get3A_1563 = arith.constant 0 : index
      %get3A_1564 = tpu.vector_load %arg7[%get3A_1562, %get3A_1563] {strides = array<i32>} : memref<1280x32xf32, #tpu.memory_space<vmem>>, vector<1x16xf32>,
      %get3A_1565 = vector.shape_cast %get3A_1564 : vector<1x16xf32> to vector<16xf32>
      %add3A_1566 = arith.addf %add3A_1552, %get3A_1565 : vector<16xf32>
      %add3A_1567 = arith.constant 17 : i32
      %add3A_1568 = arith.addi %mul3A_1328, %add3A_1567 : i32
      %get3A_1569 = arith.index_cast %add3A_1568 : i32 to index
      %get3A_1570 = arith.constant 16 : index
      %get3A_1571 = tpu.vector_load %arg7[%get3A_1569, %get3A_1570] {strides = array<i32>} : memref<1280x32xf32, #tpu.memory_space<vmem>>, vector<1x16xf32>,
      %get3A_1572 = vector.shape_cast %get3A_1571 : vector<1x16xf32> to vector<16xf32>
      %add3A_1573 = arith.addf %add3A_1559, %get3A_1572 : vector<16xf32>
      %add3A_1574 = arith.constant 18 : i32
      %add3A_1575 = arith.addi %mul3A_1328, %add3A_1574 : i32
      %get3A_1576 = arith.index_cast %add3A_1575 : i32 to index
      %get3A_1577 = arith.constant 0 : index
      %get3A_1578 = tpu.vector_load %arg7[%get3A_1576, %get3A_1577] {strides = array<i32>} : memref<1280x32xf32, #tpu.memory_space<vmem>>, vector<1x16xf32>,
      %get3A_1579 = vector.shape_cast %get3A_1578 : vector<1x16xf32> to vector<16xf32>
      %add3A_1580 = arith.addf %add3A_1566, %get3A_1579 : vector<16xf32>
      %add3A_1581 = arith.constant 18 : i32
      %add3A_1582 = arith.addi %mul3A_1328, %add3A_1581 : i32
      %get3A_1583 = arith.index_cast %add3A_1582 : i32 to index
      %get3A_1584 = arith.constant 16 : index
      %get3A_1585 = tpu.vector_load %arg7[%get3A_1583, %get3A_1584] {strides = array<i32>} : memref<1280x32xf32, #tpu.memory_space<vmem>>, vector<1x16xf32>,
      %get3A_1586 = vector.shape_cast %get3A_1585 : vector<1x16xf32> to vector<16xf32>
      %add3A_1587 = arith.addf %add3A_1573, %get3A_1586 : vector<16xf32>
      %add3A_1588 = arith.constant 19 : i32
      %add3A_1589 = arith.addi %mul3A_1328, %add3A_1588 : i32
      %get3A_1590 = arith.index_cast %add3A_1589 : i32 to index
      %get3A_1591 = arith.constant 0 : index
      %get3A_1592 = tpu.vector_load %arg7[%get3A_1590, %get3A_1591] {strides = array<i32>} : memref<1280x32xf32, #tpu.memory_space<vmem>>, vector<1x16xf32>,
      %get3A_1593 = vector.shape_cast %get3A_1592 : vector<1x16xf32> to vector<16xf32>
      %add3A_1594 = arith.addf %add3A_1580, %get3A_1593 : vector<16xf32>
      %add3A_1595 = arith.constant 19 : i32
      %add3A_1596 = arith.addi %mul3A_1328, %add3A_1595 : i32
      %get3A_1597 = arith.index_cast %add3A_1596 : i32 to index
      %get3A_1598 = arith.constant 16 : index
      %get3A_1599 = tpu.vector_load %arg7[%get3A_1597, %get3A_1598] {strides = array<i32>} : memref<1280x32xf32, #tpu.memory_space<vmem>>, vector<1x16xf32>,
      %get3A_1600 = vector.shape_cast %get3A_1599 : vector<1x16xf32> to vector<16xf32>
      %add3A_1601 = arith.addf %add3A_1587, %get3A_1600 : vector<16xf32>
      %add3A_1602 = arith.constant 64 : i32
      %add3A_1603 = arith.addi %add3A_1602, %add3A_1326 : i32
      %swap3A = arith.index_cast %add3A_1603 : i32 to index
      %swap3A_1604 = arith.constant 0 : index
      %swap3A_1605 = tpu.vector_load %arg8[%swap3A, %swap3A_1604] {strides = array<i32>} : memref<512x32xf32, #tpu.memory_space<vmem>>, vector<1x16xf32>,
      %swap3A_1606 = vector.shape_cast %swap3A_1605 : vector<1x16xf32> to vector<16xf32>
      %swap3A_1607 = vector.shape_cast %add3A_1594 : vector<16xf32> to vector<1x16xf32>
      tpu.vector_store %arg8[%swap3A, %swap3A_1604], %swap3A_1607 {strides = array<i32>} : memref<512x32xf32, #tpu.memory_space<vmem>>, vector<1x16xf32>,
      %swap3A_1608 = arith.index_cast %add3A_1603 : i32 to index
      %swap3A_1609 = arith.constant 16 : index
      %swap3A_1610 = tpu.vector_load %arg8[%swap3A_1608, %swap3A_1609] {strides = array<i32>} : memref<512x32xf32, #tpu.memory_space<vmem>>, vector<1x16xf32>,
      %swap3A_1611 = vector.shape_cast %swap3A_1610 : vector<1x16xf32> to vector<16xf32>
      %swap3A_1612 = vector.shape_cast %add3A_1601 : vector<16xf32> to vector<1x16xf32>
      tpu.vector_store %arg8[%swap3A_1608, %swap3A_1609], %swap3A_1612 {strides = array<i32>} : memref<512x32xf32, #tpu.memory_space<vmem>>, vector<1x16xf32>,
    }
    %scan3A_411 = arith.constant 64 : i32
    %dma_wait3A_412 = arith.constant 0 : i32
    %dma_wait3A_413 = arith.constant 0 : i32
    %dma_wait3A_414 = tpu.memref_slice %arg6[%dma_wait3A_412, %dma_wait3A_413] : memref<1280x32xf32, #tpu.memory_space<vmem>> -> memref<128x32xf32, #tpu.memory_space<vmem>>
    %dma_wait3A_415 = arith.constant 2560 : i32
    %dma_wait3A_416 = tpu.memref_slice %arg5[%dma_wait3A_415] : memref<10240xi32, #tpu.memory_space<vmem>> -> memref<128xi32, #tpu.memory_space<vmem>>
    %dma_wait3A_417 = arith.constant 0 : i32
    %dma_wait3A_418 = arith.constant 0 : i32
    %dma_wait3A_419 = tpu.memref_slice %arg2[%dma_wait3A_417, %dma_wait3A_418] : memref<100000x32xf32, #tpu.memory_space<hbm>> -> memref<100000x32xf32, #tpu.memory_space<hbm>>
    tpu.wait_indirect_dma semaphore(%arg9 : memref<!tpu.dma_semaphore, #tpu.memory_space<semaphore_mem>>) src(%dma_wait3A_419 : memref<100000x32xf32, #tpu.memory_space<hbm>>) dst(%dma_wait3A_414 : memref<128x32xf32, #tpu.memory_space<vmem>>)
    %dma_wait3A_420 = arith.constant 128 : i32
    %dma_wait3A_421 = arith.constant 0 : i32
    %dma_wait3A_422 = tpu.memref_slice %arg6[%dma_wait3A_420, %dma_wait3A_421] : memref<1280x32xf32, #tpu.memory_space<vmem>> -> memref<128x32xf32, #tpu.memory_space<vmem>>
    %dma_wait3A_423 = arith.constant 2688 : i32
    %dma_wait3A_424 = tpu.memref_slice %arg5[%dma_wait3A_423] : memref<10240xi32, #tpu.memory_space<vmem>> -> memref<128xi32, #tpu.memory_space<vmem>>
    %dma_wait3A_425 = arith.constant 0 : i32
    %dma_wait3A_426 = arith.constant 0 : i32
    %dma_wait3A_427 = tpu.memref_slice %arg2[%dma_wait3A_425, %dma_wait3A_426] : memref<100000x32xf32, #tpu.memory_space<hbm>> -> memref<100000x32xf32, #tpu.memory_space<hbm>>
    tpu.wait_indirect_dma semaphore(%arg9 : memref<!tpu.dma_semaphore, #tpu.memory_space<semaphore_mem>>) src(%dma_wait3A_427 : memref<100000x32xf32, #tpu.memory_space<hbm>>) dst(%dma_wait3A_422 : memref<128x32xf32, #tpu.memory_space<vmem>>)
    %dma_wait3A_428 = arith.constant 256 : i32
    %dma_wait3A_429 = arith.constant 0 : i32
    %dma_wait3A_430 = tpu.memref_slice %arg6[%dma_wait3A_428, %dma_wait3A_429] : memref<1280x32xf32, #tpu.memory_space<vmem>> -> memref<128x32xf32, #tpu.memory_space<vmem>>
    %dma_wait3A_431 = arith.constant 2816 : i32
    %dma_wait3A_432 = tpu.memref_slice %arg5[%dma_wait3A_431] : memref<10240xi32, #tpu.memory_space<vmem>> -> memref<128xi32, #tpu.memory_space<vmem>>
    %dma_wait3A_433 = arith.constant 0 : i32
    %dma_wait3A_434 = arith.constant 0 : i32
    %dma_wait3A_435 = tpu.memref_slice %arg2[%dma_wait3A_433, %dma_wait3A_434] : memref<100000x32xf32, #tpu.memory_space<hbm>> -> memref<100000x32xf32, #tpu.memory_space<hbm>>
    tpu.wait_indirect_dma semaphore(%arg9 : memref<!tpu.dma_semaphore, #tpu.memory_space<semaphore_mem>>) src(%dma_wait3A_435 : memref<100000x32xf32, #tpu.memory_space<hbm>>) dst(%dma_wait3A_430 : memref<128x32xf32, #tpu.memory_space<vmem>>)
    %dma_wait3A_436 = arith.constant 384 : i32
    %dma_wait3A_437 = arith.constant 0 : i32
    %dma_wait3A_438 = tpu.memref_slice %arg6[%dma_wait3A_436, %dma_wait3A_437] : memref<1280x32xf32, #tpu.memory_space<vmem>> -> memref<128x32xf32, #tpu.memory_space<vmem>>
    %dma_wait3A_439 = arith.constant 2944 : i32
    %dma_wait3A_440 = tpu.memref_slice %arg5[%dma_wait3A_439] : memref<10240xi32, #tpu.memory_space<vmem>> -> memref<128xi32, #tpu.memory_space<vmem>>
    %dma_wait3A_441 = arith.constant 0 : i32
    %dma_wait3A_442 = arith.constant 0 : i32
    %dma_wait3A_443 = tpu.memref_slice %arg2[%dma_wait3A_441, %dma_wait3A_442] : memref<100000x32xf32, #tpu.memory_space<hbm>> -> memref<100000x32xf32, #tpu.memory_space<hbm>>
    tpu.wait_indirect_dma semaphore(%arg9 : memref<!tpu.dma_semaphore, #tpu.memory_space<semaphore_mem>>) src(%dma_wait3A_443 : memref<100000x32xf32, #tpu.memory_space<hbm>>) dst(%dma_wait3A_438 : memref<128x32xf32, #tpu.memory_space<vmem>>)
    %dma_wait3A_444 = arith.constant 512 : i32
    %dma_wait3A_445 = arith.constant 0 : i32
    %dma_wait3A_446 = tpu.memref_slice %arg6[%dma_wait3A_444, %dma_wait3A_445] : memref<1280x32xf32, #tpu.memory_space<vmem>> -> memref<128x32xf32, #tpu.memory_space<vmem>>
    %dma_wait3A_447 = arith.constant 3072 : i32
    %dma_wait3A_448 = tpu.memref_slice %arg5[%dma_wait3A_447] : memref<10240xi32, #tpu.memory_space<vmem>> -> memref<128xi32, #tpu.memory_space<vmem>>
    %dma_wait3A_449 = arith.constant 0 : i32
    %dma_wait3A_450 = arith.constant 0 : i32
    %dma_wait3A_451 = tpu.memref_slice %arg2[%dma_wait3A_449, %dma_wait3A_450] : memref<100000x32xf32, #tpu.memory_space<hbm>> -> memref<100000x32xf32, #tpu.memory_space<hbm>>
    tpu.wait_indirect_dma semaphore(%arg9 : memref<!tpu.dma_semaphore, #tpu.memory_space<semaphore_mem>>) src(%dma_wait3A_451 : memref<100000x32xf32, #tpu.memory_space<hbm>>) dst(%dma_wait3A_446 : memref<128x32xf32, #tpu.memory_space<vmem>>)
    %dma_wait3A_452 = arith.constant 640 : i32
    %dma_wait3A_453 = arith.constant 0 : i32
    %dma_wait3A_454 = tpu.memref_slice %arg6[%dma_wait3A_452, %dma_wait3A_453] : memref<1280x32xf32, #tpu.memory_space<vmem>> -> memref<128x32xf32, #tpu.memory_space<vmem>>
    %dma_wait3A_455 = arith.constant 3200 : i32
    %dma_wait3A_456 = tpu.memref_slice %arg5[%dma_wait3A_455] : memref<10240xi32, #tpu.memory_space<vmem>> -> memref<128xi32, #tpu.memory_space<vmem>>
    %dma_wait3A_457 = arith.constant 0 : i32
    %dma_wait3A_458 = arith.constant 0 : i32
    %dma_wait3A_459 = tpu.memref_slice %arg2[%dma_wait3A_457, %dma_wait3A_458] : memref<100000x32xf32, #tpu.memory_space<hbm>> -> memref<100000x32xf32, #tpu.memory_space<hbm>>
    tpu.wait_indirect_dma semaphore(%arg9 : memref<!tpu.dma_semaphore, #tpu.memory_space<semaphore_mem>>) src(%dma_wait3A_459 : memref<100000x32xf32, #tpu.memory_space<hbm>>) dst(%dma_wait3A_454 : memref<128x32xf32, #tpu.memory_space<vmem>>)
    %dma_wait3A_460 = arith.constant 768 : i32
    %dma_wait3A_461 = arith.constant 0 : i32
    %dma_wait3A_462 = tpu.memref_slice %arg6[%dma_wait3A_460, %dma_wait3A_461] : memref<1280x32xf32, #tpu.memory_space<vmem>> -> memref<128x32xf32, #tpu.memory_space<vmem>>
    %dma_wait3A_463 = arith.constant 3328 : i32
    %dma_wait3A_464 = tpu.memref_slice %arg5[%dma_wait3A_463] : memref<10240xi32, #tpu.memory_space<vmem>> -> memref<128xi32, #tpu.memory_space<vmem>>
    %dma_wait3A_465 = arith.constant 0 : i32
    %dma_wait3A_466 = arith.constant 0 : i32
    %dma_wait3A_467 = tpu.memref_slice %arg2[%dma_wait3A_465, %dma_wait3A_466] : memref<100000x32xf32, #tpu.memory_space<hbm>> -> memref<100000x32xf32, #tpu.memory_space<hbm>>
    tpu.wait_indirect_dma semaphore(%arg9 : memref<!tpu.dma_semaphore, #tpu.memory_space<semaphore_mem>>) src(%dma_wait3A_467 : memref<100000x32xf32, #tpu.memory_space<hbm>>) dst(%dma_wait3A_462 : memref<128x32xf32, #tpu.memory_space<vmem>>)
    %dma_wait3A_468 = arith.constant 896 : i32
    %dma_wait3A_469 = arith.constant 0 : i32
    %dma_wait3A_470 = tpu.memref_slice %arg6[%dma_wait3A_468, %dma_wait3A_469] : memref<1280x32xf32, #tpu.memory_space<vmem>> -> memref<128x32xf32, #tpu.memory_space<vmem>>
    %dma_wait3A_471 = arith.constant 3456 : i32
    %dma_wait3A_472 = tpu.memref_slice %arg5[%dma_wait3A_471] : memref<10240xi32, #tpu.memory_space<vmem>> -> memref<128xi32, #tpu.memory_space<vmem>>
    %dma_wait3A_473 = arith.constant 0 : i32
    %dma_wait3A_474 = arith.constant 0 : i32
    %dma_wait3A_475 = tpu.memref_slice %arg2[%dma_wait3A_473, %dma_wait3A_474] : memref<100000x32xf32, #tpu.memory_space<hbm>> -> memref<100000x32xf32, #tpu.memory_space<hbm>>
    tpu.wait_indirect_dma semaphore(%arg9 : memref<!tpu.dma_semaphore, #tpu.memory_space<semaphore_mem>>) src(%dma_wait3A_475 : memref<100000x32xf32, #tpu.memory_space<hbm>>) dst(%dma_wait3A_470 : memref<128x32xf32, #tpu.memory_space<vmem>>)
    %dma_wait3A_476 = arith.constant 1024 : i32
    %dma_wait3A_477 = arith.constant 0 : i32
    %dma_wait3A_478 = tpu.memref_slice %arg6[%dma_wait3A_476, %dma_wait3A_477] : memref<1280x32xf32, #tpu.memory_space<vmem>> -> memref<128x32xf32, #tpu.memory_space<vmem>>
    %dma_wait3A_479 = arith.constant 3584 : i32
    %dma_wait3A_480 = tpu.memref_slice %arg5[%dma_wait3A_479] : memref<10240xi32, #tpu.memory_space<vmem>> -> memref<128xi32, #tpu.memory_space<vmem>>
    %dma_wait3A_481 = arith.constant 0 : i32
    %dma_wait3A_482 = arith.constant 0 : i32
    %dma_wait3A_483 = tpu.memref_slice %arg2[%dma_wait3A_481, %dma_wait3A_482] : memref<100000x32xf32, #tpu.memory_space<hbm>> -> memref<100000x32xf32, #tpu.memory_space<hbm>>
    tpu.wait_indirect_dma semaphore(%arg9 : memref<!tpu.dma_semaphore, #tpu.memory_space<semaphore_mem>>) src(%dma_wait3A_483 : memref<100000x32xf32, #tpu.memory_space<hbm>>) dst(%dma_wait3A_478 : memref<128x32xf32, #tpu.memory_space<vmem>>)
    %dma_wait3A_484 = arith.constant 1152 : i32
    %dma_wait3A_485 = arith.constant 0 : i32
    %dma_wait3A_486 = tpu.memref_slice %arg6[%dma_wait3A_484, %dma_wait3A_485] : memref<1280x32xf32, #tpu.memory_space<vmem>> -> memref<128x32xf32, #tpu.memory_space<vmem>>
    %dma_wait3A_487 = arith.constant 3712 : i32
    %dma_wait3A_488 = tpu.memref_slice %arg5[%dma_wait3A_487] : memref<10240xi32, #tpu.memory_space<vmem>> -> memref<128xi32, #tpu.memory_space<vmem>>
    %dma_wait3A_489 = arith.constant 0 : i32
    %dma_wait3A_490 = arith.constant 0 : i32
    %dma_wait3A_491 = tpu.memref_slice %arg2[%dma_wait3A_489, %dma_wait3A_490] : memref<100000x32xf32, #tpu.memory_space<hbm>> -> memref<100000x32xf32, #tpu.memory_space<hbm>>
    tpu.wait_indirect_dma semaphore(%arg9 : memref<!tpu.dma_semaphore, #tpu.memory_space<semaphore_mem>>) src(%dma_wait3A_491 : memref<100000x32xf32, #tpu.memory_space<hbm>>) dst(%dma_wait3A_486 : memref<128x32xf32, #tpu.memory_space<vmem>>)
    %dma_start3A_492 = arith.constant 0 : i32
    %dma_start3A_493 = arith.constant 0 : i32
    %dma_start3A_494 = tpu.memref_slice %arg7[%dma_start3A_492, %dma_start3A_493] : memref<1280x32xf32, #tpu.memory_space<vmem>> -> memref<128x32xf32, #tpu.memory_space<vmem>>
    %dma_start3A_495 = arith.constant 3840 : i32
    %dma_start3A_496 = tpu.memref_slice %arg5[%dma_start3A_495] : memref<10240xi32, #tpu.memory_space<vmem>> -> memref<128xi32, #tpu.memory_space<vmem>>
    %dma_start3A_497 = arith.constant 0 : i32
    %dma_start3A_498 = arith.constant 0 : i32
    %dma_start3A_499 = tpu.memref_slice %arg2[%dma_start3A_497, %dma_start3A_498] : memref<100000x32xf32, #tpu.memory_space<hbm>> -> memref<100000x32xf32, #tpu.memory_space<hbm>>
    tpu.enqueue_indirect_dma source(%dma_start3A_499 : memref<100000x32xf32, #tpu.memory_space<hbm>>) target(%dma_start3A_494 : memref<128x32xf32, #tpu.memory_space<vmem>>) offsets(%dma_start3A_496 : memref<128xi32, #tpu.memory_space<vmem>>) semaphore(%arg10 : memref<!tpu.dma_semaphore, #tpu.memory_space<semaphore_mem>>)
    %dma_start3A_500 = arith.constant 128 : i32
    %dma_start3A_501 = arith.constant 0 : i32
    %dma_start3A_502 = tpu.memref_slice %arg7[%dma_start3A_500, %dma_start3A_501] : memref<1280x32xf32, #tpu.memory_space<vmem>> -> memref<128x32xf32, #tpu.memory_space<vmem>>
    %dma_start3A_503 = arith.constant 3968 : i32
    %dma_start3A_504 = tpu.memref_slice %arg5[%dma_start3A_503] : memref<10240xi32, #tpu.memory_space<vmem>> -> memref<128xi32, #tpu.memory_space<vmem>>
    %dma_start3A_505 = arith.constant 0 : i32
    %dma_start3A_506 = arith.constant 0 : i32
    %dma_start3A_507 = tpu.memref_slice %arg2[%dma_start3A_505, %dma_start3A_506] : memref<100000x32xf32, #tpu.memory_space<hbm>> -> memref<100000x32xf32, #tpu.memory_space<hbm>>
    tpu.enqueue_indirect_dma source(%dma_start3A_507 : memref<100000x32xf32, #tpu.memory_space<hbm>>) target(%dma_start3A_502 : memref<128x32xf32, #tpu.memory_space<vmem>>) offsets(%dma_start3A_504 : memref<128xi32, #tpu.memory_space<vmem>>) semaphore(%arg10 : memref<!tpu.dma_semaphore, #tpu.memory_space<semaphore_mem>>)
    %dma_start3A_508 = arith.constant 256 : i32
    %dma_start3A_509 = arith.constant 0 : i32
    %dma_start3A_510 = tpu.memref_slice %arg7[%dma_start3A_508, %dma_start3A_509] : memref<1280x32xf32, #tpu.memory_space<vmem>> -> memref<128x32xf32, #tpu.memory_space<vmem>>
    %dma_start3A_511 = arith.constant 4096 : i32
    %dma_start3A_512 = tpu.memref_slice %arg5[%dma_start3A_511] : memref<10240xi32, #tpu.memory_space<vmem>> -> memref<128xi32, #tpu.memory_space<vmem>>
    %dma_start3A_513 = arith.constant 0 : i32
    %dma_start3A_514 = arith.constant 0 : i32
    %dma_start3A_515 = tpu.memref_slice %arg2[%dma_start3A_513, %dma_start3A_514] : memref<100000x32xf32, #tpu.memory_space<hbm>> -> memref<100000x32xf32, #tpu.memory_space<hbm>>
    tpu.enqueue_indirect_dma source(%dma_start3A_515 : memref<100000x32xf32, #tpu.memory_space<hbm>>) target(%dma_start3A_510 : memref<128x32xf32, #tpu.memory_space<vmem>>) offsets(%dma_start3A_512 : memref<128xi32, #tpu.memory_space<vmem>>) semaphore(%arg10 : memref<!tpu.dma_semaphore, #tpu.memory_space<semaphore_mem>>)
    %dma_start3A_516 = arith.constant 384 : i32
    %dma_start3A_517 = arith.constant 0 : i32
    %dma_start3A_518 = tpu.memref_slice %arg7[%dma_start3A_516, %dma_start3A_517] : memref<1280x32xf32, #tpu.memory_space<vmem>> -> memref<128x32xf32, #tpu.memory_space<vmem>>
    %dma_start3A_519 = arith.constant 4224 : i32
    %dma_start3A_520 = tpu.memref_slice %arg5[%dma_start3A_519] : memref<10240xi32, #tpu.memory_space<vmem>> -> memref<128xi32, #tpu.memory_space<vmem>>
    %dma_start3A_521 = arith.constant 0 : i32
    %dma_start3A_522 = arith.constant 0 : i32
    %dma_start3A_523 = tpu.memref_slice %arg2[%dma_start3A_521, %dma_start3A_522] : memref<100000x32xf32, #tpu.memory_space<hbm>> -> memref<100000x32xf32, #tpu.memory_space<hbm>>
    tpu.enqueue_indirect_dma source(%dma_start3A_523 : memref<100000x32xf32, #tpu.memory_space<hbm>>) target(%dma_start3A_518 : memref<128x32xf32, #tpu.memory_space<vmem>>) offsets(%dma_start3A_520 : memref<128xi32, #tpu.memory_space<vmem>>) semaphore(%arg10 : memref<!tpu.dma_semaphore, #tpu.memory_space<semaphore_mem>>)
    %dma_start3A_524 = arith.constant 512 : i32
    %dma_start3A_525 = arith.constant 0 : i32
    %dma_start3A_526 = tpu.memref_slice %arg7[%dma_start3A_524, %dma_start3A_525] : memref<1280x32xf32, #tpu.memory_space<vmem>> -> memref<128x32xf32, #tpu.memory_space<vmem>>
    %dma_start3A_527 = arith.constant 4352 : i32
    %dma_start3A_528 = tpu.memref_slice %arg5[%dma_start3A_527] : memref<10240xi32, #tpu.memory_space<vmem>> -> memref<128xi32, #tpu.memory_space<vmem>>
    %dma_start3A_529 = arith.constant 0 : i32
    %dma_start3A_530 = arith.constant 0 : i32
    %dma_start3A_531 = tpu.memref_slice %arg2[%dma_start3A_529, %dma_start3A_530] : memref<100000x32xf32, #tpu.memory_space<hbm>> -> memref<100000x32xf32, #tpu.memory_space<hbm>>
    tpu.enqueue_indirect_dma source(%dma_start3A_531 : memref<100000x32xf32, #tpu.memory_space<hbm>>) target(%dma_start3A_526 : memref<128x32xf32, #tpu.memory_space<vmem>>) offsets(%dma_start3A_528 : memref<128xi32, #tpu.memory_space<vmem>>) semaphore(%arg10 : memref<!tpu.dma_semaphore, #tpu.memory_space<semaphore_mem>>)
    %dma_start3A_532 = arith.constant 640 : i32
    %dma_start3A_533 = arith.constant 0 : i32
    %dma_start3A_534 = tpu.memref_slice %arg7[%dma_start3A_532, %dma_start3A_533] : memref<1280x32xf32, #tpu.memory_space<vmem>> -> memref<128x32xf32, #tpu.memory_space<vmem>>
    %dma_start3A_535 = arith.constant 4480 : i32
    %dma_start3A_536 = tpu.memref_slice %arg5[%dma_start3A_535] : memref<10240xi32, #tpu.memory_space<vmem>> -> memref<128xi32, #tpu.memory_space<vmem>>
    %dma_start3A_537 = arith.constant 0 : i32
    %dma_start3A_538 = arith.constant 0 : i32
    %dma_start3A_539 = tpu.memref_slice %arg2[%dma_start3A_537, %dma_start3A_538] : memref<100000x32xf32, #tpu.memory_space<hbm>> -> memref<100000x32xf32, #tpu.memory_space<hbm>>
    tpu.enqueue_indirect_dma source(%dma_start3A_539 : memref<100000x32xf32, #tpu.memory_space<hbm>>) target(%dma_start3A_534 : memref<128x32xf32, #tpu.memory_space<vmem>>) offsets(%dma_start3A_536 : memref<128xi32, #tpu.memory_space<vmem>>) semaphore(%arg10 : memref<!tpu.dma_semaphore, #tpu.memory_space<semaphore_mem>>)
    %dma_start3A_540 = arith.constant 768 : i32
    %dma_start3A_541 = arith.constant 0 : i32
    %dma_start3A_542 = tpu.memref_slice %arg7[%dma_start3A_540, %dma_start3A_541] : memref<1280x32xf32, #tpu.memory_space<vmem>> -> memref<128x32xf32, #tpu.memory_space<vmem>>
    %dma_start3A_543 = arith.constant 4608 : i32
    %dma_start3A_544 = tpu.memref_slice %arg5[%dma_start3A_543] : memref<10240xi32, #tpu.memory_space<vmem>> -> memref<128xi32, #tpu.memory_space<vmem>>
    %dma_start3A_545 = arith.constant 0 : i32
    %dma_start3A_546 = arith.constant 0 : i32
    %dma_start3A_547 = tpu.memref_slice %arg2[%dma_start3A_545, %dma_start3A_546] : memref<100000x32xf32, #tpu.memory_space<hbm>> -> memref<100000x32xf32, #tpu.memory_space<hbm>>
    tpu.enqueue_indirect_dma source(%dma_start3A_547 : memref<100000x32xf32, #tpu.memory_space<hbm>>) target(%dma_start3A_542 : memref<128x32xf32, #tpu.memory_space<vmem>>) offsets(%dma_start3A_544 : memref<128xi32, #tpu.memory_space<vmem>>) semaphore(%arg10 : memref<!tpu.dma_semaphore, #tpu.memory_space<semaphore_mem>>)
    %dma_start3A_548 = arith.constant 896 : i32
    %dma_start3A_549 = arith.constant 0 : i32
    %dma_start3A_550 = tpu.memref_slice %arg7[%dma_start3A_548, %dma_start3A_549] : memref<1280x32xf32, #tpu.memory_space<vmem>> -> memref<128x32xf32, #tpu.memory_space<vmem>>
    %dma_start3A_551 = arith.constant 4736 : i32
    %dma_start3A_552 = tpu.memref_slice %arg5[%dma_start3A_551] : memref<10240xi32, #tpu.memory_space<vmem>> -> memref<128xi32, #tpu.memory_space<vmem>>
    %dma_start3A_553 = arith.constant 0 : i32
    %dma_start3A_554 = arith.constant 0 : i32
    %dma_start3A_555 = tpu.memref_slice %arg2[%dma_start3A_553, %dma_start3A_554] : memref<100000x32xf32, #tpu.memory_space<hbm>> -> memref<100000x32xf32, #tpu.memory_space<hbm>>
    tpu.enqueue_indirect_dma source(%dma_start3A_555 : memref<100000x32xf32, #tpu.memory_space<hbm>>) target(%dma_start3A_550 : memref<128x32xf32, #tpu.memory_space<vmem>>) offsets(%dma_start3A_552 : memref<128xi32, #tpu.memory_space<vmem>>) semaphore(%arg10 : memref<!tpu.dma_semaphore, #tpu.memory_space<semaphore_mem>>)
    %dma_start3A_556 = arith.constant 1024 : i32
    %dma_start3A_557 = arith.constant 0 : i32
    %dma_start3A_558 = tpu.memref_slice %arg7[%dma_start3A_556, %dma_start3A_557] : memref<1280x32xf32, #tpu.memory_space<vmem>> -> memref<128x32xf32, #tpu.memory_space<vmem>>
    %dma_start3A_559 = arith.constant 4864 : i32
    %dma_start3A_560 = tpu.memref_slice %arg5[%dma_start3A_559] : memref<10240xi32, #tpu.memory_space<vmem>> -> memref<128xi32, #tpu.memory_space<vmem>>
    %dma_start3A_561 = arith.constant 0 : i32
    %dma_start3A_562 = arith.constant 0 : i32
    %dma_start3A_563 = tpu.memref_slice %arg2[%dma_start3A_561, %dma_start3A_562] : memref<100000x32xf32, #tpu.memory_space<hbm>> -> memref<100000x32xf32, #tpu.memory_space<hbm>>
    tpu.enqueue_indirect_dma source(%dma_start3A_563 : memref<100000x32xf32, #tpu.memory_space<hbm>>) target(%dma_start3A_558 : memref<128x32xf32, #tpu.memory_space<vmem>>) offsets(%dma_start3A_560 : memref<128xi32, #tpu.memory_space<vmem>>) semaphore(%arg10 : memref<!tpu.dma_semaphore, #tpu.memory_space<semaphore_mem>>)
    %dma_start3A_564 = arith.constant 1152 : i32
    %dma_start3A_565 = arith.constant 0 : i32
    %dma_start3A_566 = tpu.memref_slice %arg7[%dma_start3A_564, %dma_start3A_565] : memref<1280x32xf32, #tpu.memory_space<vmem>> -> memref<128x32xf32, #tpu.memory_space<vmem>>
    %dma_start3A_567 = arith.constant 4992 : i32
    %dma_start3A_568 = tpu.memref_slice %arg5[%dma_start3A_567] : memref<10240xi32, #tpu.memory_space<vmem>> -> memref<128xi32, #tpu.memory_space<vmem>>
    %dma_start3A_569 = arith.constant 0 : i32
    %dma_start3A_570 = arith.constant 0 : i32
    %dma_start3A_571 = tpu.memref_slice %arg2[%dma_start3A_569, %dma_start3A_570] : memref<100000x32xf32, #tpu.memory_space<hbm>> -> memref<100000x32xf32, #tpu.memory_space<hbm>>
    tpu.enqueue_indirect_dma source(%dma_start3A_571 : memref<100000x32xf32, #tpu.memory_space<hbm>>) target(%dma_start3A_566 : memref<128x32xf32, #tpu.memory_space<vmem>>) offsets(%dma_start3A_568 : memref<128xi32, #tpu.memory_space<vmem>>) semaphore(%arg10 : memref<!tpu.dma_semaphore, #tpu.memory_space<semaphore_mem>>)
    %scan3A_572 = arith.constant 0 : i32
    %scan3A_573 = arith.constant 64 : i32
    %scan3A_574 = arith.addi %scan3A_572, %scan3A_573 : i32
    %scan3A_575 = arith.constant 1 : i32
    scf.for %scan3A_1322 = %scan3A_572 to %scan3A_574 step %scan3A_575  : i32 {
      %mul3A_1323 = arith.constant 1 : i32
      %mul3A_1324 = arith.muli %scan3A_1322, %mul3A_1323 : i32
      %add3A_1325 = arith.constant 0 : i32
      %add3A_1326 = arith.addi %add3A_1325, %mul3A_1324 : i32
      %mul3A_1327 = arith.constant 20 : i32
      %mul3A_1328 = arith.muli %add3A_1326, %mul3A_1327 : i32
      %get3A = arith.index_cast %mul3A_1328 : i32 to index
      %get3A_1329 = arith.constant 0 : index
      %get3A_1330 = tpu.vector_load %arg6[%get3A, %get3A_1329] {strides = array<i32>} : memref<1280x32xf32, #tpu.memory_space<vmem>>, vector<1x16xf32>,
      %get3A_1331 = vector.shape_cast %get3A_1330 : vector<1x16xf32> to vector<16xf32>
      %get3A_1332 = arith.index_cast %mul3A_1328 : i32 to index
      %get3A_1333 = arith.constant 16 : index
      %get3A_1334 = tpu.vector_load %arg6[%get3A_1332, %get3A_1333] {strides = array<i32>} : memref<1280x32xf32, #tpu.memory_space<vmem>>, vector<1x16xf32>,
      %get3A_1335 = vector.shape_cast %get3A_1334 : vector<1x16xf32> to vector<16xf32>
      %add3A_1336 = arith.constant 1 : i32
      %add3A_1337 = arith.addi %mul3A_1328, %add3A_1336 : i32
      %get3A_1338 = arith.index_cast %add3A_1337 : i32 to index
      %get3A_1339 = arith.constant 0 : index
      %get3A_1340 = tpu.vector_load %arg6[%get3A_1338, %get3A_1339] {strides = array<i32>} : memref<1280x32xf32, #tpu.memory_space<vmem>>, vector<1x16xf32>,
      %get3A_1341 = vector.shape_cast %get3A_1340 : vector<1x16xf32> to vector<16xf32>
      %add3A_1342 = arith.addf %get3A_1331, %get3A_1341 : vector<16xf32>
      %add3A_1343 = arith.constant 1 : i32
      %add3A_1344 = arith.addi %mul3A_1328, %add3A_1343 : i32
      %get3A_1345 = arith.index_cast %add3A_1344 : i32 to index
      %get3A_1346 = arith.constant 16 : index
      %get3A_1347 = tpu.vector_load %arg6[%get3A_1345, %get3A_1346] {strides = array<i32>} : memref<1280x32xf32, #tpu.memory_space<vmem>>, vector<1x16xf32>,
      %get3A_1348 = vector.shape_cast %get3A_1347 : vector<1x16xf32> to vector<16xf32>
      %add3A_1349 = arith.addf %get3A_1335, %get3A_1348 : vector<16xf32>
      %add3A_1350 = arith.constant 2 : i32
      %add3A_1351 = arith.addi %mul3A_1328, %add3A_1350 : i32
      %get3A_1352 = arith.index_cast %add3A_1351 : i32 to index
      %get3A_1353 = arith.constant 0 : index
      %get3A_1354 = tpu.vector_load %arg6[%get3A_1352, %get3A_1353] {strides = array<i32>} : memref<1280x32xf32, #tpu.memory_space<vmem>>, vector<1x16xf32>,
      %get3A_1355 = vector.shape_cast %get3A_1354 : vector<1x16xf32> to vector<16xf32>
      %add3A_1356 = arith.addf %add3A_1342, %get3A_1355 : vector<16xf32>
      %add3A_1357 = arith.constant 2 : i32
      %add3A_1358 = arith.addi %mul3A_1328, %add3A_1357 : i32
      %get3A_1359 = arith.index_cast %add3A_1358 : i32 to index
      %get3A_1360 = arith.constant 16 : index
      %get3A_1361 = tpu.vector_load %arg6[%get3A_1359, %get3A_1360] {strides = array<i32>} : memref<1280x32xf32, #tpu.memory_space<vmem>>, vector<1x16xf32>,
      %get3A_1362 = vector.shape_cast %get3A_1361 : vector<1x16xf32> to vector<16xf32>
      %add3A_1363 = arith.addf %add3A_1349, %get3A_1362 : vector<16xf32>
      %add3A_1364 = arith.constant 3 : i32
      %add3A_1365 = arith.addi %mul3A_1328, %add3A_1364 : i32
      %get3A_1366 = arith.index_cast %add3A_1365 : i32 to index
      %get3A_1367 = arith.constant 0 : index
      %get3A_1368 = tpu.vector_load %arg6[%get3A_1366, %get3A_1367] {strides = array<i32>} : memref<1280x32xf32, #tpu.memory_space<vmem>>, vector<1x16xf32>,
      %get3A_1369 = vector.shape_cast %get3A_1368 : vector<1x16xf32> to vector<16xf32>
      %add3A_1370 = arith.addf %add3A_1356, %get3A_1369 : vector<16xf32>
      %add3A_1371 = arith.constant 3 : i32
      %add3A_1372 = arith.addi %mul3A_1328, %add3A_1371 : i32
      %get3A_1373 = arith.index_cast %add3A_1372 : i32 to index
      %get3A_1374 = arith.constant 16 : index
      %get3A_1375 = tpu.vector_load %arg6[%get3A_1373, %get3A_1374] {strides = array<i32>} : memref<1280x32xf32, #tpu.memory_space<vmem>>, vector<1x16xf32>,
      %get3A_1376 = vector.shape_cast %get3A_1375 : vector<1x16xf32> to vector<16xf32>
      %add3A_1377 = arith.addf %add3A_1363, %get3A_1376 : vector<16xf32>
      %add3A_1378 = arith.constant 4 : i32
      %add3A_1379 = arith.addi %mul3A_1328, %add3A_1378 : i32
      %get3A_1380 = arith.index_cast %add3A_1379 : i32 to index
      %get3A_1381 = arith.constant 0 : index
      %get3A_1382 = tpu.vector_load %arg6[%get3A_1380, %get3A_1381] {strides = array<i32>} : memref<1280x32xf32, #tpu.memory_space<vmem>>, vector<1x16xf32>,
      %get3A_1383 = vector.shape_cast %get3A_1382 : vector<1x16xf32> to vector<16xf32>
      %add3A_1384 = arith.addf %add3A_1370, %get3A_1383 : vector<16xf32>
      %add3A_1385 = arith.constant 4 : i32
      %add3A_1386 = arith.addi %mul3A_1328, %add3A_1385 : i32
      %get3A_1387 = arith.index_cast %add3A_1386 : i32 to index
      %get3A_1388 = arith.constant 16 : index
      %get3A_1389 = tpu.vector_load %arg6[%get3A_1387, %get3A_1388] {strides = array<i32>} : memref<1280x32xf32, #tpu.memory_space<vmem>>, vector<1x16xf32>,
      %get3A_1390 = vector.shape_cast %get3A_1389 : vector<1x16xf32> to vector<16xf32>
      %add3A_1391 = arith.addf %add3A_1377, %get3A_1390 : vector<16xf32>
      %add3A_1392 = arith.constant 5 : i32
      %add3A_1393 = arith.addi %mul3A_1328, %add3A_1392 : i32
      %get3A_1394 = arith.index_cast %add3A_1393 : i32 to index
      %get3A_1395 = arith.constant 0 : index
      %get3A_1396 = tpu.vector_load %arg6[%get3A_1394, %get3A_1395] {strides = array<i32>} : memref<1280x32xf32, #tpu.memory_space<vmem>>, vector<1x16xf32>,
      %get3A_1397 = vector.shape_cast %get3A_1396 : vector<1x16xf32> to vector<16xf32>
      %add3A_1398 = arith.addf %add3A_1384, %get3A_1397 : vector<16xf32>
      %add3A_1399 = arith.constant 5 : i32
      %add3A_1400 = arith.addi %mul3A_1328, %add3A_1399 : i32
      %get3A_1401 = arith.index_cast %add3A_1400 : i32 to index
      %get3A_1402 = arith.constant 16 : index
      %get3A_1403 = tpu.vector_load %arg6[%get3A_1401, %get3A_1402] {strides = array<i32>} : memref<1280x32xf32, #tpu.memory_space<vmem>>, vector<1x16xf32>,
      %get3A_1404 = vector.shape_cast %get3A_1403 : vector<1x16xf32> to vector<16xf32>
      %add3A_1405 = arith.addf %add3A_1391, %get3A_1404 : vector<16xf32>
      %add3A_1406 = arith.constant 6 : i32
      %add3A_1407 = arith.addi %mul3A_1328, %add3A_1406 : i32
      %get3A_1408 = arith.index_cast %add3A_1407 : i32 to index
      %get3A_1409 = arith.constant 0 : index
      %get3A_1410 = tpu.vector_load %arg6[%get3A_1408, %get3A_1409] {strides = array<i32>} : memref<1280x32xf32, #tpu.memory_space<vmem>>, vector<1x16xf32>,
      %get3A_1411 = vector.shape_cast %get3A_1410 : vector<1x16xf32> to vector<16xf32>
      %add3A_1412 = arith.addf %add3A_1398, %get3A_1411 : vector<16xf32>
      %add3A_1413 = arith.constant 6 : i32
      %add3A_1414 = arith.addi %mul3A_1328, %add3A_1413 : i32
      %get3A_1415 = arith.index_cast %add3A_1414 : i32 to index
      %get3A_1416 = arith.constant 16 : index
      %get3A_1417 = tpu.vector_load %arg6[%get3A_1415, %get3A_1416] {strides = array<i32>} : memref<1280x32xf32, #tpu.memory_space<vmem>>, vector<1x16xf32>,
      %get3A_1418 = vector.shape_cast %get3A_1417 : vector<1x16xf32> to vector<16xf32>
      %add3A_1419 = arith.addf %add3A_1405, %get3A_1418 : vector<16xf32>
      %add3A_1420 = arith.constant 7 : i32
      %add3A_1421 = arith.addi %mul3A_1328, %add3A_1420 : i32
      %get3A_1422 = arith.index_cast %add3A_1421 : i32 to index
      %get3A_1423 = arith.constant 0 : index
      %get3A_1424 = tpu.vector_load %arg6[%get3A_1422, %get3A_1423] {strides = array<i32>} : memref<1280x32xf32, #tpu.memory_space<vmem>>, vector<1x16xf32>,
      %get3A_1425 = vector.shape_cast %get3A_1424 : vector<1x16xf32> to vector<16xf32>
      %add3A_1426 = arith.addf %add3A_1412, %get3A_1425 : vector<16xf32>
      %add3A_1427 = arith.constant 7 : i32
      %add3A_1428 = arith.addi %mul3A_1328, %add3A_1427 : i32
      %get3A_1429 = arith.index_cast %add3A_1428 : i32 to index
      %get3A_1430 = arith.constant 16 : index
      %get3A_1431 = tpu.vector_load %arg6[%get3A_1429, %get3A_1430] {strides = array<i32>} : memref<1280x32xf32, #tpu.memory_space<vmem>>, vector<1x16xf32>,
      %get3A_1432 = vector.shape_cast %get3A_1431 : vector<1x16xf32> to vector<16xf32>
      %add3A_1433 = arith.addf %add3A_1419, %get3A_1432 : vector<16xf32>
      %add3A_1434 = arith.constant 8 : i32
      %add3A_1435 = arith.addi %mul3A_1328, %add3A_1434 : i32
      %get3A_1436 = arith.index_cast %add3A_1435 : i32 to index
      %get3A_1437 = arith.constant 0 : index
      %get3A_1438 = tpu.vector_load %arg6[%get3A_1436, %get3A_1437] {strides = array<i32>} : memref<1280x32xf32, #tpu.memory_space<vmem>>, vector<1x16xf32>,
      %get3A_1439 = vector.shape_cast %get3A_1438 : vector<1x16xf32> to vector<16xf32>
      %add3A_1440 = arith.addf %add3A_1426, %get3A_1439 : vector<16xf32>
      %add3A_1441 = arith.constant 8 : i32
      %add3A_1442 = arith.addi %mul3A_1328, %add3A_1441 : i32
      %get3A_1443 = arith.index_cast %add3A_1442 : i32 to index
      %get3A_1444 = arith.constant 16 : index
      %get3A_1445 = tpu.vector_load %arg6[%get3A_1443, %get3A_1444] {strides = array<i32>} : memref<1280x32xf32, #tpu.memory_space<vmem>>, vector<1x16xf32>,
      %get3A_1446 = vector.shape_cast %get3A_1445 : vector<1x16xf32> to vector<16xf32>
      %add3A_1447 = arith.addf %add3A_1433, %get3A_1446 : vector<16xf32>
      %add3A_1448 = arith.constant 9 : i32
      %add3A_1449 = arith.addi %mul3A_1328, %add3A_1448 : i32
      %get3A_1450 = arith.index_cast %add3A_1449 : i32 to index
      %get3A_1451 = arith.constant 0 : index
      %get3A_1452 = tpu.vector_load %arg6[%get3A_1450, %get3A_1451] {strides = array<i32>} : memref<1280x32xf32, #tpu.memory_space<vmem>>, vector<1x16xf32>,
      %get3A_1453 = vector.shape_cast %get3A_1452 : vector<1x16xf32> to vector<16xf32>
      %add3A_1454 = arith.addf %add3A_1440, %get3A_1453 : vector<16xf32>
      %add3A_1455 = arith.constant 9 : i32
      %add3A_1456 = arith.addi %mul3A_1328, %add3A_1455 : i32
      %get3A_1457 = arith.index_cast %add3A_1456 : i32 to index
      %get3A_1458 = arith.constant 16 : index
      %get3A_1459 = tpu.vector_load %arg6[%get3A_1457, %get3A_1458] {strides = array<i32>} : memref<1280x32xf32, #tpu.memory_space<vmem>>, vector<1x16xf32>,
      %get3A_1460 = vector.shape_cast %get3A_1459 : vector<1x16xf32> to vector<16xf32>
      %add3A_1461 = arith.addf %add3A_1447, %get3A_1460 : vector<16xf32>
      %add3A_1462 = arith.constant 10 : i32
      %add3A_1463 = arith.addi %mul3A_1328, %add3A_1462 : i32
      %get3A_1464 = arith.index_cast %add3A_1463 : i32 to index
      %get3A_1465 = arith.constant 0 : index
      %get3A_1466 = tpu.vector_load %arg6[%get3A_1464, %get3A_1465] {strides = array<i32>} : memref<1280x32xf32, #tpu.memory_space<vmem>>, vector<1x16xf32>,
      %get3A_1467 = vector.shape_cast %get3A_1466 : vector<1x16xf32> to vector<16xf32>
      %add3A_1468 = arith.addf %add3A_1454, %get3A_1467 : vector<16xf32>
      %add3A_1469 = arith.constant 10 : i32
      %add3A_1470 = arith.addi %mul3A_1328, %add3A_1469 : i32
      %get3A_1471 = arith.index_cast %add3A_1470 : i32 to index
      %get3A_1472 = arith.constant 16 : index
      %get3A_1473 = tpu.vector_load %arg6[%get3A_1471, %get3A_1472] {strides = array<i32>} : memref<1280x32xf32, #tpu.memory_space<vmem>>, vector<1x16xf32>,
      %get3A_1474 = vector.shape_cast %get3A_1473 : vector<1x16xf32> to vector<16xf32>
      %add3A_1475 = arith.addf %add3A_1461, %get3A_1474 : vector<16xf32>
      %add3A_1476 = arith.constant 11 : i32
      %add3A_1477 = arith.addi %mul3A_1328, %add3A_1476 : i32
      %get3A_1478 = arith.index_cast %add3A_1477 : i32 to index
      %get3A_1479 = arith.constant 0 : index
      %get3A_1480 = tpu.vector_load %arg6[%get3A_1478, %get3A_1479] {strides = array<i32>} : memref<1280x32xf32, #tpu.memory_space<vmem>>, vector<1x16xf32>,
      %get3A_1481 = vector.shape_cast %get3A_1480 : vector<1x16xf32> to vector<16xf32>
      %add3A_1482 = arith.addf %add3A_1468, %get3A_1481 : vector<16xf32>
      %add3A_1483 = arith.constant 11 : i32
      %add3A_1484 = arith.addi %mul3A_1328, %add3A_1483 : i32
      %get3A_1485 = arith.index_cast %add3A_1484 : i32 to index
      %get3A_1486 = arith.constant 16 : index
      %get3A_1487 = tpu.vector_load %arg6[%get3A_1485, %get3A_1486] {strides = array<i32>} : memref<1280x32xf32, #tpu.memory_space<vmem>>, vector<1x16xf32>,
      %get3A_1488 = vector.shape_cast %get3A_1487 : vector<1x16xf32> to vector<16xf32>
      %add3A_1489 = arith.addf %add3A_1475, %get3A_1488 : vector<16xf32>
      %add3A_1490 = arith.constant 12 : i32
      %add3A_1491 = arith.addi %mul3A_1328, %add3A_1490 : i32
      %get3A_1492 = arith.index_cast %add3A_1491 : i32 to index
      %get3A_1493 = arith.constant 0 : index
      %get3A_1494 = tpu.vector_load %arg6[%get3A_1492, %get3A_1493] {strides = array<i32>} : memref<1280x32xf32, #tpu.memory_space<vmem>>, vector<1x16xf32>,
      %get3A_1495 = vector.shape_cast %get3A_1494 : vector<1x16xf32> to vector<16xf32>
      %add3A_1496 = arith.addf %add3A_1482, %get3A_1495 : vector<16xf32>
      %add3A_1497 = arith.constant 12 : i32
      %add3A_1498 = arith.addi %mul3A_1328, %add3A_1497 : i32
      %get3A_1499 = arith.index_cast %add3A_1498 : i32 to index
      %get3A_1500 = arith.constant 16 : index
      %get3A_1501 = tpu.vector_load %arg6[%get3A_1499, %get3A_1500] {strides = array<i32>} : memref<1280x32xf32, #tpu.memory_space<vmem>>, vector<1x16xf32>,
      %get3A_1502 = vector.shape_cast %get3A_1501 : vector<1x16xf32> to vector<16xf32>
      %add3A_1503 = arith.addf %add3A_1489, %get3A_1502 : vector<16xf32>
      %add3A_1504 = arith.constant 13 : i32
      %add3A_1505 = arith.addi %mul3A_1328, %add3A_1504 : i32
      %get3A_1506 = arith.index_cast %add3A_1505 : i32 to index
      %get3A_1507 = arith.constant 0 : index
      %get3A_1508 = tpu.vector_load %arg6[%get3A_1506, %get3A_1507] {strides = array<i32>} : memref<1280x32xf32, #tpu.memory_space<vmem>>, vector<1x16xf32>,
      %get3A_1509 = vector.shape_cast %get3A_1508 : vector<1x16xf32> to vector<16xf32>
      %add3A_1510 = arith.addf %add3A_1496, %get3A_1509 : vector<16xf32>
      %add3A_1511 = arith.constant 13 : i32
      %add3A_1512 = arith.addi %mul3A_1328, %add3A_1511 : i32
      %get3A_1513 = arith.index_cast %add3A_1512 : i32 to index
      %get3A_1514 = arith.constant 16 : index
      %get3A_1515 = tpu.vector_load %arg6[%get3A_1513, %get3A_1514] {strides = array<i32>} : memref<1280x32xf32, #tpu.memory_space<vmem>>, vector<1x16xf32>,
      %get3A_1516 = vector.shape_cast %get3A_1515 : vector<1x16xf32> to vector<16xf32>
      %add3A_1517 = arith.addf %add3A_1503, %get3A_1516 : vector<16xf32>
      %add3A_1518 = arith.constant 14 : i32
      %add3A_1519 = arith.addi %mul3A_1328, %add3A_1518 : i32
      %get3A_1520 = arith.index_cast %add3A_1519 : i32 to index
      %get3A_1521 = arith.constant 0 : index
      %get3A_1522 = tpu.vector_load %arg6[%get3A_1520, %get3A_1521] {strides = array<i32>} : memref<1280x32xf32, #tpu.memory_space<vmem>>, vector<1x16xf32>,
      %get3A_1523 = vector.shape_cast %get3A_1522 : vector<1x16xf32> to vector<16xf32>
      %add3A_1524 = arith.addf %add3A_1510, %get3A_1523 : vector<16xf32>
      %add3A_1525 = arith.constant 14 : i32
      %add3A_1526 = arith.addi %mul3A_1328, %add3A_1525 : i32
      %get3A_1527 = arith.index_cast %add3A_1526 : i32 to index
      %get3A_1528 = arith.constant 16 : index
      %get3A_1529 = tpu.vector_load %arg6[%get3A_1527, %get3A_1528] {strides = array<i32>} : memref<1280x32xf32, #tpu.memory_space<vmem>>, vector<1x16xf32>,
      %get3A_1530 = vector.shape_cast %get3A_1529 : vector<1x16xf32> to vector<16xf32>
      %add3A_1531 = arith.addf %add3A_1517, %get3A_1530 : vector<16xf32>
      %add3A_1532 = arith.constant 15 : i32
      %add3A_1533 = arith.addi %mul3A_1328, %add3A_1532 : i32
      %get3A_1534 = arith.index_cast %add3A_1533 : i32 to index
      %get3A_1535 = arith.constant 0 : index
      %get3A_1536 = tpu.vector_load %arg6[%get3A_1534, %get3A_1535] {strides = array<i32>} : memref<1280x32xf32, #tpu.memory_space<vmem>>, vector<1x16xf32>,
      %get3A_1537 = vector.shape_cast %get3A_1536 : vector<1x16xf32> to vector<16xf32>
      %add3A_1538 = arith.addf %add3A_1524, %get3A_1537 : vector<16xf32>
      %add3A_1539 = arith.constant 15 : i32
      %add3A_1540 = arith.addi %mul3A_1328, %add3A_1539 : i32
      %get3A_1541 = arith.index_cast %add3A_1540 : i32 to index
      %get3A_1542 = arith.constant 16 : index
      %get3A_1543 = tpu.vector_load %arg6[%get3A_1541, %get3A_1542] {strides = array<i32>} : memref<1280x32xf32, #tpu.memory_space<vmem>>, vector<1x16xf32>,
      %get3A_1544 = vector.shape_cast %get3A_1543 : vector<1x16xf32> to vector<16xf32>
      %add3A_1545 = arith.addf %add3A_1531, %get3A_1544 : vector<16xf32>
      %add3A_1546 = arith.constant 16 : i32
      %add3A_1547 = arith.addi %mul3A_1328, %add3A_1546 : i32
      %get3A_1548 = arith.index_cast %add3A_1547 : i32 to index
      %get3A_1549 = arith.constant 0 : index
      %get3A_1550 = tpu.vector_load %arg6[%get3A_1548, %get3A_1549] {strides = array<i32>} : memref<1280x32xf32, #tpu.memory_space<vmem>>, vector<1x16xf32>,
      %get3A_1551 = vector.shape_cast %get3A_1550 : vector<1x16xf32> to vector<16xf32>
      %add3A_1552 = arith.addf %add3A_1538, %get3A_1551 : vector<16xf32>
      %add3A_1553 = arith.constant 16 : i32
      %add3A_1554 = arith.addi %mul3A_1328, %add3A_1553 : i32
      %get3A_1555 = arith.index_cast %add3A_1554 : i32 to index
      %get3A_1556 = arith.constant 16 : index
      %get3A_1557 = tpu.vector_load %arg6[%get3A_1555, %get3A_1556] {strides = array<i32>} : memref<1280x32xf32, #tpu.memory_space<vmem>>, vector<1x16xf32>,
      %get3A_1558 = vector.shape_cast %get3A_1557 : vector<1x16xf32> to vector<16xf32>
      %add3A_1559 = arith.addf %add3A_1545, %get3A_1558 : vector<16xf32>
      %add3A_1560 = arith.constant 17 : i32
      %add3A_1561 = arith.addi %mul3A_1328, %add3A_1560 : i32
      %get3A_1562 = arith.index_cast %add3A_1561 : i32 to index
      %get3A_1563 = arith.constant 0 : index
      %get3A_1564 = tpu.vector_load %arg6[%get3A_1562, %get3A_1563] {strides = array<i32>} : memref<1280x32xf32, #tpu.memory_space<vmem>>, vector<1x16xf32>,
      %get3A_1565 = vector.shape_cast %get3A_1564 : vector<1x16xf32> to vector<16xf32>
      %add3A_1566 = arith.addf %add3A_1552, %get3A_1565 : vector<16xf32>
      %add3A_1567 = arith.constant 17 : i32
      %add3A_1568 = arith.addi %mul3A_1328, %add3A_1567 : i32
      %get3A_1569 = arith.index_cast %add3A_1568 : i32 to index
      %get3A_1570 = arith.constant 16 : index
      %get3A_1571 = tpu.vector_load %arg6[%get3A_1569, %get3A_1570] {strides = array<i32>} : memref<1280x32xf32, #tpu.memory_space<vmem>>, vector<1x16xf32>,
      %get3A_1572 = vector.shape_cast %get3A_1571 : vector<1x16xf32> to vector<16xf32>
      %add3A_1573 = arith.addf %add3A_1559, %get3A_1572 : vector<16xf32>
      %add3A_1574 = arith.constant 18 : i32
      %add3A_1575 = arith.addi %mul3A_1328, %add3A_1574 : i32
      %get3A_1576 = arith.index_cast %add3A_1575 : i32 to index
      %get3A_1577 = arith.constant 0 : index
      %get3A_1578 = tpu.vector_load %arg6[%get3A_1576, %get3A_1577] {strides = array<i32>} : memref<1280x32xf32, #tpu.memory_space<vmem>>, vector<1x16xf32>,
      %get3A_1579 = vector.shape_cast %get3A_1578 : vector<1x16xf32> to vector<16xf32>
      %add3A_1580 = arith.addf %add3A_1566, %get3A_1579 : vector<16xf32>
      %add3A_1581 = arith.constant 18 : i32
      %add3A_1582 = arith.addi %mul3A_1328, %add3A_1581 : i32
      %get3A_1583 = arith.index_cast %add3A_1582 : i32 to index
      %get3A_1584 = arith.constant 16 : index
      %get3A_1585 = tpu.vector_load %arg6[%get3A_1583, %get3A_1584] {strides = array<i32>} : memref<1280x32xf32, #tpu.memory_space<vmem>>, vector<1x16xf32>,
      %get3A_1586 = vector.shape_cast %get3A_1585 : vector<1x16xf32> to vector<16xf32>
      %add3A_1587 = arith.addf %add3A_1573, %get3A_1586 : vector<16xf32>
      %add3A_1588 = arith.constant 19 : i32
      %add3A_1589 = arith.addi %mul3A_1328, %add3A_1588 : i32
      %get3A_1590 = arith.index_cast %add3A_1589 : i32 to index
      %get3A_1591 = arith.constant 0 : index
      %get3A_1592 = tpu.vector_load %arg6[%get3A_1590, %get3A_1591] {strides = array<i32>} : memref<1280x32xf32, #tpu.memory_space<vmem>>, vector<1x16xf32>,
      %get3A_1593 = vector.shape_cast %get3A_1592 : vector<1x16xf32> to vector<16xf32>
      %add3A_1594 = arith.addf %add3A_1580, %get3A_1593 : vector<16xf32>
      %add3A_1595 = arith.constant 19 : i32
      %add3A_1596 = arith.addi %mul3A_1328, %add3A_1595 : i32
      %get3A_1597 = arith.index_cast %add3A_1596 : i32 to index
      %get3A_1598 = arith.constant 16 : index
      %get3A_1599 = tpu.vector_load %arg6[%get3A_1597, %get3A_1598] {strides = array<i32>} : memref<1280x32xf32, #tpu.memory_space<vmem>>, vector<1x16xf32>,
      %get3A_1600 = vector.shape_cast %get3A_1599 : vector<1x16xf32> to vector<16xf32>
      %add3A_1601 = arith.addf %add3A_1587, %get3A_1600 : vector<16xf32>
      %add3A_1602 = arith.constant 128 : i32
      %add3A_1603 = arith.addi %add3A_1602, %add3A_1326 : i32
      %swap3A = arith.index_cast %add3A_1603 : i32 to index
      %swap3A_1604 = arith.constant 0 : index
      %swap3A_1605 = tpu.vector_load %arg8[%swap3A, %swap3A_1604] {strides = array<i32>} : memref<512x32xf32, #tpu.memory_space<vmem>>, vector<1x16xf32>,
      %swap3A_1606 = vector.shape_cast %swap3A_1605 : vector<1x16xf32> to vector<16xf32>
      %swap3A_1607 = vector.shape_cast %add3A_1594 : vector<16xf32> to vector<1x16xf32>
      tpu.vector_store %arg8[%swap3A, %swap3A_1604], %swap3A_1607 {strides = array<i32>} : memref<512x32xf32, #tpu.memory_space<vmem>>, vector<1x16xf32>,
      %swap3A_1608 = arith.index_cast %add3A_1603 : i32 to index
      %swap3A_1609 = arith.constant 16 : index
      %swap3A_1610 = tpu.vector_load %arg8[%swap3A_1608, %swap3A_1609] {strides = array<i32>} : memref<512x32xf32, #tpu.memory_space<vmem>>, vector<1x16xf32>,
      %swap3A_1611 = vector.shape_cast %swap3A_1610 : vector<1x16xf32> to vector<16xf32>
      %swap3A_1612 = vector.shape_cast %add3A_1601 : vector<16xf32> to vector<1x16xf32>
      tpu.vector_store %arg8[%swap3A_1608, %swap3A_1609], %swap3A_1612 {strides = array<i32>} : memref<512x32xf32, #tpu.memory_space<vmem>>, vector<1x16xf32>,
    }
    %scan3A_576 = arith.constant 64 : i32
    %dma_wait3A_577 = arith.constant 0 : i32
    %dma_wait3A_578 = arith.constant 0 : i32
    %dma_wait3A_579 = tpu.memref_slice %arg7[%dma_wait3A_577, %dma_wait3A_578] : memref<1280x32xf32, #tpu.memory_space<vmem>> -> memref<128x32xf32, #tpu.memory_space<vmem>>
    %dma_wait3A_580 = arith.constant 3840 : i32
    %dma_wait3A_581 = tpu.memref_slice %arg5[%dma_wait3A_580] : memref<10240xi32, #tpu.memory_space<vmem>> -> memref<128xi32, #tpu.memory_space<vmem>>
    %dma_wait3A_582 = arith.constant 0 : i32
    %dma_wait3A_583 = arith.constant 0 : i32
    %dma_wait3A_584 = tpu.memref_slice %arg2[%dma_wait3A_582, %dma_wait3A_583] : memref<100000x32xf32, #tpu.memory_space<hbm>> -> memref<100000x32xf32, #tpu.memory_space<hbm>>
    tpu.wait_indirect_dma semaphore(%arg10 : memref<!tpu.dma_semaphore, #tpu.memory_space<semaphore_mem>>) src(%dma_wait3A_584 : memref<100000x32xf32, #tpu.memory_space<hbm>>) dst(%dma_wait3A_579 : memref<128x32xf32, #tpu.memory_space<vmem>>)
    %dma_wait3A_585 = arith.constant 128 : i32
    %dma_wait3A_586 = arith.constant 0 : i32
    %dma_wait3A_587 = tpu.memref_slice %arg7[%dma_wait3A_585, %dma_wait3A_586] : memref<1280x32xf32, #tpu.memory_space<vmem>> -> memref<128x32xf32, #tpu.memory_space<vmem>>
    %dma_wait3A_588 = arith.constant 3968 : i32
    %dma_wait3A_589 = tpu.memref_slice %arg5[%dma_wait3A_588] : memref<10240xi32, #tpu.memory_space<vmem>> -> memref<128xi32, #tpu.memory_space<vmem>>
    %dma_wait3A_590 = arith.constant 0 : i32
    %dma_wait3A_591 = arith.constant 0 : i32
    %dma_wait3A_592 = tpu.memref_slice %arg2[%dma_wait3A_590, %dma_wait3A_591] : memref<100000x32xf32, #tpu.memory_space<hbm>> -> memref<100000x32xf32, #tpu.memory_space<hbm>>
    tpu.wait_indirect_dma semaphore(%arg10 : memref<!tpu.dma_semaphore, #tpu.memory_space<semaphore_mem>>) src(%dma_wait3A_592 : memref<100000x32xf32, #tpu.memory_space<hbm>>) dst(%dma_wait3A_587 : memref<128x32xf32, #tpu.memory_space<vmem>>)
    %dma_wait3A_593 = arith.constant 256 : i32
    %dma_wait3A_594 = arith.constant 0 : i32
    %dma_wait3A_595 = tpu.memref_slice %arg7[%dma_wait3A_593, %dma_wait3A_594] : memref<1280x32xf32, #tpu.memory_space<vmem>> -> memref<128x32xf32, #tpu.memory_space<vmem>>
    %dma_wait3A_596 = arith.constant 4096 : i32
    %dma_wait3A_597 = tpu.memref_slice %arg5[%dma_wait3A_596] : memref<10240xi32, #tpu.memory_space<vmem>> -> memref<128xi32, #tpu.memory_space<vmem>>
    %dma_wait3A_598 = arith.constant 0 : i32
    %dma_wait3A_599 = arith.constant 0 : i32
    %dma_wait3A_600 = tpu.memref_slice %arg2[%dma_wait3A_598, %dma_wait3A_599] : memref<100000x32xf32, #tpu.memory_space<hbm>> -> memref<100000x32xf32, #tpu.memory_space<hbm>>
    tpu.wait_indirect_dma semaphore(%arg10 : memref<!tpu.dma_semaphore, #tpu.memory_space<semaphore_mem>>) src(%dma_wait3A_600 : memref<100000x32xf32, #tpu.memory_space<hbm>>) dst(%dma_wait3A_595 : memref<128x32xf32, #tpu.memory_space<vmem>>)
    %dma_wait3A_601 = arith.constant 384 : i32
    %dma_wait3A_602 = arith.constant 0 : i32
    %dma_wait3A_603 = tpu.memref_slice %arg7[%dma_wait3A_601, %dma_wait3A_602] : memref<1280x32xf32, #tpu.memory_space<vmem>> -> memref<128x32xf32, #tpu.memory_space<vmem>>
    %dma_wait3A_604 = arith.constant 4224 : i32
    %dma_wait3A_605 = tpu.memref_slice %arg5[%dma_wait3A_604] : memref<10240xi32, #tpu.memory_space<vmem>> -> memref<128xi32, #tpu.memory_space<vmem>>
    %dma_wait3A_606 = arith.constant 0 : i32
    %dma_wait3A_607 = arith.constant 0 : i32
    %dma_wait3A_608 = tpu.memref_slice %arg2[%dma_wait3A_606, %dma_wait3A_607] : memref<100000x32xf32, #tpu.memory_space<hbm>> -> memref<100000x32xf32, #tpu.memory_space<hbm>>
    tpu.wait_indirect_dma semaphore(%arg10 : memref<!tpu.dma_semaphore, #tpu.memory_space<semaphore_mem>>) src(%dma_wait3A_608 : memref<100000x32xf32, #tpu.memory_space<hbm>>) dst(%dma_wait3A_603 : memref<128x32xf32, #tpu.memory_space<vmem>>)
    %dma_wait3A_609 = arith.constant 512 : i32
    %dma_wait3A_610 = arith.constant 0 : i32
    %dma_wait3A_611 = tpu.memref_slice %arg7[%dma_wait3A_609, %dma_wait3A_610] : memref<1280x32xf32, #tpu.memory_space<vmem>> -> memref<128x32xf32, #tpu.memory_space<vmem>>
    %dma_wait3A_612 = arith.constant 4352 : i32
    %dma_wait3A_613 = tpu.memref_slice %arg5[%dma_wait3A_612] : memref<10240xi32, #tpu.memory_space<vmem>> -> memref<128xi32, #tpu.memory_space<vmem>>
    %dma_wait3A_614 = arith.constant 0 : i32
    %dma_wait3A_615 = arith.constant 0 : i32
    %dma_wait3A_616 = tpu.memref_slice %arg2[%dma_wait3A_614, %dma_wait3A_615] : memref<100000x32xf32, #tpu.memory_space<hbm>> -> memref<100000x32xf32, #tpu.memory_space<hbm>>
    tpu.wait_indirect_dma semaphore(%arg10 : memref<!tpu.dma_semaphore, #tpu.memory_space<semaphore_mem>>) src(%dma_wait3A_616 : memref<100000x32xf32, #tpu.memory_space<hbm>>) dst(%dma_wait3A_611 : memref<128x32xf32, #tpu.memory_space<vmem>>)
    %dma_wait3A_617 = arith.constant 640 : i32
    %dma_wait3A_618 = arith.constant 0 : i32
    %dma_wait3A_619 = tpu.memref_slice %arg7[%dma_wait3A_617, %dma_wait3A_618] : memref<1280x32xf32, #tpu.memory_space<vmem>> -> memref<128x32xf32, #tpu.memory_space<vmem>>
    %dma_wait3A_620 = arith.constant 4480 : i32
    %dma_wait3A_621 = tpu.memref_slice %arg5[%dma_wait3A_620] : memref<10240xi32, #tpu.memory_space<vmem>> -> memref<128xi32, #tpu.memory_space<vmem>>
    %dma_wait3A_622 = arith.constant 0 : i32
    %dma_wait3A_623 = arith.constant 0 : i32
    %dma_wait3A_624 = tpu.memref_slice %arg2[%dma_wait3A_622, %dma_wait3A_623] : memref<100000x32xf32, #tpu.memory_space<hbm>> -> memref<100000x32xf32, #tpu.memory_space<hbm>>
    tpu.wait_indirect_dma semaphore(%arg10 : memref<!tpu.dma_semaphore, #tpu.memory_space<semaphore_mem>>) src(%dma_wait3A_624 : memref<100000x32xf32, #tpu.memory_space<hbm>>) dst(%dma_wait3A_619 : memref<128x32xf32, #tpu.memory_space<vmem>>)
    %dma_wait3A_625 = arith.constant 768 : i32
    %dma_wait3A_626 = arith.constant 0 : i32
    %dma_wait3A_627 = tpu.memref_slice %arg7[%dma_wait3A_625, %dma_wait3A_626] : memref<1280x32xf32, #tpu.memory_space<vmem>> -> memref<128x32xf32, #tpu.memory_space<vmem>>
    %dma_wait3A_628 = arith.constant 4608 : i32
    %dma_wait3A_629 = tpu.memref_slice %arg5[%dma_wait3A_628] : memref<10240xi32, #tpu.memory_space<vmem>> -> memref<128xi32, #tpu.memory_space<vmem>>
    %dma_wait3A_630 = arith.constant 0 : i32
    %dma_wait3A_631 = arith.constant 0 : i32
    %dma_wait3A_632 = tpu.memref_slice %arg2[%dma_wait3A_630, %dma_wait3A_631] : memref<100000x32xf32, #tpu.memory_space<hbm>> -> memref<100000x32xf32, #tpu.memory_space<hbm>>
    tpu.wait_indirect_dma semaphore(%arg10 : memref<!tpu.dma_semaphore, #tpu.memory_space<semaphore_mem>>) src(%dma_wait3A_632 : memref<100000x32xf32, #tpu.memory_space<hbm>>) dst(%dma_wait3A_627 : memref<128x32xf32, #tpu.memory_space<vmem>>)
    %dma_wait3A_633 = arith.constant 896 : i32
    %dma_wait3A_634 = arith.constant 0 : i32
    %dma_wait3A_635 = tpu.memref_slice %arg7[%dma_wait3A_633, %dma_wait3A_634] : memref<1280x32xf32, #tpu.memory_space<vmem>> -> memref<128x32xf32, #tpu.memory_space<vmem>>
    %dma_wait3A_636 = arith.constant 4736 : i32
    %dma_wait3A_637 = tpu.memref_slice %arg5[%dma_wait3A_636] : memref<10240xi32, #tpu.memory_space<vmem>> -> memref<128xi32, #tpu.memory_space<vmem>>
    %dma_wait3A_638 = arith.constant 0 : i32
    %dma_wait3A_639 = arith.constant 0 : i32
    %dma_wait3A_640 = tpu.memref_slice %arg2[%dma_wait3A_638, %dma_wait3A_639] : memref<100000x32xf32, #tpu.memory_space<hbm>> -> memref<100000x32xf32, #tpu.memory_space<hbm>>
    tpu.wait_indirect_dma semaphore(%arg10 : memref<!tpu.dma_semaphore, #tpu.memory_space<semaphore_mem>>) src(%dma_wait3A_640 : memref<100000x32xf32, #tpu.memory_space<hbm>>) dst(%dma_wait3A_635 : memref<128x32xf32, #tpu.memory_space<vmem>>)
    %dma_wait3A_641 = arith.constant 1024 : i32
    %dma_wait3A_642 = arith.constant 0 : i32
    %dma_wait3A_643 = tpu.memref_slice %arg7[%dma_wait3A_641, %dma_wait3A_642] : memref<1280x32xf32, #tpu.memory_space<vmem>> -> memref<128x32xf32, #tpu.memory_space<vmem>>
    %dma_wait3A_644 = arith.constant 4864 : i32
    %dma_wait3A_645 = tpu.memref_slice %arg5[%dma_wait3A_644] : memref<10240xi32, #tpu.memory_space<vmem>> -> memref<128xi32, #tpu.memory_space<vmem>>
    %dma_wait3A_646 = arith.constant 0 : i32
    %dma_wait3A_647 = arith.constant 0 : i32
    %dma_wait3A_648 = tpu.memref_slice %arg2[%dma_wait3A_646, %dma_wait3A_647] : memref<100000x32xf32, #tpu.memory_space<hbm>> -> memref<100000x32xf32, #tpu.memory_space<hbm>>
    tpu.wait_indirect_dma semaphore(%arg10 : memref<!tpu.dma_semaphore, #tpu.memory_space<semaphore_mem>>) src(%dma_wait3A_648 : memref<100000x32xf32, #tpu.memory_space<hbm>>) dst(%dma_wait3A_643 : memref<128x32xf32, #tpu.memory_space<vmem>>)
    %dma_wait3A_649 = arith.constant 1152 : i32
    %dma_wait3A_650 = arith.constant 0 : i32
    %dma_wait3A_651 = tpu.memref_slice %arg7[%dma_wait3A_649, %dma_wait3A_650] : memref<1280x32xf32, #tpu.memory_space<vmem>> -> memref<128x32xf32, #tpu.memory_space<vmem>>
    %dma_wait3A_652 = arith.constant 4992 : i32
    %dma_wait3A_653 = tpu.memref_slice %arg5[%dma_wait3A_652] : memref<10240xi32, #tpu.memory_space<vmem>> -> memref<128xi32, #tpu.memory_space<vmem>>
    %dma_wait3A_654 = arith.constant 0 : i32
    %dma_wait3A_655 = arith.constant 0 : i32
    %dma_wait3A_656 = tpu.memref_slice %arg2[%dma_wait3A_654, %dma_wait3A_655] : memref<100000x32xf32, #tpu.memory_space<hbm>> -> memref<100000x32xf32, #tpu.memory_space<hbm>>
    tpu.wait_indirect_dma semaphore(%arg10 : memref<!tpu.dma_semaphore, #tpu.memory_space<semaphore_mem>>) src(%dma_wait3A_656 : memref<100000x32xf32, #tpu.memory_space<hbm>>) dst(%dma_wait3A_651 : memref<128x32xf32, #tpu.memory_space<vmem>>)
    %dma_start3A_657 = arith.constant 0 : i32
    %dma_start3A_658 = arith.constant 0 : i32
    %dma_start3A_659 = tpu.memref_slice %arg6[%dma_start3A_657, %dma_start3A_658] : memref<1280x32xf32, #tpu.memory_space<vmem>> -> memref<128x32xf32, #tpu.memory_space<vmem>>
    %dma_start3A_660 = arith.constant 5120 : i32
    %dma_start3A_661 = tpu.memref_slice %arg5[%dma_start3A_660] : memref<10240xi32, #tpu.memory_space<vmem>> -> memref<128xi32, #tpu.memory_space<vmem>>
    %dma_start3A_662 = arith.constant 0 : i32
    %dma_start3A_663 = arith.constant 0 : i32
    %dma_start3A_664 = tpu.memref_slice %arg2[%dma_start3A_662, %dma_start3A_663] : memref<100000x32xf32, #tpu.memory_space<hbm>> -> memref<100000x32xf32, #tpu.memory_space<hbm>>
    tpu.enqueue_indirect_dma source(%dma_start3A_664 : memref<100000x32xf32, #tpu.memory_space<hbm>>) target(%dma_start3A_659 : memref<128x32xf32, #tpu.memory_space<vmem>>) offsets(%dma_start3A_661 : memref<128xi32, #tpu.memory_space<vmem>>) semaphore(%arg9 : memref<!tpu.dma_semaphore, #tpu.memory_space<semaphore_mem>>)
    %dma_start3A_665 = arith.constant 128 : i32
    %dma_start3A_666 = arith.constant 0 : i32
    %dma_start3A_667 = tpu.memref_slice %arg6[%dma_start3A_665, %dma_start3A_666] : memref<1280x32xf32, #tpu.memory_space<vmem>> -> memref<128x32xf32, #tpu.memory_space<vmem>>
    %dma_start3A_668 = arith.constant 5248 : i32
    %dma_start3A_669 = tpu.memref_slice %arg5[%dma_start3A_668] : memref<10240xi32, #tpu.memory_space<vmem>> -> memref<128xi32, #tpu.memory_space<vmem>>
    %dma_start3A_670 = arith.constant 0 : i32
    %dma_start3A_671 = arith.constant 0 : i32
    %dma_start3A_672 = tpu.memref_slice %arg2[%dma_start3A_670, %dma_start3A_671] : memref<100000x32xf32, #tpu.memory_space<hbm>> -> memref<100000x32xf32, #tpu.memory_space<hbm>>
    tpu.enqueue_indirect_dma source(%dma_start3A_672 : memref<100000x32xf32, #tpu.memory_space<hbm>>) target(%dma_start3A_667 : memref<128x32xf32, #tpu.memory_space<vmem>>) offsets(%dma_start3A_669 : memref<128xi32, #tpu.memory_space<vmem>>) semaphore(%arg9 : memref<!tpu.dma_semaphore, #tpu.memory_space<semaphore_mem>>)
    %dma_start3A_673 = arith.constant 256 : i32
    %dma_start3A_674 = arith.constant 0 : i32
    %dma_start3A_675 = tpu.memref_slice %arg6[%dma_start3A_673, %dma_start3A_674] : memref<1280x32xf32, #tpu.memory_space<vmem>> -> memref<128x32xf32, #tpu.memory_space<vmem>>
    %dma_start3A_676 = arith.constant 5376 : i32
    %dma_start3A_677 = tpu.memref_slice %arg5[%dma_start3A_676] : memref<10240xi32, #tpu.memory_space<vmem>> -> memref<128xi32, #tpu.memory_space<vmem>>
    %dma_start3A_678 = arith.constant 0 : i32
    %dma_start3A_679 = arith.constant 0 : i32
    %dma_start3A_680 = tpu.memref_slice %arg2[%dma_start3A_678, %dma_start3A_679] : memref<100000x32xf32, #tpu.memory_space<hbm>> -> memref<100000x32xf32, #tpu.memory_space<hbm>>
    tpu.enqueue_indirect_dma source(%dma_start3A_680 : memref<100000x32xf32, #tpu.memory_space<hbm>>) target(%dma_start3A_675 : memref<128x32xf32, #tpu.memory_space<vmem>>) offsets(%dma_start3A_677 : memref<128xi32, #tpu.memory_space<vmem>>) semaphore(%arg9 : memref<!tpu.dma_semaphore, #tpu.memory_space<semaphore_mem>>)
    %dma_start3A_681 = arith.constant 384 : i32
    %dma_start3A_682 = arith.constant 0 : i32
    %dma_start3A_683 = tpu.memref_slice %arg6[%dma_start3A_681, %dma_start3A_682] : memref<1280x32xf32, #tpu.memory_space<vmem>> -> memref<128x32xf32, #tpu.memory_space<vmem>>
    %dma_start3A_684 = arith.constant 5504 : i32
    %dma_start3A_685 = tpu.memref_slice %arg5[%dma_start3A_684] : memref<10240xi32, #tpu.memory_space<vmem>> -> memref<128xi32, #tpu.memory_space<vmem>>
    %dma_start3A_686 = arith.constant 0 : i32
    %dma_start3A_687 = arith.constant 0 : i32
    %dma_start3A_688 = tpu.memref_slice %arg2[%dma_start3A_686, %dma_start3A_687] : memref<100000x32xf32, #tpu.memory_space<hbm>> -> memref<100000x32xf32, #tpu.memory_space<hbm>>
    tpu.enqueue_indirect_dma source(%dma_start3A_688 : memref<100000x32xf32, #tpu.memory_space<hbm>>) target(%dma_start3A_683 : memref<128x32xf32, #tpu.memory_space<vmem>>) offsets(%dma_start3A_685 : memref<128xi32, #tpu.memory_space<vmem>>) semaphore(%arg9 : memref<!tpu.dma_semaphore, #tpu.memory_space<semaphore_mem>>)
    %dma_start3A_689 = arith.constant 512 : i32
    %dma_start3A_690 = arith.constant 0 : i32
    %dma_start3A_691 = tpu.memref_slice %arg6[%dma_start3A_689, %dma_start3A_690] : memref<1280x32xf32, #tpu.memory_space<vmem>> -> memref<128x32xf32, #tpu.memory_space<vmem>>
    %dma_start3A_692 = arith.constant 5632 : i32
    %dma_start3A_693 = tpu.memref_slice %arg5[%dma_start3A_692] : memref<10240xi32, #tpu.memory_space<vmem>> -> memref<128xi32, #tpu.memory_space<vmem>>
    %dma_start3A_694 = arith.constant 0 : i32
    %dma_start3A_695 = arith.constant 0 : i32
    %dma_start3A_696 = tpu.memref_slice %arg2[%dma_start3A_694, %dma_start3A_695] : memref<100000x32xf32, #tpu.memory_space<hbm>> -> memref<100000x32xf32, #tpu.memory_space<hbm>>
    tpu.enqueue_indirect_dma source(%dma_start3A_696 : memref<100000x32xf32, #tpu.memory_space<hbm>>) target(%dma_start3A_691 : memref<128x32xf32, #tpu.memory_space<vmem>>) offsets(%dma_start3A_693 : memref<128xi32, #tpu.memory_space<vmem>>) semaphore(%arg9 : memref<!tpu.dma_semaphore, #tpu.memory_space<semaphore_mem>>)
    %dma_start3A_697 = arith.constant 640 : i32
    %dma_start3A_698 = arith.constant 0 : i32
    %dma_start3A_699 = tpu.memref_slice %arg6[%dma_start3A_697, %dma_start3A_698] : memref<1280x32xf32, #tpu.memory_space<vmem>> -> memref<128x32xf32, #tpu.memory_space<vmem>>
    %dma_start3A_700 = arith.constant 5760 : i32
    %dma_start3A_701 = tpu.memref_slice %arg5[%dma_start3A_700] : memref<10240xi32, #tpu.memory_space<vmem>> -> memref<128xi32, #tpu.memory_space<vmem>>
    %dma_start3A_702 = arith.constant 0 : i32
    %dma_start3A_703 = arith.constant 0 : i32
    %dma_start3A_704 = tpu.memref_slice %arg2[%dma_start3A_702, %dma_start3A_703] : memref<100000x32xf32, #tpu.memory_space<hbm>> -> memref<100000x32xf32, #tpu.memory_space<hbm>>
    tpu.enqueue_indirect_dma source(%dma_start3A_704 : memref<100000x32xf32, #tpu.memory_space<hbm>>) target(%dma_start3A_699 : memref<128x32xf32, #tpu.memory_space<vmem>>) offsets(%dma_start3A_701 : memref<128xi32, #tpu.memory_space<vmem>>) semaphore(%arg9 : memref<!tpu.dma_semaphore, #tpu.memory_space<semaphore_mem>>)
    %dma_start3A_705 = arith.constant 768 : i32
    %dma_start3A_706 = arith.constant 0 : i32
    %dma_start3A_707 = tpu.memref_slice %arg6[%dma_start3A_705, %dma_start3A_706] : memref<1280x32xf32, #tpu.memory_space<vmem>> -> memref<128x32xf32, #tpu.memory_space<vmem>>
    %dma_start3A_708 = arith.constant 5888 : i32
    %dma_start3A_709 = tpu.memref_slice %arg5[%dma_start3A_708] : memref<10240xi32, #tpu.memory_space<vmem>> -> memref<128xi32, #tpu.memory_space<vmem>>
    %dma_start3A_710 = arith.constant 0 : i32
    %dma_start3A_711 = arith.constant 0 : i32
    %dma_start3A_712 = tpu.memref_slice %arg2[%dma_start3A_710, %dma_start3A_711] : memref<100000x32xf32, #tpu.memory_space<hbm>> -> memref<100000x32xf32, #tpu.memory_space<hbm>>
    tpu.enqueue_indirect_dma source(%dma_start3A_712 : memref<100000x32xf32, #tpu.memory_space<hbm>>) target(%dma_start3A_707 : memref<128x32xf32, #tpu.memory_space<vmem>>) offsets(%dma_start3A_709 : memref<128xi32, #tpu.memory_space<vmem>>) semaphore(%arg9 : memref<!tpu.dma_semaphore, #tpu.memory_space<semaphore_mem>>)
    %dma_start3A_713 = arith.constant 896 : i32
    %dma_start3A_714 = arith.constant 0 : i32
    %dma_start3A_715 = tpu.memref_slice %arg6[%dma_start3A_713, %dma_start3A_714] : memref<1280x32xf32, #tpu.memory_space<vmem>> -> memref<128x32xf32, #tpu.memory_space<vmem>>
    %dma_start3A_716 = arith.constant 6016 : i32
    %dma_start3A_717 = tpu.memref_slice %arg5[%dma_start3A_716] : memref<10240xi32, #tpu.memory_space<vmem>> -> memref<128xi32, #tpu.memory_space<vmem>>
    %dma_start3A_718 = arith.constant 0 : i32
    %dma_start3A_719 = arith.constant 0 : i32
    %dma_start3A_720 = tpu.memref_slice %arg2[%dma_start3A_718, %dma_start3A_719] : memref<100000x32xf32, #tpu.memory_space<hbm>> -> memref<100000x32xf32, #tpu.memory_space<hbm>>
    tpu.enqueue_indirect_dma source(%dma_start3A_720 : memref<100000x32xf32, #tpu.memory_space<hbm>>) target(%dma_start3A_715 : memref<128x32xf32, #tpu.memory_space<vmem>>) offsets(%dma_start3A_717 : memref<128xi32, #tpu.memory_space<vmem>>) semaphore(%arg9 : memref<!tpu.dma_semaphore, #tpu.memory_space<semaphore_mem>>)
    %dma_start3A_721 = arith.constant 1024 : i32
    %dma_start3A_722 = arith.constant 0 : i32
    %dma_start3A_723 = tpu.memref_slice %arg6[%dma_start3A_721, %dma_start3A_722] : memref<1280x32xf32, #tpu.memory_space<vmem>> -> memref<128x32xf32, #tpu.memory_space<vmem>>
    %dma_start3A_724 = arith.constant 6144 : i32
    %dma_start3A_725 = tpu.memref_slice %arg5[%dma_start3A_724] : memref<10240xi32, #tpu.memory_space<vmem>> -> memref<128xi32, #tpu.memory_space<vmem>>
    %dma_start3A_726 = arith.constant 0 : i32
    %dma_start3A_727 = arith.constant 0 : i32
    %dma_start3A_728 = tpu.memref_slice %arg2[%dma_start3A_726, %dma_start3A_727] : memref<100000x32xf32, #tpu.memory_space<hbm>> -> memref<100000x32xf32, #tpu.memory_space<hbm>>
    tpu.enqueue_indirect_dma source(%dma_start3A_728 : memref<100000x32xf32, #tpu.memory_space<hbm>>) target(%dma_start3A_723 : memref<128x32xf32, #tpu.memory_space<vmem>>) offsets(%dma_start3A_725 : memref<128xi32, #tpu.memory_space<vmem>>) semaphore(%arg9 : memref<!tpu.dma_semaphore, #tpu.memory_space<semaphore_mem>>)
    %dma_start3A_729 = arith.constant 1152 : i32
    %dma_start3A_730 = arith.constant 0 : i32
    %dma_start3A_731 = tpu.memref_slice %arg6[%dma_start3A_729, %dma_start3A_730] : memref<1280x32xf32, #tpu.memory_space<vmem>> -> memref<128x32xf32, #tpu.memory_space<vmem>>
    %dma_start3A_732 = arith.constant 6272 : i32
    %dma_start3A_733 = tpu.memref_slice %arg5[%dma_start3A_732] : memref<10240xi32, #tpu.memory_space<vmem>> -> memref<128xi32, #tpu.memory_space<vmem>>
    %dma_start3A_734 = arith.constant 0 : i32
    %dma_start3A_735 = arith.constant 0 : i32
    %dma_start3A_736 = tpu.memref_slice %arg2[%dma_start3A_734, %dma_start3A_735] : memref<100000x32xf32, #tpu.memory_space<hbm>> -> memref<100000x32xf32, #tpu.memory_space<hbm>>
    tpu.enqueue_indirect_dma source(%dma_start3A_736 : memref<100000x32xf32, #tpu.memory_space<hbm>>) target(%dma_start3A_731 : memref<128x32xf32, #tpu.memory_space<vmem>>) offsets(%dma_start3A_733 : memref<128xi32, #tpu.memory_space<vmem>>) semaphore(%arg9 : memref<!tpu.dma_semaphore, #tpu.memory_space<semaphore_mem>>)
    %scan3A_737 = arith.constant 0 : i32
    %scan3A_738 = arith.constant 64 : i32
    %scan3A_739 = arith.addi %scan3A_737, %scan3A_738 : i32
    %scan3A_740 = arith.constant 1 : i32
    scf.for %scan3A_1322 = %scan3A_737 to %scan3A_739 step %scan3A_740  : i32 {
      %mul3A_1323 = arith.constant 1 : i32
      %mul3A_1324 = arith.muli %scan3A_1322, %mul3A_1323 : i32
      %add3A_1325 = arith.constant 0 : i32
      %add3A_1326 = arith.addi %add3A_1325, %mul3A_1324 : i32
      %mul3A_1327 = arith.constant 20 : i32
      %mul3A_1328 = arith.muli %add3A_1326, %mul3A_1327 : i32
      %get3A = arith.index_cast %mul3A_1328 : i32 to index
      %get3A_1329 = arith.constant 0 : index
      %get3A_1330 = tpu.vector_load %arg7[%get3A, %get3A_1329] {strides = array<i32>} : memref<1280x32xf32, #tpu.memory_space<vmem>>, vector<1x16xf32>,
      %get3A_1331 = vector.shape_cast %get3A_1330 : vector<1x16xf32> to vector<16xf32>
      %get3A_1332 = arith.index_cast %mul3A_1328 : i32 to index
      %get3A_1333 = arith.constant 16 : index
      %get3A_1334 = tpu.vector_load %arg7[%get3A_1332, %get3A_1333] {strides = array<i32>} : memref<1280x32xf32, #tpu.memory_space<vmem>>, vector<1x16xf32>,
      %get3A_1335 = vector.shape_cast %get3A_1334 : vector<1x16xf32> to vector<16xf32>
      %add3A_1336 = arith.constant 1 : i32
      %add3A_1337 = arith.addi %mul3A_1328, %add3A_1336 : i32
      %get3A_1338 = arith.index_cast %add3A_1337 : i32 to index
      %get3A_1339 = arith.constant 0 : index
      %get3A_1340 = tpu.vector_load %arg7[%get3A_1338, %get3A_1339] {strides = array<i32>} : memref<1280x32xf32, #tpu.memory_space<vmem>>, vector<1x16xf32>,
      %get3A_1341 = vector.shape_cast %get3A_1340 : vector<1x16xf32> to vector<16xf32>
      %add3A_1342 = arith.addf %get3A_1331, %get3A_1341 : vector<16xf32>
      %add3A_1343 = arith.constant 1 : i32
      %add3A_1344 = arith.addi %mul3A_1328, %add3A_1343 : i32
      %get3A_1345 = arith.index_cast %add3A_1344 : i32 to index
      %get3A_1346 = arith.constant 16 : index
      %get3A_1347 = tpu.vector_load %arg7[%get3A_1345, %get3A_1346] {strides = array<i32>} : memref<1280x32xf32, #tpu.memory_space<vmem>>, vector<1x16xf32>,
      %get3A_1348 = vector.shape_cast %get3A_1347 : vector<1x16xf32> to vector<16xf32>
      %add3A_1349 = arith.addf %get3A_1335, %get3A_1348 : vector<16xf32>
      %add3A_1350 = arith.constant 2 : i32
      %add3A_1351 = arith.addi %mul3A_1328, %add3A_1350 : i32
      %get3A_1352 = arith.index_cast %add3A_1351 : i32 to index
      %get3A_1353 = arith.constant 0 : index
      %get3A_1354 = tpu.vector_load %arg7[%get3A_1352, %get3A_1353] {strides = array<i32>} : memref<1280x32xf32, #tpu.memory_space<vmem>>, vector<1x16xf32>,
      %get3A_1355 = vector.shape_cast %get3A_1354 : vector<1x16xf32> to vector<16xf32>
      %add3A_1356 = arith.addf %add3A_1342, %get3A_1355 : vector<16xf32>
      %add3A_1357 = arith.constant 2 : i32
      %add3A_1358 = arith.addi %mul3A_1328, %add3A_1357 : i32
      %get3A_1359 = arith.index_cast %add3A_1358 : i32 to index
      %get3A_1360 = arith.constant 16 : index
      %get3A_1361 = tpu.vector_load %arg7[%get3A_1359, %get3A_1360] {strides = array<i32>} : memref<1280x32xf32, #tpu.memory_space<vmem>>, vector<1x16xf32>,
      %get3A_1362 = vector.shape_cast %get3A_1361 : vector<1x16xf32> to vector<16xf32>
      %add3A_1363 = arith.addf %add3A_1349, %get3A_1362 : vector<16xf32>
      %add3A_1364 = arith.constant 3 : i32
      %add3A_1365 = arith.addi %mul3A_1328, %add3A_1364 : i32
      %get3A_1366 = arith.index_cast %add3A_1365 : i32 to index
      %get3A_1367 = arith.constant 0 : index
      %get3A_1368 = tpu.vector_load %arg7[%get3A_1366, %get3A_1367] {strides = array<i32>} : memref<1280x32xf32, #tpu.memory_space<vmem>>, vector<1x16xf32>,
      %get3A_1369 = vector.shape_cast %get3A_1368 : vector<1x16xf32> to vector<16xf32>
      %add3A_1370 = arith.addf %add3A_1356, %get3A_1369 : vector<16xf32>
      %add3A_1371 = arith.constant 3 : i32
      %add3A_1372 = arith.addi %mul3A_1328, %add3A_1371 : i32
      %get3A_1373 = arith.index_cast %add3A_1372 : i32 to index
      %get3A_1374 = arith.constant 16 : index
      %get3A_1375 = tpu.vector_load %arg7[%get3A_1373, %get3A_1374] {strides = array<i32>} : memref<1280x32xf32, #tpu.memory_space<vmem>>, vector<1x16xf32>,
      %get3A_1376 = vector.shape_cast %get3A_1375 : vector<1x16xf32> to vector<16xf32>
      %add3A_1377 = arith.addf %add3A_1363, %get3A_1376 : vector<16xf32>
      %add3A_1378 = arith.constant 4 : i32
      %add3A_1379 = arith.addi %mul3A_1328, %add3A_1378 : i32
      %get3A_1380 = arith.index_cast %add3A_1379 : i32 to index
      %get3A_1381 = arith.constant 0 : index
      %get3A_1382 = tpu.vector_load %arg7[%get3A_1380, %get3A_1381] {strides = array<i32>} : memref<1280x32xf32, #tpu.memory_space<vmem>>, vector<1x16xf32>,
      %get3A_1383 = vector.shape_cast %get3A_1382 : vector<1x16xf32> to vector<16xf32>
      %add3A_1384 = arith.addf %add3A_1370, %get3A_1383 : vector<16xf32>
      %add3A_1385 = arith.constant 4 : i32
      %add3A_1386 = arith.addi %mul3A_1328, %add3A_1385 : i32
      %get3A_1387 = arith.index_cast %add3A_1386 : i32 to index
      %get3A_1388 = arith.constant 16 : index
      %get3A_1389 = tpu.vector_load %arg7[%get3A_1387, %get3A_1388] {strides = array<i32>} : memref<1280x32xf32, #tpu.memory_space<vmem>>, vector<1x16xf32>,
      %get3A_1390 = vector.shape_cast %get3A_1389 : vector<1x16xf32> to vector<16xf32>
      %add3A_1391 = arith.addf %add3A_1377, %get3A_1390 : vector<16xf32>
      %add3A_1392 = arith.constant 5 : i32
      %add3A_1393 = arith.addi %mul3A_1328, %add3A_1392 : i32
      %get3A_1394 = arith.index_cast %add3A_1393 : i32 to index
      %get3A_1395 = arith.constant 0 : index
      %get3A_1396 = tpu.vector_load %arg7[%get3A_1394, %get3A_1395] {strides = array<i32>} : memref<1280x32xf32, #tpu.memory_space<vmem>>, vector<1x16xf32>,
      %get3A_1397 = vector.shape_cast %get3A_1396 : vector<1x16xf32> to vector<16xf32>
      %add3A_1398 = arith.addf %add3A_1384, %get3A_1397 : vector<16xf32>
      %add3A_1399 = arith.constant 5 : i32
      %add3A_1400 = arith.addi %mul3A_1328, %add3A_1399 : i32
      %get3A_1401 = arith.index_cast %add3A_1400 : i32 to index
      %get3A_1402 = arith.constant 16 : index
      %get3A_1403 = tpu.vector_load %arg7[%get3A_1401, %get3A_1402] {strides = array<i32>} : memref<1280x32xf32, #tpu.memory_space<vmem>>, vector<1x16xf32>,
      %get3A_1404 = vector.shape_cast %get3A_1403 : vector<1x16xf32> to vector<16xf32>
      %add3A_1405 = arith.addf %add3A_1391, %get3A_1404 : vector<16xf32>
      %add3A_1406 = arith.constant 6 : i32
      %add3A_1407 = arith.addi %mul3A_1328, %add3A_1406 : i32
      %get3A_1408 = arith.index_cast %add3A_1407 : i32 to index
      %get3A_1409 = arith.constant 0 : index
      %get3A_1410 = tpu.vector_load %arg7[%get3A_1408, %get3A_1409] {strides = array<i32>} : memref<1280x32xf32, #tpu.memory_space<vmem>>, vector<1x16xf32>,
      %get3A_1411 = vector.shape_cast %get3A_1410 : vector<1x16xf32> to vector<16xf32>
      %add3A_1412 = arith.addf %add3A_1398, %get3A_1411 : vector<16xf32>
      %add3A_1413 = arith.constant 6 : i32
      %add3A_1414 = arith.addi %mul3A_1328, %add3A_1413 : i32
      %get3A_1415 = arith.index_cast %add3A_1414 : i32 to index
      %get3A_1416 = arith.constant 16 : index
      %get3A_1417 = tpu.vector_load %arg7[%get3A_1415, %get3A_1416] {strides = array<i32>} : memref<1280x32xf32, #tpu.memory_space<vmem>>, vector<1x16xf32>,
      %get3A_1418 = vector.shape_cast %get3A_1417 : vector<1x16xf32> to vector<16xf32>
      %add3A_1419 = arith.addf %add3A_1405, %get3A_1418 : vector<16xf32>
      %add3A_1420 = arith.constant 7 : i32
      %add3A_1421 = arith.addi %mul3A_1328, %add3A_1420 : i32
      %get3A_1422 = arith.index_cast %add3A_1421 : i32 to index
      %get3A_1423 = arith.constant 0 : index
      %get3A_1424 = tpu.vector_load %arg7[%get3A_1422, %get3A_1423] {strides = array<i32>} : memref<1280x32xf32, #tpu.memory_space<vmem>>, vector<1x16xf32>,
      %get3A_1425 = vector.shape_cast %get3A_1424 : vector<1x16xf32> to vector<16xf32>
      %add3A_1426 = arith.addf %add3A_1412, %get3A_1425 : vector<16xf32>
      %add3A_1427 = arith.constant 7 : i32
      %add3A_1428 = arith.addi %mul3A_1328, %add3A_1427 : i32
      %get3A_1429 = arith.index_cast %add3A_1428 : i32 to index
      %get3A_1430 = arith.constant 16 : index
      %get3A_1431 = tpu.vector_load %arg7[%get3A_1429, %get3A_1430] {strides = array<i32>} : memref<1280x32xf32, #tpu.memory_space<vmem>>, vector<1x16xf32>,
      %get3A_1432 = vector.shape_cast %get3A_1431 : vector<1x16xf32> to vector<16xf32>
      %add3A_1433 = arith.addf %add3A_1419, %get3A_1432 : vector<16xf32>
      %add3A_1434 = arith.constant 8 : i32
      %add3A_1435 = arith.addi %mul3A_1328, %add3A_1434 : i32
      %get3A_1436 = arith.index_cast %add3A_1435 : i32 to index
      %get3A_1437 = arith.constant 0 : index
      %get3A_1438 = tpu.vector_load %arg7[%get3A_1436, %get3A_1437] {strides = array<i32>} : memref<1280x32xf32, #tpu.memory_space<vmem>>, vector<1x16xf32>,
      %get3A_1439 = vector.shape_cast %get3A_1438 : vector<1x16xf32> to vector<16xf32>
      %add3A_1440 = arith.addf %add3A_1426, %get3A_1439 : vector<16xf32>
      %add3A_1441 = arith.constant 8 : i32
      %add3A_1442 = arith.addi %mul3A_1328, %add3A_1441 : i32
      %get3A_1443 = arith.index_cast %add3A_1442 : i32 to index
      %get3A_1444 = arith.constant 16 : index
      %get3A_1445 = tpu.vector_load %arg7[%get3A_1443, %get3A_1444] {strides = array<i32>} : memref<1280x32xf32, #tpu.memory_space<vmem>>, vector<1x16xf32>,
      %get3A_1446 = vector.shape_cast %get3A_1445 : vector<1x16xf32> to vector<16xf32>
      %add3A_1447 = arith.addf %add3A_1433, %get3A_1446 : vector<16xf32>
      %add3A_1448 = arith.constant 9 : i32
      %add3A_1449 = arith.addi %mul3A_1328, %add3A_1448 : i32
      %get3A_1450 = arith.index_cast %add3A_1449 : i32 to index
      %get3A_1451 = arith.constant 0 : index
      %get3A_1452 = tpu.vector_load %arg7[%get3A_1450, %get3A_1451] {strides = array<i32>} : memref<1280x32xf32, #tpu.memory_space<vmem>>, vector<1x16xf32>,
      %get3A_1453 = vector.shape_cast %get3A_1452 : vector<1x16xf32> to vector<16xf32>
      %add3A_1454 = arith.addf %add3A_1440, %get3A_1453 : vector<16xf32>
      %add3A_1455 = arith.constant 9 : i32
      %add3A_1456 = arith.addi %mul3A_1328, %add3A_1455 : i32
      %get3A_1457 = arith.index_cast %add3A_1456 : i32 to index
      %get3A_1458 = arith.constant 16 : index
      %get3A_1459 = tpu.vector_load %arg7[%get3A_1457, %get3A_1458] {strides = array<i32>} : memref<1280x32xf32, #tpu.memory_space<vmem>>, vector<1x16xf32>,
      %get3A_1460 = vector.shape_cast %get3A_1459 : vector<1x16xf32> to vector<16xf32>
      %add3A_1461 = arith.addf %add3A_1447, %get3A_1460 : vector<16xf32>
      %add3A_1462 = arith.constant 10 : i32
      %add3A_1463 = arith.addi %mul3A_1328, %add3A_1462 : i32
      %get3A_1464 = arith.index_cast %add3A_1463 : i32 to index
      %get3A_1465 = arith.constant 0 : index
      %get3A_1466 = tpu.vector_load %arg7[%get3A_1464, %get3A_1465] {strides = array<i32>} : memref<1280x32xf32, #tpu.memory_space<vmem>>, vector<1x16xf32>,
      %get3A_1467 = vector.shape_cast %get3A_1466 : vector<1x16xf32> to vector<16xf32>
      %add3A_1468 = arith.addf %add3A_1454, %get3A_1467 : vector<16xf32>
      %add3A_1469 = arith.constant 10 : i32
      %add3A_1470 = arith.addi %mul3A_1328, %add3A_1469 : i32
      %get3A_1471 = arith.index_cast %add3A_1470 : i32 to index
      %get3A_1472 = arith.constant 16 : index
      %get3A_1473 = tpu.vector_load %arg7[%get3A_1471, %get3A_1472] {strides = array<i32>} : memref<1280x32xf32, #tpu.memory_space<vmem>>, vector<1x16xf32>,
      %get3A_1474 = vector.shape_cast %get3A_1473 : vector<1x16xf32> to vector<16xf32>
      %add3A_1475 = arith.addf %add3A_1461, %get3A_1474 : vector<16xf32>
      %add3A_1476 = arith.constant 11 : i32
      %add3A_1477 = arith.addi %mul3A_1328, %add3A_1476 : i32
      %get3A_1478 = arith.index_cast %add3A_1477 : i32 to index
      %get3A_1479 = arith.constant 0 : index
      %get3A_1480 = tpu.vector_load %arg7[%get3A_1478, %get3A_1479] {strides = array<i32>} : memref<1280x32xf32, #tpu.memory_space<vmem>>, vector<1x16xf32>,
      %get3A_1481 = vector.shape_cast %get3A_1480 : vector<1x16xf32> to vector<16xf32>
      %add3A_1482 = arith.addf %add3A_1468, %get3A_1481 : vector<16xf32>
      %add3A_1483 = arith.constant 11 : i32
      %add3A_1484 = arith.addi %mul3A_1328, %add3A_1483 : i32
      %get3A_1485 = arith.index_cast %add3A_1484 : i32 to index
      %get3A_1486 = arith.constant 16 : index
      %get3A_1487 = tpu.vector_load %arg7[%get3A_1485, %get3A_1486] {strides = array<i32>} : memref<1280x32xf32, #tpu.memory_space<vmem>>, vector<1x16xf32>,
      %get3A_1488 = vector.shape_cast %get3A_1487 : vector<1x16xf32> to vector<16xf32>
      %add3A_1489 = arith.addf %add3A_1475, %get3A_1488 : vector<16xf32>
      %add3A_1490 = arith.constant 12 : i32
      %add3A_1491 = arith.addi %mul3A_1328, %add3A_1490 : i32
      %get3A_1492 = arith.index_cast %add3A_1491 : i32 to index
      %get3A_1493 = arith.constant 0 : index
      %get3A_1494 = tpu.vector_load %arg7[%get3A_1492, %get3A_1493] {strides = array<i32>} : memref<1280x32xf32, #tpu.memory_space<vmem>>, vector<1x16xf32>,
      %get3A_1495 = vector.shape_cast %get3A_1494 : vector<1x16xf32> to vector<16xf32>
      %add3A_1496 = arith.addf %add3A_1482, %get3A_1495 : vector<16xf32>
      %add3A_1497 = arith.constant 12 : i32
      %add3A_1498 = arith.addi %mul3A_1328, %add3A_1497 : i32
      %get3A_1499 = arith.index_cast %add3A_1498 : i32 to index
      %get3A_1500 = arith.constant 16 : index
      %get3A_1501 = tpu.vector_load %arg7[%get3A_1499, %get3A_1500] {strides = array<i32>} : memref<1280x32xf32, #tpu.memory_space<vmem>>, vector<1x16xf32>,
      %get3A_1502 = vector.shape_cast %get3A_1501 : vector<1x16xf32> to vector<16xf32>
      %add3A_1503 = arith.addf %add3A_1489, %get3A_1502 : vector<16xf32>
      %add3A_1504 = arith.constant 13 : i32
      %add3A_1505 = arith.addi %mul3A_1328, %add3A_1504 : i32
      %get3A_1506 = arith.index_cast %add3A_1505 : i32 to index
      %get3A_1507 = arith.constant 0 : index
      %get3A_1508 = tpu.vector_load %arg7[%get3A_1506, %get3A_1507] {strides = array<i32>} : memref<1280x32xf32, #tpu.memory_space<vmem>>, vector<1x16xf32>,
      %get3A_1509 = vector.shape_cast %get3A_1508 : vector<1x16xf32> to vector<16xf32>
      %add3A_1510 = arith.addf %add3A_1496, %get3A_1509 : vector<16xf32>
      %add3A_1511 = arith.constant 13 : i32
      %add3A_1512 = arith.addi %mul3A_1328, %add3A_1511 : i32
      %get3A_1513 = arith.index_cast %add3A_1512 : i32 to index
      %get3A_1514 = arith.constant 16 : index
      %get3A_1515 = tpu.vector_load %arg7[%get3A_1513, %get3A_1514] {strides = array<i32>} : memref<1280x32xf32, #tpu.memory_space<vmem>>, vector<1x16xf32>,
      %get3A_1516 = vector.shape_cast %get3A_1515 : vector<1x16xf32> to vector<16xf32>
      %add3A_1517 = arith.addf %add3A_1503, %get3A_1516 : vector<16xf32>
      %add3A_1518 = arith.constant 14 : i32
      %add3A_1519 = arith.addi %mul3A_1328, %add3A_1518 : i32
      %get3A_1520 = arith.index_cast %add3A_1519 : i32 to index
      %get3A_1521 = arith.constant 0 : index
      %get3A_1522 = tpu.vector_load %arg7[%get3A_1520, %get3A_1521] {strides = array<i32>} : memref<1280x32xf32, #tpu.memory_space<vmem>>, vector<1x16xf32>,
      %get3A_1523 = vector.shape_cast %get3A_1522 : vector<1x16xf32> to vector<16xf32>
      %add3A_1524 = arith.addf %add3A_1510, %get3A_1523 : vector<16xf32>
      %add3A_1525 = arith.constant 14 : i32
      %add3A_1526 = arith.addi %mul3A_1328, %add3A_1525 : i32
      %get3A_1527 = arith.index_cast %add3A_1526 : i32 to index
      %get3A_1528 = arith.constant 16 : index
      %get3A_1529 = tpu.vector_load %arg7[%get3A_1527, %get3A_1528] {strides = array<i32>} : memref<1280x32xf32, #tpu.memory_space<vmem>>, vector<1x16xf32>,
      %get3A_1530 = vector.shape_cast %get3A_1529 : vector<1x16xf32> to vector<16xf32>
      %add3A_1531 = arith.addf %add3A_1517, %get3A_1530 : vector<16xf32>
      %add3A_1532 = arith.constant 15 : i32
      %add3A_1533 = arith.addi %mul3A_1328, %add3A_1532 : i32
      %get3A_1534 = arith.index_cast %add3A_1533 : i32 to index
      %get3A_1535 = arith.constant 0 : index
      %get3A_1536 = tpu.vector_load %arg7[%get3A_1534, %get3A_1535] {strides = array<i32>} : memref<1280x32xf32, #tpu.memory_space<vmem>>, vector<1x16xf32>,
      %get3A_1537 = vector.shape_cast %get3A_1536 : vector<1x16xf32> to vector<16xf32>
      %add3A_1538 = arith.addf %add3A_1524, %get3A_1537 : vector<16xf32>
      %add3A_1539 = arith.constant 15 : i32
      %add3A_1540 = arith.addi %mul3A_1328, %add3A_1539 : i32
      %get3A_1541 = arith.index_cast %add3A_1540 : i32 to index
      %get3A_1542 = arith.constant 16 : index
      %get3A_1543 = tpu.vector_load %arg7[%get3A_1541, %get3A_1542] {strides = array<i32>} : memref<1280x32xf32, #tpu.memory_space<vmem>>, vector<1x16xf32>,
      %get3A_1544 = vector.shape_cast %get3A_1543 : vector<1x16xf32> to vector<16xf32>
      %add3A_1545 = arith.addf %add3A_1531, %get3A_1544 : vector<16xf32>
      %add3A_1546 = arith.constant 16 : i32
      %add3A_1547 = arith.addi %mul3A_1328, %add3A_1546 : i32
      %get3A_1548 = arith.index_cast %add3A_1547 : i32 to index
      %get3A_1549 = arith.constant 0 : index
      %get3A_1550 = tpu.vector_load %arg7[%get3A_1548, %get3A_1549] {strides = array<i32>} : memref<1280x32xf32, #tpu.memory_space<vmem>>, vector<1x16xf32>,
      %get3A_1551 = vector.shape_cast %get3A_1550 : vector<1x16xf32> to vector<16xf32>
      %add3A_1552 = arith.addf %add3A_1538, %get3A_1551 : vector<16xf32>
      %add3A_1553 = arith.constant 16 : i32
      %add3A_1554 = arith.addi %mul3A_1328, %add3A_1553 : i32
      %get3A_1555 = arith.index_cast %add3A_1554 : i32 to index
      %get3A_1556 = arith.constant 16 : index
      %get3A_1557 = tpu.vector_load %arg7[%get3A_1555, %get3A_1556] {strides = array<i32>} : memref<1280x32xf32, #tpu.memory_space<vmem>>, vector<1x16xf32>,
      %get3A_1558 = vector.shape_cast %get3A_1557 : vector<1x16xf32> to vector<16xf32>
      %add3A_1559 = arith.addf %add3A_1545, %get3A_1558 : vector<16xf32>
      %add3A_1560 = arith.constant 17 : i32
      %add3A_1561 = arith.addi %mul3A_1328, %add3A_1560 : i32
      %get3A_1562 = arith.index_cast %add3A_1561 : i32 to index
      %get3A_1563 = arith.constant 0 : index
      %get3A_1564 = tpu.vector_load %arg7[%get3A_1562, %get3A_1563] {strides = array<i32>} : memref<1280x32xf32, #tpu.memory_space<vmem>>, vector<1x16xf32>,
      %get3A_1565 = vector.shape_cast %get3A_1564 : vector<1x16xf32> to vector<16xf32>
      %add3A_1566 = arith.addf %add3A_1552, %get3A_1565 : vector<16xf32>
      %add3A_1567 = arith.constant 17 : i32
      %add3A_1568 = arith.addi %mul3A_1328, %add3A_1567 : i32
      %get3A_1569 = arith.index_cast %add3A_1568 : i32 to index
      %get3A_1570 = arith.constant 16 : index
      %get3A_1571 = tpu.vector_load %arg7[%get3A_1569, %get3A_1570] {strides = array<i32>} : memref<1280x32xf32, #tpu.memory_space<vmem>>, vector<1x16xf32>,
      %get3A_1572 = vector.shape_cast %get3A_1571 : vector<1x16xf32> to vector<16xf32>
      %add3A_1573 = arith.addf %add3A_1559, %get3A_1572 : vector<16xf32>
      %add3A_1574 = arith.constant 18 : i32
      %add3A_1575 = arith.addi %mul3A_1328, %add3A_1574 : i32
      %get3A_1576 = arith.index_cast %add3A_1575 : i32 to index
      %get3A_1577 = arith.constant 0 : index
      %get3A_1578 = tpu.vector_load %arg7[%get3A_1576, %get3A_1577] {strides = array<i32>} : memref<1280x32xf32, #tpu.memory_space<vmem>>, vector<1x16xf32>,
      %get3A_1579 = vector.shape_cast %get3A_1578 : vector<1x16xf32> to vector<16xf32>
      %add3A_1580 = arith.addf %add3A_1566, %get3A_1579 : vector<16xf32>
      %add3A_1581 = arith.constant 18 : i32
      %add3A_1582 = arith.addi %mul3A_1328, %add3A_1581 : i32
      %get3A_1583 = arith.index_cast %add3A_1582 : i32 to index
      %get3A_1584 = arith.constant 16 : index
      %get3A_1585 = tpu.vector_load %arg7[%get3A_1583, %get3A_1584] {strides = array<i32>} : memref<1280x32xf32, #tpu.memory_space<vmem>>, vector<1x16xf32>,
      %get3A_1586 = vector.shape_cast %get3A_1585 : vector<1x16xf32> to vector<16xf32>
      %add3A_1587 = arith.addf %add3A_1573, %get3A_1586 : vector<16xf32>
      %add3A_1588 = arith.constant 19 : i32
      %add3A_1589 = arith.addi %mul3A_1328, %add3A_1588 : i32
      %get3A_1590 = arith.index_cast %add3A_1589 : i32 to index
      %get3A_1591 = arith.constant 0 : index
      %get3A_1592 = tpu.vector_load %arg7[%get3A_1590, %get3A_1591] {strides = array<i32>} : memref<1280x32xf32, #tpu.memory_space<vmem>>, vector<1x16xf32>,
      %get3A_1593 = vector.shape_cast %get3A_1592 : vector<1x16xf32> to vector<16xf32>
      %add3A_1594 = arith.addf %add3A_1580, %get3A_1593 : vector<16xf32>
      %add3A_1595 = arith.constant 19 : i32
      %add3A_1596 = arith.addi %mul3A_1328, %add3A_1595 : i32
      %get3A_1597 = arith.index_cast %add3A_1596 : i32 to index
      %get3A_1598 = arith.constant 16 : index
      %get3A_1599 = tpu.vector_load %arg7[%get3A_1597, %get3A_1598] {strides = array<i32>} : memref<1280x32xf32, #tpu.memory_space<vmem>>, vector<1x16xf32>,
      %get3A_1600 = vector.shape_cast %get3A_1599 : vector<1x16xf32> to vector<16xf32>
      %add3A_1601 = arith.addf %add3A_1587, %get3A_1600 : vector<16xf32>
      %add3A_1602 = arith.constant 192 : i32
      %add3A_1603 = arith.addi %add3A_1602, %add3A_1326 : i32
      %swap3A = arith.index_cast %add3A_1603 : i32 to index
      %swap3A_1604 = arith.constant 0 : index
      %swap3A_1605 = tpu.vector_load %arg8[%swap3A, %swap3A_1604] {strides = array<i32>} : memref<512x32xf32, #tpu.memory_space<vmem>>, vector<1x16xf32>,
      %swap3A_1606 = vector.shape_cast %swap3A_1605 : vector<1x16xf32> to vector<16xf32>
      %swap3A_1607 = vector.shape_cast %add3A_1594 : vector<16xf32> to vector<1x16xf32>
      tpu.vector_store %arg8[%swap3A, %swap3A_1604], %swap3A_1607 {strides = array<i32>} : memref<512x32xf32, #tpu.memory_space<vmem>>, vector<1x16xf32>,
      %swap3A_1608 = arith.index_cast %add3A_1603 : i32 to index
      %swap3A_1609 = arith.constant 16 : index
      %swap3A_1610 = tpu.vector_load %arg8[%swap3A_1608, %swap3A_1609] {strides = array<i32>} : memref<512x32xf32, #tpu.memory_space<vmem>>, vector<1x16xf32>,
      %swap3A_1611 = vector.shape_cast %swap3A_1610 : vector<1x16xf32> to vector<16xf32>
      %swap3A_1612 = vector.shape_cast %add3A_1601 : vector<16xf32> to vector<1x16xf32>
      tpu.vector_store %arg8[%swap3A_1608, %swap3A_1609], %swap3A_1612 {strides = array<i32>} : memref<512x32xf32, #tpu.memory_space<vmem>>, vector<1x16xf32>,
    }
    %scan3A_741 = arith.constant 64 : i32
    %dma_wait3A_742 = arith.constant 0 : i32
    %dma_wait3A_743 = arith.constant 0 : i32
    %dma_wait3A_744 = tpu.memref_slice %arg6[%dma_wait3A_742, %dma_wait3A_743] : memref<1280x32xf32, #tpu.memory_space<vmem>> -> memref<128x32xf32, #tpu.memory_space<vmem>>
    %dma_wait3A_745 = arith.constant 5120 : i32
    %dma_wait3A_746 = tpu.memref_slice %arg5[%dma_wait3A_745] : memref<10240xi32, #tpu.memory_space<vmem>> -> memref<128xi32, #tpu.memory_space<vmem>>
    %dma_wait3A_747 = arith.constant 0 : i32
    %dma_wait3A_748 = arith.constant 0 : i32
    %dma_wait3A_749 = tpu.memref_slice %arg2[%dma_wait3A_747, %dma_wait3A_748] : memref<100000x32xf32, #tpu.memory_space<hbm>> -> memref<100000x32xf32, #tpu.memory_space<hbm>>
    tpu.wait_indirect_dma semaphore(%arg9 : memref<!tpu.dma_semaphore, #tpu.memory_space<semaphore_mem>>) src(%dma_wait3A_749 : memref<100000x32xf32, #tpu.memory_space<hbm>>) dst(%dma_wait3A_744 : memref<128x32xf32, #tpu.memory_space<vmem>>)
    %dma_wait3A_750 = arith.constant 128 : i32
    %dma_wait3A_751 = arith.constant 0 : i32
    %dma_wait3A_752 = tpu.memref_slice %arg6[%dma_wait3A_750, %dma_wait3A_751] : memref<1280x32xf32, #tpu.memory_space<vmem>> -> memref<128x32xf32, #tpu.memory_space<vmem>>
    %dma_wait3A_753 = arith.constant 5248 : i32
    %dma_wait3A_754 = tpu.memref_slice %arg5[%dma_wait3A_753] : memref<10240xi32, #tpu.memory_space<vmem>> -> memref<128xi32, #tpu.memory_space<vmem>>
    %dma_wait3A_755 = arith.constant 0 : i32
    %dma_wait3A_756 = arith.constant 0 : i32
    %dma_wait3A_757 = tpu.memref_slice %arg2[%dma_wait3A_755, %dma_wait3A_756] : memref<100000x32xf32, #tpu.memory_space<hbm>> -> memref<100000x32xf32, #tpu.memory_space<hbm>>
    tpu.wait_indirect_dma semaphore(%arg9 : memref<!tpu.dma_semaphore, #tpu.memory_space<semaphore_mem>>) src(%dma_wait3A_757 : memref<100000x32xf32, #tpu.memory_space<hbm>>) dst(%dma_wait3A_752 : memref<128x32xf32, #tpu.memory_space<vmem>>)
    %dma_wait3A_758 = arith.constant 256 : i32
    %dma_wait3A_759 = arith.constant 0 : i32
    %dma_wait3A_760 = tpu.memref_slice %arg6[%dma_wait3A_758, %dma_wait3A_759] : memref<1280x32xf32, #tpu.memory_space<vmem>> -> memref<128x32xf32, #tpu.memory_space<vmem>>
    %dma_wait3A_761 = arith.constant 5376 : i32
    %dma_wait3A_762 = tpu.memref_slice %arg5[%dma_wait3A_761] : memref<10240xi32, #tpu.memory_space<vmem>> -> memref<128xi32, #tpu.memory_space<vmem>>
    %dma_wait3A_763 = arith.constant 0 : i32
    %dma_wait3A_764 = arith.constant 0 : i32
    %dma_wait3A_765 = tpu.memref_slice %arg2[%dma_wait3A_763, %dma_wait3A_764] : memref<100000x32xf32, #tpu.memory_space<hbm>> -> memref<100000x32xf32, #tpu.memory_space<hbm>>
    tpu.wait_indirect_dma semaphore(%arg9 : memref<!tpu.dma_semaphore, #tpu.memory_space<semaphore_mem>>) src(%dma_wait3A_765 : memref<100000x32xf32, #tpu.memory_space<hbm>>) dst(%dma_wait3A_760 : memref<128x32xf32, #tpu.memory_space<vmem>>)
    %dma_wait3A_766 = arith.constant 384 : i32
    %dma_wait3A_767 = arith.constant 0 : i32
    %dma_wait3A_768 = tpu.memref_slice %arg6[%dma_wait3A_766, %dma_wait3A_767] : memref<1280x32xf32, #tpu.memory_space<vmem>> -> memref<128x32xf32, #tpu.memory_space<vmem>>
    %dma_wait3A_769 = arith.constant 5504 : i32
    %dma_wait3A_770 = tpu.memref_slice %arg5[%dma_wait3A_769] : memref<10240xi32, #tpu.memory_space<vmem>> -> memref<128xi32, #tpu.memory_space<vmem>>
    %dma_wait3A_771 = arith.constant 0 : i32
    %dma_wait3A_772 = arith.constant 0 : i32
    %dma_wait3A_773 = tpu.memref_slice %arg2[%dma_wait3A_771, %dma_wait3A_772] : memref<100000x32xf32, #tpu.memory_space<hbm>> -> memref<100000x32xf32, #tpu.memory_space<hbm>>
    tpu.wait_indirect_dma semaphore(%arg9 : memref<!tpu.dma_semaphore, #tpu.memory_space<semaphore_mem>>) src(%dma_wait3A_773 : memref<100000x32xf32, #tpu.memory_space<hbm>>) dst(%dma_wait3A_768 : memref<128x32xf32, #tpu.memory_space<vmem>>)
    %dma_wait3A_774 = arith.constant 512 : i32
    %dma_wait3A_775 = arith.constant 0 : i32
    %dma_wait3A_776 = tpu.memref_slice %arg6[%dma_wait3A_774, %dma_wait3A_775] : memref<1280x32xf32, #tpu.memory_space<vmem>> -> memref<128x32xf32, #tpu.memory_space<vmem>>
    %dma_wait3A_777 = arith.constant 5632 : i32
    %dma_wait3A_778 = tpu.memref_slice %arg5[%dma_wait3A_777] : memref<10240xi32, #tpu.memory_space<vmem>> -> memref<128xi32, #tpu.memory_space<vmem>>
    %dma_wait3A_779 = arith.constant 0 : i32
    %dma_wait3A_780 = arith.constant 0 : i32
    %dma_wait3A_781 = tpu.memref_slice %arg2[%dma_wait3A_779, %dma_wait3A_780] : memref<100000x32xf32, #tpu.memory_space<hbm>> -> memref<100000x32xf32, #tpu.memory_space<hbm>>
    tpu.wait_indirect_dma semaphore(%arg9 : memref<!tpu.dma_semaphore, #tpu.memory_space<semaphore_mem>>) src(%dma_wait3A_781 : memref<100000x32xf32, #tpu.memory_space<hbm>>) dst(%dma_wait3A_776 : memref<128x32xf32, #tpu.memory_space<vmem>>)
    %dma_wait3A_782 = arith.constant 640 : i32
    %dma_wait3A_783 = arith.constant 0 : i32
    %dma_wait3A_784 = tpu.memref_slice %arg6[%dma_wait3A_782, %dma_wait3A_783] : memref<1280x32xf32, #tpu.memory_space<vmem>> -> memref<128x32xf32, #tpu.memory_space<vmem>>
    %dma_wait3A_785 = arith.constant 5760 : i32
    %dma_wait3A_786 = tpu.memref_slice %arg5[%dma_wait3A_785] : memref<10240xi32, #tpu.memory_space<vmem>> -> memref<128xi32, #tpu.memory_space<vmem>>
    %dma_wait3A_787 = arith.constant 0 : i32
    %dma_wait3A_788 = arith.constant 0 : i32
    %dma_wait3A_789 = tpu.memref_slice %arg2[%dma_wait3A_787, %dma_wait3A_788] : memref<100000x32xf32, #tpu.memory_space<hbm>> -> memref<100000x32xf32, #tpu.memory_space<hbm>>
    tpu.wait_indirect_dma semaphore(%arg9 : memref<!tpu.dma_semaphore, #tpu.memory_space<semaphore_mem>>) src(%dma_wait3A_789 : memref<100000x32xf32, #tpu.memory_space<hbm>>) dst(%dma_wait3A_784 : memref<128x32xf32, #tpu.memory_space<vmem>>)
    %dma_wait3A_790 = arith.constant 768 : i32
    %dma_wait3A_791 = arith.constant 0 : i32
    %dma_wait3A_792 = tpu.memref_slice %arg6[%dma_wait3A_790, %dma_wait3A_791] : memref<1280x32xf32, #tpu.memory_space<vmem>> -> memref<128x32xf32, #tpu.memory_space<vmem>>
    %dma_wait3A_793 = arith.constant 5888 : i32
    %dma_wait3A_794 = tpu.memref_slice %arg5[%dma_wait3A_793] : memref<10240xi32, #tpu.memory_space<vmem>> -> memref<128xi32, #tpu.memory_space<vmem>>
    %dma_wait3A_795 = arith.constant 0 : i32
    %dma_wait3A_796 = arith.constant 0 : i32
    %dma_wait3A_797 = tpu.memref_slice %arg2[%dma_wait3A_795, %dma_wait3A_796] : memref<100000x32xf32, #tpu.memory_space<hbm>> -> memref<100000x32xf32, #tpu.memory_space<hbm>>
    tpu.wait_indirect_dma semaphore(%arg9 : memref<!tpu.dma_semaphore, #tpu.memory_space<semaphore_mem>>) src(%dma_wait3A_797 : memref<100000x32xf32, #tpu.memory_space<hbm>>) dst(%dma_wait3A_792 : memref<128x32xf32, #tpu.memory_space<vmem>>)
    %dma_wait3A_798 = arith.constant 896 : i32
    %dma_wait3A_799 = arith.constant 0 : i32
    %dma_wait3A_800 = tpu.memref_slice %arg6[%dma_wait3A_798, %dma_wait3A_799] : memref<1280x32xf32, #tpu.memory_space<vmem>> -> memref<128x32xf32, #tpu.memory_space<vmem>>
    %dma_wait3A_801 = arith.constant 6016 : i32
    %dma_wait3A_802 = tpu.memref_slice %arg5[%dma_wait3A_801] : memref<10240xi32, #tpu.memory_space<vmem>> -> memref<128xi32, #tpu.memory_space<vmem>>
    %dma_wait3A_803 = arith.constant 0 : i32
    %dma_wait3A_804 = arith.constant 0 : i32
    %dma_wait3A_805 = tpu.memref_slice %arg2[%dma_wait3A_803, %dma_wait3A_804] : memref<100000x32xf32, #tpu.memory_space<hbm>> -> memref<100000x32xf32, #tpu.memory_space<hbm>>
    tpu.wait_indirect_dma semaphore(%arg9 : memref<!tpu.dma_semaphore, #tpu.memory_space<semaphore_mem>>) src(%dma_wait3A_805 : memref<100000x32xf32, #tpu.memory_space<hbm>>) dst(%dma_wait3A_800 : memref<128x32xf32, #tpu.memory_space<vmem>>)
    %dma_wait3A_806 = arith.constant 1024 : i32
    %dma_wait3A_807 = arith.constant 0 : i32
    %dma_wait3A_808 = tpu.memref_slice %arg6[%dma_wait3A_806, %dma_wait3A_807] : memref<1280x32xf32, #tpu.memory_space<vmem>> -> memref<128x32xf32, #tpu.memory_space<vmem>>
    %dma_wait3A_809 = arith.constant 6144 : i32
    %dma_wait3A_810 = tpu.memref_slice %arg5[%dma_wait3A_809] : memref<10240xi32, #tpu.memory_space<vmem>> -> memref<128xi32, #tpu.memory_space<vmem>>
    %dma_wait3A_811 = arith.constant 0 : i32
    %dma_wait3A_812 = arith.constant 0 : i32
    %dma_wait3A_813 = tpu.memref_slice %arg2[%dma_wait3A_811, %dma_wait3A_812] : memref<100000x32xf32, #tpu.memory_space<hbm>> -> memref<100000x32xf32, #tpu.memory_space<hbm>>
    tpu.wait_indirect_dma semaphore(%arg9 : memref<!tpu.dma_semaphore, #tpu.memory_space<semaphore_mem>>) src(%dma_wait3A_813 : memref<100000x32xf32, #tpu.memory_space<hbm>>) dst(%dma_wait3A_808 : memref<128x32xf32, #tpu.memory_space<vmem>>)
    %dma_wait3A_814 = arith.constant 1152 : i32
    %dma_wait3A_815 = arith.constant 0 : i32
    %dma_wait3A_816 = tpu.memref_slice %arg6[%dma_wait3A_814, %dma_wait3A_815] : memref<1280x32xf32, #tpu.memory_space<vmem>> -> memref<128x32xf32, #tpu.memory_space<vmem>>
    %dma_wait3A_817 = arith.constant 6272 : i32
    %dma_wait3A_818 = tpu.memref_slice %arg5[%dma_wait3A_817] : memref<10240xi32, #tpu.memory_space<vmem>> -> memref<128xi32, #tpu.memory_space<vmem>>
    %dma_wait3A_819 = arith.constant 0 : i32
    %dma_wait3A_820 = arith.constant 0 : i32
    %dma_wait3A_821 = tpu.memref_slice %arg2[%dma_wait3A_819, %dma_wait3A_820] : memref<100000x32xf32, #tpu.memory_space<hbm>> -> memref<100000x32xf32, #tpu.memory_space<hbm>>
    tpu.wait_indirect_dma semaphore(%arg9 : memref<!tpu.dma_semaphore, #tpu.memory_space<semaphore_mem>>) src(%dma_wait3A_821 : memref<100000x32xf32, #tpu.memory_space<hbm>>) dst(%dma_wait3A_816 : memref<128x32xf32, #tpu.memory_space<vmem>>)
    %dma_start3A_822 = arith.constant 0 : i32
    %dma_start3A_823 = arith.constant 0 : i32
    %dma_start3A_824 = tpu.memref_slice %arg7[%dma_start3A_822, %dma_start3A_823] : memref<1280x32xf32, #tpu.memory_space<vmem>> -> memref<128x32xf32, #tpu.memory_space<vmem>>
    %dma_start3A_825 = arith.constant 6400 : i32
    %dma_start3A_826 = tpu.memref_slice %arg5[%dma_start3A_825] : memref<10240xi32, #tpu.memory_space<vmem>> -> memref<128xi32, #tpu.memory_space<vmem>>
    %dma_start3A_827 = arith.constant 0 : i32
    %dma_start3A_828 = arith.constant 0 : i32
    %dma_start3A_829 = tpu.memref_slice %arg2[%dma_start3A_827, %dma_start3A_828] : memref<100000x32xf32, #tpu.memory_space<hbm>> -> memref<100000x32xf32, #tpu.memory_space<hbm>>
    tpu.enqueue_indirect_dma source(%dma_start3A_829 : memref<100000x32xf32, #tpu.memory_space<hbm>>) target(%dma_start3A_824 : memref<128x32xf32, #tpu.memory_space<vmem>>) offsets(%dma_start3A_826 : memref<128xi32, #tpu.memory_space<vmem>>) semaphore(%arg10 : memref<!tpu.dma_semaphore, #tpu.memory_space<semaphore_mem>>)
    %dma_start3A_830 = arith.constant 128 : i32
    %dma_start3A_831 = arith.constant 0 : i32
    %dma_start3A_832 = tpu.memref_slice %arg7[%dma_start3A_830, %dma_start3A_831] : memref<1280x32xf32, #tpu.memory_space<vmem>> -> memref<128x32xf32, #tpu.memory_space<vmem>>
    %dma_start3A_833 = arith.constant 6528 : i32
    %dma_start3A_834 = tpu.memref_slice %arg5[%dma_start3A_833] : memref<10240xi32, #tpu.memory_space<vmem>> -> memref<128xi32, #tpu.memory_space<vmem>>
    %dma_start3A_835 = arith.constant 0 : i32
    %dma_start3A_836 = arith.constant 0 : i32
    %dma_start3A_837 = tpu.memref_slice %arg2[%dma_start3A_835, %dma_start3A_836] : memref<100000x32xf32, #tpu.memory_space<hbm>> -> memref<100000x32xf32, #tpu.memory_space<hbm>>
    tpu.enqueue_indirect_dma source(%dma_start3A_837 : memref<100000x32xf32, #tpu.memory_space<hbm>>) target(%dma_start3A_832 : memref<128x32xf32, #tpu.memory_space<vmem>>) offsets(%dma_start3A_834 : memref<128xi32, #tpu.memory_space<vmem>>) semaphore(%arg10 : memref<!tpu.dma_semaphore, #tpu.memory_space<semaphore_mem>>)
    %dma_start3A_838 = arith.constant 256 : i32
    %dma_start3A_839 = arith.constant 0 : i32
    %dma_start3A_840 = tpu.memref_slice %arg7[%dma_start3A_838, %dma_start3A_839] : memref<1280x32xf32, #tpu.memory_space<vmem>> -> memref<128x32xf32, #tpu.memory_space<vmem>>
    %dma_start3A_841 = arith.constant 6656 : i32
    %dma_start3A_842 = tpu.memref_slice %arg5[%dma_start3A_841] : memref<10240xi32, #tpu.memory_space<vmem>> -> memref<128xi32, #tpu.memory_space<vmem>>
    %dma_start3A_843 = arith.constant 0 : i32
    %dma_start3A_844 = arith.constant 0 : i32
    %dma_start3A_845 = tpu.memref_slice %arg2[%dma_start3A_843, %dma_start3A_844] : memref<100000x32xf32, #tpu.memory_space<hbm>> -> memref<100000x32xf32, #tpu.memory_space<hbm>>
    tpu.enqueue_indirect_dma source(%dma_start3A_845 : memref<100000x32xf32, #tpu.memory_space<hbm>>) target(%dma_start3A_840 : memref<128x32xf32, #tpu.memory_space<vmem>>) offsets(%dma_start3A_842 : memref<128xi32, #tpu.memory_space<vmem>>) semaphore(%arg10 : memref<!tpu.dma_semaphore, #tpu.memory_space<semaphore_mem>>)
    %dma_start3A_846 = arith.constant 384 : i32
    %dma_start3A_847 = arith.constant 0 : i32
    %dma_start3A_848 = tpu.memref_slice %arg7[%dma_start3A_846, %dma_start3A_847] : memref<1280x32xf32, #tpu.memory_space<vmem>> -> memref<128x32xf32, #tpu.memory_space<vmem>>
    %dma_start3A_849 = arith.constant 6784 : i32
    %dma_start3A_850 = tpu.memref_slice %arg5[%dma_start3A_849] : memref<10240xi32, #tpu.memory_space<vmem>> -> memref<128xi32, #tpu.memory_space<vmem>>
    %dma_start3A_851 = arith.constant 0 : i32
    %dma_start3A_852 = arith.constant 0 : i32
    %dma_start3A_853 = tpu.memref_slice %arg2[%dma_start3A_851, %dma_start3A_852] : memref<100000x32xf32, #tpu.memory_space<hbm>> -> memref<100000x32xf32, #tpu.memory_space<hbm>>
    tpu.enqueue_indirect_dma source(%dma_start3A_853 : memref<100000x32xf32, #tpu.memory_space<hbm>>) target(%dma_start3A_848 : memref<128x32xf32, #tpu.memory_space<vmem>>) offsets(%dma_start3A_850 : memref<128xi32, #tpu.memory_space<vmem>>) semaphore(%arg10 : memref<!tpu.dma_semaphore, #tpu.memory_space<semaphore_mem>>)
    %dma_start3A_854 = arith.constant 512 : i32
    %dma_start3A_855 = arith.constant 0 : i32
    %dma_start3A_856 = tpu.memref_slice %arg7[%dma_start3A_854, %dma_start3A_855] : memref<1280x32xf32, #tpu.memory_space<vmem>> -> memref<128x32xf32, #tpu.memory_space<vmem>>
    %dma_start3A_857 = arith.constant 6912 : i32
    %dma_start3A_858 = tpu.memref_slice %arg5[%dma_start3A_857] : memref<10240xi32, #tpu.memory_space<vmem>> -> memref<128xi32, #tpu.memory_space<vmem>>
    %dma_start3A_859 = arith.constant 0 : i32
    %dma_start3A_860 = arith.constant 0 : i32
    %dma_start3A_861 = tpu.memref_slice %arg2[%dma_start3A_859, %dma_start3A_860] : memref<100000x32xf32, #tpu.memory_space<hbm>> -> memref<100000x32xf32, #tpu.memory_space<hbm>>
    tpu.enqueue_indirect_dma source(%dma_start3A_861 : memref<100000x32xf32, #tpu.memory_space<hbm>>) target(%dma_start3A_856 : memref<128x32xf32, #tpu.memory_space<vmem>>) offsets(%dma_start3A_858 : memref<128xi32, #tpu.memory_space<vmem>>) semaphore(%arg10 : memref<!tpu.dma_semaphore, #tpu.memory_space<semaphore_mem>>)
    %dma_start3A_862 = arith.constant 640 : i32
    %dma_start3A_863 = arith.constant 0 : i32
    %dma_start3A_864 = tpu.memref_slice %arg7[%dma_start3A_862, %dma_start3A_863] : memref<1280x32xf32, #tpu.memory_space<vmem>> -> memref<128x32xf32, #tpu.memory_space<vmem>>
    %dma_start3A_865 = arith.constant 7040 : i32
    %dma_start3A_866 = tpu.memref_slice %arg5[%dma_start3A_865] : memref<10240xi32, #tpu.memory_space<vmem>> -> memref<128xi32, #tpu.memory_space<vmem>>
    %dma_start3A_867 = arith.constant 0 : i32
    %dma_start3A_868 = arith.constant 0 : i32
    %dma_start3A_869 = tpu.memref_slice %arg2[%dma_start3A_867, %dma_start3A_868] : memref<100000x32xf32, #tpu.memory_space<hbm>> -> memref<100000x32xf32, #tpu.memory_space<hbm>>
    tpu.enqueue_indirect_dma source(%dma_start3A_869 : memref<100000x32xf32, #tpu.memory_space<hbm>>) target(%dma_start3A_864 : memref<128x32xf32, #tpu.memory_space<vmem>>) offsets(%dma_start3A_866 : memref<128xi32, #tpu.memory_space<vmem>>) semaphore(%arg10 : memref<!tpu.dma_semaphore, #tpu.memory_space<semaphore_mem>>)
    %dma_start3A_870 = arith.constant 768 : i32
    %dma_start3A_871 = arith.constant 0 : i32
    %dma_start3A_872 = tpu.memref_slice %arg7[%dma_start3A_870, %dma_start3A_871] : memref<1280x32xf32, #tpu.memory_space<vmem>> -> memref<128x32xf32, #tpu.memory_space<vmem>>
    %dma_start3A_873 = arith.constant 7168 : i32
    %dma_start3A_874 = tpu.memref_slice %arg5[%dma_start3A_873] : memref<10240xi32, #tpu.memory_space<vmem>> -> memref<128xi32, #tpu.memory_space<vmem>>
    %dma_start3A_875 = arith.constant 0 : i32
    %dma_start3A_876 = arith.constant 0 : i32
    %dma_start3A_877 = tpu.memref_slice %arg2[%dma_start3A_875, %dma_start3A_876] : memref<100000x32xf32, #tpu.memory_space<hbm>> -> memref<100000x32xf32, #tpu.memory_space<hbm>>
    tpu.enqueue_indirect_dma source(%dma_start3A_877 : memref<100000x32xf32, #tpu.memory_space<hbm>>) target(%dma_start3A_872 : memref<128x32xf32, #tpu.memory_space<vmem>>) offsets(%dma_start3A_874 : memref<128xi32, #tpu.memory_space<vmem>>) semaphore(%arg10 : memref<!tpu.dma_semaphore, #tpu.memory_space<semaphore_mem>>)
    %dma_start3A_878 = arith.constant 896 : i32
    %dma_start3A_879 = arith.constant 0 : i32
    %dma_start3A_880 = tpu.memref_slice %arg7[%dma_start3A_878, %dma_start3A_879] : memref<1280x32xf32, #tpu.memory_space<vmem>> -> memref<128x32xf32, #tpu.memory_space<vmem>>
    %dma_start3A_881 = arith.constant 7296 : i32
    %dma_start3A_882 = tpu.memref_slice %arg5[%dma_start3A_881] : memref<10240xi32, #tpu.memory_space<vmem>> -> memref<128xi32, #tpu.memory_space<vmem>>
    %dma_start3A_883 = arith.constant 0 : i32
    %dma_start3A_884 = arith.constant 0 : i32
    %dma_start3A_885 = tpu.memref_slice %arg2[%dma_start3A_883, %dma_start3A_884] : memref<100000x32xf32, #tpu.memory_space<hbm>> -> memref<100000x32xf32, #tpu.memory_space<hbm>>
    tpu.enqueue_indirect_dma source(%dma_start3A_885 : memref<100000x32xf32, #tpu.memory_space<hbm>>) target(%dma_start3A_880 : memref<128x32xf32, #tpu.memory_space<vmem>>) offsets(%dma_start3A_882 : memref<128xi32, #tpu.memory_space<vmem>>) semaphore(%arg10 : memref<!tpu.dma_semaphore, #tpu.memory_space<semaphore_mem>>)
    %dma_start3A_886 = arith.constant 1024 : i32
    %dma_start3A_887 = arith.constant 0 : i32
    %dma_start3A_888 = tpu.memref_slice %arg7[%dma_start3A_886, %dma_start3A_887] : memref<1280x32xf32, #tpu.memory_space<vmem>> -> memref<128x32xf32, #tpu.memory_space<vmem>>
    %dma_start3A_889 = arith.constant 7424 : i32
    %dma_start3A_890 = tpu.memref_slice %arg5[%dma_start3A_889] : memref<10240xi32, #tpu.memory_space<vmem>> -> memref<128xi32, #tpu.memory_space<vmem>>
    %dma_start3A_891 = arith.constant 0 : i32
    %dma_start3A_892 = arith.constant 0 : i32
    %dma_start3A_893 = tpu.memref_slice %arg2[%dma_start3A_891, %dma_start3A_892] : memref<100000x32xf32, #tpu.memory_space<hbm>> -> memref<100000x32xf32, #tpu.memory_space<hbm>>
    tpu.enqueue_indirect_dma source(%dma_start3A_893 : memref<100000x32xf32, #tpu.memory_space<hbm>>) target(%dma_start3A_888 : memref<128x32xf32, #tpu.memory_space<vmem>>) offsets(%dma_start3A_890 : memref<128xi32, #tpu.memory_space<vmem>>) semaphore(%arg10 : memref<!tpu.dma_semaphore, #tpu.memory_space<semaphore_mem>>)
    %dma_start3A_894 = arith.constant 1152 : i32
    %dma_start3A_895 = arith.constant 0 : i32
    %dma_start3A_896 = tpu.memref_slice %arg7[%dma_start3A_894, %dma_start3A_895] : memref<1280x32xf32, #tpu.memory_space<vmem>> -> memref<128x32xf32, #tpu.memory_space<vmem>>
    %dma_start3A_897 = arith.constant 7552 : i32
    %dma_start3A_898 = tpu.memref_slice %arg5[%dma_start3A_897] : memref<10240xi32, #tpu.memory_space<vmem>> -> memref<128xi32, #tpu.memory_space<vmem>>
    %dma_start3A_899 = arith.constant 0 : i32
    %dma_start3A_900 = arith.constant 0 : i32
    %dma_start3A_901 = tpu.memref_slice %arg2[%dma_start3A_899, %dma_start3A_900] : memref<100000x32xf32, #tpu.memory_space<hbm>> -> memref<100000x32xf32, #tpu.memory_space<hbm>>
    tpu.enqueue_indirect_dma source(%dma_start3A_901 : memref<100000x32xf32, #tpu.memory_space<hbm>>) target(%dma_start3A_896 : memref<128x32xf32, #tpu.memory_space<vmem>>) offsets(%dma_start3A_898 : memref<128xi32, #tpu.memory_space<vmem>>) semaphore(%arg10 : memref<!tpu.dma_semaphore, #tpu.memory_space<semaphore_mem>>)
    %scan3A_902 = arith.constant 0 : i32
    %scan3A_903 = arith.constant 64 : i32
    %scan3A_904 = arith.addi %scan3A_902, %scan3A_903 : i32
    %scan3A_905 = arith.constant 1 : i32
    scf.for %scan3A_1322 = %scan3A_902 to %scan3A_904 step %scan3A_905  : i32 {
      %mul3A_1323 = arith.constant 1 : i32
      %mul3A_1324 = arith.muli %scan3A_1322, %mul3A_1323 : i32
      %add3A_1325 = arith.constant 0 : i32
      %add3A_1326 = arith.addi %add3A_1325, %mul3A_1324 : i32
      %mul3A_1327 = arith.constant 20 : i32
      %mul3A_1328 = arith.muli %add3A_1326, %mul3A_1327 : i32
      %get3A = arith.index_cast %mul3A_1328 : i32 to index
      %get3A_1329 = arith.constant 0 : index
      %get3A_1330 = tpu.vector_load %arg6[%get3A, %get3A_1329] {strides = array<i32>} : memref<1280x32xf32, #tpu.memory_space<vmem>>, vector<1x16xf32>,
      %get3A_1331 = vector.shape_cast %get3A_1330 : vector<1x16xf32> to vector<16xf32>
      %get3A_1332 = arith.index_cast %mul3A_1328 : i32 to index
      %get3A_1333 = arith.constant 16 : index
      %get3A_1334 = tpu.vector_load %arg6[%get3A_1332, %get3A_1333] {strides = array<i32>} : memref<1280x32xf32, #tpu.memory_space<vmem>>, vector<1x16xf32>,
      %get3A_1335 = vector.shape_cast %get3A_1334 : vector<1x16xf32> to vector<16xf32>
      %add3A_1336 = arith.constant 1 : i32
      %add3A_1337 = arith.addi %mul3A_1328, %add3A_1336 : i32
      %get3A_1338 = arith.index_cast %add3A_1337 : i32 to index
      %get3A_1339 = arith.constant 0 : index
      %get3A_1340 = tpu.vector_load %arg6[%get3A_1338, %get3A_1339] {strides = array<i32>} : memref<1280x32xf32, #tpu.memory_space<vmem>>, vector<1x16xf32>,
      %get3A_1341 = vector.shape_cast %get3A_1340 : vector<1x16xf32> to vector<16xf32>
      %add3A_1342 = arith.addf %get3A_1331, %get3A_1341 : vector<16xf32>
      %add3A_1343 = arith.constant 1 : i32
      %add3A_1344 = arith.addi %mul3A_1328, %add3A_1343 : i32
      %get3A_1345 = arith.index_cast %add3A_1344 : i32 to index
      %get3A_1346 = arith.constant 16 : index
      %get3A_1347 = tpu.vector_load %arg6[%get3A_1345, %get3A_1346] {strides = array<i32>} : memref<1280x32xf32, #tpu.memory_space<vmem>>, vector<1x16xf32>,
      %get3A_1348 = vector.shape_cast %get3A_1347 : vector<1x16xf32> to vector<16xf32>
      %add3A_1349 = arith.addf %get3A_1335, %get3A_1348 : vector<16xf32>
      %add3A_1350 = arith.constant 2 : i32
      %add3A_1351 = arith.addi %mul3A_1328, %add3A_1350 : i32
      %get3A_1352 = arith.index_cast %add3A_1351 : i32 to index
      %get3A_1353 = arith.constant 0 : index
      %get3A_1354 = tpu.vector_load %arg6[%get3A_1352, %get3A_1353] {strides = array<i32>} : memref<1280x32xf32, #tpu.memory_space<vmem>>, vector<1x16xf32>,
      %get3A_1355 = vector.shape_cast %get3A_1354 : vector<1x16xf32> to vector<16xf32>
      %add3A_1356 = arith.addf %add3A_1342, %get3A_1355 : vector<16xf32>
      %add3A_1357 = arith.constant 2 : i32
      %add3A_1358 = arith.addi %mul3A_1328, %add3A_1357 : i32
      %get3A_1359 = arith.index_cast %add3A_1358 : i32 to index
      %get3A_1360 = arith.constant 16 : index
      %get3A_1361 = tpu.vector_load %arg6[%get3A_1359, %get3A_1360] {strides = array<i32>} : memref<1280x32xf32, #tpu.memory_space<vmem>>, vector<1x16xf32>,
      %get3A_1362 = vector.shape_cast %get3A_1361 : vector<1x16xf32> to vector<16xf32>
      %add3A_1363 = arith.addf %add3A_1349, %get3A_1362 : vector<16xf32>
      %add3A_1364 = arith.constant 3 : i32
      %add3A_1365 = arith.addi %mul3A_1328, %add3A_1364 : i32
      %get3A_1366 = arith.index_cast %add3A_1365 : i32 to index
      %get3A_1367 = arith.constant 0 : index
      %get3A_1368 = tpu.vector_load %arg6[%get3A_1366, %get3A_1367] {strides = array<i32>} : memref<1280x32xf32, #tpu.memory_space<vmem>>, vector<1x16xf32>,
      %get3A_1369 = vector.shape_cast %get3A_1368 : vector<1x16xf32> to vector<16xf32>
      %add3A_1370 = arith.addf %add3A_1356, %get3A_1369 : vector<16xf32>
      %add3A_1371 = arith.constant 3 : i32
      %add3A_1372 = arith.addi %mul3A_1328, %add3A_1371 : i32
      %get3A_1373 = arith.index_cast %add3A_1372 : i32 to index
      %get3A_1374 = arith.constant 16 : index
      %get3A_1375 = tpu.vector_load %arg6[%get3A_1373, %get3A_1374] {strides = array<i32>} : memref<1280x32xf32, #tpu.memory_space<vmem>>, vector<1x16xf32>,
      %get3A_1376 = vector.shape_cast %get3A_1375 : vector<1x16xf32> to vector<16xf32>
      %add3A_1377 = arith.addf %add3A_1363, %get3A_1376 : vector<16xf32>
      %add3A_1378 = arith.constant 4 : i32
      %add3A_1379 = arith.addi %mul3A_1328, %add3A_1378 : i32
      %get3A_1380 = arith.index_cast %add3A_1379 : i32 to index
      %get3A_1381 = arith.constant 0 : index
      %get3A_1382 = tpu.vector_load %arg6[%get3A_1380, %get3A_1381] {strides = array<i32>} : memref<1280x32xf32, #tpu.memory_space<vmem>>, vector<1x16xf32>,
      %get3A_1383 = vector.shape_cast %get3A_1382 : vector<1x16xf32> to vector<16xf32>
      %add3A_1384 = arith.addf %add3A_1370, %get3A_1383 : vector<16xf32>
      %add3A_1385 = arith.constant 4 : i32
      %add3A_1386 = arith.addi %mul3A_1328, %add3A_1385 : i32
      %get3A_1387 = arith.index_cast %add3A_1386 : i32 to index
      %get3A_1388 = arith.constant 16 : index
      %get3A_1389 = tpu.vector_load %arg6[%get3A_1387, %get3A_1388] {strides = array<i32>} : memref<1280x32xf32, #tpu.memory_space<vmem>>, vector<1x16xf32>,
      %get3A_1390 = vector.shape_cast %get3A_1389 : vector<1x16xf32> to vector<16xf32>
      %add3A_1391 = arith.addf %add3A_1377, %get3A_1390 : vector<16xf32>
      %add3A_1392 = arith.constant 5 : i32
      %add3A_1393 = arith.addi %mul3A_1328, %add3A_1392 : i32
      %get3A_1394 = arith.index_cast %add3A_1393 : i32 to index
      %get3A_1395 = arith.constant 0 : index
      %get3A_1396 = tpu.vector_load %arg6[%get3A_1394, %get3A_1395] {strides = array<i32>} : memref<1280x32xf32, #tpu.memory_space<vmem>>, vector<1x16xf32>,
      %get3A_1397 = vector.shape_cast %get3A_1396 : vector<1x16xf32> to vector<16xf32>
      %add3A_1398 = arith.addf %add3A_1384, %get3A_1397 : vector<16xf32>
      %add3A_1399 = arith.constant 5 : i32
      %add3A_1400 = arith.addi %mul3A_1328, %add3A_1399 : i32
      %get3A_1401 = arith.index_cast %add3A_1400 : i32 to index
      %get3A_1402 = arith.constant 16 : index
      %get3A_1403 = tpu.vector_load %arg6[%get3A_1401, %get3A_1402] {strides = array<i32>} : memref<1280x32xf32, #tpu.memory_space<vmem>>, vector<1x16xf32>,
      %get3A_1404 = vector.shape_cast %get3A_1403 : vector<1x16xf32> to vector<16xf32>
      %add3A_1405 = arith.addf %add3A_1391, %get3A_1404 : vector<16xf32>
      %add3A_1406 = arith.constant 6 : i32
      %add3A_1407 = arith.addi %mul3A_1328, %add3A_1406 : i32
      %get3A_1408 = arith.index_cast %add3A_1407 : i32 to index
      %get3A_1409 = arith.constant 0 : index
      %get3A_1410 = tpu.vector_load %arg6[%get3A_1408, %get3A_1409] {strides = array<i32>} : memref<1280x32xf32, #tpu.memory_space<vmem>>, vector<1x16xf32>,
      %get3A_1411 = vector.shape_cast %get3A_1410 : vector<1x16xf32> to vector<16xf32>
      %add3A_1412 = arith.addf %add3A_1398, %get3A_1411 : vector<16xf32>
      %add3A_1413 = arith.constant 6 : i32
      %add3A_1414 = arith.addi %mul3A_1328, %add3A_1413 : i32
      %get3A_1415 = arith.index_cast %add3A_1414 : i32 to index
      %get3A_1416 = arith.constant 16 : index
      %get3A_1417 = tpu.vector_load %arg6[%get3A_1415, %get3A_1416] {strides = array<i32>} : memref<1280x32xf32, #tpu.memory_space<vmem>>, vector<1x16xf32>,
      %get3A_1418 = vector.shape_cast %get3A_1417 : vector<1x16xf32> to vector<16xf32>
      %add3A_1419 = arith.addf %add3A_1405, %get3A_1418 : vector<16xf32>
      %add3A_1420 = arith.constant 7 : i32
      %add3A_1421 = arith.addi %mul3A_1328, %add3A_1420 : i32
      %get3A_1422 = arith.index_cast %add3A_1421 : i32 to index
      %get3A_1423 = arith.constant 0 : index
      %get3A_1424 = tpu.vector_load %arg6[%get3A_1422, %get3A_1423] {strides = array<i32>} : memref<1280x32xf32, #tpu.memory_space<vmem>>, vector<1x16xf32>,
      %get3A_1425 = vector.shape_cast %get3A_1424 : vector<1x16xf32> to vector<16xf32>
      %add3A_1426 = arith.addf %add3A_1412, %get3A_1425 : vector<16xf32>
      %add3A_1427 = arith.constant 7 : i32
      %add3A_1428 = arith.addi %mul3A_1328, %add3A_1427 : i32
      %get3A_1429 = arith.index_cast %add3A_1428 : i32 to index
      %get3A_1430 = arith.constant 16 : index
      %get3A_1431 = tpu.vector_load %arg6[%get3A_1429, %get3A_1430] {strides = array<i32>} : memref<1280x32xf32, #tpu.memory_space<vmem>>, vector<1x16xf32>,
      %get3A_1432 = vector.shape_cast %get3A_1431 : vector<1x16xf32> to vector<16xf32>
      %add3A_1433 = arith.addf %add3A_1419, %get3A_1432 : vector<16xf32>
      %add3A_1434 = arith.constant 8 : i32
      %add3A_1435 = arith.addi %mul3A_1328, %add3A_1434 : i32
      %get3A_1436 = arith.index_cast %add3A_1435 : i32 to index
      %get3A_1437 = arith.constant 0 : index
      %get3A_1438 = tpu.vector_load %arg6[%get3A_1436, %get3A_1437] {strides = array<i32>} : memref<1280x32xf32, #tpu.memory_space<vmem>>, vector<1x16xf32>,
      %get3A_1439 = vector.shape_cast %get3A_1438 : vector<1x16xf32> to vector<16xf32>
      %add3A_1440 = arith.addf %add3A_1426, %get3A_1439 : vector<16xf32>
      %add3A_1441 = arith.constant 8 : i32
      %add3A_1442 = arith.addi %mul3A_1328, %add3A_1441 : i32
      %get3A_1443 = arith.index_cast %add3A_1442 : i32 to index
      %get3A_1444 = arith.constant 16 : index
      %get3A_1445 = tpu.vector_load %arg6[%get3A_1443, %get3A_1444] {strides = array<i32>} : memref<1280x32xf32, #tpu.memory_space<vmem>>, vector<1x16xf32>,
      %get3A_1446 = vector.shape_cast %get3A_1445 : vector<1x16xf32> to vector<16xf32>
      %add3A_1447 = arith.addf %add3A_1433, %get3A_1446 : vector<16xf32>
      %add3A_1448 = arith.constant 9 : i32
      %add3A_1449 = arith.addi %mul3A_1328, %add3A_1448 : i32
      %get3A_1450 = arith.index_cast %add3A_1449 : i32 to index
      %get3A_1451 = arith.constant 0 : index
      %get3A_1452 = tpu.vector_load %arg6[%get3A_1450, %get3A_1451] {strides = array<i32>} : memref<1280x32xf32, #tpu.memory_space<vmem>>, vector<1x16xf32>,
      %get3A_1453 = vector.shape_cast %get3A_1452 : vector<1x16xf32> to vector<16xf32>
      %add3A_1454 = arith.addf %add3A_1440, %get3A_1453 : vector<16xf32>
      %add3A_1455 = arith.constant 9 : i32
      %add3A_1456 = arith.addi %mul3A_1328, %add3A_1455 : i32
      %get3A_1457 = arith.index_cast %add3A_1456 : i32 to index
      %get3A_1458 = arith.constant 16 : index
      %get3A_1459 = tpu.vector_load %arg6[%get3A_1457, %get3A_1458] {strides = array<i32>} : memref<1280x32xf32, #tpu.memory_space<vmem>>, vector<1x16xf32>,
      %get3A_1460 = vector.shape_cast %get3A_1459 : vector<1x16xf32> to vector<16xf32>
      %add3A_1461 = arith.addf %add3A_1447, %get3A_1460 : vector<16xf32>
      %add3A_1462 = arith.constant 10 : i32
      %add3A_1463 = arith.addi %mul3A_1328, %add3A_1462 : i32
      %get3A_1464 = arith.index_cast %add3A_1463 : i32 to index
      %get3A_1465 = arith.constant 0 : index
      %get3A_1466 = tpu.vector_load %arg6[%get3A_1464, %get3A_1465] {strides = array<i32>} : memref<1280x32xf32, #tpu.memory_space<vmem>>, vector<1x16xf32>,
      %get3A_1467 = vector.shape_cast %get3A_1466 : vector<1x16xf32> to vector<16xf32>
      %add3A_1468 = arith.addf %add3A_1454, %get3A_1467 : vector<16xf32>
      %add3A_1469 = arith.constant 10 : i32
      %add3A_1470 = arith.addi %mul3A_1328, %add3A_1469 : i32
      %get3A_1471 = arith.index_cast %add3A_1470 : i32 to index
      %get3A_1472 = arith.constant 16 : index
      %get3A_1473 = tpu.vector_load %arg6[%get3A_1471, %get3A_1472] {strides = array<i32>} : memref<1280x32xf32, #tpu.memory_space<vmem>>, vector<1x16xf32>,
      %get3A_1474 = vector.shape_cast %get3A_1473 : vector<1x16xf32> to vector<16xf32>
      %add3A_1475 = arith.addf %add3A_1461, %get3A_1474 : vector<16xf32>
      %add3A_1476 = arith.constant 11 : i32
      %add3A_1477 = arith.addi %mul3A_1328, %add3A_1476 : i32
      %get3A_1478 = arith.index_cast %add3A_1477 : i32 to index
      %get3A_1479 = arith.constant 0 : index
      %get3A_1480 = tpu.vector_load %arg6[%get3A_1478, %get3A_1479] {strides = array<i32>} : memref<1280x32xf32, #tpu.memory_space<vmem>>, vector<1x16xf32>,
      %get3A_1481 = vector.shape_cast %get3A_1480 : vector<1x16xf32> to vector<16xf32>
      %add3A_1482 = arith.addf %add3A_1468, %get3A_1481 : vector<16xf32>
      %add3A_1483 = arith.constant 11 : i32
      %add3A_1484 = arith.addi %mul3A_1328, %add3A_1483 : i32
      %get3A_1485 = arith.index_cast %add3A_1484 : i32 to index
      %get3A_1486 = arith.constant 16 : index
      %get3A_1487 = tpu.vector_load %arg6[%get3A_1485, %get3A_1486] {strides = array<i32>} : memref<1280x32xf32, #tpu.memory_space<vmem>>, vector<1x16xf32>,
      %get3A_1488 = vector.shape_cast %get3A_1487 : vector<1x16xf32> to vector<16xf32>
      %add3A_1489 = arith.addf %add3A_1475, %get3A_1488 : vector<16xf32>
      %add3A_1490 = arith.constant 12 : i32
      %add3A_1491 = arith.addi %mul3A_1328, %add3A_1490 : i32
      %get3A_1492 = arith.index_cast %add3A_1491 : i32 to index
      %get3A_1493 = arith.constant 0 : index
      %get3A_1494 = tpu.vector_load %arg6[%get3A_1492, %get3A_1493] {strides = array<i32>} : memref<1280x32xf32, #tpu.memory_space<vmem>>, vector<1x16xf32>,
      %get3A_1495 = vector.shape_cast %get3A_1494 : vector<1x16xf32> to vector<16xf32>
      %add3A_1496 = arith.addf %add3A_1482, %get3A_1495 : vector<16xf32>
      %add3A_1497 = arith.constant 12 : i32
      %add3A_1498 = arith.addi %mul3A_1328, %add3A_1497 : i32
      %get3A_1499 = arith.index_cast %add3A_1498 : i32 to index
      %get3A_1500 = arith.constant 16 : index
      %get3A_1501 = tpu.vector_load %arg6[%get3A_1499, %get3A_1500] {strides = array<i32>} : memref<1280x32xf32, #tpu.memory_space<vmem>>, vector<1x16xf32>,
      %get3A_1502 = vector.shape_cast %get3A_1501 : vector<1x16xf32> to vector<16xf32>
      %add3A_1503 = arith.addf %add3A_1489, %get3A_1502 : vector<16xf32>
      %add3A_1504 = arith.constant 13 : i32
      %add3A_1505 = arith.addi %mul3A_1328, %add3A_1504 : i32
      %get3A_1506 = arith.index_cast %add3A_1505 : i32 to index
      %get3A_1507 = arith.constant 0 : index
      %get3A_1508 = tpu.vector_load %arg6[%get3A_1506, %get3A_1507] {strides = array<i32>} : memref<1280x32xf32, #tpu.memory_space<vmem>>, vector<1x16xf32>,
      %get3A_1509 = vector.shape_cast %get3A_1508 : vector<1x16xf32> to vector<16xf32>
      %add3A_1510 = arith.addf %add3A_1496, %get3A_1509 : vector<16xf32>
      %add3A_1511 = arith.constant 13 : i32
      %add3A_1512 = arith.addi %mul3A_1328, %add3A_1511 : i32
      %get3A_1513 = arith.index_cast %add3A_1512 : i32 to index
      %get3A_1514 = arith.constant 16 : index
      %get3A_1515 = tpu.vector_load %arg6[%get3A_1513, %get3A_1514] {strides = array<i32>} : memref<1280x32xf32, #tpu.memory_space<vmem>>, vector<1x16xf32>,
      %get3A_1516 = vector.shape_cast %get3A_1515 : vector<1x16xf32> to vector<16xf32>
      %add3A_1517 = arith.addf %add3A_1503, %get3A_1516 : vector<16xf32>
      %add3A_1518 = arith.constant 14 : i32
      %add3A_1519 = arith.addi %mul3A_1328, %add3A_1518 : i32
      %get3A_1520 = arith.index_cast %add3A_1519 : i32 to index
      %get3A_1521 = arith.constant 0 : index
      %get3A_1522 = tpu.vector_load %arg6[%get3A_1520, %get3A_1521] {strides = array<i32>} : memref<1280x32xf32, #tpu.memory_space<vmem>>, vector<1x16xf32>,
      %get3A_1523 = vector.shape_cast %get3A_1522 : vector<1x16xf32> to vector<16xf32>
      %add3A_1524 = arith.addf %add3A_1510, %get3A_1523 : vector<16xf32>
      %add3A_1525 = arith.constant 14 : i32
      %add3A_1526 = arith.addi %mul3A_1328, %add3A_1525 : i32
      %get3A_1527 = arith.index_cast %add3A_1526 : i32 to index
      %get3A_1528 = arith.constant 16 : index
      %get3A_1529 = tpu.vector_load %arg6[%get3A_1527, %get3A_1528] {strides = array<i32>} : memref<1280x32xf32, #tpu.memory_space<vmem>>, vector<1x16xf32>,
      %get3A_1530 = vector.shape_cast %get3A_1529 : vector<1x16xf32> to vector<16xf32>
      %add3A_1531 = arith.addf %add3A_1517, %get3A_1530 : vector<16xf32>
      %add3A_1532 = arith.constant 15 : i32
      %add3A_1533 = arith.addi %mul3A_1328, %add3A_1532 : i32
      %get3A_1534 = arith.index_cast %add3A_1533 : i32 to index
      %get3A_1535 = arith.constant 0 : index
      %get3A_1536 = tpu.vector_load %arg6[%get3A_1534, %get3A_1535] {strides = array<i32>} : memref<1280x32xf32, #tpu.memory_space<vmem>>, vector<1x16xf32>,
      %get3A_1537 = vector.shape_cast %get3A_1536 : vector<1x16xf32> to vector<16xf32>
      %add3A_1538 = arith.addf %add3A_1524, %get3A_1537 : vector<16xf32>
      %add3A_1539 = arith.constant 15 : i32
      %add3A_1540 = arith.addi %mul3A_1328, %add3A_1539 : i32
      %get3A_1541 = arith.index_cast %add3A_1540 : i32 to index
      %get3A_1542 = arith.constant 16 : index
      %get3A_1543 = tpu.vector_load %arg6[%get3A_1541, %get3A_1542] {strides = array<i32>} : memref<1280x32xf32, #tpu.memory_space<vmem>>, vector<1x16xf32>,
      %get3A_1544 = vector.shape_cast %get3A_1543 : vector<1x16xf32> to vector<16xf32>
      %add3A_1545 = arith.addf %add3A_1531, %get3A_1544 : vector<16xf32>
      %add3A_1546 = arith.constant 16 : i32
      %add3A_1547 = arith.addi %mul3A_1328, %add3A_1546 : i32
      %get3A_1548 = arith.index_cast %add3A_1547 : i32 to index
      %get3A_1549 = arith.constant 0 : index
      %get3A_1550 = tpu.vector_load %arg6[%get3A_1548, %get3A_1549] {strides = array<i32>} : memref<1280x32xf32, #tpu.memory_space<vmem>>, vector<1x16xf32>,
      %get3A_1551 = vector.shape_cast %get3A_1550 : vector<1x16xf32> to vector<16xf32>
      %add3A_1552 = arith.addf %add3A_1538, %get3A_1551 : vector<16xf32>
      %add3A_1553 = arith.constant 16 : i32
      %add3A_1554 = arith.addi %mul3A_1328, %add3A_1553 : i32
      %get3A_1555 = arith.index_cast %add3A_1554 : i32 to index
      %get3A_1556 = arith.constant 16 : index
      %get3A_1557 = tpu.vector_load %arg6[%get3A_1555, %get3A_1556] {strides = array<i32>} : memref<1280x32xf32, #tpu.memory_space<vmem>>, vector<1x16xf32>,
      %get3A_1558 = vector.shape_cast %get3A_1557 : vector<1x16xf32> to vector<16xf32>
      %add3A_1559 = arith.addf %add3A_1545, %get3A_1558 : vector<16xf32>
      %add3A_1560 = arith.constant 17 : i32
      %add3A_1561 = arith.addi %mul3A_1328, %add3A_1560 : i32
      %get3A_1562 = arith.index_cast %add3A_1561 : i32 to index
      %get3A_1563 = arith.constant 0 : index
      %get3A_1564 = tpu.vector_load %arg6[%get3A_1562, %get3A_1563] {strides = array<i32>} : memref<1280x32xf32, #tpu.memory_space<vmem>>, vector<1x16xf32>,
      %get3A_1565 = vector.shape_cast %get3A_1564 : vector<1x16xf32> to vector<16xf32>
      %add3A_1566 = arith.addf %add3A_1552, %get3A_1565 : vector<16xf32>
      %add3A_1567 = arith.constant 17 : i32
      %add3A_1568 = arith.addi %mul3A_1328, %add3A_1567 : i32
      %get3A_1569 = arith.index_cast %add3A_1568 : i32 to index
      %get3A_1570 = arith.constant 16 : index
      %get3A_1571 = tpu.vector_load %arg6[%get3A_1569, %get3A_1570] {strides = array<i32>} : memref<1280x32xf32, #tpu.memory_space<vmem>>, vector<1x16xf32>,
      %get3A_1572 = vector.shape_cast %get3A_1571 : vector<1x16xf32> to vector<16xf32>
      %add3A_1573 = arith.addf %add3A_1559, %get3A_1572 : vector<16xf32>
      %add3A_1574 = arith.constant 18 : i32
      %add3A_1575 = arith.addi %mul3A_1328, %add3A_1574 : i32
      %get3A_1576 = arith.index_cast %add3A_1575 : i32 to index
      %get3A_1577 = arith.constant 0 : index
      %get3A_1578 = tpu.vector_load %arg6[%get3A_1576, %get3A_1577] {strides = array<i32>} : memref<1280x32xf32, #tpu.memory_space<vmem>>, vector<1x16xf32>,
      %get3A_1579 = vector.shape_cast %get3A_1578 : vector<1x16xf32> to vector<16xf32>
      %add3A_1580 = arith.addf %add3A_1566, %get3A_1579 : vector<16xf32>
      %add3A_1581 = arith.constant 18 : i32
      %add3A_1582 = arith.addi %mul3A_1328, %add3A_1581 : i32
      %get3A_1583 = arith.index_cast %add3A_1582 : i32 to index
      %get3A_1584 = arith.constant 16 : index
      %get3A_1585 = tpu.vector_load %arg6[%get3A_1583, %get3A_1584] {strides = array<i32>} : memref<1280x32xf32, #tpu.memory_space<vmem>>, vector<1x16xf32>,
      %get3A_1586 = vector.shape_cast %get3A_1585 : vector<1x16xf32> to vector<16xf32>
      %add3A_1587 = arith.addf %add3A_1573, %get3A_1586 : vector<16xf32>
      %add3A_1588 = arith.constant 19 : i32
      %add3A_1589 = arith.addi %mul3A_1328, %add3A_1588 : i32
      %get3A_1590 = arith.index_cast %add3A_1589 : i32 to index
      %get3A_1591 = arith.constant 0 : index
      %get3A_1592 = tpu.vector_load %arg6[%get3A_1590, %get3A_1591] {strides = array<i32>} : memref<1280x32xf32, #tpu.memory_space<vmem>>, vector<1x16xf32>,
      %get3A_1593 = vector.shape_cast %get3A_1592 : vector<1x16xf32> to vector<16xf32>
      %add3A_1594 = arith.addf %add3A_1580, %get3A_1593 : vector<16xf32>
      %add3A_1595 = arith.constant 19 : i32
      %add3A_1596 = arith.addi %mul3A_1328, %add3A_1595 : i32
      %get3A_1597 = arith.index_cast %add3A_1596 : i32 to index
      %get3A_1598 = arith.constant 16 : index
      %get3A_1599 = tpu.vector_load %arg6[%get3A_1597, %get3A_1598] {strides = array<i32>} : memref<1280x32xf32, #tpu.memory_space<vmem>>, vector<1x16xf32>,
      %get3A_1600 = vector.shape_cast %get3A_1599 : vector<1x16xf32> to vector<16xf32>
      %add3A_1601 = arith.addf %add3A_1587, %get3A_1600 : vector<16xf32>
      %add3A_1602 = arith.constant 256 : i32
      %add3A_1603 = arith.addi %add3A_1602, %add3A_1326 : i32
      %swap3A = arith.index_cast %add3A_1603 : i32 to index
      %swap3A_1604 = arith.constant 0 : index
      %swap3A_1605 = tpu.vector_load %arg8[%swap3A, %swap3A_1604] {strides = array<i32>} : memref<512x32xf32, #tpu.memory_space<vmem>>, vector<1x16xf32>,
      %swap3A_1606 = vector.shape_cast %swap3A_1605 : vector<1x16xf32> to vector<16xf32>
      %swap3A_1607 = vector.shape_cast %add3A_1594 : vector<16xf32> to vector<1x16xf32>
      tpu.vector_store %arg8[%swap3A, %swap3A_1604], %swap3A_1607 {strides = array<i32>} : memref<512x32xf32, #tpu.memory_space<vmem>>, vector<1x16xf32>,
      %swap3A_1608 = arith.index_cast %add3A_1603 : i32 to index
      %swap3A_1609 = arith.constant 16 : index
      %swap3A_1610 = tpu.vector_load %arg8[%swap3A_1608, %swap3A_1609] {strides = array<i32>} : memref<512x32xf32, #tpu.memory_space<vmem>>, vector<1x16xf32>,
      %swap3A_1611 = vector.shape_cast %swap3A_1610 : vector<1x16xf32> to vector<16xf32>
      %swap3A_1612 = vector.shape_cast %add3A_1601 : vector<16xf32> to vector<1x16xf32>
      tpu.vector_store %arg8[%swap3A_1608, %swap3A_1609], %swap3A_1612 {strides = array<i32>} : memref<512x32xf32, #tpu.memory_space<vmem>>, vector<1x16xf32>,
    }
    %scan3A_906 = arith.constant 64 : i32
    %dma_wait3A_907 = arith.constant 0 : i32
    %dma_wait3A_908 = arith.constant 0 : i32
    %dma_wait3A_909 = tpu.memref_slice %arg7[%dma_wait3A_907, %dma_wait3A_908] : memref<1280x32xf32, #tpu.memory_space<vmem>> -> memref<128x32xf32, #tpu.memory_space<vmem>>
    %dma_wait3A_910 = arith.constant 6400 : i32
    %dma_wait3A_911 = tpu.memref_slice %arg5[%dma_wait3A_910] : memref<10240xi32, #tpu.memory_space<vmem>> -> memref<128xi32, #tpu.memory_space<vmem>>
    %dma_wait3A_912 = arith.constant 0 : i32
    %dma_wait3A_913 = arith.constant 0 : i32
    %dma_wait3A_914 = tpu.memref_slice %arg2[%dma_wait3A_912, %dma_wait3A_913] : memref<100000x32xf32, #tpu.memory_space<hbm>> -> memref<100000x32xf32, #tpu.memory_space<hbm>>
    tpu.wait_indirect_dma semaphore(%arg10 : memref<!tpu.dma_semaphore, #tpu.memory_space<semaphore_mem>>) src(%dma_wait3A_914 : memref<100000x32xf32, #tpu.memory_space<hbm>>) dst(%dma_wait3A_909 : memref<128x32xf32, #tpu.memory_space<vmem>>)
    %dma_wait3A_915 = arith.constant 128 : i32
    %dma_wait3A_916 = arith.constant 0 : i32
    %dma_wait3A_917 = tpu.memref_slice %arg7[%dma_wait3A_915, %dma_wait3A_916] : memref<1280x32xf32, #tpu.memory_space<vmem>> -> memref<128x32xf32, #tpu.memory_space<vmem>>
    %dma_wait3A_918 = arith.constant 6528 : i32
    %dma_wait3A_919 = tpu.memref_slice %arg5[%dma_wait3A_918] : memref<10240xi32, #tpu.memory_space<vmem>> -> memref<128xi32, #tpu.memory_space<vmem>>
    %dma_wait3A_920 = arith.constant 0 : i32
    %dma_wait3A_921 = arith.constant 0 : i32
    %dma_wait3A_922 = tpu.memref_slice %arg2[%dma_wait3A_920, %dma_wait3A_921] : memref<100000x32xf32, #tpu.memory_space<hbm>> -> memref<100000x32xf32, #tpu.memory_space<hbm>>
    tpu.wait_indirect_dma semaphore(%arg10 : memref<!tpu.dma_semaphore, #tpu.memory_space<semaphore_mem>>) src(%dma_wait3A_922 : memref<100000x32xf32, #tpu.memory_space<hbm>>) dst(%dma_wait3A_917 : memref<128x32xf32, #tpu.memory_space<vmem>>)
    %dma_wait3A_923 = arith.constant 256 : i32
    %dma_wait3A_924 = arith.constant 0 : i32
    %dma_wait3A_925 = tpu.memref_slice %arg7[%dma_wait3A_923, %dma_wait3A_924] : memref<1280x32xf32, #tpu.memory_space<vmem>> -> memref<128x32xf32, #tpu.memory_space<vmem>>
    %dma_wait3A_926 = arith.constant 6656 : i32
    %dma_wait3A_927 = tpu.memref_slice %arg5[%dma_wait3A_926] : memref<10240xi32, #tpu.memory_space<vmem>> -> memref<128xi32, #tpu.memory_space<vmem>>
    %dma_wait3A_928 = arith.constant 0 : i32
    %dma_wait3A_929 = arith.constant 0 : i32
    %dma_wait3A_930 = tpu.memref_slice %arg2[%dma_wait3A_928, %dma_wait3A_929] : memref<100000x32xf32, #tpu.memory_space<hbm>> -> memref<100000x32xf32, #tpu.memory_space<hbm>>
    tpu.wait_indirect_dma semaphore(%arg10 : memref<!tpu.dma_semaphore, #tpu.memory_space<semaphore_mem>>) src(%dma_wait3A_930 : memref<100000x32xf32, #tpu.memory_space<hbm>>) dst(%dma_wait3A_925 : memref<128x32xf32, #tpu.memory_space<vmem>>)
    %dma_wait3A_931 = arith.constant 384 : i32
    %dma_wait3A_932 = arith.constant 0 : i32
    %dma_wait3A_933 = tpu.memref_slice %arg7[%dma_wait3A_931, %dma_wait3A_932] : memref<1280x32xf32, #tpu.memory_space<vmem>> -> memref<128x32xf32, #tpu.memory_space<vmem>>
    %dma_wait3A_934 = arith.constant 6784 : i32
    %dma_wait3A_935 = tpu.memref_slice %arg5[%dma_wait3A_934] : memref<10240xi32, #tpu.memory_space<vmem>> -> memref<128xi32, #tpu.memory_space<vmem>>
    %dma_wait3A_936 = arith.constant 0 : i32
    %dma_wait3A_937 = arith.constant 0 : i32
    %dma_wait3A_938 = tpu.memref_slice %arg2[%dma_wait3A_936, %dma_wait3A_937] : memref<100000x32xf32, #tpu.memory_space<hbm>> -> memref<100000x32xf32, #tpu.memory_space<hbm>>
    tpu.wait_indirect_dma semaphore(%arg10 : memref<!tpu.dma_semaphore, #tpu.memory_space<semaphore_mem>>) src(%dma_wait3A_938 : memref<100000x32xf32, #tpu.memory_space<hbm>>) dst(%dma_wait3A_933 : memref<128x32xf32, #tpu.memory_space<vmem>>)
    %dma_wait3A_939 = arith.constant 512 : i32
    %dma_wait3A_940 = arith.constant 0 : i32
    %dma_wait3A_941 = tpu.memref_slice %arg7[%dma_wait3A_939, %dma_wait3A_940] : memref<1280x32xf32, #tpu.memory_space<vmem>> -> memref<128x32xf32, #tpu.memory_space<vmem>>
    %dma_wait3A_942 = arith.constant 6912 : i32
    %dma_wait3A_943 = tpu.memref_slice %arg5[%dma_wait3A_942] : memref<10240xi32, #tpu.memory_space<vmem>> -> memref<128xi32, #tpu.memory_space<vmem>>
    %dma_wait3A_944 = arith.constant 0 : i32
    %dma_wait3A_945 = arith.constant 0 : i32
    %dma_wait3A_946 = tpu.memref_slice %arg2[%dma_wait3A_944, %dma_wait3A_945] : memref<100000x32xf32, #tpu.memory_space<hbm>> -> memref<100000x32xf32, #tpu.memory_space<hbm>>
    tpu.wait_indirect_dma semaphore(%arg10 : memref<!tpu.dma_semaphore, #tpu.memory_space<semaphore_mem>>) src(%dma_wait3A_946 : memref<100000x32xf32, #tpu.memory_space<hbm>>) dst(%dma_wait3A_941 : memref<128x32xf32, #tpu.memory_space<vmem>>)
    %dma_wait3A_947 = arith.constant 640 : i32
    %dma_wait3A_948 = arith.constant 0 : i32
    %dma_wait3A_949 = tpu.memref_slice %arg7[%dma_wait3A_947, %dma_wait3A_948] : memref<1280x32xf32, #tpu.memory_space<vmem>> -> memref<128x32xf32, #tpu.memory_space<vmem>>
    %dma_wait3A_950 = arith.constant 7040 : i32
    %dma_wait3A_951 = tpu.memref_slice %arg5[%dma_wait3A_950] : memref<10240xi32, #tpu.memory_space<vmem>> -> memref<128xi32, #tpu.memory_space<vmem>>
    %dma_wait3A_952 = arith.constant 0 : i32
    %dma_wait3A_953 = arith.constant 0 : i32
    %dma_wait3A_954 = tpu.memref_slice %arg2[%dma_wait3A_952, %dma_wait3A_953] : memref<100000x32xf32, #tpu.memory_space<hbm>> -> memref<100000x32xf32, #tpu.memory_space<hbm>>
    tpu.wait_indirect_dma semaphore(%arg10 : memref<!tpu.dma_semaphore, #tpu.memory_space<semaphore_mem>>) src(%dma_wait3A_954 : memref<100000x32xf32, #tpu.memory_space<hbm>>) dst(%dma_wait3A_949 : memref<128x32xf32, #tpu.memory_space<vmem>>)
    %dma_wait3A_955 = arith.constant 768 : i32
    %dma_wait3A_956 = arith.constant 0 : i32
    %dma_wait3A_957 = tpu.memref_slice %arg7[%dma_wait3A_955, %dma_wait3A_956] : memref<1280x32xf32, #tpu.memory_space<vmem>> -> memref<128x32xf32, #tpu.memory_space<vmem>>
    %dma_wait3A_958 = arith.constant 7168 : i32
    %dma_wait3A_959 = tpu.memref_slice %arg5[%dma_wait3A_958] : memref<10240xi32, #tpu.memory_space<vmem>> -> memref<128xi32, #tpu.memory_space<vmem>>
    %dma_wait3A_960 = arith.constant 0 : i32
    %dma_wait3A_961 = arith.constant 0 : i32
    %dma_wait3A_962 = tpu.memref_slice %arg2[%dma_wait3A_960, %dma_wait3A_961] : memref<100000x32xf32, #tpu.memory_space<hbm>> -> memref<100000x32xf32, #tpu.memory_space<hbm>>
    tpu.wait_indirect_dma semaphore(%arg10 : memref<!tpu.dma_semaphore, #tpu.memory_space<semaphore_mem>>) src(%dma_wait3A_962 : memref<100000x32xf32, #tpu.memory_space<hbm>>) dst(%dma_wait3A_957 : memref<128x32xf32, #tpu.memory_space<vmem>>)
    %dma_wait3A_963 = arith.constant 896 : i32
    %dma_wait3A_964 = arith.constant 0 : i32
    %dma_wait3A_965 = tpu.memref_slice %arg7[%dma_wait3A_963, %dma_wait3A_964] : memref<1280x32xf32, #tpu.memory_space<vmem>> -> memref<128x32xf32, #tpu.memory_space<vmem>>
    %dma_wait3A_966 = arith.constant 7296 : i32
    %dma_wait3A_967 = tpu.memref_slice %arg5[%dma_wait3A_966] : memref<10240xi32, #tpu.memory_space<vmem>> -> memref<128xi32, #tpu.memory_space<vmem>>
    %dma_wait3A_968 = arith.constant 0 : i32
    %dma_wait3A_969 = arith.constant 0 : i32
    %dma_wait3A_970 = tpu.memref_slice %arg2[%dma_wait3A_968, %dma_wait3A_969] : memref<100000x32xf32, #tpu.memory_space<hbm>> -> memref<100000x32xf32, #tpu.memory_space<hbm>>
    tpu.wait_indirect_dma semaphore(%arg10 : memref<!tpu.dma_semaphore, #tpu.memory_space<semaphore_mem>>) src(%dma_wait3A_970 : memref<100000x32xf32, #tpu.memory_space<hbm>>) dst(%dma_wait3A_965 : memref<128x32xf32, #tpu.memory_space<vmem>>)
    %dma_wait3A_971 = arith.constant 1024 : i32
    %dma_wait3A_972 = arith.constant 0 : i32
    %dma_wait3A_973 = tpu.memref_slice %arg7[%dma_wait3A_971, %dma_wait3A_972] : memref<1280x32xf32, #tpu.memory_space<vmem>> -> memref<128x32xf32, #tpu.memory_space<vmem>>
    %dma_wait3A_974 = arith.constant 7424 : i32
    %dma_wait3A_975 = tpu.memref_slice %arg5[%dma_wait3A_974] : memref<10240xi32, #tpu.memory_space<vmem>> -> memref<128xi32, #tpu.memory_space<vmem>>
    %dma_wait3A_976 = arith.constant 0 : i32
    %dma_wait3A_977 = arith.constant 0 : i32
    %dma_wait3A_978 = tpu.memref_slice %arg2[%dma_wait3A_976, %dma_wait3A_977] : memref<100000x32xf32, #tpu.memory_space<hbm>> -> memref<100000x32xf32, #tpu.memory_space<hbm>>
    tpu.wait_indirect_dma semaphore(%arg10 : memref<!tpu.dma_semaphore, #tpu.memory_space<semaphore_mem>>) src(%dma_wait3A_978 : memref<100000x32xf32, #tpu.memory_space<hbm>>) dst(%dma_wait3A_973 : memref<128x32xf32, #tpu.memory_space<vmem>>)
    %dma_wait3A_979 = arith.constant 1152 : i32
    %dma_wait3A_980 = arith.constant 0 : i32
    %dma_wait3A_981 = tpu.memref_slice %arg7[%dma_wait3A_979, %dma_wait3A_980] : memref<1280x32xf32, #tpu.memory_space<vmem>> -> memref<128x32xf32, #tpu.memory_space<vmem>>
    %dma_wait3A_982 = arith.constant 7552 : i32
    %dma_wait3A_983 = tpu.memref_slice %arg5[%dma_wait3A_982] : memref<10240xi32, #tpu.memory_space<vmem>> -> memref<128xi32, #tpu.memory_space<vmem>>
    %dma_wait3A_984 = arith.constant 0 : i32
    %dma_wait3A_985 = arith.constant 0 : i32
    %dma_wait3A_986 = tpu.memref_slice %arg2[%dma_wait3A_984, %dma_wait3A_985] : memref<100000x32xf32, #tpu.memory_space<hbm>> -> memref<100000x32xf32, #tpu.memory_space<hbm>>
    tpu.wait_indirect_dma semaphore(%arg10 : memref<!tpu.dma_semaphore, #tpu.memory_space<semaphore_mem>>) src(%dma_wait3A_986 : memref<100000x32xf32, #tpu.memory_space<hbm>>) dst(%dma_wait3A_981 : memref<128x32xf32, #tpu.memory_space<vmem>>)
    %dma_start3A_987 = arith.constant 0 : i32
    %dma_start3A_988 = arith.constant 0 : i32
    %dma_start3A_989 = tpu.memref_slice %arg6[%dma_start3A_987, %dma_start3A_988] : memref<1280x32xf32, #tpu.memory_space<vmem>> -> memref<128x32xf32, #tpu.memory_space<vmem>>
    %dma_start3A_990 = arith.constant 7680 : i32
    %dma_start3A_991 = tpu.memref_slice %arg5[%dma_start3A_990] : memref<10240xi32, #tpu.memory_space<vmem>> -> memref<128xi32, #tpu.memory_space<vmem>>
    %dma_start3A_992 = arith.constant 0 : i32
    %dma_start3A_993 = arith.constant 0 : i32
    %dma_start3A_994 = tpu.memref_slice %arg2[%dma_start3A_992, %dma_start3A_993] : memref<100000x32xf32, #tpu.memory_space<hbm>> -> memref<100000x32xf32, #tpu.memory_space<hbm>>
    tpu.enqueue_indirect_dma source(%dma_start3A_994 : memref<100000x32xf32, #tpu.memory_space<hbm>>) target(%dma_start3A_989 : memref<128x32xf32, #tpu.memory_space<vmem>>) offsets(%dma_start3A_991 : memref<128xi32, #tpu.memory_space<vmem>>) semaphore(%arg9 : memref<!tpu.dma_semaphore, #tpu.memory_space<semaphore_mem>>)
    %dma_start3A_995 = arith.constant 128 : i32
    %dma_start3A_996 = arith.constant 0 : i32
    %dma_start3A_997 = tpu.memref_slice %arg6[%dma_start3A_995, %dma_start3A_996] : memref<1280x32xf32, #tpu.memory_space<vmem>> -> memref<128x32xf32, #tpu.memory_space<vmem>>
    %dma_start3A_998 = arith.constant 7808 : i32
    %dma_start3A_999 = tpu.memref_slice %arg5[%dma_start3A_998] : memref<10240xi32, #tpu.memory_space<vmem>> -> memref<128xi32, #tpu.memory_space<vmem>>
    %dma_start3A_1000 = arith.constant 0 : i32
    %dma_start3A_1001 = arith.constant 0 : i32
    %dma_start3A_1002 = tpu.memref_slice %arg2[%dma_start3A_1000, %dma_start3A_1001] : memref<100000x32xf32, #tpu.memory_space<hbm>> -> memref<100000x32xf32, #tpu.memory_space<hbm>>
    tpu.enqueue_indirect_dma source(%dma_start3A_1002 : memref<100000x32xf32, #tpu.memory_space<hbm>>) target(%dma_start3A_997 : memref<128x32xf32, #tpu.memory_space<vmem>>) offsets(%dma_start3A_999 : memref<128xi32, #tpu.memory_space<vmem>>) semaphore(%arg9 : memref<!tpu.dma_semaphore, #tpu.memory_space<semaphore_mem>>)
    %dma_start3A_1003 = arith.constant 256 : i32
    %dma_start3A_1004 = arith.constant 0 : i32
    %dma_start3A_1005 = tpu.memref_slice %arg6[%dma_start3A_1003, %dma_start3A_1004] : memref<1280x32xf32, #tpu.memory_space<vmem>> -> memref<128x32xf32, #tpu.memory_space<vmem>>
    %dma_start3A_1006 = arith.constant 7936 : i32
    %dma_start3A_1007 = tpu.memref_slice %arg5[%dma_start3A_1006] : memref<10240xi32, #tpu.memory_space<vmem>> -> memref<128xi32, #tpu.memory_space<vmem>>
    %dma_start3A_1008 = arith.constant 0 : i32
    %dma_start3A_1009 = arith.constant 0 : i32
    %dma_start3A_1010 = tpu.memref_slice %arg2[%dma_start3A_1008, %dma_start3A_1009] : memref<100000x32xf32, #tpu.memory_space<hbm>> -> memref<100000x32xf32, #tpu.memory_space<hbm>>
    tpu.enqueue_indirect_dma source(%dma_start3A_1010 : memref<100000x32xf32, #tpu.memory_space<hbm>>) target(%dma_start3A_1005 : memref<128x32xf32, #tpu.memory_space<vmem>>) offsets(%dma_start3A_1007 : memref<128xi32, #tpu.memory_space<vmem>>) semaphore(%arg9 : memref<!tpu.dma_semaphore, #tpu.memory_space<semaphore_mem>>)
    %dma_start3A_1011 = arith.constant 384 : i32
    %dma_start3A_1012 = arith.constant 0 : i32
    %dma_start3A_1013 = tpu.memref_slice %arg6[%dma_start3A_1011, %dma_start3A_1012] : memref<1280x32xf32, #tpu.memory_space<vmem>> -> memref<128x32xf32, #tpu.memory_space<vmem>>
    %dma_start3A_1014 = arith.constant 8064 : i32
    %dma_start3A_1015 = tpu.memref_slice %arg5[%dma_start3A_1014] : memref<10240xi32, #tpu.memory_space<vmem>> -> memref<128xi32, #tpu.memory_space<vmem>>
    %dma_start3A_1016 = arith.constant 0 : i32
    %dma_start3A_1017 = arith.constant 0 : i32
    %dma_start3A_1018 = tpu.memref_slice %arg2[%dma_start3A_1016, %dma_start3A_1017] : memref<100000x32xf32, #tpu.memory_space<hbm>> -> memref<100000x32xf32, #tpu.memory_space<hbm>>
    tpu.enqueue_indirect_dma source(%dma_start3A_1018 : memref<100000x32xf32, #tpu.memory_space<hbm>>) target(%dma_start3A_1013 : memref<128x32xf32, #tpu.memory_space<vmem>>) offsets(%dma_start3A_1015 : memref<128xi32, #tpu.memory_space<vmem>>) semaphore(%arg9 : memref<!tpu.dma_semaphore, #tpu.memory_space<semaphore_mem>>)
    %dma_start3A_1019 = arith.constant 512 : i32
    %dma_start3A_1020 = arith.constant 0 : i32
    %dma_start3A_1021 = tpu.memref_slice %arg6[%dma_start3A_1019, %dma_start3A_1020] : memref<1280x32xf32, #tpu.memory_space<vmem>> -> memref<128x32xf32, #tpu.memory_space<vmem>>
    %dma_start3A_1022 = arith.constant 8192 : i32
    %dma_start3A_1023 = tpu.memref_slice %arg5[%dma_start3A_1022] : memref<10240xi32, #tpu.memory_space<vmem>> -> memref<128xi32, #tpu.memory_space<vmem>>
    %dma_start3A_1024 = arith.constant 0 : i32
    %dma_start3A_1025 = arith.constant 0 : i32
    %dma_start3A_1026 = tpu.memref_slice %arg2[%dma_start3A_1024, %dma_start3A_1025] : memref<100000x32xf32, #tpu.memory_space<hbm>> -> memref<100000x32xf32, #tpu.memory_space<hbm>>
    tpu.enqueue_indirect_dma source(%dma_start3A_1026 : memref<100000x32xf32, #tpu.memory_space<hbm>>) target(%dma_start3A_1021 : memref<128x32xf32, #tpu.memory_space<vmem>>) offsets(%dma_start3A_1023 : memref<128xi32, #tpu.memory_space<vmem>>) semaphore(%arg9 : memref<!tpu.dma_semaphore, #tpu.memory_space<semaphore_mem>>)
    %dma_start3A_1027 = arith.constant 640 : i32
    %dma_start3A_1028 = arith.constant 0 : i32
    %dma_start3A_1029 = tpu.memref_slice %arg6[%dma_start3A_1027, %dma_start3A_1028] : memref<1280x32xf32, #tpu.memory_space<vmem>> -> memref<128x32xf32, #tpu.memory_space<vmem>>
    %dma_start3A_1030 = arith.constant 8320 : i32
    %dma_start3A_1031 = tpu.memref_slice %arg5[%dma_start3A_1030] : memref<10240xi32, #tpu.memory_space<vmem>> -> memref<128xi32, #tpu.memory_space<vmem>>
    %dma_start3A_1032 = arith.constant 0 : i32
    %dma_start3A_1033 = arith.constant 0 : i32
    %dma_start3A_1034 = tpu.memref_slice %arg2[%dma_start3A_1032, %dma_start3A_1033] : memref<100000x32xf32, #tpu.memory_space<hbm>> -> memref<100000x32xf32, #tpu.memory_space<hbm>>
    tpu.enqueue_indirect_dma source(%dma_start3A_1034 : memref<100000x32xf32, #tpu.memory_space<hbm>>) target(%dma_start3A_1029 : memref<128x32xf32, #tpu.memory_space<vmem>>) offsets(%dma_start3A_1031 : memref<128xi32, #tpu.memory_space<vmem>>) semaphore(%arg9 : memref<!tpu.dma_semaphore, #tpu.memory_space<semaphore_mem>>)
    %dma_start3A_1035 = arith.constant 768 : i32
    %dma_start3A_1036 = arith.constant 0 : i32
    %dma_start3A_1037 = tpu.memref_slice %arg6[%dma_start3A_1035, %dma_start3A_1036] : memref<1280x32xf32, #tpu.memory_space<vmem>> -> memref<128x32xf32, #tpu.memory_space<vmem>>
    %dma_start3A_1038 = arith.constant 8448 : i32
    %dma_start3A_1039 = tpu.memref_slice %arg5[%dma_start3A_1038] : memref<10240xi32, #tpu.memory_space<vmem>> -> memref<128xi32, #tpu.memory_space<vmem>>
    %dma_start3A_1040 = arith.constant 0 : i32
    %dma_start3A_1041 = arith.constant 0 : i32
    %dma_start3A_1042 = tpu.memref_slice %arg2[%dma_start3A_1040, %dma_start3A_1041] : memref<100000x32xf32, #tpu.memory_space<hbm>> -> memref<100000x32xf32, #tpu.memory_space<hbm>>
    tpu.enqueue_indirect_dma source(%dma_start3A_1042 : memref<100000x32xf32, #tpu.memory_space<hbm>>) target(%dma_start3A_1037 : memref<128x32xf32, #tpu.memory_space<vmem>>) offsets(%dma_start3A_1039 : memref<128xi32, #tpu.memory_space<vmem>>) semaphore(%arg9 : memref<!tpu.dma_semaphore, #tpu.memory_space<semaphore_mem>>)
    %dma_start3A_1043 = arith.constant 896 : i32
    %dma_start3A_1044 = arith.constant 0 : i32
    %dma_start3A_1045 = tpu.memref_slice %arg6[%dma_start3A_1043, %dma_start3A_1044] : memref<1280x32xf32, #tpu.memory_space<vmem>> -> memref<128x32xf32, #tpu.memory_space<vmem>>
    %dma_start3A_1046 = arith.constant 8576 : i32
    %dma_start3A_1047 = tpu.memref_slice %arg5[%dma_start3A_1046] : memref<10240xi32, #tpu.memory_space<vmem>> -> memref<128xi32, #tpu.memory_space<vmem>>
    %dma_start3A_1048 = arith.constant 0 : i32
    %dma_start3A_1049 = arith.constant 0 : i32
    %dma_start3A_1050 = tpu.memref_slice %arg2[%dma_start3A_1048, %dma_start3A_1049] : memref<100000x32xf32, #tpu.memory_space<hbm>> -> memref<100000x32xf32, #tpu.memory_space<hbm>>
    tpu.enqueue_indirect_dma source(%dma_start3A_1050 : memref<100000x32xf32, #tpu.memory_space<hbm>>) target(%dma_start3A_1045 : memref<128x32xf32, #tpu.memory_space<vmem>>) offsets(%dma_start3A_1047 : memref<128xi32, #tpu.memory_space<vmem>>) semaphore(%arg9 : memref<!tpu.dma_semaphore, #tpu.memory_space<semaphore_mem>>)
    %dma_start3A_1051 = arith.constant 1024 : i32
    %dma_start3A_1052 = arith.constant 0 : i32
    %dma_start3A_1053 = tpu.memref_slice %arg6[%dma_start3A_1051, %dma_start3A_1052] : memref<1280x32xf32, #tpu.memory_space<vmem>> -> memref<128x32xf32, #tpu.memory_space<vmem>>
    %dma_start3A_1054 = arith.constant 8704 : i32
    %dma_start3A_1055 = tpu.memref_slice %arg5[%dma_start3A_1054] : memref<10240xi32, #tpu.memory_space<vmem>> -> memref<128xi32, #tpu.memory_space<vmem>>
    %dma_start3A_1056 = arith.constant 0 : i32
    %dma_start3A_1057 = arith.constant 0 : i32
    %dma_start3A_1058 = tpu.memref_slice %arg2[%dma_start3A_1056, %dma_start3A_1057] : memref<100000x32xf32, #tpu.memory_space<hbm>> -> memref<100000x32xf32, #tpu.memory_space<hbm>>
    tpu.enqueue_indirect_dma source(%dma_start3A_1058 : memref<100000x32xf32, #tpu.memory_space<hbm>>) target(%dma_start3A_1053 : memref<128x32xf32, #tpu.memory_space<vmem>>) offsets(%dma_start3A_1055 : memref<128xi32, #tpu.memory_space<vmem>>) semaphore(%arg9 : memref<!tpu.dma_semaphore, #tpu.memory_space<semaphore_mem>>)
    %dma_start3A_1059 = arith.constant 1152 : i32
    %dma_start3A_1060 = arith.constant 0 : i32
    %dma_start3A_1061 = tpu.memref_slice %arg6[%dma_start3A_1059, %dma_start3A_1060] : memref<1280x32xf32, #tpu.memory_space<vmem>> -> memref<128x32xf32, #tpu.memory_space<vmem>>
    %dma_start3A_1062 = arith.constant 8832 : i32
    %dma_start3A_1063 = tpu.memref_slice %arg5[%dma_start3A_1062] : memref<10240xi32, #tpu.memory_space<vmem>> -> memref<128xi32, #tpu.memory_space<vmem>>
    %dma_start3A_1064 = arith.constant 0 : i32
    %dma_start3A_1065 = arith.constant 0 : i32
    %dma_start3A_1066 = tpu.memref_slice %arg2[%dma_start3A_1064, %dma_start3A_1065] : memref<100000x32xf32, #tpu.memory_space<hbm>> -> memref<100000x32xf32, #tpu.memory_space<hbm>>
    tpu.enqueue_indirect_dma source(%dma_start3A_1066 : memref<100000x32xf32, #tpu.memory_space<hbm>>) target(%dma_start3A_1061 : memref<128x32xf32, #tpu.memory_space<vmem>>) offsets(%dma_start3A_1063 : memref<128xi32, #tpu.memory_space<vmem>>) semaphore(%arg9 : memref<!tpu.dma_semaphore, #tpu.memory_space<semaphore_mem>>)
    %scan3A_1067 = arith.constant 0 : i32
    %scan3A_1068 = arith.constant 64 : i32
    %scan3A_1069 = arith.addi %scan3A_1067, %scan3A_1068 : i32
    %scan3A_1070 = arith.constant 1 : i32
    scf.for %scan3A_1322 = %scan3A_1067 to %scan3A_1069 step %scan3A_1070  : i32 {
      %mul3A_1323 = arith.constant 1 : i32
      %mul3A_1324 = arith.muli %scan3A_1322, %mul3A_1323 : i32
      %add3A_1325 = arith.constant 0 : i32
      %add3A_1326 = arith.addi %add3A_1325, %mul3A_1324 : i32
      %mul3A_1327 = arith.constant 20 : i32
      %mul3A_1328 = arith.muli %add3A_1326, %mul3A_1327 : i32
      %get3A = arith.index_cast %mul3A_1328 : i32 to index
      %get3A_1329 = arith.constant 0 : index
      %get3A_1330 = tpu.vector_load %arg7[%get3A, %get3A_1329] {strides = array<i32>} : memref<1280x32xf32, #tpu.memory_space<vmem>>, vector<1x16xf32>,
      %get3A_1331 = vector.shape_cast %get3A_1330 : vector<1x16xf32> to vector<16xf32>
      %get3A_1332 = arith.index_cast %mul3A_1328 : i32 to index
      %get3A_1333 = arith.constant 16 : index
      %get3A_1334 = tpu.vector_load %arg7[%get3A_1332, %get3A_1333] {strides = array<i32>} : memref<1280x32xf32, #tpu.memory_space<vmem>>, vector<1x16xf32>,
      %get3A_1335 = vector.shape_cast %get3A_1334 : vector<1x16xf32> to vector<16xf32>
      %add3A_1336 = arith.constant 1 : i32
      %add3A_1337 = arith.addi %mul3A_1328, %add3A_1336 : i32
      %get3A_1338 = arith.index_cast %add3A_1337 : i32 to index
      %get3A_1339 = arith.constant 0 : index
      %get3A_1340 = tpu.vector_load %arg7[%get3A_1338, %get3A_1339] {strides = array<i32>} : memref<1280x32xf32, #tpu.memory_space<vmem>>, vector<1x16xf32>,
      %get3A_1341 = vector.shape_cast %get3A_1340 : vector<1x16xf32> to vector<16xf32>
      %add3A_1342 = arith.addf %get3A_1331, %get3A_1341 : vector<16xf32>
      %add3A_1343 = arith.constant 1 : i32
      %add3A_1344 = arith.addi %mul3A_1328, %add3A_1343 : i32
      %get3A_1345 = arith.index_cast %add3A_1344 : i32 to index
      %get3A_1346 = arith.constant 16 : index
      %get3A_1347 = tpu.vector_load %arg7[%get3A_1345, %get3A_1346] {strides = array<i32>} : memref<1280x32xf32, #tpu.memory_space<vmem>>, vector<1x16xf32>,
      %get3A_1348 = vector.shape_cast %get3A_1347 : vector<1x16xf32> to vector<16xf32>
      %add3A_1349 = arith.addf %get3A_1335, %get3A_1348 : vector<16xf32>
      %add3A_1350 = arith.constant 2 : i32
      %add3A_1351 = arith.addi %mul3A_1328, %add3A_1350 : i32
      %get3A_1352 = arith.index_cast %add3A_1351 : i32 to index
      %get3A_1353 = arith.constant 0 : index
      %get3A_1354 = tpu.vector_load %arg7[%get3A_1352, %get3A_1353] {strides = array<i32>} : memref<1280x32xf32, #tpu.memory_space<vmem>>, vector<1x16xf32>,
      %get3A_1355 = vector.shape_cast %get3A_1354 : vector<1x16xf32> to vector<16xf32>
      %add3A_1356 = arith.addf %add3A_1342, %get3A_1355 : vector<16xf32>
      %add3A_1357 = arith.constant 2 : i32
      %add3A_1358 = arith.addi %mul3A_1328, %add3A_1357 : i32
      %get3A_1359 = arith.index_cast %add3A_1358 : i32 to index
      %get3A_1360 = arith.constant 16 : index
      %get3A_1361 = tpu.vector_load %arg7[%get3A_1359, %get3A_1360] {strides = array<i32>} : memref<1280x32xf32, #tpu.memory_space<vmem>>, vector<1x16xf32>,
      %get3A_1362 = vector.shape_cast %get3A_1361 : vector<1x16xf32> to vector<16xf32>
      %add3A_1363 = arith.addf %add3A_1349, %get3A_1362 : vector<16xf32>
      %add3A_1364 = arith.constant 3 : i32
      %add3A_1365 = arith.addi %mul3A_1328, %add3A_1364 : i32
      %get3A_1366 = arith.index_cast %add3A_1365 : i32 to index
      %get3A_1367 = arith.constant 0 : index
      %get3A_1368 = tpu.vector_load %arg7[%get3A_1366, %get3A_1367] {strides = array<i32>} : memref<1280x32xf32, #tpu.memory_space<vmem>>, vector<1x16xf32>,
      %get3A_1369 = vector.shape_cast %get3A_1368 : vector<1x16xf32> to vector<16xf32>
      %add3A_1370 = arith.addf %add3A_1356, %get3A_1369 : vector<16xf32>
      %add3A_1371 = arith.constant 3 : i32
      %add3A_1372 = arith.addi %mul3A_1328, %add3A_1371 : i32
      %get3A_1373 = arith.index_cast %add3A_1372 : i32 to index
      %get3A_1374 = arith.constant 16 : index
      %get3A_1375 = tpu.vector_load %arg7[%get3A_1373, %get3A_1374] {strides = array<i32>} : memref<1280x32xf32, #tpu.memory_space<vmem>>, vector<1x16xf32>,
      %get3A_1376 = vector.shape_cast %get3A_1375 : vector<1x16xf32> to vector<16xf32>
      %add3A_1377 = arith.addf %add3A_1363, %get3A_1376 : vector<16xf32>
      %add3A_1378 = arith.constant 4 : i32
      %add3A_1379 = arith.addi %mul3A_1328, %add3A_1378 : i32
      %get3A_1380 = arith.index_cast %add3A_1379 : i32 to index
      %get3A_1381 = arith.constant 0 : index
      %get3A_1382 = tpu.vector_load %arg7[%get3A_1380, %get3A_1381] {strides = array<i32>} : memref<1280x32xf32, #tpu.memory_space<vmem>>, vector<1x16xf32>,
      %get3A_1383 = vector.shape_cast %get3A_1382 : vector<1x16xf32> to vector<16xf32>
      %add3A_1384 = arith.addf %add3A_1370, %get3A_1383 : vector<16xf32>
      %add3A_1385 = arith.constant 4 : i32
      %add3A_1386 = arith.addi %mul3A_1328, %add3A_1385 : i32
      %get3A_1387 = arith.index_cast %add3A_1386 : i32 to index
      %get3A_1388 = arith.constant 16 : index
      %get3A_1389 = tpu.vector_load %arg7[%get3A_1387, %get3A_1388] {strides = array<i32>} : memref<1280x32xf32, #tpu.memory_space<vmem>>, vector<1x16xf32>,
      %get3A_1390 = vector.shape_cast %get3A_1389 : vector<1x16xf32> to vector<16xf32>
      %add3A_1391 = arith.addf %add3A_1377, %get3A_1390 : vector<16xf32>
      %add3A_1392 = arith.constant 5 : i32
      %add3A_1393 = arith.addi %mul3A_1328, %add3A_1392 : i32
      %get3A_1394 = arith.index_cast %add3A_1393 : i32 to index
      %get3A_1395 = arith.constant 0 : index
      %get3A_1396 = tpu.vector_load %arg7[%get3A_1394, %get3A_1395] {strides = array<i32>} : memref<1280x32xf32, #tpu.memory_space<vmem>>, vector<1x16xf32>,
      %get3A_1397 = vector.shape_cast %get3A_1396 : vector<1x16xf32> to vector<16xf32>
      %add3A_1398 = arith.addf %add3A_1384, %get3A_1397 : vector<16xf32>
      %add3A_1399 = arith.constant 5 : i32
      %add3A_1400 = arith.addi %mul3A_1328, %add3A_1399 : i32
      %get3A_1401 = arith.index_cast %add3A_1400 : i32 to index
      %get3A_1402 = arith.constant 16 : index
      %get3A_1403 = tpu.vector_load %arg7[%get3A_1401, %get3A_1402] {strides = array<i32>} : memref<1280x32xf32, #tpu.memory_space<vmem>>, vector<1x16xf32>,
      %get3A_1404 = vector.shape_cast %get3A_1403 : vector<1x16xf32> to vector<16xf32>
      %add3A_1405 = arith.addf %add3A_1391, %get3A_1404 : vector<16xf32>
      %add3A_1406 = arith.constant 6 : i32
      %add3A_1407 = arith.addi %mul3A_1328, %add3A_1406 : i32
      %get3A_1408 = arith.index_cast %add3A_1407 : i32 to index
      %get3A_1409 = arith.constant 0 : index
      %get3A_1410 = tpu.vector_load %arg7[%get3A_1408, %get3A_1409] {strides = array<i32>} : memref<1280x32xf32, #tpu.memory_space<vmem>>, vector<1x16xf32>,
      %get3A_1411 = vector.shape_cast %get3A_1410 : vector<1x16xf32> to vector<16xf32>
      %add3A_1412 = arith.addf %add3A_1398, %get3A_1411 : vector<16xf32>
      %add3A_1413 = arith.constant 6 : i32
      %add3A_1414 = arith.addi %mul3A_1328, %add3A_1413 : i32
      %get3A_1415 = arith.index_cast %add3A_1414 : i32 to index
      %get3A_1416 = arith.constant 16 : index
      %get3A_1417 = tpu.vector_load %arg7[%get3A_1415, %get3A_1416] {strides = array<i32>} : memref<1280x32xf32, #tpu.memory_space<vmem>>, vector<1x16xf32>,
      %get3A_1418 = vector.shape_cast %get3A_1417 : vector<1x16xf32> to vector<16xf32>
      %add3A_1419 = arith.addf %add3A_1405, %get3A_1418 : vector<16xf32>
      %add3A_1420 = arith.constant 7 : i32
      %add3A_1421 = arith.addi %mul3A_1328, %add3A_1420 : i32
      %get3A_1422 = arith.index_cast %add3A_1421 : i32 to index
      %get3A_1423 = arith.constant 0 : index
      %get3A_1424 = tpu.vector_load %arg7[%get3A_1422, %get3A_1423] {strides = array<i32>} : memref<1280x32xf32, #tpu.memory_space<vmem>>, vector<1x16xf32>,
      %get3A_1425 = vector.shape_cast %get3A_1424 : vector<1x16xf32> to vector<16xf32>
      %add3A_1426 = arith.addf %add3A_1412, %get3A_1425 : vector<16xf32>
      %add3A_1427 = arith.constant 7 : i32
      %add3A_1428 = arith.addi %mul3A_1328, %add3A_1427 : i32
      %get3A_1429 = arith.index_cast %add3A_1428 : i32 to index
      %get3A_1430 = arith.constant 16 : index
      %get3A_1431 = tpu.vector_load %arg7[%get3A_1429, %get3A_1430] {strides = array<i32>} : memref<1280x32xf32, #tpu.memory_space<vmem>>, vector<1x16xf32>,
      %get3A_1432 = vector.shape_cast %get3A_1431 : vector<1x16xf32> to vector<16xf32>
      %add3A_1433 = arith.addf %add3A_1419, %get3A_1432 : vector<16xf32>
      %add3A_1434 = arith.constant 8 : i32
      %add3A_1435 = arith.addi %mul3A_1328, %add3A_1434 : i32
      %get3A_1436 = arith.index_cast %add3A_1435 : i32 to index
      %get3A_1437 = arith.constant 0 : index
      %get3A_1438 = tpu.vector_load %arg7[%get3A_1436, %get3A_1437] {strides = array<i32>} : memref<1280x32xf32, #tpu.memory_space<vmem>>, vector<1x16xf32>,
      %get3A_1439 = vector.shape_cast %get3A_1438 : vector<1x16xf32> to vector<16xf32>
      %add3A_1440 = arith.addf %add3A_1426, %get3A_1439 : vector<16xf32>
      %add3A_1441 = arith.constant 8 : i32
      %add3A_1442 = arith.addi %mul3A_1328, %add3A_1441 : i32
      %get3A_1443 = arith.index_cast %add3A_1442 : i32 to index
      %get3A_1444 = arith.constant 16 : index
      %get3A_1445 = tpu.vector_load %arg7[%get3A_1443, %get3A_1444] {strides = array<i32>} : memref<1280x32xf32, #tpu.memory_space<vmem>>, vector<1x16xf32>,
      %get3A_1446 = vector.shape_cast %get3A_1445 : vector<1x16xf32> to vector<16xf32>
      %add3A_1447 = arith.addf %add3A_1433, %get3A_1446 : vector<16xf32>
      %add3A_1448 = arith.constant 9 : i32
      %add3A_1449 = arith.addi %mul3A_1328, %add3A_1448 : i32
      %get3A_1450 = arith.index_cast %add3A_1449 : i32 to index
      %get3A_1451 = arith.constant 0 : index
      %get3A_1452 = tpu.vector_load %arg7[%get3A_1450, %get3A_1451] {strides = array<i32>} : memref<1280x32xf32, #tpu.memory_space<vmem>>, vector<1x16xf32>,
      %get3A_1453 = vector.shape_cast %get3A_1452 : vector<1x16xf32> to vector<16xf32>
      %add3A_1454 = arith.addf %add3A_1440, %get3A_1453 : vector<16xf32>
      %add3A_1455 = arith.constant 9 : i32
      %add3A_1456 = arith.addi %mul3A_1328, %add3A_1455 : i32
      %get3A_1457 = arith.index_cast %add3A_1456 : i32 to index
      %get3A_1458 = arith.constant 16 : index
      %get3A_1459 = tpu.vector_load %arg7[%get3A_1457, %get3A_1458] {strides = array<i32>} : memref<1280x32xf32, #tpu.memory_space<vmem>>, vector<1x16xf32>,
      %get3A_1460 = vector.shape_cast %get3A_1459 : vector<1x16xf32> to vector<16xf32>
      %add3A_1461 = arith.addf %add3A_1447, %get3A_1460 : vector<16xf32>
      %add3A_1462 = arith.constant 10 : i32
      %add3A_1463 = arith.addi %mul3A_1328, %add3A_1462 : i32
      %get3A_1464 = arith.index_cast %add3A_1463 : i32 to index
      %get3A_1465 = arith.constant 0 : index
      %get3A_1466 = tpu.vector_load %arg7[%get3A_1464, %get3A_1465] {strides = array<i32>} : memref<1280x32xf32, #tpu.memory_space<vmem>>, vector<1x16xf32>,
      %get3A_1467 = vector.shape_cast %get3A_1466 : vector<1x16xf32> to vector<16xf32>
      %add3A_1468 = arith.addf %add3A_1454, %get3A_1467 : vector<16xf32>
      %add3A_1469 = arith.constant 10 : i32
      %add3A_1470 = arith.addi %mul3A_1328, %add3A_1469 : i32
      %get3A_1471 = arith.index_cast %add3A_1470 : i32 to index
      %get3A_1472 = arith.constant 16 : index
      %get3A_1473 = tpu.vector_load %arg7[%get3A_1471, %get3A_1472] {strides = array<i32>} : memref<1280x32xf32, #tpu.memory_space<vmem>>, vector<1x16xf32>,
      %get3A_1474 = vector.shape_cast %get3A_1473 : vector<1x16xf32> to vector<16xf32>
      %add3A_1475 = arith.addf %add3A_1461, %get3A_1474 : vector<16xf32>
      %add3A_1476 = arith.constant 11 : i32
      %add3A_1477 = arith.addi %mul3A_1328, %add3A_1476 : i32
      %get3A_1478 = arith.index_cast %add3A_1477 : i32 to index
      %get3A_1479 = arith.constant 0 : index
      %get3A_1480 = tpu.vector_load %arg7[%get3A_1478, %get3A_1479] {strides = array<i32>} : memref<1280x32xf32, #tpu.memory_space<vmem>>, vector<1x16xf32>,
      %get3A_1481 = vector.shape_cast %get3A_1480 : vector<1x16xf32> to vector<16xf32>
      %add3A_1482 = arith.addf %add3A_1468, %get3A_1481 : vector<16xf32>
      %add3A_1483 = arith.constant 11 : i32
      %add3A_1484 = arith.addi %mul3A_1328, %add3A_1483 : i32
      %get3A_1485 = arith.index_cast %add3A_1484 : i32 to index
      %get3A_1486 = arith.constant 16 : index
      %get3A_1487 = tpu.vector_load %arg7[%get3A_1485, %get3A_1486] {strides = array<i32>} : memref<1280x32xf32, #tpu.memory_space<vmem>>, vector<1x16xf32>,
      %get3A_1488 = vector.shape_cast %get3A_1487 : vector<1x16xf32> to vector<16xf32>
      %add3A_1489 = arith.addf %add3A_1475, %get3A_1488 : vector<16xf32>
      %add3A_1490 = arith.constant 12 : i32
      %add3A_1491 = arith.addi %mul3A_1328, %add3A_1490 : i32
      %get3A_1492 = arith.index_cast %add3A_1491 : i32 to index
      %get3A_1493 = arith.constant 0 : index
      %get3A_1494 = tpu.vector_load %arg7[%get3A_1492, %get3A_1493] {strides = array<i32>} : memref<1280x32xf32, #tpu.memory_space<vmem>>, vector<1x16xf32>,
      %get3A_1495 = vector.shape_cast %get3A_1494 : vector<1x16xf32> to vector<16xf32>
      %add3A_1496 = arith.addf %add3A_1482, %get3A_1495 : vector<16xf32>
      %add3A_1497 = arith.constant 12 : i32
      %add3A_1498 = arith.addi %mul3A_1328, %add3A_1497 : i32
      %get3A_1499 = arith.index_cast %add3A_1498 : i32 to index
      %get3A_1500 = arith.constant 16 : index
      %get3A_1501 = tpu.vector_load %arg7[%get3A_1499, %get3A_1500] {strides = array<i32>} : memref<1280x32xf32, #tpu.memory_space<vmem>>, vector<1x16xf32>,
      %get3A_1502 = vector.shape_cast %get3A_1501 : vector<1x16xf32> to vector<16xf32>
      %add3A_1503 = arith.addf %add3A_1489, %get3A_1502 : vector<16xf32>
      %add3A_1504 = arith.constant 13 : i32
      %add3A_1505 = arith.addi %mul3A_1328, %add3A_1504 : i32
      %get3A_1506 = arith.index_cast %add3A_1505 : i32 to index
      %get3A_1507 = arith.constant 0 : index
      %get3A_1508 = tpu.vector_load %arg7[%get3A_1506, %get3A_1507] {strides = array<i32>} : memref<1280x32xf32, #tpu.memory_space<vmem>>, vector<1x16xf32>,
      %get3A_1509 = vector.shape_cast %get3A_1508 : vector<1x16xf32> to vector<16xf32>
      %add3A_1510 = arith.addf %add3A_1496, %get3A_1509 : vector<16xf32>
      %add3A_1511 = arith.constant 13 : i32
      %add3A_1512 = arith.addi %mul3A_1328, %add3A_1511 : i32
      %get3A_1513 = arith.index_cast %add3A_1512 : i32 to index
      %get3A_1514 = arith.constant 16 : index
      %get3A_1515 = tpu.vector_load %arg7[%get3A_1513, %get3A_1514] {strides = array<i32>} : memref<1280x32xf32, #tpu.memory_space<vmem>>, vector<1x16xf32>,
      %get3A_1516 = vector.shape_cast %get3A_1515 : vector<1x16xf32> to vector<16xf32>
      %add3A_1517 = arith.addf %add3A_1503, %get3A_1516 : vector<16xf32>
      %add3A_1518 = arith.constant 14 : i32
      %add3A_1519 = arith.addi %mul3A_1328, %add3A_1518 : i32
      %get3A_1520 = arith.index_cast %add3A_1519 : i32 to index
      %get3A_1521 = arith.constant 0 : index
      %get3A_1522 = tpu.vector_load %arg7[%get3A_1520, %get3A_1521] {strides = array<i32>} : memref<1280x32xf32, #tpu.memory_space<vmem>>, vector<1x16xf32>,
      %get3A_1523 = vector.shape_cast %get3A_1522 : vector<1x16xf32> to vector<16xf32>
      %add3A_1524 = arith.addf %add3A_1510, %get3A_1523 : vector<16xf32>
      %add3A_1525 = arith.constant 14 : i32
      %add3A_1526 = arith.addi %mul3A_1328, %add3A_1525 : i32
      %get3A_1527 = arith.index_cast %add3A_1526 : i32 to index
      %get3A_1528 = arith.constant 16 : index
      %get3A_1529 = tpu.vector_load %arg7[%get3A_1527, %get3A_1528] {strides = array<i32>} : memref<1280x32xf32, #tpu.memory_space<vmem>>, vector<1x16xf32>,
      %get3A_1530 = vector.shape_cast %get3A_1529 : vector<1x16xf32> to vector<16xf32>
      %add3A_1531 = arith.addf %add3A_1517, %get3A_1530 : vector<16xf32>
      %add3A_1532 = arith.constant 15 : i32
      %add3A_1533 = arith.addi %mul3A_1328, %add3A_1532 : i32
      %get3A_1534 = arith.index_cast %add3A_1533 : i32 to index
      %get3A_1535 = arith.constant 0 : index
      %get3A_1536 = tpu.vector_load %arg7[%get3A_1534, %get3A_1535] {strides = array<i32>} : memref<1280x32xf32, #tpu.memory_space<vmem>>, vector<1x16xf32>,
      %get3A_1537 = vector.shape_cast %get3A_1536 : vector<1x16xf32> to vector<16xf32>
      %add3A_1538 = arith.addf %add3A_1524, %get3A_1537 : vector<16xf32>
      %add3A_1539 = arith.constant 15 : i32
      %add3A_1540 = arith.addi %mul3A_1328, %add3A_1539 : i32
      %get3A_1541 = arith.index_cast %add3A_1540 : i32 to index
      %get3A_1542 = arith.constant 16 : index
      %get3A_1543 = tpu.vector_load %arg7[%get3A_1541, %get3A_1542] {strides = array<i32>} : memref<1280x32xf32, #tpu.memory_space<vmem>>, vector<1x16xf32>,
      %get3A_1544 = vector.shape_cast %get3A_1543 : vector<1x16xf32> to vector<16xf32>
      %add3A_1545 = arith.addf %add3A_1531, %get3A_1544 : vector<16xf32>
      %add3A_1546 = arith.constant 16 : i32
      %add3A_1547 = arith.addi %mul3A_1328, %add3A_1546 : i32
      %get3A_1548 = arith.index_cast %add3A_1547 : i32 to index
      %get3A_1549 = arith.constant 0 : index
      %get3A_1550 = tpu.vector_load %arg7[%get3A_1548, %get3A_1549] {strides = array<i32>} : memref<1280x32xf32, #tpu.memory_space<vmem>>, vector<1x16xf32>,
      %get3A_1551 = vector.shape_cast %get3A_1550 : vector<1x16xf32> to vector<16xf32>
      %add3A_1552 = arith.addf %add3A_1538, %get3A_1551 : vector<16xf32>
      %add3A_1553 = arith.constant 16 : i32
      %add3A_1554 = arith.addi %mul3A_1328, %add3A_1553 : i32
      %get3A_1555 = arith.index_cast %add3A_1554 : i32 to index
      %get3A_1556 = arith.constant 16 : index
      %get3A_1557 = tpu.vector_load %arg7[%get3A_1555, %get3A_1556] {strides = array<i32>} : memref<1280x32xf32, #tpu.memory_space<vmem>>, vector<1x16xf32>,
      %get3A_1558 = vector.shape_cast %get3A_1557 : vector<1x16xf32> to vector<16xf32>
      %add3A_1559 = arith.addf %add3A_1545, %get3A_1558 : vector<16xf32>
      %add3A_1560 = arith.constant 17 : i32
      %add3A_1561 = arith.addi %mul3A_1328, %add3A_1560 : i32
      %get3A_1562 = arith.index_cast %add3A_1561 : i32 to index
      %get3A_1563 = arith.constant 0 : index
      %get3A_1564 = tpu.vector_load %arg7[%get3A_1562, %get3A_1563] {strides = array<i32>} : memref<1280x32xf32, #tpu.memory_space<vmem>>, vector<1x16xf32>,
      %get3A_1565 = vector.shape_cast %get3A_1564 : vector<1x16xf32> to vector<16xf32>
      %add3A_1566 = arith.addf %add3A_1552, %get3A_1565 : vector<16xf32>
      %add3A_1567 = arith.constant 17 : i32
      %add3A_1568 = arith.addi %mul3A_1328, %add3A_1567 : i32
      %get3A_1569 = arith.index_cast %add3A_1568 : i32 to index
      %get3A_1570 = arith.constant 16 : index
      %get3A_1571 = tpu.vector_load %arg7[%get3A_1569, %get3A_1570] {strides = array<i32>} : memref<1280x32xf32, #tpu.memory_space<vmem>>, vector<1x16xf32>,
      %get3A_1572 = vector.shape_cast %get3A_1571 : vector<1x16xf32> to vector<16xf32>
      %add3A_1573 = arith.addf %add3A_1559, %get3A_1572 : vector<16xf32>
      %add3A_1574 = arith.constant 18 : i32
      %add3A_1575 = arith.addi %mul3A_1328, %add3A_1574 : i32
      %get3A_1576 = arith.index_cast %add3A_1575 : i32 to index
      %get3A_1577 = arith.constant 0 : index
      %get3A_1578 = tpu.vector_load %arg7[%get3A_1576, %get3A_1577] {strides = array<i32>} : memref<1280x32xf32, #tpu.memory_space<vmem>>, vector<1x16xf32>,
      %get3A_1579 = vector.shape_cast %get3A_1578 : vector<1x16xf32> to vector<16xf32>
      %add3A_1580 = arith.addf %add3A_1566, %get3A_1579 : vector<16xf32>
      %add3A_1581 = arith.constant 18 : i32
      %add3A_1582 = arith.addi %mul3A_1328, %add3A_1581 : i32
      %get3A_1583 = arith.index_cast %add3A_1582 : i32 to index
      %get3A_1584 = arith.constant 16 : index
      %get3A_1585 = tpu.vector_load %arg7[%get3A_1583, %get3A_1584] {strides = array<i32>} : memref<1280x32xf32, #tpu.memory_space<vmem>>, vector<1x16xf32>,
      %get3A_1586 = vector.shape_cast %get3A_1585 : vector<1x16xf32> to vector<16xf32>
      %add3A_1587 = arith.addf %add3A_1573, %get3A_1586 : vector<16xf32>
      %add3A_1588 = arith.constant 19 : i32
      %add3A_1589 = arith.addi %mul3A_1328, %add3A_1588 : i32
      %get3A_1590 = arith.index_cast %add3A_1589 : i32 to index
      %get3A_1591 = arith.constant 0 : index
      %get3A_1592 = tpu.vector_load %arg7[%get3A_1590, %get3A_1591] {strides = array<i32>} : memref<1280x32xf32, #tpu.memory_space<vmem>>, vector<1x16xf32>,
      %get3A_1593 = vector.shape_cast %get3A_1592 : vector<1x16xf32> to vector<16xf32>
      %add3A_1594 = arith.addf %add3A_1580, %get3A_1593 : vector<16xf32>
      %add3A_1595 = arith.constant 19 : i32
      %add3A_1596 = arith.addi %mul3A_1328, %add3A_1595 : i32
      %get3A_1597 = arith.index_cast %add3A_1596 : i32 to index
      %get3A_1598 = arith.constant 16 : index
      %get3A_1599 = tpu.vector_load %arg7[%get3A_1597, %get3A_1598] {strides = array<i32>} : memref<1280x32xf32, #tpu.memory_space<vmem>>, vector<1x16xf32>,
      %get3A_1600 = vector.shape_cast %get3A_1599 : vector<1x16xf32> to vector<16xf32>
      %add3A_1601 = arith.addf %add3A_1587, %get3A_1600 : vector<16xf32>
      %add3A_1602 = arith.constant 320 : i32
      %add3A_1603 = arith.addi %add3A_1602, %add3A_1326 : i32
      %swap3A = arith.index_cast %add3A_1603 : i32 to index
      %swap3A_1604 = arith.constant 0 : index
      %swap3A_1605 = tpu.vector_load %arg8[%swap3A, %swap3A_1604] {strides = array<i32>} : memref<512x32xf32, #tpu.memory_space<vmem>>, vector<1x16xf32>,
      %swap3A_1606 = vector.shape_cast %swap3A_1605 : vector<1x16xf32> to vector<16xf32>
      %swap3A_1607 = vector.shape_cast %add3A_1594 : vector<16xf32> to vector<1x16xf32>
      tpu.vector_store %arg8[%swap3A, %swap3A_1604], %swap3A_1607 {strides = array<i32>} : memref<512x32xf32, #tpu.memory_space<vmem>>, vector<1x16xf32>,
      %swap3A_1608 = arith.index_cast %add3A_1603 : i32 to index
      %swap3A_1609 = arith.constant 16 : index
      %swap3A_1610 = tpu.vector_load %arg8[%swap3A_1608, %swap3A_1609] {strides = array<i32>} : memref<512x32xf32, #tpu.memory_space<vmem>>, vector<1x16xf32>,
      %swap3A_1611 = vector.shape_cast %swap3A_1610 : vector<1x16xf32> to vector<16xf32>
      %swap3A_1612 = vector.shape_cast %add3A_1601 : vector<16xf32> to vector<1x16xf32>
      tpu.vector_store %arg8[%swap3A_1608, %swap3A_1609], %swap3A_1612 {strides = array<i32>} : memref<512x32xf32, #tpu.memory_space<vmem>>, vector<1x16xf32>,
    }
    %scan3A_1071 = arith.constant 64 : i32
    %dma_wait3A_1072 = arith.constant 0 : i32
    %dma_wait3A_1073 = arith.constant 0 : i32
    %dma_wait3A_1074 = tpu.memref_slice %arg6[%dma_wait3A_1072, %dma_wait3A_1073] : memref<1280x32xf32, #tpu.memory_space<vmem>> -> memref<128x32xf32, #tpu.memory_space<vmem>>
    %dma_wait3A_1075 = arith.constant 7680 : i32
    %dma_wait3A_1076 = tpu.memref_slice %arg5[%dma_wait3A_1075] : memref<10240xi32, #tpu.memory_space<vmem>> -> memref<128xi32, #tpu.memory_space<vmem>>
    %dma_wait3A_1077 = arith.constant 0 : i32
    %dma_wait3A_1078 = arith.constant 0 : i32
    %dma_wait3A_1079 = tpu.memref_slice %arg2[%dma_wait3A_1077, %dma_wait3A_1078] : memref<100000x32xf32, #tpu.memory_space<hbm>> -> memref<100000x32xf32, #tpu.memory_space<hbm>>
    tpu.wait_indirect_dma semaphore(%arg9 : memref<!tpu.dma_semaphore, #tpu.memory_space<semaphore_mem>>) src(%dma_wait3A_1079 : memref<100000x32xf32, #tpu.memory_space<hbm>>) dst(%dma_wait3A_1074 : memref<128x32xf32, #tpu.memory_space<vmem>>)
    %dma_wait3A_1080 = arith.constant 128 : i32
    %dma_wait3A_1081 = arith.constant 0 : i32
    %dma_wait3A_1082 = tpu.memref_slice %arg6[%dma_wait3A_1080, %dma_wait3A_1081] : memref<1280x32xf32, #tpu.memory_space<vmem>> -> memref<128x32xf32, #tpu.memory_space<vmem>>
    %dma_wait3A_1083 = arith.constant 7808 : i32
    %dma_wait3A_1084 = tpu.memref_slice %arg5[%dma_wait3A_1083] : memref<10240xi32, #tpu.memory_space<vmem>> -> memref<128xi32, #tpu.memory_space<vmem>>
    %dma_wait3A_1085 = arith.constant 0 : i32
    %dma_wait3A_1086 = arith.constant 0 : i32
    %dma_wait3A_1087 = tpu.memref_slice %arg2[%dma_wait3A_1085, %dma_wait3A_1086] : memref<100000x32xf32, #tpu.memory_space<hbm>> -> memref<100000x32xf32, #tpu.memory_space<hbm>>
    tpu.wait_indirect_dma semaphore(%arg9 : memref<!tpu.dma_semaphore, #tpu.memory_space<semaphore_mem>>) src(%dma_wait3A_1087 : memref<100000x32xf32, #tpu.memory_space<hbm>>) dst(%dma_wait3A_1082 : memref<128x32xf32, #tpu.memory_space<vmem>>)
    %dma_wait3A_1088 = arith.constant 256 : i32
    %dma_wait3A_1089 = arith.constant 0 : i32
    %dma_wait3A_1090 = tpu.memref_slice %arg6[%dma_wait3A_1088, %dma_wait3A_1089] : memref<1280x32xf32, #tpu.memory_space<vmem>> -> memref<128x32xf32, #tpu.memory_space<vmem>>
    %dma_wait3A_1091 = arith.constant 7936 : i32
    %dma_wait3A_1092 = tpu.memref_slice %arg5[%dma_wait3A_1091] : memref<10240xi32, #tpu.memory_space<vmem>> -> memref<128xi32, #tpu.memory_space<vmem>>
    %dma_wait3A_1093 = arith.constant 0 : i32
    %dma_wait3A_1094 = arith.constant 0 : i32
    %dma_wait3A_1095 = tpu.memref_slice %arg2[%dma_wait3A_1093, %dma_wait3A_1094] : memref<100000x32xf32, #tpu.memory_space<hbm>> -> memref<100000x32xf32, #tpu.memory_space<hbm>>
    tpu.wait_indirect_dma semaphore(%arg9 : memref<!tpu.dma_semaphore, #tpu.memory_space<semaphore_mem>>) src(%dma_wait3A_1095 : memref<100000x32xf32, #tpu.memory_space<hbm>>) dst(%dma_wait3A_1090 : memref<128x32xf32, #tpu.memory_space<vmem>>)
    %dma_wait3A_1096 = arith.constant 384 : i32
    %dma_wait3A_1097 = arith.constant 0 : i32
    %dma_wait3A_1098 = tpu.memref_slice %arg6[%dma_wait3A_1096, %dma_wait3A_1097] : memref<1280x32xf32, #tpu.memory_space<vmem>> -> memref<128x32xf32, #tpu.memory_space<vmem>>
    %dma_wait3A_1099 = arith.constant 8064 : i32
    %dma_wait3A_1100 = tpu.memref_slice %arg5[%dma_wait3A_1099] : memref<10240xi32, #tpu.memory_space<vmem>> -> memref<128xi32, #tpu.memory_space<vmem>>
    %dma_wait3A_1101 = arith.constant 0 : i32
    %dma_wait3A_1102 = arith.constant 0 : i32
    %dma_wait3A_1103 = tpu.memref_slice %arg2[%dma_wait3A_1101, %dma_wait3A_1102] : memref<100000x32xf32, #tpu.memory_space<hbm>> -> memref<100000x32xf32, #tpu.memory_space<hbm>>
    tpu.wait_indirect_dma semaphore(%arg9 : memref<!tpu.dma_semaphore, #tpu.memory_space<semaphore_mem>>) src(%dma_wait3A_1103 : memref<100000x32xf32, #tpu.memory_space<hbm>>) dst(%dma_wait3A_1098 : memref<128x32xf32, #tpu.memory_space<vmem>>)
    %dma_wait3A_1104 = arith.constant 512 : i32
    %dma_wait3A_1105 = arith.constant 0 : i32
    %dma_wait3A_1106 = tpu.memref_slice %arg6[%dma_wait3A_1104, %dma_wait3A_1105] : memref<1280x32xf32, #tpu.memory_space<vmem>> -> memref<128x32xf32, #tpu.memory_space<vmem>>
    %dma_wait3A_1107 = arith.constant 8192 : i32
    %dma_wait3A_1108 = tpu.memref_slice %arg5[%dma_wait3A_1107] : memref<10240xi32, #tpu.memory_space<vmem>> -> memref<128xi32, #tpu.memory_space<vmem>>
    %dma_wait3A_1109 = arith.constant 0 : i32
    %dma_wait3A_1110 = arith.constant 0 : i32
    %dma_wait3A_1111 = tpu.memref_slice %arg2[%dma_wait3A_1109, %dma_wait3A_1110] : memref<100000x32xf32, #tpu.memory_space<hbm>> -> memref<100000x32xf32, #tpu.memory_space<hbm>>
    tpu.wait_indirect_dma semaphore(%arg9 : memref<!tpu.dma_semaphore, #tpu.memory_space<semaphore_mem>>) src(%dma_wait3A_1111 : memref<100000x32xf32, #tpu.memory_space<hbm>>) dst(%dma_wait3A_1106 : memref<128x32xf32, #tpu.memory_space<vmem>>)
    %dma_wait3A_1112 = arith.constant 640 : i32
    %dma_wait3A_1113 = arith.constant 0 : i32
    %dma_wait3A_1114 = tpu.memref_slice %arg6[%dma_wait3A_1112, %dma_wait3A_1113] : memref<1280x32xf32, #tpu.memory_space<vmem>> -> memref<128x32xf32, #tpu.memory_space<vmem>>
    %dma_wait3A_1115 = arith.constant 8320 : i32
    %dma_wait3A_1116 = tpu.memref_slice %arg5[%dma_wait3A_1115] : memref<10240xi32, #tpu.memory_space<vmem>> -> memref<128xi32, #tpu.memory_space<vmem>>
    %dma_wait3A_1117 = arith.constant 0 : i32
    %dma_wait3A_1118 = arith.constant 0 : i32
    %dma_wait3A_1119 = tpu.memref_slice %arg2[%dma_wait3A_1117, %dma_wait3A_1118] : memref<100000x32xf32, #tpu.memory_space<hbm>> -> memref<100000x32xf32, #tpu.memory_space<hbm>>
    tpu.wait_indirect_dma semaphore(%arg9 : memref<!tpu.dma_semaphore, #tpu.memory_space<semaphore_mem>>) src(%dma_wait3A_1119 : memref<100000x32xf32, #tpu.memory_space<hbm>>) dst(%dma_wait3A_1114 : memref<128x32xf32, #tpu.memory_space<vmem>>)
    %dma_wait3A_1120 = arith.constant 768 : i32
    %dma_wait3A_1121 = arith.constant 0 : i32
    %dma_wait3A_1122 = tpu.memref_slice %arg6[%dma_wait3A_1120, %dma_wait3A_1121] : memref<1280x32xf32, #tpu.memory_space<vmem>> -> memref<128x32xf32, #tpu.memory_space<vmem>>
    %dma_wait3A_1123 = arith.constant 8448 : i32
    %dma_wait3A_1124 = tpu.memref_slice %arg5[%dma_wait3A_1123] : memref<10240xi32, #tpu.memory_space<vmem>> -> memref<128xi32, #tpu.memory_space<vmem>>
    %dma_wait3A_1125 = arith.constant 0 : i32
    %dma_wait3A_1126 = arith.constant 0 : i32
    %dma_wait3A_1127 = tpu.memref_slice %arg2[%dma_wait3A_1125, %dma_wait3A_1126] : memref<100000x32xf32, #tpu.memory_space<hbm>> -> memref<100000x32xf32, #tpu.memory_space<hbm>>
    tpu.wait_indirect_dma semaphore(%arg9 : memref<!tpu.dma_semaphore, #tpu.memory_space<semaphore_mem>>) src(%dma_wait3A_1127 : memref<100000x32xf32, #tpu.memory_space<hbm>>) dst(%dma_wait3A_1122 : memref<128x32xf32, #tpu.memory_space<vmem>>)
    %dma_wait3A_1128 = arith.constant 896 : i32
    %dma_wait3A_1129 = arith.constant 0 : i32
    %dma_wait3A_1130 = tpu.memref_slice %arg6[%dma_wait3A_1128, %dma_wait3A_1129] : memref<1280x32xf32, #tpu.memory_space<vmem>> -> memref<128x32xf32, #tpu.memory_space<vmem>>
    %dma_wait3A_1131 = arith.constant 8576 : i32
    %dma_wait3A_1132 = tpu.memref_slice %arg5[%dma_wait3A_1131] : memref<10240xi32, #tpu.memory_space<vmem>> -> memref<128xi32, #tpu.memory_space<vmem>>
    %dma_wait3A_1133 = arith.constant 0 : i32
    %dma_wait3A_1134 = arith.constant 0 : i32
    %dma_wait3A_1135 = tpu.memref_slice %arg2[%dma_wait3A_1133, %dma_wait3A_1134] : memref<100000x32xf32, #tpu.memory_space<hbm>> -> memref<100000x32xf32, #tpu.memory_space<hbm>>
    tpu.wait_indirect_dma semaphore(%arg9 : memref<!tpu.dma_semaphore, #tpu.memory_space<semaphore_mem>>) src(%dma_wait3A_1135 : memref<100000x32xf32, #tpu.memory_space<hbm>>) dst(%dma_wait3A_1130 : memref<128x32xf32, #tpu.memory_space<vmem>>)
    %dma_wait3A_1136 = arith.constant 1024 : i32
    %dma_wait3A_1137 = arith.constant 0 : i32
    %dma_wait3A_1138 = tpu.memref_slice %arg6[%dma_wait3A_1136, %dma_wait3A_1137] : memref<1280x32xf32, #tpu.memory_space<vmem>> -> memref<128x32xf32, #tpu.memory_space<vmem>>
    %dma_wait3A_1139 = arith.constant 8704 : i32
    %dma_wait3A_1140 = tpu.memref_slice %arg5[%dma_wait3A_1139] : memref<10240xi32, #tpu.memory_space<vmem>> -> memref<128xi32, #tpu.memory_space<vmem>>
    %dma_wait3A_1141 = arith.constant 0 : i32
    %dma_wait3A_1142 = arith.constant 0 : i32
    %dma_wait3A_1143 = tpu.memref_slice %arg2[%dma_wait3A_1141, %dma_wait3A_1142] : memref<100000x32xf32, #tpu.memory_space<hbm>> -> memref<100000x32xf32, #tpu.memory_space<hbm>>
    tpu.wait_indirect_dma semaphore(%arg9 : memref<!tpu.dma_semaphore, #tpu.memory_space<semaphore_mem>>) src(%dma_wait3A_1143 : memref<100000x32xf32, #tpu.memory_space<hbm>>) dst(%dma_wait3A_1138 : memref<128x32xf32, #tpu.memory_space<vmem>>)
    %dma_wait3A_1144 = arith.constant 1152 : i32
    %dma_wait3A_1145 = arith.constant 0 : i32
    %dma_wait3A_1146 = tpu.memref_slice %arg6[%dma_wait3A_1144, %dma_wait3A_1145] : memref<1280x32xf32, #tpu.memory_space<vmem>> -> memref<128x32xf32, #tpu.memory_space<vmem>>
    %dma_wait3A_1147 = arith.constant 8832 : i32
    %dma_wait3A_1148 = tpu.memref_slice %arg5[%dma_wait3A_1147] : memref<10240xi32, #tpu.memory_space<vmem>> -> memref<128xi32, #tpu.memory_space<vmem>>
    %dma_wait3A_1149 = arith.constant 0 : i32
    %dma_wait3A_1150 = arith.constant 0 : i32
    %dma_wait3A_1151 = tpu.memref_slice %arg2[%dma_wait3A_1149, %dma_wait3A_1150] : memref<100000x32xf32, #tpu.memory_space<hbm>> -> memref<100000x32xf32, #tpu.memory_space<hbm>>
    tpu.wait_indirect_dma semaphore(%arg9 : memref<!tpu.dma_semaphore, #tpu.memory_space<semaphore_mem>>) src(%dma_wait3A_1151 : memref<100000x32xf32, #tpu.memory_space<hbm>>) dst(%dma_wait3A_1146 : memref<128x32xf32, #tpu.memory_space<vmem>>)
    %dma_start3A_1152 = arith.constant 0 : i32
    %dma_start3A_1153 = arith.constant 0 : i32
    %dma_start3A_1154 = tpu.memref_slice %arg7[%dma_start3A_1152, %dma_start3A_1153] : memref<1280x32xf32, #tpu.memory_space<vmem>> -> memref<128x32xf32, #tpu.memory_space<vmem>>
    %dma_start3A_1155 = arith.constant 8960 : i32
    %dma_start3A_1156 = tpu.memref_slice %arg5[%dma_start3A_1155] : memref<10240xi32, #tpu.memory_space<vmem>> -> memref<128xi32, #tpu.memory_space<vmem>>
    %dma_start3A_1157 = arith.constant 0 : i32
    %dma_start3A_1158 = arith.constant 0 : i32
    %dma_start3A_1159 = tpu.memref_slice %arg2[%dma_start3A_1157, %dma_start3A_1158] : memref<100000x32xf32, #tpu.memory_space<hbm>> -> memref<100000x32xf32, #tpu.memory_space<hbm>>
    tpu.enqueue_indirect_dma source(%dma_start3A_1159 : memref<100000x32xf32, #tpu.memory_space<hbm>>) target(%dma_start3A_1154 : memref<128x32xf32, #tpu.memory_space<vmem>>) offsets(%dma_start3A_1156 : memref<128xi32, #tpu.memory_space<vmem>>) semaphore(%arg10 : memref<!tpu.dma_semaphore, #tpu.memory_space<semaphore_mem>>)
    %dma_start3A_1160 = arith.constant 128 : i32
    %dma_start3A_1161 = arith.constant 0 : i32
    %dma_start3A_1162 = tpu.memref_slice %arg7[%dma_start3A_1160, %dma_start3A_1161] : memref<1280x32xf32, #tpu.memory_space<vmem>> -> memref<128x32xf32, #tpu.memory_space<vmem>>
    %dma_start3A_1163 = arith.constant 9088 : i32
    %dma_start3A_1164 = tpu.memref_slice %arg5[%dma_start3A_1163] : memref<10240xi32, #tpu.memory_space<vmem>> -> memref<128xi32, #tpu.memory_space<vmem>>
    %dma_start3A_1165 = arith.constant 0 : i32
    %dma_start3A_1166 = arith.constant 0 : i32
    %dma_start3A_1167 = tpu.memref_slice %arg2[%dma_start3A_1165, %dma_start3A_1166] : memref<100000x32xf32, #tpu.memory_space<hbm>> -> memref<100000x32xf32, #tpu.memory_space<hbm>>
    tpu.enqueue_indirect_dma source(%dma_start3A_1167 : memref<100000x32xf32, #tpu.memory_space<hbm>>) target(%dma_start3A_1162 : memref<128x32xf32, #tpu.memory_space<vmem>>) offsets(%dma_start3A_1164 : memref<128xi32, #tpu.memory_space<vmem>>) semaphore(%arg10 : memref<!tpu.dma_semaphore, #tpu.memory_space<semaphore_mem>>)
    %dma_start3A_1168 = arith.constant 256 : i32
    %dma_start3A_1169 = arith.constant 0 : i32
    %dma_start3A_1170 = tpu.memref_slice %arg7[%dma_start3A_1168, %dma_start3A_1169] : memref<1280x32xf32, #tpu.memory_space<vmem>> -> memref<128x32xf32, #tpu.memory_space<vmem>>
    %dma_start3A_1171 = arith.constant 9216 : i32
    %dma_start3A_1172 = tpu.memref_slice %arg5[%dma_start3A_1171] : memref<10240xi32, #tpu.memory_space<vmem>> -> memref<128xi32, #tpu.memory_space<vmem>>
    %dma_start3A_1173 = arith.constant 0 : i32
    %dma_start3A_1174 = arith.constant 0 : i32
    %dma_start3A_1175 = tpu.memref_slice %arg2[%dma_start3A_1173, %dma_start3A_1174] : memref<100000x32xf32, #tpu.memory_space<hbm>> -> memref<100000x32xf32, #tpu.memory_space<hbm>>
    tpu.enqueue_indirect_dma source(%dma_start3A_1175 : memref<100000x32xf32, #tpu.memory_space<hbm>>) target(%dma_start3A_1170 : memref<128x32xf32, #tpu.memory_space<vmem>>) offsets(%dma_start3A_1172 : memref<128xi32, #tpu.memory_space<vmem>>) semaphore(%arg10 : memref<!tpu.dma_semaphore, #tpu.memory_space<semaphore_mem>>)
    %dma_start3A_1176 = arith.constant 384 : i32
    %dma_start3A_1177 = arith.constant 0 : i32
    %dma_start3A_1178 = tpu.memref_slice %arg7[%dma_start3A_1176, %dma_start3A_1177] : memref<1280x32xf32, #tpu.memory_space<vmem>> -> memref<128x32xf32, #tpu.memory_space<vmem>>
    %dma_start3A_1179 = arith.constant 9344 : i32
    %dma_start3A_1180 = tpu.memref_slice %arg5[%dma_start3A_1179] : memref<10240xi32, #tpu.memory_space<vmem>> -> memref<128xi32, #tpu.memory_space<vmem>>
    %dma_start3A_1181 = arith.constant 0 : i32
    %dma_start3A_1182 = arith.constant 0 : i32
    %dma_start3A_1183 = tpu.memref_slice %arg2[%dma_start3A_1181, %dma_start3A_1182] : memref<100000x32xf32, #tpu.memory_space<hbm>> -> memref<100000x32xf32, #tpu.memory_space<hbm>>
    tpu.enqueue_indirect_dma source(%dma_start3A_1183 : memref<100000x32xf32, #tpu.memory_space<hbm>>) target(%dma_start3A_1178 : memref<128x32xf32, #tpu.memory_space<vmem>>) offsets(%dma_start3A_1180 : memref<128xi32, #tpu.memory_space<vmem>>) semaphore(%arg10 : memref<!tpu.dma_semaphore, #tpu.memory_space<semaphore_mem>>)
    %dma_start3A_1184 = arith.constant 512 : i32
    %dma_start3A_1185 = arith.constant 0 : i32
    %dma_start3A_1186 = tpu.memref_slice %arg7[%dma_start3A_1184, %dma_start3A_1185] : memref<1280x32xf32, #tpu.memory_space<vmem>> -> memref<128x32xf32, #tpu.memory_space<vmem>>
    %dma_start3A_1187 = arith.constant 9472 : i32
    %dma_start3A_1188 = tpu.memref_slice %arg5[%dma_start3A_1187] : memref<10240xi32, #tpu.memory_space<vmem>> -> memref<128xi32, #tpu.memory_space<vmem>>
    %dma_start3A_1189 = arith.constant 0 : i32
    %dma_start3A_1190 = arith.constant 0 : i32
    %dma_start3A_1191 = tpu.memref_slice %arg2[%dma_start3A_1189, %dma_start3A_1190] : memref<100000x32xf32, #tpu.memory_space<hbm>> -> memref<100000x32xf32, #tpu.memory_space<hbm>>
    tpu.enqueue_indirect_dma source(%dma_start3A_1191 : memref<100000x32xf32, #tpu.memory_space<hbm>>) target(%dma_start3A_1186 : memref<128x32xf32, #tpu.memory_space<vmem>>) offsets(%dma_start3A_1188 : memref<128xi32, #tpu.memory_space<vmem>>) semaphore(%arg10 : memref<!tpu.dma_semaphore, #tpu.memory_space<semaphore_mem>>)
    %dma_start3A_1192 = arith.constant 640 : i32
    %dma_start3A_1193 = arith.constant 0 : i32
    %dma_start3A_1194 = tpu.memref_slice %arg7[%dma_start3A_1192, %dma_start3A_1193] : memref<1280x32xf32, #tpu.memory_space<vmem>> -> memref<128x32xf32, #tpu.memory_space<vmem>>
    %dma_start3A_1195 = arith.constant 9600 : i32
    %dma_start3A_1196 = tpu.memref_slice %arg5[%dma_start3A_1195] : memref<10240xi32, #tpu.memory_space<vmem>> -> memref<128xi32, #tpu.memory_space<vmem>>
    %dma_start3A_1197 = arith.constant 0 : i32
    %dma_start3A_1198 = arith.constant 0 : i32
    %dma_start3A_1199 = tpu.memref_slice %arg2[%dma_start3A_1197, %dma_start3A_1198] : memref<100000x32xf32, #tpu.memory_space<hbm>> -> memref<100000x32xf32, #tpu.memory_space<hbm>>
    tpu.enqueue_indirect_dma source(%dma_start3A_1199 : memref<100000x32xf32, #tpu.memory_space<hbm>>) target(%dma_start3A_1194 : memref<128x32xf32, #tpu.memory_space<vmem>>) offsets(%dma_start3A_1196 : memref<128xi32, #tpu.memory_space<vmem>>) semaphore(%arg10 : memref<!tpu.dma_semaphore, #tpu.memory_space<semaphore_mem>>)
    %dma_start3A_1200 = arith.constant 768 : i32
    %dma_start3A_1201 = arith.constant 0 : i32
    %dma_start3A_1202 = tpu.memref_slice %arg7[%dma_start3A_1200, %dma_start3A_1201] : memref<1280x32xf32, #tpu.memory_space<vmem>> -> memref<128x32xf32, #tpu.memory_space<vmem>>
    %dma_start3A_1203 = arith.constant 9728 : i32
    %dma_start3A_1204 = tpu.memref_slice %arg5[%dma_start3A_1203] : memref<10240xi32, #tpu.memory_space<vmem>> -> memref<128xi32, #tpu.memory_space<vmem>>
    %dma_start3A_1205 = arith.constant 0 : i32
    %dma_start3A_1206 = arith.constant 0 : i32
    %dma_start3A_1207 = tpu.memref_slice %arg2[%dma_start3A_1205, %dma_start3A_1206] : memref<100000x32xf32, #tpu.memory_space<hbm>> -> memref<100000x32xf32, #tpu.memory_space<hbm>>
    tpu.enqueue_indirect_dma source(%dma_start3A_1207 : memref<100000x32xf32, #tpu.memory_space<hbm>>) target(%dma_start3A_1202 : memref<128x32xf32, #tpu.memory_space<vmem>>) offsets(%dma_start3A_1204 : memref<128xi32, #tpu.memory_space<vmem>>) semaphore(%arg10 : memref<!tpu.dma_semaphore, #tpu.memory_space<semaphore_mem>>)
    %dma_start3A_1208 = arith.constant 896 : i32
    %dma_start3A_1209 = arith.constant 0 : i32
    %dma_start3A_1210 = tpu.memref_slice %arg7[%dma_start3A_1208, %dma_start3A_1209] : memref<1280x32xf32, #tpu.memory_space<vmem>> -> memref<128x32xf32, #tpu.memory_space<vmem>>
    %dma_start3A_1211 = arith.constant 9856 : i32
    %dma_start3A_1212 = tpu.memref_slice %arg5[%dma_start3A_1211] : memref<10240xi32, #tpu.memory_space<vmem>> -> memref<128xi32, #tpu.memory_space<vmem>>
    %dma_start3A_1213 = arith.constant 0 : i32
    %dma_start3A_1214 = arith.constant 0 : i32
    %dma_start3A_1215 = tpu.memref_slice %arg2[%dma_start3A_1213, %dma_start3A_1214] : memref<100000x32xf32, #tpu.memory_space<hbm>> -> memref<100000x32xf32, #tpu.memory_space<hbm>>
    tpu.enqueue_indirect_dma source(%dma_start3A_1215 : memref<100000x32xf32, #tpu.memory_space<hbm>>) target(%dma_start3A_1210 : memref<128x32xf32, #tpu.memory_space<vmem>>) offsets(%dma_start3A_1212 : memref<128xi32, #tpu.memory_space<vmem>>) semaphore(%arg10 : memref<!tpu.dma_semaphore, #tpu.memory_space<semaphore_mem>>)
    %dma_start3A_1216 = arith.constant 1024 : i32
    %dma_start3A_1217 = arith.constant 0 : i32
    %dma_start3A_1218 = tpu.memref_slice %arg7[%dma_start3A_1216, %dma_start3A_1217] : memref<1280x32xf32, #tpu.memory_space<vmem>> -> memref<128x32xf32, #tpu.memory_space<vmem>>
    %dma_start3A_1219 = arith.constant 9984 : i32
    %dma_start3A_1220 = tpu.memref_slice %arg5[%dma_start3A_1219] : memref<10240xi32, #tpu.memory_space<vmem>> -> memref<128xi32, #tpu.memory_space<vmem>>
    %dma_start3A_1221 = arith.constant 0 : i32
    %dma_start3A_1222 = arith.constant 0 : i32
    %dma_start3A_1223 = tpu.memref_slice %arg2[%dma_start3A_1221, %dma_start3A_1222] : memref<100000x32xf32, #tpu.memory_space<hbm>> -> memref<100000x32xf32, #tpu.memory_space<hbm>>
    tpu.enqueue_indirect_dma source(%dma_start3A_1223 : memref<100000x32xf32, #tpu.memory_space<hbm>>) target(%dma_start3A_1218 : memref<128x32xf32, #tpu.memory_space<vmem>>) offsets(%dma_start3A_1220 : memref<128xi32, #tpu.memory_space<vmem>>) semaphore(%arg10 : memref<!tpu.dma_semaphore, #tpu.memory_space<semaphore_mem>>)
    %dma_start3A_1224 = arith.constant 1152 : i32
    %dma_start3A_1225 = arith.constant 0 : i32
    %dma_start3A_1226 = tpu.memref_slice %arg7[%dma_start3A_1224, %dma_start3A_1225] : memref<1280x32xf32, #tpu.memory_space<vmem>> -> memref<128x32xf32, #tpu.memory_space<vmem>>
    %dma_start3A_1227 = arith.constant 10112 : i32
    %dma_start3A_1228 = tpu.memref_slice %arg5[%dma_start3A_1227] : memref<10240xi32, #tpu.memory_space<vmem>> -> memref<128xi32, #tpu.memory_space<vmem>>
    %dma_start3A_1229 = arith.constant 0 : i32
    %dma_start3A_1230 = arith.constant 0 : i32
    %dma_start3A_1231 = tpu.memref_slice %arg2[%dma_start3A_1229, %dma_start3A_1230] : memref<100000x32xf32, #tpu.memory_space<hbm>> -> memref<100000x32xf32, #tpu.memory_space<hbm>>
    tpu.enqueue_indirect_dma source(%dma_start3A_1231 : memref<100000x32xf32, #tpu.memory_space<hbm>>) target(%dma_start3A_1226 : memref<128x32xf32, #tpu.memory_space<vmem>>) offsets(%dma_start3A_1228 : memref<128xi32, #tpu.memory_space<vmem>>) semaphore(%arg10 : memref<!tpu.dma_semaphore, #tpu.memory_space<semaphore_mem>>)
    %scan3A_1232 = arith.constant 0 : i32
    %scan3A_1233 = arith.constant 64 : i32
    %scan3A_1234 = arith.addi %scan3A_1232, %scan3A_1233 : i32
    %scan3A_1235 = arith.constant 1 : i32
    scf.for %scan3A_1322 = %scan3A_1232 to %scan3A_1234 step %scan3A_1235  : i32 {
      %mul3A_1323 = arith.constant 1 : i32
      %mul3A_1324 = arith.muli %scan3A_1322, %mul3A_1323 : i32
      %add3A_1325 = arith.constant 0 : i32
      %add3A_1326 = arith.addi %add3A_1325, %mul3A_1324 : i32
      %mul3A_1327 = arith.constant 20 : i32
      %mul3A_1328 = arith.muli %add3A_1326, %mul3A_1327 : i32
      %get3A = arith.index_cast %mul3A_1328 : i32 to index
      %get3A_1329 = arith.constant 0 : index
      %get3A_1330 = tpu.vector_load %arg6[%get3A, %get3A_1329] {strides = array<i32>} : memref<1280x32xf32, #tpu.memory_space<vmem>>, vector<1x16xf32>,
      %get3A_1331 = vector.shape_cast %get3A_1330 : vector<1x16xf32> to vector<16xf32>
      %get3A_1332 = arith.index_cast %mul3A_1328 : i32 to index
      %get3A_1333 = arith.constant 16 : index
      %get3A_1334 = tpu.vector_load %arg6[%get3A_1332, %get3A_1333] {strides = array<i32>} : memref<1280x32xf32, #tpu.memory_space<vmem>>, vector<1x16xf32>,
      %get3A_1335 = vector.shape_cast %get3A_1334 : vector<1x16xf32> to vector<16xf32>
      %add3A_1336 = arith.constant 1 : i32
      %add3A_1337 = arith.addi %mul3A_1328, %add3A_1336 : i32
      %get3A_1338 = arith.index_cast %add3A_1337 : i32 to index
      %get3A_1339 = arith.constant 0 : index
      %get3A_1340 = tpu.vector_load %arg6[%get3A_1338, %get3A_1339] {strides = array<i32>} : memref<1280x32xf32, #tpu.memory_space<vmem>>, vector<1x16xf32>,
      %get3A_1341 = vector.shape_cast %get3A_1340 : vector<1x16xf32> to vector<16xf32>
      %add3A_1342 = arith.addf %get3A_1331, %get3A_1341 : vector<16xf32>
      %add3A_1343 = arith.constant 1 : i32
      %add3A_1344 = arith.addi %mul3A_1328, %add3A_1343 : i32
      %get3A_1345 = arith.index_cast %add3A_1344 : i32 to index
      %get3A_1346 = arith.constant 16 : index
      %get3A_1347 = tpu.vector_load %arg6[%get3A_1345, %get3A_1346] {strides = array<i32>} : memref<1280x32xf32, #tpu.memory_space<vmem>>, vector<1x16xf32>,
      %get3A_1348 = vector.shape_cast %get3A_1347 : vector<1x16xf32> to vector<16xf32>
      %add3A_1349 = arith.addf %get3A_1335, %get3A_1348 : vector<16xf32>
      %add3A_1350 = arith.constant 2 : i32
      %add3A_1351 = arith.addi %mul3A_1328, %add3A_1350 : i32
      %get3A_1352 = arith.index_cast %add3A_1351 : i32 to index
      %get3A_1353 = arith.constant 0 : index
      %get3A_1354 = tpu.vector_load %arg6[%get3A_1352, %get3A_1353] {strides = array<i32>} : memref<1280x32xf32, #tpu.memory_space<vmem>>, vector<1x16xf32>,
      %get3A_1355 = vector.shape_cast %get3A_1354 : vector<1x16xf32> to vector<16xf32>
      %add3A_1356 = arith.addf %add3A_1342, %get3A_1355 : vector<16xf32>
      %add3A_1357 = arith.constant 2 : i32
      %add3A_1358 = arith.addi %mul3A_1328, %add3A_1357 : i32
      %get3A_1359 = arith.index_cast %add3A_1358 : i32 to index
      %get3A_1360 = arith.constant 16 : index
      %get3A_1361 = tpu.vector_load %arg6[%get3A_1359, %get3A_1360] {strides = array<i32>} : memref<1280x32xf32, #tpu.memory_space<vmem>>, vector<1x16xf32>,
      %get3A_1362 = vector.shape_cast %get3A_1361 : vector<1x16xf32> to vector<16xf32>
      %add3A_1363 = arith.addf %add3A_1349, %get3A_1362 : vector<16xf32>
      %add3A_1364 = arith.constant 3 : i32
      %add3A_1365 = arith.addi %mul3A_1328, %add3A_1364 : i32
      %get3A_1366 = arith.index_cast %add3A_1365 : i32 to index
      %get3A_1367 = arith.constant 0 : index
      %get3A_1368 = tpu.vector_load %arg6[%get3A_1366, %get3A_1367] {strides = array<i32>} : memref<1280x32xf32, #tpu.memory_space<vmem>>, vector<1x16xf32>,
      %get3A_1369 = vector.shape_cast %get3A_1368 : vector<1x16xf32> to vector<16xf32>
      %add3A_1370 = arith.addf %add3A_1356, %get3A_1369 : vector<16xf32>
      %add3A_1371 = arith.constant 3 : i32
      %add3A_1372 = arith.addi %mul3A_1328, %add3A_1371 : i32
      %get3A_1373 = arith.index_cast %add3A_1372 : i32 to index
      %get3A_1374 = arith.constant 16 : index
      %get3A_1375 = tpu.vector_load %arg6[%get3A_1373, %get3A_1374] {strides = array<i32>} : memref<1280x32xf32, #tpu.memory_space<vmem>>, vector<1x16xf32>,
      %get3A_1376 = vector.shape_cast %get3A_1375 : vector<1x16xf32> to vector<16xf32>
      %add3A_1377 = arith.addf %add3A_1363, %get3A_1376 : vector<16xf32>
      %add3A_1378 = arith.constant 4 : i32
      %add3A_1379 = arith.addi %mul3A_1328, %add3A_1378 : i32
      %get3A_1380 = arith.index_cast %add3A_1379 : i32 to index
      %get3A_1381 = arith.constant 0 : index
      %get3A_1382 = tpu.vector_load %arg6[%get3A_1380, %get3A_1381] {strides = array<i32>} : memref<1280x32xf32, #tpu.memory_space<vmem>>, vector<1x16xf32>,
      %get3A_1383 = vector.shape_cast %get3A_1382 : vector<1x16xf32> to vector<16xf32>
      %add3A_1384 = arith.addf %add3A_1370, %get3A_1383 : vector<16xf32>
      %add3A_1385 = arith.constant 4 : i32
      %add3A_1386 = arith.addi %mul3A_1328, %add3A_1385 : i32
      %get3A_1387 = arith.index_cast %add3A_1386 : i32 to index
      %get3A_1388 = arith.constant 16 : index
      %get3A_1389 = tpu.vector_load %arg6[%get3A_1387, %get3A_1388] {strides = array<i32>} : memref<1280x32xf32, #tpu.memory_space<vmem>>, vector<1x16xf32>,
      %get3A_1390 = vector.shape_cast %get3A_1389 : vector<1x16xf32> to vector<16xf32>
      %add3A_1391 = arith.addf %add3A_1377, %get3A_1390 : vector<16xf32>
      %add3A_1392 = arith.constant 5 : i32
      %add3A_1393 = arith.addi %mul3A_1328, %add3A_1392 : i32
      %get3A_1394 = arith.index_cast %add3A_1393 : i32 to index
      %get3A_1395 = arith.constant 0 : index
      %get3A_1396 = tpu.vector_load %arg6[%get3A_1394, %get3A_1395] {strides = array<i32>} : memref<1280x32xf32, #tpu.memory_space<vmem>>, vector<1x16xf32>,
      %get3A_1397 = vector.shape_cast %get3A_1396 : vector<1x16xf32> to vector<16xf32>
      %add3A_1398 = arith.addf %add3A_1384, %get3A_1397 : vector<16xf32>
      %add3A_1399 = arith.constant 5 : i32
      %add3A_1400 = arith.addi %mul3A_1328, %add3A_1399 : i32
      %get3A_1401 = arith.index_cast %add3A_1400 : i32 to index
      %get3A_1402 = arith.constant 16 : index
      %get3A_1403 = tpu.vector_load %arg6[%get3A_1401, %get3A_1402] {strides = array<i32>} : memref<1280x32xf32, #tpu.memory_space<vmem>>, vector<1x16xf32>,
      %get3A_1404 = vector.shape_cast %get3A_1403 : vector<1x16xf32> to vector<16xf32>
      %add3A_1405 = arith.addf %add3A_1391, %get3A_1404 : vector<16xf32>
      %add3A_1406 = arith.constant 6 : i32
      %add3A_1407 = arith.addi %mul3A_1328, %add3A_1406 : i32
      %get3A_1408 = arith.index_cast %add3A_1407 : i32 to index
      %get3A_1409 = arith.constant 0 : index
      %get3A_1410 = tpu.vector_load %arg6[%get3A_1408, %get3A_1409] {strides = array<i32>} : memref<1280x32xf32, #tpu.memory_space<vmem>>, vector<1x16xf32>,
      %get3A_1411 = vector.shape_cast %get3A_1410 : vector<1x16xf32> to vector<16xf32>
      %add3A_1412 = arith.addf %add3A_1398, %get3A_1411 : vector<16xf32>
      %add3A_1413 = arith.constant 6 : i32
      %add3A_1414 = arith.addi %mul3A_1328, %add3A_1413 : i32
      %get3A_1415 = arith.index_cast %add3A_1414 : i32 to index
      %get3A_1416 = arith.constant 16 : index
      %get3A_1417 = tpu.vector_load %arg6[%get3A_1415, %get3A_1416] {strides = array<i32>} : memref<1280x32xf32, #tpu.memory_space<vmem>>, vector<1x16xf32>,
      %get3A_1418 = vector.shape_cast %get3A_1417 : vector<1x16xf32> to vector<16xf32>
      %add3A_1419 = arith.addf %add3A_1405, %get3A_1418 : vector<16xf32>
      %add3A_1420 = arith.constant 7 : i32
      %add3A_1421 = arith.addi %mul3A_1328, %add3A_1420 : i32
      %get3A_1422 = arith.index_cast %add3A_1421 : i32 to index
      %get3A_1423 = arith.constant 0 : index
      %get3A_1424 = tpu.vector_load %arg6[%get3A_1422, %get3A_1423] {strides = array<i32>} : memref<1280x32xf32, #tpu.memory_space<vmem>>, vector<1x16xf32>,
      %get3A_1425 = vector.shape_cast %get3A_1424 : vector<1x16xf32> to vector<16xf32>
      %add3A_1426 = arith.addf %add3A_1412, %get3A_1425 : vector<16xf32>
      %add3A_1427 = arith.constant 7 : i32
      %add3A_1428 = arith.addi %mul3A_1328, %add3A_1427 : i32
      %get3A_1429 = arith.index_cast %add3A_1428 : i32 to index
      %get3A_1430 = arith.constant 16 : index
      %get3A_1431 = tpu.vector_load %arg6[%get3A_1429, %get3A_1430] {strides = array<i32>} : memref<1280x32xf32, #tpu.memory_space<vmem>>, vector<1x16xf32>,
      %get3A_1432 = vector.shape_cast %get3A_1431 : vector<1x16xf32> to vector<16xf32>
      %add3A_1433 = arith.addf %add3A_1419, %get3A_1432 : vector<16xf32>
      %add3A_1434 = arith.constant 8 : i32
      %add3A_1435 = arith.addi %mul3A_1328, %add3A_1434 : i32
      %get3A_1436 = arith.index_cast %add3A_1435 : i32 to index
      %get3A_1437 = arith.constant 0 : index
      %get3A_1438 = tpu.vector_load %arg6[%get3A_1436, %get3A_1437] {strides = array<i32>} : memref<1280x32xf32, #tpu.memory_space<vmem>>, vector<1x16xf32>,
      %get3A_1439 = vector.shape_cast %get3A_1438 : vector<1x16xf32> to vector<16xf32>
      %add3A_1440 = arith.addf %add3A_1426, %get3A_1439 : vector<16xf32>
      %add3A_1441 = arith.constant 8 : i32
      %add3A_1442 = arith.addi %mul3A_1328, %add3A_1441 : i32
      %get3A_1443 = arith.index_cast %add3A_1442 : i32 to index
      %get3A_1444 = arith.constant 16 : index
      %get3A_1445 = tpu.vector_load %arg6[%get3A_1443, %get3A_1444] {strides = array<i32>} : memref<1280x32xf32, #tpu.memory_space<vmem>>, vector<1x16xf32>,
      %get3A_1446 = vector.shape_cast %get3A_1445 : vector<1x16xf32> to vector<16xf32>
      %add3A_1447 = arith.addf %add3A_1433, %get3A_1446 : vector<16xf32>
      %add3A_1448 = arith.constant 9 : i32
      %add3A_1449 = arith.addi %mul3A_1328, %add3A_1448 : i32
      %get3A_1450 = arith.index_cast %add3A_1449 : i32 to index
      %get3A_1451 = arith.constant 0 : index
      %get3A_1452 = tpu.vector_load %arg6[%get3A_1450, %get3A_1451] {strides = array<i32>} : memref<1280x32xf32, #tpu.memory_space<vmem>>, vector<1x16xf32>,
      %get3A_1453 = vector.shape_cast %get3A_1452 : vector<1x16xf32> to vector<16xf32>
      %add3A_1454 = arith.addf %add3A_1440, %get3A_1453 : vector<16xf32>
      %add3A_1455 = arith.constant 9 : i32
      %add3A_1456 = arith.addi %mul3A_1328, %add3A_1455 : i32
      %get3A_1457 = arith.index_cast %add3A_1456 : i32 to index
      %get3A_1458 = arith.constant 16 : index
      %get3A_1459 = tpu.vector_load %arg6[%get3A_1457, %get3A_1458] {strides = array<i32>} : memref<1280x32xf32, #tpu.memory_space<vmem>>, vector<1x16xf32>,
      %get3A_1460 = vector.shape_cast %get3A_1459 : vector<1x16xf32> to vector<16xf32>
      %add3A_1461 = arith.addf %add3A_1447, %get3A_1460 : vector<16xf32>
      %add3A_1462 = arith.constant 10 : i32
      %add3A_1463 = arith.addi %mul3A_1328, %add3A_1462 : i32
      %get3A_1464 = arith.index_cast %add3A_1463 : i32 to index
      %get3A_1465 = arith.constant 0 : index
      %get3A_1466 = tpu.vector_load %arg6[%get3A_1464, %get3A_1465] {strides = array<i32>} : memref<1280x32xf32, #tpu.memory_space<vmem>>, vector<1x16xf32>,
      %get3A_1467 = vector.shape_cast %get3A_1466 : vector<1x16xf32> to vector<16xf32>
      %add3A_1468 = arith.addf %add3A_1454, %get3A_1467 : vector<16xf32>
      %add3A_1469 = arith.constant 10 : i32
      %add3A_1470 = arith.addi %mul3A_1328, %add3A_1469 : i32
      %get3A_1471 = arith.index_cast %add3A_1470 : i32 to index
      %get3A_1472 = arith.constant 16 : index
      %get3A_1473 = tpu.vector_load %arg6[%get3A_1471, %get3A_1472] {strides = array<i32>} : memref<1280x32xf32, #tpu.memory_space<vmem>>, vector<1x16xf32>,
      %get3A_1474 = vector.shape_cast %get3A_1473 : vector<1x16xf32> to vector<16xf32>
      %add3A_1475 = arith.addf %add3A_1461, %get3A_1474 : vector<16xf32>
      %add3A_1476 = arith.constant 11 : i32
      %add3A_1477 = arith.addi %mul3A_1328, %add3A_1476 : i32
      %get3A_1478 = arith.index_cast %add3A_1477 : i32 to index
      %get3A_1479 = arith.constant 0 : index
      %get3A_1480 = tpu.vector_load %arg6[%get3A_1478, %get3A_1479] {strides = array<i32>} : memref<1280x32xf32, #tpu.memory_space<vmem>>, vector<1x16xf32>,
      %get3A_1481 = vector.shape_cast %get3A_1480 : vector<1x16xf32> to vector<16xf32>
      %add3A_1482 = arith.addf %add3A_1468, %get3A_1481 : vector<16xf32>
      %add3A_1483 = arith.constant 11 : i32
      %add3A_1484 = arith.addi %mul3A_1328, %add3A_1483 : i32
      %get3A_1485 = arith.index_cast %add3A_1484 : i32 to index
      %get3A_1486 = arith.constant 16 : index
      %get3A_1487 = tpu.vector_load %arg6[%get3A_1485, %get3A_1486] {strides = array<i32>} : memref<1280x32xf32, #tpu.memory_space<vmem>>, vector<1x16xf32>,
      %get3A_1488 = vector.shape_cast %get3A_1487 : vector<1x16xf32> to vector<16xf32>
      %add3A_1489 = arith.addf %add3A_1475, %get3A_1488 : vector<16xf32>
      %add3A_1490 = arith.constant 12 : i32
      %add3A_1491 = arith.addi %mul3A_1328, %add3A_1490 : i32
      %get3A_1492 = arith.index_cast %add3A_1491 : i32 to index
      %get3A_1493 = arith.constant 0 : index
      %get3A_1494 = tpu.vector_load %arg6[%get3A_1492, %get3A_1493] {strides = array<i32>} : memref<1280x32xf32, #tpu.memory_space<vmem>>, vector<1x16xf32>,
      %get3A_1495 = vector.shape_cast %get3A_1494 : vector<1x16xf32> to vector<16xf32>
      %add3A_1496 = arith.addf %add3A_1482, %get3A_1495 : vector<16xf32>
      %add3A_1497 = arith.constant 12 : i32
      %add3A_1498 = arith.addi %mul3A_1328, %add3A_1497 : i32
      %get3A_1499 = arith.index_cast %add3A_1498 : i32 to index
      %get3A_1500 = arith.constant 16 : index
      %get3A_1501 = tpu.vector_load %arg6[%get3A_1499, %get3A_1500] {strides = array<i32>} : memref<1280x32xf32, #tpu.memory_space<vmem>>, vector<1x16xf32>,
      %get3A_1502 = vector.shape_cast %get3A_1501 : vector<1x16xf32> to vector<16xf32>
      %add3A_1503 = arith.addf %add3A_1489, %get3A_1502 : vector<16xf32>
      %add3A_1504 = arith.constant 13 : i32
      %add3A_1505 = arith.addi %mul3A_1328, %add3A_1504 : i32
      %get3A_1506 = arith.index_cast %add3A_1505 : i32 to index
      %get3A_1507 = arith.constant 0 : index
      %get3A_1508 = tpu.vector_load %arg6[%get3A_1506, %get3A_1507] {strides = array<i32>} : memref<1280x32xf32, #tpu.memory_space<vmem>>, vector<1x16xf32>,
      %get3A_1509 = vector.shape_cast %get3A_1508 : vector<1x16xf32> to vector<16xf32>
      %add3A_1510 = arith.addf %add3A_1496, %get3A_1509 : vector<16xf32>
      %add3A_1511 = arith.constant 13 : i32
      %add3A_1512 = arith.addi %mul3A_1328, %add3A_1511 : i32
      %get3A_1513 = arith.index_cast %add3A_1512 : i32 to index
      %get3A_1514 = arith.constant 16 : index
      %get3A_1515 = tpu.vector_load %arg6[%get3A_1513, %get3A_1514] {strides = array<i32>} : memref<1280x32xf32, #tpu.memory_space<vmem>>, vector<1x16xf32>,
      %get3A_1516 = vector.shape_cast %get3A_1515 : vector<1x16xf32> to vector<16xf32>
      %add3A_1517 = arith.addf %add3A_1503, %get3A_1516 : vector<16xf32>
      %add3A_1518 = arith.constant 14 : i32
      %add3A_1519 = arith.addi %mul3A_1328, %add3A_1518 : i32
      %get3A_1520 = arith.index_cast %add3A_1519 : i32 to index
      %get3A_1521 = arith.constant 0 : index
      %get3A_1522 = tpu.vector_load %arg6[%get3A_1520, %get3A_1521] {strides = array<i32>} : memref<1280x32xf32, #tpu.memory_space<vmem>>, vector<1x16xf32>,
      %get3A_1523 = vector.shape_cast %get3A_1522 : vector<1x16xf32> to vector<16xf32>
      %add3A_1524 = arith.addf %add3A_1510, %get3A_1523 : vector<16xf32>
      %add3A_1525 = arith.constant 14 : i32
      %add3A_1526 = arith.addi %mul3A_1328, %add3A_1525 : i32
      %get3A_1527 = arith.index_cast %add3A_1526 : i32 to index
      %get3A_1528 = arith.constant 16 : index
      %get3A_1529 = tpu.vector_load %arg6[%get3A_1527, %get3A_1528] {strides = array<i32>} : memref<1280x32xf32, #tpu.memory_space<vmem>>, vector<1x16xf32>,
      %get3A_1530 = vector.shape_cast %get3A_1529 : vector<1x16xf32> to vector<16xf32>
      %add3A_1531 = arith.addf %add3A_1517, %get3A_1530 : vector<16xf32>
      %add3A_1532 = arith.constant 15 : i32
      %add3A_1533 = arith.addi %mul3A_1328, %add3A_1532 : i32
      %get3A_1534 = arith.index_cast %add3A_1533 : i32 to index
      %get3A_1535 = arith.constant 0 : index
      %get3A_1536 = tpu.vector_load %arg6[%get3A_1534, %get3A_1535] {strides = array<i32>} : memref<1280x32xf32, #tpu.memory_space<vmem>>, vector<1x16xf32>,
      %get3A_1537 = vector.shape_cast %get3A_1536 : vector<1x16xf32> to vector<16xf32>
      %add3A_1538 = arith.addf %add3A_1524, %get3A_1537 : vector<16xf32>
      %add3A_1539 = arith.constant 15 : i32
      %add3A_1540 = arith.addi %mul3A_1328, %add3A_1539 : i32
      %get3A_1541 = arith.index_cast %add3A_1540 : i32 to index
      %get3A_1542 = arith.constant 16 : index
      %get3A_1543 = tpu.vector_load %arg6[%get3A_1541, %get3A_1542] {strides = array<i32>} : memref<1280x32xf32, #tpu.memory_space<vmem>>, vector<1x16xf32>,
      %get3A_1544 = vector.shape_cast %get3A_1543 : vector<1x16xf32> to vector<16xf32>
      %add3A_1545 = arith.addf %add3A_1531, %get3A_1544 : vector<16xf32>
      %add3A_1546 = arith.constant 16 : i32
      %add3A_1547 = arith.addi %mul3A_1328, %add3A_1546 : i32
      %get3A_1548 = arith.index_cast %add3A_1547 : i32 to index
      %get3A_1549 = arith.constant 0 : index
      %get3A_1550 = tpu.vector_load %arg6[%get3A_1548, %get3A_1549] {strides = array<i32>} : memref<1280x32xf32, #tpu.memory_space<vmem>>, vector<1x16xf32>,
      %get3A_1551 = vector.shape_cast %get3A_1550 : vector<1x16xf32> to vector<16xf32>
      %add3A_1552 = arith.addf %add3A_1538, %get3A_1551 : vector<16xf32>
      %add3A_1553 = arith.constant 16 : i32
      %add3A_1554 = arith.addi %mul3A_1328, %add3A_1553 : i32
      %get3A_1555 = arith.index_cast %add3A_1554 : i32 to index
      %get3A_1556 = arith.constant 16 : index
      %get3A_1557 = tpu.vector_load %arg6[%get3A_1555, %get3A_1556] {strides = array<i32>} : memref<1280x32xf32, #tpu.memory_space<vmem>>, vector<1x16xf32>,
      %get3A_1558 = vector.shape_cast %get3A_1557 : vector<1x16xf32> to vector<16xf32>
      %add3A_1559 = arith.addf %add3A_1545, %get3A_1558 : vector<16xf32>
      %add3A_1560 = arith.constant 17 : i32
      %add3A_1561 = arith.addi %mul3A_1328, %add3A_1560 : i32
      %get3A_1562 = arith.index_cast %add3A_1561 : i32 to index
      %get3A_1563 = arith.constant 0 : index
      %get3A_1564 = tpu.vector_load %arg6[%get3A_1562, %get3A_1563] {strides = array<i32>} : memref<1280x32xf32, #tpu.memory_space<vmem>>, vector<1x16xf32>,
      %get3A_1565 = vector.shape_cast %get3A_1564 : vector<1x16xf32> to vector<16xf32>
      %add3A_1566 = arith.addf %add3A_1552, %get3A_1565 : vector<16xf32>
      %add3A_1567 = arith.constant 17 : i32
      %add3A_1568 = arith.addi %mul3A_1328, %add3A_1567 : i32
      %get3A_1569 = arith.index_cast %add3A_1568 : i32 to index
      %get3A_1570 = arith.constant 16 : index
      %get3A_1571 = tpu.vector_load %arg6[%get3A_1569, %get3A_1570] {strides = array<i32>} : memref<1280x32xf32, #tpu.memory_space<vmem>>, vector<1x16xf32>,
      %get3A_1572 = vector.shape_cast %get3A_1571 : vector<1x16xf32> to vector<16xf32>
      %add3A_1573 = arith.addf %add3A_1559, %get3A_1572 : vector<16xf32>
      %add3A_1574 = arith.constant 18 : i32
      %add3A_1575 = arith.addi %mul3A_1328, %add3A_1574 : i32
      %get3A_1576 = arith.index_cast %add3A_1575 : i32 to index
      %get3A_1577 = arith.constant 0 : index
      %get3A_1578 = tpu.vector_load %arg6[%get3A_1576, %get3A_1577] {strides = array<i32>} : memref<1280x32xf32, #tpu.memory_space<vmem>>, vector<1x16xf32>,
      %get3A_1579 = vector.shape_cast %get3A_1578 : vector<1x16xf32> to vector<16xf32>
      %add3A_1580 = arith.addf %add3A_1566, %get3A_1579 : vector<16xf32>
      %add3A_1581 = arith.constant 18 : i32
      %add3A_1582 = arith.addi %mul3A_1328, %add3A_1581 : i32
      %get3A_1583 = arith.index_cast %add3A_1582 : i32 to index
      %get3A_1584 = arith.constant 16 : index
      %get3A_1585 = tpu.vector_load %arg6[%get3A_1583, %get3A_1584] {strides = array<i32>} : memref<1280x32xf32, #tpu.memory_space<vmem>>, vector<1x16xf32>,
      %get3A_1586 = vector.shape_cast %get3A_1585 : vector<1x16xf32> to vector<16xf32>
      %add3A_1587 = arith.addf %add3A_1573, %get3A_1586 : vector<16xf32>
      %add3A_1588 = arith.constant 19 : i32
      %add3A_1589 = arith.addi %mul3A_1328, %add3A_1588 : i32
      %get3A_1590 = arith.index_cast %add3A_1589 : i32 to index
      %get3A_1591 = arith.constant 0 : index
      %get3A_1592 = tpu.vector_load %arg6[%get3A_1590, %get3A_1591] {strides = array<i32>} : memref<1280x32xf32, #tpu.memory_space<vmem>>, vector<1x16xf32>,
      %get3A_1593 = vector.shape_cast %get3A_1592 : vector<1x16xf32> to vector<16xf32>
      %add3A_1594 = arith.addf %add3A_1580, %get3A_1593 : vector<16xf32>
      %add3A_1595 = arith.constant 19 : i32
      %add3A_1596 = arith.addi %mul3A_1328, %add3A_1595 : i32
      %get3A_1597 = arith.index_cast %add3A_1596 : i32 to index
      %get3A_1598 = arith.constant 16 : index
      %get3A_1599 = tpu.vector_load %arg6[%get3A_1597, %get3A_1598] {strides = array<i32>} : memref<1280x32xf32, #tpu.memory_space<vmem>>, vector<1x16xf32>,
      %get3A_1600 = vector.shape_cast %get3A_1599 : vector<1x16xf32> to vector<16xf32>
      %add3A_1601 = arith.addf %add3A_1587, %get3A_1600 : vector<16xf32>
      %add3A_1602 = arith.constant 384 : i32
      %add3A_1603 = arith.addi %add3A_1602, %add3A_1326 : i32
      %swap3A = arith.index_cast %add3A_1603 : i32 to index
      %swap3A_1604 = arith.constant 0 : index
      %swap3A_1605 = tpu.vector_load %arg8[%swap3A, %swap3A_1604] {strides = array<i32>} : memref<512x32xf32, #tpu.memory_space<vmem>>, vector<1x16xf32>,
      %swap3A_1606 = vector.shape_cast %swap3A_1605 : vector<1x16xf32> to vector<16xf32>
      %swap3A_1607 = vector.shape_cast %add3A_1594 : vector<16xf32> to vector<1x16xf32>
      tpu.vector_store %arg8[%swap3A, %swap3A_1604], %swap3A_1607 {strides = array<i32>} : memref<512x32xf32, #tpu.memory_space<vmem>>, vector<1x16xf32>,
      %swap3A_1608 = arith.index_cast %add3A_1603 : i32 to index
      %swap3A_1609 = arith.constant 16 : index
      %swap3A_1610 = tpu.vector_load %arg8[%swap3A_1608, %swap3A_1609] {strides = array<i32>} : memref<512x32xf32, #tpu.memory_space<vmem>>, vector<1x16xf32>,
      %swap3A_1611 = vector.shape_cast %swap3A_1610 : vector<1x16xf32> to vector<16xf32>
      %swap3A_1612 = vector.shape_cast %add3A_1601 : vector<16xf32> to vector<1x16xf32>
      tpu.vector_store %arg8[%swap3A_1608, %swap3A_1609], %swap3A_1612 {strides = array<i32>} : memref<512x32xf32, #tpu.memory_space<vmem>>, vector<1x16xf32>,
    }
    %scan3A_1236 = arith.constant 64 : i32
    %dma_wait3A_1237 = arith.constant 0 : i32
    %dma_wait3A_1238 = arith.constant 0 : i32
    %dma_wait3A_1239 = tpu.memref_slice %arg7[%dma_wait3A_1237, %dma_wait3A_1238] : memref<1280x32xf32, #tpu.memory_space<vmem>> -> memref<128x32xf32, #tpu.memory_space<vmem>>
    %dma_wait3A_1240 = arith.constant 8960 : i32
    %dma_wait3A_1241 = tpu.memref_slice %arg5[%dma_wait3A_1240] : memref<10240xi32, #tpu.memory_space<vmem>> -> memref<128xi32, #tpu.memory_space<vmem>>
    %dma_wait3A_1242 = arith.constant 0 : i32
    %dma_wait3A_1243 = arith.constant 0 : i32
    %dma_wait3A_1244 = tpu.memref_slice %arg2[%dma_wait3A_1242, %dma_wait3A_1243] : memref<100000x32xf32, #tpu.memory_space<hbm>> -> memref<100000x32xf32, #tpu.memory_space<hbm>>
    tpu.wait_indirect_dma semaphore(%arg10 : memref<!tpu.dma_semaphore, #tpu.memory_space<semaphore_mem>>) src(%dma_wait3A_1244 : memref<100000x32xf32, #tpu.memory_space<hbm>>) dst(%dma_wait3A_1239 : memref<128x32xf32, #tpu.memory_space<vmem>>)
    %dma_wait3A_1245 = arith.constant 128 : i32
    %dma_wait3A_1246 = arith.constant 0 : i32
    %dma_wait3A_1247 = tpu.memref_slice %arg7[%dma_wait3A_1245, %dma_wait3A_1246] : memref<1280x32xf32, #tpu.memory_space<vmem>> -> memref<128x32xf32, #tpu.memory_space<vmem>>
    %dma_wait3A_1248 = arith.constant 9088 : i32
    %dma_wait3A_1249 = tpu.memref_slice %arg5[%dma_wait3A_1248] : memref<10240xi32, #tpu.memory_space<vmem>> -> memref<128xi32, #tpu.memory_space<vmem>>
    %dma_wait3A_1250 = arith.constant 0 : i32
    %dma_wait3A_1251 = arith.constant 0 : i32
    %dma_wait3A_1252 = tpu.memref_slice %arg2[%dma_wait3A_1250, %dma_wait3A_1251] : memref<100000x32xf32, #tpu.memory_space<hbm>> -> memref<100000x32xf32, #tpu.memory_space<hbm>>
    tpu.wait_indirect_dma semaphore(%arg10 : memref<!tpu.dma_semaphore, #tpu.memory_space<semaphore_mem>>) src(%dma_wait3A_1252 : memref<100000x32xf32, #tpu.memory_space<hbm>>) dst(%dma_wait3A_1247 : memref<128x32xf32, #tpu.memory_space<vmem>>)
    %dma_wait3A_1253 = arith.constant 256 : i32
    %dma_wait3A_1254 = arith.constant 0 : i32
    %dma_wait3A_1255 = tpu.memref_slice %arg7[%dma_wait3A_1253, %dma_wait3A_1254] : memref<1280x32xf32, #tpu.memory_space<vmem>> -> memref<128x32xf32, #tpu.memory_space<vmem>>
    %dma_wait3A_1256 = arith.constant 9216 : i32
    %dma_wait3A_1257 = tpu.memref_slice %arg5[%dma_wait3A_1256] : memref<10240xi32, #tpu.memory_space<vmem>> -> memref<128xi32, #tpu.memory_space<vmem>>
    %dma_wait3A_1258 = arith.constant 0 : i32
    %dma_wait3A_1259 = arith.constant 0 : i32
    %dma_wait3A_1260 = tpu.memref_slice %arg2[%dma_wait3A_1258, %dma_wait3A_1259] : memref<100000x32xf32, #tpu.memory_space<hbm>> -> memref<100000x32xf32, #tpu.memory_space<hbm>>
    tpu.wait_indirect_dma semaphore(%arg10 : memref<!tpu.dma_semaphore, #tpu.memory_space<semaphore_mem>>) src(%dma_wait3A_1260 : memref<100000x32xf32, #tpu.memory_space<hbm>>) dst(%dma_wait3A_1255 : memref<128x32xf32, #tpu.memory_space<vmem>>)
    %dma_wait3A_1261 = arith.constant 384 : i32
    %dma_wait3A_1262 = arith.constant 0 : i32
    %dma_wait3A_1263 = tpu.memref_slice %arg7[%dma_wait3A_1261, %dma_wait3A_1262] : memref<1280x32xf32, #tpu.memory_space<vmem>> -> memref<128x32xf32, #tpu.memory_space<vmem>>
    %dma_wait3A_1264 = arith.constant 9344 : i32
    %dma_wait3A_1265 = tpu.memref_slice %arg5[%dma_wait3A_1264] : memref<10240xi32, #tpu.memory_space<vmem>> -> memref<128xi32, #tpu.memory_space<vmem>>
    %dma_wait3A_1266 = arith.constant 0 : i32
    %dma_wait3A_1267 = arith.constant 0 : i32
    %dma_wait3A_1268 = tpu.memref_slice %arg2[%dma_wait3A_1266, %dma_wait3A_1267] : memref<100000x32xf32, #tpu.memory_space<hbm>> -> memref<100000x32xf32, #tpu.memory_space<hbm>>
    tpu.wait_indirect_dma semaphore(%arg10 : memref<!tpu.dma_semaphore, #tpu.memory_space<semaphore_mem>>) src(%dma_wait3A_1268 : memref<100000x32xf32, #tpu.memory_space<hbm>>) dst(%dma_wait3A_1263 : memref<128x32xf32, #tpu.memory_space<vmem>>)
    %dma_wait3A_1269 = arith.constant 512 : i32
    %dma_wait3A_1270 = arith.constant 0 : i32
    %dma_wait3A_1271 = tpu.memref_slice %arg7[%dma_wait3A_1269, %dma_wait3A_1270] : memref<1280x32xf32, #tpu.memory_space<vmem>> -> memref<128x32xf32, #tpu.memory_space<vmem>>
    %dma_wait3A_1272 = arith.constant 9472 : i32
    %dma_wait3A_1273 = tpu.memref_slice %arg5[%dma_wait3A_1272] : memref<10240xi32, #tpu.memory_space<vmem>> -> memref<128xi32, #tpu.memory_space<vmem>>
    %dma_wait3A_1274 = arith.constant 0 : i32
    %dma_wait3A_1275 = arith.constant 0 : i32
    %dma_wait3A_1276 = tpu.memref_slice %arg2[%dma_wait3A_1274, %dma_wait3A_1275] : memref<100000x32xf32, #tpu.memory_space<hbm>> -> memref<100000x32xf32, #tpu.memory_space<hbm>>
    tpu.wait_indirect_dma semaphore(%arg10 : memref<!tpu.dma_semaphore, #tpu.memory_space<semaphore_mem>>) src(%dma_wait3A_1276 : memref<100000x32xf32, #tpu.memory_space<hbm>>) dst(%dma_wait3A_1271 : memref<128x32xf32, #tpu.memory_space<vmem>>)
    %dma_wait3A_1277 = arith.constant 640 : i32
    %dma_wait3A_1278 = arith.constant 0 : i32
    %dma_wait3A_1279 = tpu.memref_slice %arg7[%dma_wait3A_1277, %dma_wait3A_1278] : memref<1280x32xf32, #tpu.memory_space<vmem>> -> memref<128x32xf32, #tpu.memory_space<vmem>>
    %dma_wait3A_1280 = arith.constant 9600 : i32
    %dma_wait3A_1281 = tpu.memref_slice %arg5[%dma_wait3A_1280] : memref<10240xi32, #tpu.memory_space<vmem>> -> memref<128xi32, #tpu.memory_space<vmem>>
    %dma_wait3A_1282 = arith.constant 0 : i32
    %dma_wait3A_1283 = arith.constant 0 : i32
    %dma_wait3A_1284 = tpu.memref_slice %arg2[%dma_wait3A_1282, %dma_wait3A_1283] : memref<100000x32xf32, #tpu.memory_space<hbm>> -> memref<100000x32xf32, #tpu.memory_space<hbm>>
    tpu.wait_indirect_dma semaphore(%arg10 : memref<!tpu.dma_semaphore, #tpu.memory_space<semaphore_mem>>) src(%dma_wait3A_1284 : memref<100000x32xf32, #tpu.memory_space<hbm>>) dst(%dma_wait3A_1279 : memref<128x32xf32, #tpu.memory_space<vmem>>)
    %dma_wait3A_1285 = arith.constant 768 : i32
    %dma_wait3A_1286 = arith.constant 0 : i32
    %dma_wait3A_1287 = tpu.memref_slice %arg7[%dma_wait3A_1285, %dma_wait3A_1286] : memref<1280x32xf32, #tpu.memory_space<vmem>> -> memref<128x32xf32, #tpu.memory_space<vmem>>
    %dma_wait3A_1288 = arith.constant 9728 : i32
    %dma_wait3A_1289 = tpu.memref_slice %arg5[%dma_wait3A_1288] : memref<10240xi32, #tpu.memory_space<vmem>> -> memref<128xi32, #tpu.memory_space<vmem>>
    %dma_wait3A_1290 = arith.constant 0 : i32
    %dma_wait3A_1291 = arith.constant 0 : i32
    %dma_wait3A_1292 = tpu.memref_slice %arg2[%dma_wait3A_1290, %dma_wait3A_1291] : memref<100000x32xf32, #tpu.memory_space<hbm>> -> memref<100000x32xf32, #tpu.memory_space<hbm>>
    tpu.wait_indirect_dma semaphore(%arg10 : memref<!tpu.dma_semaphore, #tpu.memory_space<semaphore_mem>>) src(%dma_wait3A_1292 : memref<100000x32xf32, #tpu.memory_space<hbm>>) dst(%dma_wait3A_1287 : memref<128x32xf32, #tpu.memory_space<vmem>>)
    %dma_wait3A_1293 = arith.constant 896 : i32
    %dma_wait3A_1294 = arith.constant 0 : i32
    %dma_wait3A_1295 = tpu.memref_slice %arg7[%dma_wait3A_1293, %dma_wait3A_1294] : memref<1280x32xf32, #tpu.memory_space<vmem>> -> memref<128x32xf32, #tpu.memory_space<vmem>>
    %dma_wait3A_1296 = arith.constant 9856 : i32
    %dma_wait3A_1297 = tpu.memref_slice %arg5[%dma_wait3A_1296] : memref<10240xi32, #tpu.memory_space<vmem>> -> memref<128xi32, #tpu.memory_space<vmem>>
    %dma_wait3A_1298 = arith.constant 0 : i32
    %dma_wait3A_1299 = arith.constant 0 : i32
    %dma_wait3A_1300 = tpu.memref_slice %arg2[%dma_wait3A_1298, %dma_wait3A_1299] : memref<100000x32xf32, #tpu.memory_space<hbm>> -> memref<100000x32xf32, #tpu.memory_space<hbm>>
    tpu.wait_indirect_dma semaphore(%arg10 : memref<!tpu.dma_semaphore, #tpu.memory_space<semaphore_mem>>) src(%dma_wait3A_1300 : memref<100000x32xf32, #tpu.memory_space<hbm>>) dst(%dma_wait3A_1295 : memref<128x32xf32, #tpu.memory_space<vmem>>)
    %dma_wait3A_1301 = arith.constant 1024 : i32
    %dma_wait3A_1302 = arith.constant 0 : i32
    %dma_wait3A_1303 = tpu.memref_slice %arg7[%dma_wait3A_1301, %dma_wait3A_1302] : memref<1280x32xf32, #tpu.memory_space<vmem>> -> memref<128x32xf32, #tpu.memory_space<vmem>>
    %dma_wait3A_1304 = arith.constant 9984 : i32
    %dma_wait3A_1305 = tpu.memref_slice %arg5[%dma_wait3A_1304] : memref<10240xi32, #tpu.memory_space<vmem>> -> memref<128xi32, #tpu.memory_space<vmem>>
    %dma_wait3A_1306 = arith.constant 0 : i32
    %dma_wait3A_1307 = arith.constant 0 : i32
    %dma_wait3A_1308 = tpu.memref_slice %arg2[%dma_wait3A_1306, %dma_wait3A_1307] : memref<100000x32xf32, #tpu.memory_space<hbm>> -> memref<100000x32xf32, #tpu.memory_space<hbm>>
    tpu.wait_indirect_dma semaphore(%arg10 : memref<!tpu.dma_semaphore, #tpu.memory_space<semaphore_mem>>) src(%dma_wait3A_1308 : memref<100000x32xf32, #tpu.memory_space<hbm>>) dst(%dma_wait3A_1303 : memref<128x32xf32, #tpu.memory_space<vmem>>)
    %dma_wait3A_1309 = arith.constant 1152 : i32
    %dma_wait3A_1310 = arith.constant 0 : i32
    %dma_wait3A_1311 = tpu.memref_slice %arg7[%dma_wait3A_1309, %dma_wait3A_1310] : memref<1280x32xf32, #tpu.memory_space<vmem>> -> memref<128x32xf32, #tpu.memory_space<vmem>>
    %dma_wait3A_1312 = arith.constant 10112 : i32
    %dma_wait3A_1313 = tpu.memref_slice %arg5[%dma_wait3A_1312] : memref<10240xi32, #tpu.memory_space<vmem>> -> memref<128xi32, #tpu.memory_space<vmem>>
    %dma_wait3A_1314 = arith.constant 0 : i32
    %dma_wait3A_1315 = arith.constant 0 : i32
    %dma_wait3A_1316 = tpu.memref_slice %arg2[%dma_wait3A_1314, %dma_wait3A_1315] : memref<100000x32xf32, #tpu.memory_space<hbm>> -> memref<100000x32xf32, #tpu.memory_space<hbm>>
    tpu.wait_indirect_dma semaphore(%arg10 : memref<!tpu.dma_semaphore, #tpu.memory_space<semaphore_mem>>) src(%dma_wait3A_1316 : memref<100000x32xf32, #tpu.memory_space<hbm>>) dst(%dma_wait3A_1311 : memref<128x32xf32, #tpu.memory_space<vmem>>)
    %scan3A_1317 = arith.constant 0 : i32
    %scan3A_1318 = arith.constant 64 : i32
    %scan3A_1319 = arith.addi %scan3A_1317, %scan3A_1318 : i32
    %scan3A_1320 = arith.constant 1 : i32
    scf.for %scan3A_1322 = %scan3A_1317 to %scan3A_1319 step %scan3A_1320  : i32 {
      %mul3A_1323 = arith.constant 1 : i32
      %mul3A_1324 = arith.muli %scan3A_1322, %mul3A_1323 : i32
      %add3A_1325 = arith.constant 0 : i32
      %add3A_1326 = arith.addi %add3A_1325, %mul3A_1324 : i32
      %mul3A_1327 = arith.constant 20 : i32
      %mul3A_1328 = arith.muli %add3A_1326, %mul3A_1327 : i32
      %get3A = arith.index_cast %mul3A_1328 : i32 to index
      %get3A_1329 = arith.constant 0 : index
      %get3A_1330 = tpu.vector_load %arg7[%get3A, %get3A_1329] {strides = array<i32>} : memref<1280x32xf32, #tpu.memory_space<vmem>>, vector<1x16xf32>,
      %get3A_1331 = vector.shape_cast %get3A_1330 : vector<1x16xf32> to vector<16xf32>
      %get3A_1332 = arith.index_cast %mul3A_1328 : i32 to index
      %get3A_1333 = arith.constant 16 : index
      %get3A_1334 = tpu.vector_load %arg7[%get3A_1332, %get3A_1333] {strides = array<i32>} : memref<1280x32xf32, #tpu.memory_space<vmem>>, vector<1x16xf32>,
      %get3A_1335 = vector.shape_cast %get3A_1334 : vector<1x16xf32> to vector<16xf32>
      %add3A_1336 = arith.constant 1 : i32
      %add3A_1337 = arith.addi %mul3A_1328, %add3A_1336 : i32
      %get3A_1338 = arith.index_cast %add3A_1337 : i32 to index
      %get3A_1339 = arith.constant 0 : index
      %get3A_1340 = tpu.vector_load %arg7[%get3A_1338, %get3A_1339] {strides = array<i32>} : memref<1280x32xf32, #tpu.memory_space<vmem>>, vector<1x16xf32>,
      %get3A_1341 = vector.shape_cast %get3A_1340 : vector<1x16xf32> to vector<16xf32>
      %add3A_1342 = arith.addf %get3A_1331, %get3A_1341 : vector<16xf32>
      %add3A_1343 = arith.constant 1 : i32
      %add3A_1344 = arith.addi %mul3A_1328, %add3A_1343 : i32
      %get3A_1345 = arith.index_cast %add3A_1344 : i32 to index
      %get3A_1346 = arith.constant 16 : index
      %get3A_1347 = tpu.vector_load %arg7[%get3A_1345, %get3A_1346] {strides = array<i32>} : memref<1280x32xf32, #tpu.memory_space<vmem>>, vector<1x16xf32>,
      %get3A_1348 = vector.shape_cast %get3A_1347 : vector<1x16xf32> to vector<16xf32>
      %add3A_1349 = arith.addf %get3A_1335, %get3A_1348 : vector<16xf32>
      %add3A_1350 = arith.constant 2 : i32
      %add3A_1351 = arith.addi %mul3A_1328, %add3A_1350 : i32
      %get3A_1352 = arith.index_cast %add3A_1351 : i32 to index
      %get3A_1353 = arith.constant 0 : index
      %get3A_1354 = tpu.vector_load %arg7[%get3A_1352, %get3A_1353] {strides = array<i32>} : memref<1280x32xf32, #tpu.memory_space<vmem>>, vector<1x16xf32>,
      %get3A_1355 = vector.shape_cast %get3A_1354 : vector<1x16xf32> to vector<16xf32>
      %add3A_1356 = arith.addf %add3A_1342, %get3A_1355 : vector<16xf32>
      %add3A_1357 = arith.constant 2 : i32
      %add3A_1358 = arith.addi %mul3A_1328, %add3A_1357 : i32
      %get3A_1359 = arith.index_cast %add3A_1358 : i32 to index
      %get3A_1360 = arith.constant 16 : index
      %get3A_1361 = tpu.vector_load %arg7[%get3A_1359, %get3A_1360] {strides = array<i32>} : memref<1280x32xf32, #tpu.memory_space<vmem>>, vector<1x16xf32>,
      %get3A_1362 = vector.shape_cast %get3A_1361 : vector<1x16xf32> to vector<16xf32>
      %add3A_1363 = arith.addf %add3A_1349, %get3A_1362 : vector<16xf32>
      %add3A_1364 = arith.constant 3 : i32
      %add3A_1365 = arith.addi %mul3A_1328, %add3A_1364 : i32
      %get3A_1366 = arith.index_cast %add3A_1365 : i32 to index
      %get3A_1367 = arith.constant 0 : index
      %get3A_1368 = tpu.vector_load %arg7[%get3A_1366, %get3A_1367] {strides = array<i32>} : memref<1280x32xf32, #tpu.memory_space<vmem>>, vector<1x16xf32>,
      %get3A_1369 = vector.shape_cast %get3A_1368 : vector<1x16xf32> to vector<16xf32>
      %add3A_1370 = arith.addf %add3A_1356, %get3A_1369 : vector<16xf32>
      %add3A_1371 = arith.constant 3 : i32
      %add3A_1372 = arith.addi %mul3A_1328, %add3A_1371 : i32
      %get3A_1373 = arith.index_cast %add3A_1372 : i32 to index
      %get3A_1374 = arith.constant 16 : index
      %get3A_1375 = tpu.vector_load %arg7[%get3A_1373, %get3A_1374] {strides = array<i32>} : memref<1280x32xf32, #tpu.memory_space<vmem>>, vector<1x16xf32>,
      %get3A_1376 = vector.shape_cast %get3A_1375 : vector<1x16xf32> to vector<16xf32>
      %add3A_1377 = arith.addf %add3A_1363, %get3A_1376 : vector<16xf32>
      %add3A_1378 = arith.constant 4 : i32
      %add3A_1379 = arith.addi %mul3A_1328, %add3A_1378 : i32
      %get3A_1380 = arith.index_cast %add3A_1379 : i32 to index
      %get3A_1381 = arith.constant 0 : index
      %get3A_1382 = tpu.vector_load %arg7[%get3A_1380, %get3A_1381] {strides = array<i32>} : memref<1280x32xf32, #tpu.memory_space<vmem>>, vector<1x16xf32>,
      %get3A_1383 = vector.shape_cast %get3A_1382 : vector<1x16xf32> to vector<16xf32>
      %add3A_1384 = arith.addf %add3A_1370, %get3A_1383 : vector<16xf32>
      %add3A_1385 = arith.constant 4 : i32
      %add3A_1386 = arith.addi %mul3A_1328, %add3A_1385 : i32
      %get3A_1387 = arith.index_cast %add3A_1386 : i32 to index
      %get3A_1388 = arith.constant 16 : index
      %get3A_1389 = tpu.vector_load %arg7[%get3A_1387, %get3A_1388] {strides = array<i32>} : memref<1280x32xf32, #tpu.memory_space<vmem>>, vector<1x16xf32>,
      %get3A_1390 = vector.shape_cast %get3A_1389 : vector<1x16xf32> to vector<16xf32>
      %add3A_1391 = arith.addf %add3A_1377, %get3A_1390 : vector<16xf32>
      %add3A_1392 = arith.constant 5 : i32
      %add3A_1393 = arith.addi %mul3A_1328, %add3A_1392 : i32
      %get3A_1394 = arith.index_cast %add3A_1393 : i32 to index
      %get3A_1395 = arith.constant 0 : index
      %get3A_1396 = tpu.vector_load %arg7[%get3A_1394, %get3A_1395] {strides = array<i32>} : memref<1280x32xf32, #tpu.memory_space<vmem>>, vector<1x16xf32>,
      %get3A_1397 = vector.shape_cast %get3A_1396 : vector<1x16xf32> to vector<16xf32>
      %add3A_1398 = arith.addf %add3A_1384, %get3A_1397 : vector<16xf32>
      %add3A_1399 = arith.constant 5 : i32
      %add3A_1400 = arith.addi %mul3A_1328, %add3A_1399 : i32
      %get3A_1401 = arith.index_cast %add3A_1400 : i32 to index
      %get3A_1402 = arith.constant 16 : index
      %get3A_1403 = tpu.vector_load %arg7[%get3A_1401, %get3A_1402] {strides = array<i32>} : memref<1280x32xf32, #tpu.memory_space<vmem>>, vector<1x16xf32>,
      %get3A_1404 = vector.shape_cast %get3A_1403 : vector<1x16xf32> to vector<16xf32>
      %add3A_1405 = arith.addf %add3A_1391, %get3A_1404 : vector<16xf32>
      %add3A_1406 = arith.constant 6 : i32
      %add3A_1407 = arith.addi %mul3A_1328, %add3A_1406 : i32
      %get3A_1408 = arith.index_cast %add3A_1407 : i32 to index
      %get3A_1409 = arith.constant 0 : index
      %get3A_1410 = tpu.vector_load %arg7[%get3A_1408, %get3A_1409] {strides = array<i32>} : memref<1280x32xf32, #tpu.memory_space<vmem>>, vector<1x16xf32>,
      %get3A_1411 = vector.shape_cast %get3A_1410 : vector<1x16xf32> to vector<16xf32>
      %add3A_1412 = arith.addf %add3A_1398, %get3A_1411 : vector<16xf32>
      %add3A_1413 = arith.constant 6 : i32
      %add3A_1414 = arith.addi %mul3A_1328, %add3A_1413 : i32
      %get3A_1415 = arith.index_cast %add3A_1414 : i32 to index
      %get3A_1416 = arith.constant 16 : index
      %get3A_1417 = tpu.vector_load %arg7[%get3A_1415, %get3A_1416] {strides = array<i32>} : memref<1280x32xf32, #tpu.memory_space<vmem>>, vector<1x16xf32>,
      %get3A_1418 = vector.shape_cast %get3A_1417 : vector<1x16xf32> to vector<16xf32>
      %add3A_1419 = arith.addf %add3A_1405, %get3A_1418 : vector<16xf32>
      %add3A_1420 = arith.constant 7 : i32
      %add3A_1421 = arith.addi %mul3A_1328, %add3A_1420 : i32
      %get3A_1422 = arith.index_cast %add3A_1421 : i32 to index
      %get3A_1423 = arith.constant 0 : index
      %get3A_1424 = tpu.vector_load %arg7[%get3A_1422, %get3A_1423] {strides = array<i32>} : memref<1280x32xf32, #tpu.memory_space<vmem>>, vector<1x16xf32>,
      %get3A_1425 = vector.shape_cast %get3A_1424 : vector<1x16xf32> to vector<16xf32>
      %add3A_1426 = arith.addf %add3A_1412, %get3A_1425 : vector<16xf32>
      %add3A_1427 = arith.constant 7 : i32
      %add3A_1428 = arith.addi %mul3A_1328, %add3A_1427 : i32
      %get3A_1429 = arith.index_cast %add3A_1428 : i32 to index
      %get3A_1430 = arith.constant 16 : index
      %get3A_1431 = tpu.vector_load %arg7[%get3A_1429, %get3A_1430] {strides = array<i32>} : memref<1280x32xf32, #tpu.memory_space<vmem>>, vector<1x16xf32>,
      %get3A_1432 = vector.shape_cast %get3A_1431 : vector<1x16xf32> to vector<16xf32>
      %add3A_1433 = arith.addf %add3A_1419, %get3A_1432 : vector<16xf32>
      %add3A_1434 = arith.constant 8 : i32
      %add3A_1435 = arith.addi %mul3A_1328, %add3A_1434 : i32
      %get3A_1436 = arith.index_cast %add3A_1435 : i32 to index
      %get3A_1437 = arith.constant 0 : index
      %get3A_1438 = tpu.vector_load %arg7[%get3A_1436, %get3A_1437] {strides = array<i32>} : memref<1280x32xf32, #tpu.memory_space<vmem>>, vector<1x16xf32>,
      %get3A_1439 = vector.shape_cast %get3A_1438 : vector<1x16xf32> to vector<16xf32>
      %add3A_1440 = arith.addf %add3A_1426, %get3A_1439 : vector<16xf32>
      %add3A_1441 = arith.constant 8 : i32
      %add3A_1442 = arith.addi %mul3A_1328, %add3A_1441 : i32
      %get3A_1443 = arith.index_cast %add3A_1442 : i32 to index
      %get3A_1444 = arith.constant 16 : index
      %get3A_1445 = tpu.vector_load %arg7[%get3A_1443, %get3A_1444] {strides = array<i32>} : memref<1280x32xf32, #tpu.memory_space<vmem>>, vector<1x16xf32>,
      %get3A_1446 = vector.shape_cast %get3A_1445 : vector<1x16xf32> to vector<16xf32>
      %add3A_1447 = arith.addf %add3A_1433, %get3A_1446 : vector<16xf32>
      %add3A_1448 = arith.constant 9 : i32
      %add3A_1449 = arith.addi %mul3A_1328, %add3A_1448 : i32
      %get3A_1450 = arith.index_cast %add3A_1449 : i32 to index
      %get3A_1451 = arith.constant 0 : index
      %get3A_1452 = tpu.vector_load %arg7[%get3A_1450, %get3A_1451] {strides = array<i32>} : memref<1280x32xf32, #tpu.memory_space<vmem>>, vector<1x16xf32>,
      %get3A_1453 = vector.shape_cast %get3A_1452 : vector<1x16xf32> to vector<16xf32>
      %add3A_1454 = arith.addf %add3A_1440, %get3A_1453 : vector<16xf32>
      %add3A_1455 = arith.constant 9 : i32
      %add3A_1456 = arith.addi %mul3A_1328, %add3A_1455 : i32
      %get3A_1457 = arith.index_cast %add3A_1456 : i32 to index
      %get3A_1458 = arith.constant 16 : index
      %get3A_1459 = tpu.vector_load %arg7[%get3A_1457, %get3A_1458] {strides = array<i32>} : memref<1280x32xf32, #tpu.memory_space<vmem>>, vector<1x16xf32>,
      %get3A_1460 = vector.shape_cast %get3A_1459 : vector<1x16xf32> to vector<16xf32>
      %add3A_1461 = arith.addf %add3A_1447, %get3A_1460 : vector<16xf32>
      %add3A_1462 = arith.constant 10 : i32
      %add3A_1463 = arith.addi %mul3A_1328, %add3A_1462 : i32
      %get3A_1464 = arith.index_cast %add3A_1463 : i32 to index
      %get3A_1465 = arith.constant 0 : index
      %get3A_1466 = tpu.vector_load %arg7[%get3A_1464, %get3A_1465] {strides = array<i32>} : memref<1280x32xf32, #tpu.memory_space<vmem>>, vector<1x16xf32>,
      %get3A_1467 = vector.shape_cast %get3A_1466 : vector<1x16xf32> to vector<16xf32>
      %add3A_1468 = arith.addf %add3A_1454, %get3A_1467 : vector<16xf32>
      %add3A_1469 = arith.constant 10 : i32
      %add3A_1470 = arith.addi %mul3A_1328, %add3A_1469 : i32
      %get3A_1471 = arith.index_cast %add3A_1470 : i32 to index
      %get3A_1472 = arith.constant 16 : index
      %get3A_1473 = tpu.vector_load %arg7[%get3A_1471, %get3A_1472] {strides = array<i32>} : memref<1280x32xf32, #tpu.memory_space<vmem>>, vector<1x16xf32>,
      %get3A_1474 = vector.shape_cast %get3A_1473 : vector<1x16xf32> to vector<16xf32>
      %add3A_1475 = arith.addf %add3A_1461, %get3A_1474 : vector<16xf32>
      %add3A_1476 = arith.constant 11 : i32
      %add3A_1477 = arith.addi %mul3A_1328, %add3A_1476 : i32
      %get3A_1478 = arith.index_cast %add3A_1477 : i32 to index
      %get3A_1479 = arith.constant 0 : index
      %get3A_1480 = tpu.vector_load %arg7[%get3A_1478, %get3A_1479] {strides = array<i32>} : memref<1280x32xf32, #tpu.memory_space<vmem>>, vector<1x16xf32>,
      %get3A_1481 = vector.shape_cast %get3A_1480 : vector<1x16xf32> to vector<16xf32>
      %add3A_1482 = arith.addf %add3A_1468, %get3A_1481 : vector<16xf32>
      %add3A_1483 = arith.constant 11 : i32
      %add3A_1484 = arith.addi %mul3A_1328, %add3A_1483 : i32
      %get3A_1485 = arith.index_cast %add3A_1484 : i32 to index
      %get3A_1486 = arith.constant 16 : index
      %get3A_1487 = tpu.vector_load %arg7[%get3A_1485, %get3A_1486] {strides = array<i32>} : memref<1280x32xf32, #tpu.memory_space<vmem>>, vector<1x16xf32>,
      %get3A_1488 = vector.shape_cast %get3A_1487 : vector<1x16xf32> to vector<16xf32>
      %add3A_1489 = arith.addf %add3A_1475, %get3A_1488 : vector<16xf32>
      %add3A_1490 = arith.constant 12 : i32
      %add3A_1491 = arith.addi %mul3A_1328, %add3A_1490 : i32
      %get3A_1492 = arith.index_cast %add3A_1491 : i32 to index
      %get3A_1493 = arith.constant 0 : index
      %get3A_1494 = tpu.vector_load %arg7[%get3A_1492, %get3A_1493] {strides = array<i32>} : memref<1280x32xf32, #tpu.memory_space<vmem>>, vector<1x16xf32>,
      %get3A_1495 = vector.shape_cast %get3A_1494 : vector<1x16xf32> to vector<16xf32>
      %add3A_1496 = arith.addf %add3A_1482, %get3A_1495 : vector<16xf32>
      %add3A_1497 = arith.constant 12 : i32
      %add3A_1498 = arith.addi %mul3A_1328, %add3A_1497 : i32
      %get3A_1499 = arith.index_cast %add3A_1498 : i32 to index
      %get3A_1500 = arith.constant 16 : index
      %get3A_1501 = tpu.vector_load %arg7[%get3A_1499, %get3A_1500] {strides = array<i32>} : memref<1280x32xf32, #tpu.memory_space<vmem>>, vector<1x16xf32>,
      %get3A_1502 = vector.shape_cast %get3A_1501 : vector<1x16xf32> to vector<16xf32>
      %add3A_1503 = arith.addf %add3A_1489, %get3A_1502 : vector<16xf32>
      %add3A_1504 = arith.constant 13 : i32
      %add3A_1505 = arith.addi %mul3A_1328, %add3A_1504 : i32
      %get3A_1506 = arith.index_cast %add3A_1505 : i32 to index
      %get3A_1507 = arith.constant 0 : index
      %get3A_1508 = tpu.vector_load %arg7[%get3A_1506, %get3A_1507] {strides = array<i32>} : memref<1280x32xf32, #tpu.memory_space<vmem>>, vector<1x16xf32>,
      %get3A_1509 = vector.shape_cast %get3A_1508 : vector<1x16xf32> to vector<16xf32>
      %add3A_1510 = arith.addf %add3A_1496, %get3A_1509 : vector<16xf32>
      %add3A_1511 = arith.constant 13 : i32
      %add3A_1512 = arith.addi %mul3A_1328, %add3A_1511 : i32
      %get3A_1513 = arith.index_cast %add3A_1512 : i32 to index
      %get3A_1514 = arith.constant 16 : index
      %get3A_1515 = tpu.vector_load %arg7[%get3A_1513, %get3A_1514] {strides = array<i32>} : memref<1280x32xf32, #tpu.memory_space<vmem>>, vector<1x16xf32>,
      %get3A_1516 = vector.shape_cast %get3A_1515 : vector<1x16xf32> to vector<16xf32>
      %add3A_1517 = arith.addf %add3A_1503, %get3A_1516 : vector<16xf32>
      %add3A_1518 = arith.constant 14 : i32
      %add3A_1519 = arith.addi %mul3A_1328, %add3A_1518 : i32
      %get3A_1520 = arith.index_cast %add3A_1519 : i32 to index
      %get3A_1521 = arith.constant 0 : index
      %get3A_1522 = tpu.vector_load %arg7[%get3A_1520, %get3A_1521] {strides = array<i32>} : memref<1280x32xf32, #tpu.memory_space<vmem>>, vector<1x16xf32>,
      %get3A_1523 = vector.shape_cast %get3A_1522 : vector<1x16xf32> to vector<16xf32>
      %add3A_1524 = arith.addf %add3A_1510, %get3A_1523 : vector<16xf32>
      %add3A_1525 = arith.constant 14 : i32
      %add3A_1526 = arith.addi %mul3A_1328, %add3A_1525 : i32
      %get3A_1527 = arith.index_cast %add3A_1526 : i32 to index
      %get3A_1528 = arith.constant 16 : index
      %get3A_1529 = tpu.vector_load %arg7[%get3A_1527, %get3A_1528] {strides = array<i32>} : memref<1280x32xf32, #tpu.memory_space<vmem>>, vector<1x16xf32>,
      %get3A_1530 = vector.shape_cast %get3A_1529 : vector<1x16xf32> to vector<16xf32>
      %add3A_1531 = arith.addf %add3A_1517, %get3A_1530 : vector<16xf32>
      %add3A_1532 = arith.constant 15 : i32
      %add3A_1533 = arith.addi %mul3A_1328, %add3A_1532 : i32
      %get3A_1534 = arith.index_cast %add3A_1533 : i32 to index
      %get3A_1535 = arith.constant 0 : index
      %get3A_1536 = tpu.vector_load %arg7[%get3A_1534, %get3A_1535] {strides = array<i32>} : memref<1280x32xf32, #tpu.memory_space<vmem>>, vector<1x16xf32>,
      %get3A_1537 = vector.shape_cast %get3A_1536 : vector<1x16xf32> to vector<16xf32>
      %add3A_1538 = arith.addf %add3A_1524, %get3A_1537 : vector<16xf32>
      %add3A_1539 = arith.constant 15 : i32
      %add3A_1540 = arith.addi %mul3A_1328, %add3A_1539 : i32
      %get3A_1541 = arith.index_cast %add3A_1540 : i32 to index
      %get3A_1542 = arith.constant 16 : index
      %get3A_1543 = tpu.vector_load %arg7[%get3A_1541, %get3A_1542] {strides = array<i32>} : memref<1280x32xf32, #tpu.memory_space<vmem>>, vector<1x16xf32>,
      %get3A_1544 = vector.shape_cast %get3A_1543 : vector<1x16xf32> to vector<16xf32>
      %add3A_1545 = arith.addf %add3A_1531, %get3A_1544 : vector<16xf32>
      %add3A_1546 = arith.constant 16 : i32
      %add3A_1547 = arith.addi %mul3A_1328, %add3A_1546 : i32
      %get3A_1548 = arith.index_cast %add3A_1547 : i32 to index
      %get3A_1549 = arith.constant 0 : index
      %get3A_1550 = tpu.vector_load %arg7[%get3A_1548, %get3A_1549] {strides = array<i32>} : memref<1280x32xf32, #tpu.memory_space<vmem>>, vector<1x16xf32>,
      %get3A_1551 = vector.shape_cast %get3A_1550 : vector<1x16xf32> to vector<16xf32>
      %add3A_1552 = arith.addf %add3A_1538, %get3A_1551 : vector<16xf32>
      %add3A_1553 = arith.constant 16 : i32
      %add3A_1554 = arith.addi %mul3A_1328, %add3A_1553 : i32
      %get3A_1555 = arith.index_cast %add3A_1554 : i32 to index
      %get3A_1556 = arith.constant 16 : index
      %get3A_1557 = tpu.vector_load %arg7[%get3A_1555, %get3A_1556] {strides = array<i32>} : memref<1280x32xf32, #tpu.memory_space<vmem>>, vector<1x16xf32>,
      %get3A_1558 = vector.shape_cast %get3A_1557 : vector<1x16xf32> to vector<16xf32>
      %add3A_1559 = arith.addf %add3A_1545, %get3A_1558 : vector<16xf32>
      %add3A_1560 = arith.constant 17 : i32
      %add3A_1561 = arith.addi %mul3A_1328, %add3A_1560 : i32
      %get3A_1562 = arith.index_cast %add3A_1561 : i32 to index
      %get3A_1563 = arith.constant 0 : index
      %get3A_1564 = tpu.vector_load %arg7[%get3A_1562, %get3A_1563] {strides = array<i32>} : memref<1280x32xf32, #tpu.memory_space<vmem>>, vector<1x16xf32>,
      %get3A_1565 = vector.shape_cast %get3A_1564 : vector<1x16xf32> to vector<16xf32>
      %add3A_1566 = arith.addf %add3A_1552, %get3A_1565 : vector<16xf32>
      %add3A_1567 = arith.constant 17 : i32
      %add3A_1568 = arith.addi %mul3A_1328, %add3A_1567 : i32
      %get3A_1569 = arith.index_cast %add3A_1568 : i32 to index
      %get3A_1570 = arith.constant 16 : index
      %get3A_1571 = tpu.vector_load %arg7[%get3A_1569, %get3A_1570] {strides = array<i32>} : memref<1280x32xf32, #tpu.memory_space<vmem>>, vector<1x16xf32>,
      %get3A_1572 = vector.shape_cast %get3A_1571 : vector<1x16xf32> to vector<16xf32>
      %add3A_1573 = arith.addf %add3A_1559, %get3A_1572 : vector<16xf32>
      %add3A_1574 = arith.constant 18 : i32
      %add3A_1575 = arith.addi %mul3A_1328, %add3A_1574 : i32
      %get3A_1576 = arith.index_cast %add3A_1575 : i32 to index
      %get3A_1577 = arith.constant 0 : index
      %get3A_1578 = tpu.vector_load %arg7[%get3A_1576, %get3A_1577] {strides = array<i32>} : memref<1280x32xf32, #tpu.memory_space<vmem>>, vector<1x16xf32>,
      %get3A_1579 = vector.shape_cast %get3A_1578 : vector<1x16xf32> to vector<16xf32>
      %add3A_1580 = arith.addf %add3A_1566, %get3A_1579 : vector<16xf32>
      %add3A_1581 = arith.constant 18 : i32
      %add3A_1582 = arith.addi %mul3A_1328, %add3A_1581 : i32
      %get3A_1583 = arith.index_cast %add3A_1582 : i32 to index
      %get3A_1584 = arith.constant 16 : index
      %get3A_1585 = tpu.vector_load %arg7[%get3A_1583, %get3A_1584] {strides = array<i32>} : memref<1280x32xf32, #tpu.memory_space<vmem>>, vector<1x16xf32>,
      %get3A_1586 = vector.shape_cast %get3A_1585 : vector<1x16xf32> to vector<16xf32>
      %add3A_1587 = arith.addf %add3A_1573, %get3A_1586 : vector<16xf32>
      %add3A_1588 = arith.constant 19 : i32
      %add3A_1589 = arith.addi %mul3A_1328, %add3A_1588 : i32
      %get3A_1590 = arith.index_cast %add3A_1589 : i32 to index
      %get3A_1591 = arith.constant 0 : index
      %get3A_1592 = tpu.vector_load %arg7[%get3A_1590, %get3A_1591] {strides = array<i32>} : memref<1280x32xf32, #tpu.memory_space<vmem>>, vector<1x16xf32>,
      %get3A_1593 = vector.shape_cast %get3A_1592 : vector<1x16xf32> to vector<16xf32>
      %add3A_1594 = arith.addf %add3A_1580, %get3A_1593 : vector<16xf32>
      %add3A_1595 = arith.constant 19 : i32
      %add3A_1596 = arith.addi %mul3A_1328, %add3A_1595 : i32
      %get3A_1597 = arith.index_cast %add3A_1596 : i32 to index
      %get3A_1598 = arith.constant 16 : index
      %get3A_1599 = tpu.vector_load %arg7[%get3A_1597, %get3A_1598] {strides = array<i32>} : memref<1280x32xf32, #tpu.memory_space<vmem>>, vector<1x16xf32>,
      %get3A_1600 = vector.shape_cast %get3A_1599 : vector<1x16xf32> to vector<16xf32>
      %add3A_1601 = arith.addf %add3A_1587, %get3A_1600 : vector<16xf32>
      %add3A_1602 = arith.constant 448 : i32
      %add3A_1603 = arith.addi %add3A_1602, %add3A_1326 : i32
      %swap3A = arith.index_cast %add3A_1603 : i32 to index
      %swap3A_1604 = arith.constant 0 : index
      %swap3A_1605 = tpu.vector_load %arg8[%swap3A, %swap3A_1604] {strides = array<i32>} : memref<512x32xf32, #tpu.memory_space<vmem>>, vector<1x16xf32>,
      %swap3A_1606 = vector.shape_cast %swap3A_1605 : vector<1x16xf32> to vector<16xf32>
      %swap3A_1607 = vector.shape_cast %add3A_1594 : vector<16xf32> to vector<1x16xf32>
      tpu.vector_store %arg8[%swap3A, %swap3A_1604], %swap3A_1607 {strides = array<i32>} : memref<512x32xf32, #tpu.memory_space<vmem>>, vector<1x16xf32>,
      %swap3A_1608 = arith.index_cast %add3A_1603 : i32 to index
      %swap3A_1609 = arith.constant 16 : index
      %swap3A_1610 = tpu.vector_load %arg8[%swap3A_1608, %swap3A_1609] {strides = array<i32>} : memref<512x32xf32, #tpu.memory_space<vmem>>, vector<1x16xf32>,
      %swap3A_1611 = vector.shape_cast %swap3A_1610 : vector<1x16xf32> to vector<16xf32>
      %swap3A_1612 = vector.shape_cast %add3A_1601 : vector<16xf32> to vector<1x16xf32>
      tpu.vector_store %arg8[%swap3A_1608, %swap3A_1609], %swap3A_1612 {strides = array<i32>} : memref<512x32xf32, #tpu.memory_space<vmem>>, vector<1x16xf32>,
    }
    %scan3A_1321 = arith.constant 64 : i32
    "tpu.region"() ({
      %run_scoped3A = tpu.sem_alloc : memref<!tpu.dma_semaphore, #tpu.memory_space<semaphore_mem>>
      %dma_start3A_1322 = arith.constant 0 : i32
      %dma_start3A_1323 = tpu.memref_slice %arg4[%mul3A_2, %dma_start3A_1322] : memref<16384x32xf32, #tpu.memory_space<hbm>> -> memref<512x32xf32, #tpu.memory_space<hbm>>
      %dma_start3A_1324 = arith.constant 0 : i32
      %dma_start3A_1325 = tpu.memref_slice %arg4[%mul3A_2, %dma_start3A_1324] : memref<16384x32xf32, #tpu.memory_space<hbm>> -> memref<512x32xf32, #tpu.memory_space<hbm>>
      tpu.enqueue_dma source(%arg8 : memref<512x32xf32, #tpu.memory_space<vmem>>) target(%dma_start3A_1325 : memref<512x32xf32, #tpu.memory_space<hbm>>) target_semaphore(%run_scoped3A : memref<!tpu.dma_semaphore, #tpu.memory_space<semaphore_mem>>)
      %dma_wait3A_1326 = arith.constant 0 : i32
      %dma_wait3A_1327 = tpu.memref_slice %arg4[%mul3A_2, %dma_wait3A_1326] : memref<16384x32xf32, #tpu.memory_space<hbm>> -> memref<512x32xf32, #tpu.memory_space<hbm>>
      %dma_wait3A_1328 = arith.constant 0 : i32
      %dma_wait3A_1329 = tpu.memref_slice %arg4[%mul3A_2, %dma_wait3A_1328] : memref<16384x32xf32, #tpu.memory_space<hbm>> -> memref<512x32xf32, #tpu.memory_space<hbm>>
      tpu.wait_dma2 semaphore(%run_scoped3A : memref<!tpu.dma_semaphore, #tpu.memory_space<semaphore_mem>>) src(%arg8 : memref<512x32xf32, #tpu.memory_space<vmem>>) dst(%dma_wait3A_1329 : memref<512x32xf32, #tpu.memory_space<hbm>>)
      tpu.yield
    }) : () -> ()
    return
  }
}

#map = affine_map<(d0, d1) -> (0, 0)>
#map1 = affine_map<(d0, d1) -> (0)>
module attributes {stable_mosaic.version = 14 : i64} {
  func.func @_sc_flatten(%arg0: i32, %arg1: i32, %arg2: memref<16384x20xi32, #tpu.memory_space<hbm>>, %arg3: memref<327680xi32, #tpu.memory_space<hbm>>, %arg4: memref<512x20xi32, #tpu.memory_space<vmem>>, %arg5: memref<10240xi32, #tpu.memory_space<vmem>>) attributes {dimension_semantics = [#tpu.dimension_semantics<core_parallel>, #tpu.dimension_semantics<subcore_parallel>], iteration_bounds = array<i64: 2, 16>, scalar_prefetch = 0 : i64, scratch_operands = 2 : i64, tpu.core_type = #tpu.core_type<sc_vector_subcore>, window_params = [{transform_indices = #map}, {transform_indices = #map1}]} {
    %mul3A = arith.constant 2 : i32
    %mul3A_0 = arith.muli %arg1, %mul3A : i32
    %add3A = arith.addi %mul3A_0, %arg0 : i32
    %mul3A_1 = arith.constant 512 : i32
    %mul3A_2 = arith.muli %add3A, %mul3A_1 : i32
    "tpu.region"() ({
      %run_scoped3A = tpu.sem_alloc : memref<!tpu.dma_semaphore, #tpu.memory_space<semaphore_mem>>
      %dma_start3A = arith.constant 0 : i32
      %dma_start3A_9 = tpu.memref_slice %arg2[%mul3A_2, %dma_start3A] : memref<16384x20xi32, #tpu.memory_space<hbm>> -> memref<512x20xi32, #tpu.memory_space<hbm>>
      %dma_start3A_10 = arith.constant 0 : i32
      %dma_start3A_11 = tpu.memref_slice %arg2[%mul3A_2, %dma_start3A_10] : memref<16384x20xi32, #tpu.memory_space<hbm>> -> memref<512x20xi32, #tpu.memory_space<hbm>>
      tpu.enqueue_dma source(%dma_start3A_11 : memref<512x20xi32, #tpu.memory_space<hbm>>) target(%arg4 : memref<512x20xi32, #tpu.memory_space<vmem>>) target_semaphore(%run_scoped3A : memref<!tpu.dma_semaphore, #tpu.memory_space<semaphore_mem>>)
      %dma_wait3A = arith.constant 0 : i32
      %dma_wait3A_12 = tpu.memref_slice %arg2[%mul3A_2, %dma_wait3A] : memref<16384x20xi32, #tpu.memory_space<hbm>> -> memref<512x20xi32, #tpu.memory_space<hbm>>
      %dma_wait3A_13 = arith.constant 0 : i32
      %dma_wait3A_14 = tpu.memref_slice %arg2[%mul3A_2, %dma_wait3A_13] : memref<16384x20xi32, #tpu.memory_space<hbm>> -> memref<512x20xi32, #tpu.memory_space<hbm>>
      tpu.wait_dma2 semaphore(%run_scoped3A : memref<!tpu.dma_semaphore, #tpu.memory_space<semaphore_mem>>) src(%dma_wait3A_14 : memref<512x20xi32, #tpu.memory_space<hbm>>) dst(%arg4 : memref<512x20xi32, #tpu.memory_space<vmem>>)
      tpu.yield
    }) : () -> ()
    %scan3A = arith.constant 0 : i32
    %scan3A_3 = arith.constant 512 : i32
    %scan3A_4 = arith.addi %scan3A, %scan3A_3 : i32
    %scan3A_5 = arith.constant 1 : i32
    scf.for %scan3A_9 = %scan3A to %scan3A_4 step %scan3A_5  : i32 {
      %mul3A_10 = arith.constant 1 : i32
      %mul3A_11 = arith.muli %scan3A_9, %mul3A_10 : i32
      %add3A_12 = arith.constant 0 : i32
      %add3A_13 = arith.addi %add3A_12, %mul3A_11 : i32
      %get3A = arith.index_cast %add3A_13 : i32 to index
      %get3A_14 = arith.constant 0 : index
      %get3A_15 = tpu.vector_load %arg4[%get3A, %get3A_14] {strides = array<i32>} : memref<512x20xi32, #tpu.memory_space<vmem>>, vector<1x16xi32>,
      %get3A_16 = vector.shape_cast %get3A_15 : vector<1x16xi32> to vector<16xi32>
      %get3A_17 = arith.index_cast %add3A_13 : i32 to index
      %get3A_18 = arith.constant 4 : index
      %get3A_19 = tpu.vector_load %arg4[%get3A_17, %get3A_18] {strides = array<i32>} : memref<512x20xi32, #tpu.memory_space<vmem>>, vector<1x16xi32>,
      %get3A_20 = vector.shape_cast %get3A_19 : vector<1x16xi32> to vector<16xi32>
      %mul3A_21 = arith.constant 20 : i32
      %mul3A_22 = arith.muli %add3A_13, %mul3A_21 : i32
      %swap3A = arith.index_cast %mul3A_22 : i32 to index
      %swap3A_23 = tpu.vector_load %arg5[%swap3A] {strides = array<i32>} : memref<10240xi32, #tpu.memory_space<vmem>>, vector<16xi32>,
      %swap3A_24 = vector.shape_cast %swap3A_23 : vector<16xi32> to vector<16xi32>
      %swap3A_25 = vector.shape_cast %get3A_16 : vector<16xi32> to vector<16xi32>
      tpu.vector_store %arg5[%swap3A], %swap3A_25 {strides = array<i32>} : memref<10240xi32, #tpu.memory_space<vmem>>, vector<16xi32>,
      %mul3A_26 = arith.constant 20 : i32
      %mul3A_27 = arith.muli %add3A_13, %mul3A_26 : i32
      %add3A_28 = arith.constant 4 : i32
      %add3A_29 = arith.addi %mul3A_27, %add3A_28 : i32
      %swap3A_30 = arith.index_cast %add3A_29 : i32 to index
      %swap3A_31 = tpu.vector_load %arg5[%swap3A_30] {strides = array<i32>} : memref<10240xi32, #tpu.memory_space<vmem>>, vector<16xi32>,
      %swap3A_32 = vector.shape_cast %swap3A_31 : vector<16xi32> to vector<16xi32>
      %swap3A_33 = vector.shape_cast %get3A_20 : vector<16xi32> to vector<16xi32>
      tpu.vector_store %arg5[%swap3A_30], %swap3A_33 {strides = array<i32>} : memref<10240xi32, #tpu.memory_space<vmem>>, vector<16xi32>,
    }
    %scan3A_6 = arith.constant 512 : i32
    %mul3A_7 = arith.constant 10240 : i32
    %mul3A_8 = arith.muli %add3A, %mul3A_7 : i32
    "tpu.region"() ({
      %run_scoped3A = tpu.sem_alloc : memref<!tpu.dma_semaphore, #tpu.memory_space<semaphore_mem>>
      %dma_start3A = tpu.memref_slice %arg3[%mul3A_8] : memref<327680xi32, #tpu.memory_space<hbm>> -> memref<10240xi32, #tpu.memory_space<hbm>>
      %dma_start3A_9 = tpu.memref_slice %arg3[%mul3A_8] : memref<327680xi32, #tpu.memory_space<hbm>> -> memref<10240xi32, #tpu.memory_space<hbm>>
      tpu.enqueue_dma source(%arg5 : memref<10240xi32, #tpu.memory_space<vmem>>) target(%dma_start3A_9 : memref<10240xi32, #tpu.memory_space<hbm>>) target_semaphore(%run_scoped3A : memref<!tpu.dma_semaphore, #tpu.memory_space<semaphore_mem>>)
      %dma_wait3A = tpu.memref_slice %arg3[%mul3A_8] : memref<327680xi32, #tpu.memory_space<hbm>> -> memref<10240xi32, #tpu.memory_space<hbm>>
      %dma_wait3A_10 = tpu.memref_slice %arg3[%mul3A_8] : memref<327680xi32, #tpu.memory_space<hbm>> -> memref<10240xi32, #tpu.memory_space<hbm>>
      tpu.wait_dma2 semaphore(%run_scoped3A : memref<!tpu.dma_semaphore, #tpu.memory_space<semaphore_mem>>) src(%arg5 : memref<10240xi32, #tpu.memory_space<vmem>>) dst(%dma_wait3A_10 : memref<10240xi32, #tpu.memory_space<hbm>>)
      tpu.yield
    }) : () -> ()
    return
  }
}

</mosaic_0001>

<sc_bundles>
// kernel: kernel.4.cloned.1.call-start
scs
__scs_entry_jumppad:
0x0: {  	(pc) =	sbr.rel $0x88, $3  }
0x1: {  	(tag) =	ssettag $0x0;
	lr =	simm.s32 $0x1  }
0x2: {  	[smem:$0x3F9F] =	sst lr;
	_ =	strace $0xD0000000  }
0x3: {  	_ = 	snop  }
0x4: {  	_ = 	snop  }
0x5: {  	_ = 	snop  }
0x6: {  	_ = 	snop  }
0x7: {  	_ = 	snop  }
__scs_overlays_trampoline_lowered:
0x8: {  	[smem:$0x3FAE] =	sst s0  }
0x9: {  	[smem:$0x3FAF] =	sst s1  }
0xa: {  	[smem:$0x3FB0] =	sst s2  }
0xb: {  	[smem:$0x3FB1] =	sst s3  }
0xc: {  	[smem:$0x3FB2] =	sst s4  }
0xd: {  	[smem:$0x3FB3] =	sst s5  }
0xe: {  	[smem:$0x3FB4] =	sst s6  }
0xf: {  	[smem:$0x3FB5] =	sst s7  }
0x10: {  	[smem:$0x3FB6] =	sst s8  }
0x11: {  	[smem:$0x3FB7] =	sst s9;
	s0 =	simm.s32 @!p0 $0x0  }
0x12: {  	s1 =	sld [smem:$0x3F9D];
	s0 =	simm.s32 @p0 $0x1  }
0x13: {  	[smem:$0x3FB8] =	sst s0;
	s0 =	simm.s32 @!p1 $0x0  }
0x14: {  	s2 =	sld [smem:$0x3F9C];
	s0 =	simm.s32 @p1 $0x1  }
0x15: {  	[smem:$0x3FB9] =	sst s0;
	s0 =	simm.s32 @!p2 $0x0  }
0x16: {  	s3 =	sld [smem:$0x3FDB];
	s0 =	simm.s32 @p2 $0x1  }
0x17: {  	s4 =	simm.s32 $0x1BF5;
	[smem:$0x3FBB] =	sst s0  }
0x18: {  	s0 =	sld [smem:$0x3F9E];
	_ =	swait.ge [sflag:s4], $0x0  }
0x19: {  	s7 =	sld [smem:$0x3F9F]  }
0x1a: {  	s8 =	sadd.s32 $0xFFFFE003, lr  }
0x1b: {  	s9 =	sadd.s32 $0xFFFFFEF7, lr;
	s5 =	simm.s32 $0xFFFFFFFF;
	p2 =	slt.u32 s8, $0xFFFFF086  }
0x1c: {  	p1 =	slt.u32 s9, $0xF7A;
	s5 =	simm.s32 @!p2 $0x0  }
0x1d: {  	s5 =	simm.s32 @p1 $0x1;
	p0 =	seq.s32 s7, s2  }
0x1e: {  	s7 =	smul.u32 @!p0 $0xF7A, s2;
	p2 =	seq.s32 @!p0 s5, $0x0  }
0x1f: {  	s9 =	smul.u32 $0xF7A, s1;
	s8 =	simm.s32 @!p0 $0x1BF5;
	p2 =	por !p2, p0  }
0x20: {  	[sflag:s8] =	ssyncset.s32 @!p0 $0xFFFFF086;
	s6 =	sadd.s32 @!p0 s3, s7;
	s7 =	simm.s32 @!p0 $0x108  }
0x21: {  	s3 =	sadd.s32 s3, s9;
	s6 =	sadd.s32 @!p0 $0x88, s6;
	s7 =	simm.s32 @p2 $0x1082  }
0x22: {  	[simem:s7], [sflag:s8] =	dma.local @!p0 [hbm:s6], $0xF7A  }
0x23: {  	s9 =	sor.u32 $0xD0000000, s2;
	s6 =	simm.s32 $0x108;
	_ =	swait.ge @!p0 [sflag:s8], $0x0  }
0x24: {  	s3 =	sadd.s32 $0x88, s3;
	s6 =	simm.s32 @!p1 $0x1082;
	[sflag:s4] =	ssyncset.s32 $0xFFFFF086  }
0x25: {  	[simem:s6], [sflag:s4] =	dma.local [hbm:s3], $0xF7A  }
0x26: {  	[smem:$0x3F9F] =	sst s1;
	(tag) =	ssettag s2;
	_ =	strace s9  }
0x27: {  	s1 =	sld [smem:$0x3FAF]  }
0x28: {  	s2 =	sld [smem:$0x3FB0]  }
0x29: {  	s4 =	sld [smem:$0x3FB2]  }
0x2a: {  	p0 =	seq.s32 s5, $0x0;
	s5 =	sld [smem:$0x3FB3]  }
0x2b: {  	s6 =	sld [smem:$0x3FB4]  }
0x2c: {  	s7 =	sld [smem:$0x3FB5]  }
0x2d: {  	s3 =	simm.s32 $0x108;
	s8 =	sld [smem:$0x3FB6]  }
0x2e: {  	s3 =	simm.s32 @!p0 $0x1082;
	s9 =	sld [smem:$0x3FB7]  }
0x2f: {  	lr =	sadd.s32 s0, s3;
	s0 =	sld [smem:$0x3FAE]  }
0x30: {  	s3 =	sld [smem:$0x3FB1]  }
0x31: {  	[smem:$0x3FBA] =	sst s10  }
0x32: {  	s10 =	sld [smem:$0x3FB8];
	_ =	sdelay $0x3  }
0x33: {  	p0 =	seq.s32 s10, $0x1;
	s10 =	sld [smem:$0x3FBA];
	_ =	sdelay $0x3  }
0x34: {  	[smem:$0x3FBA] =	sst s10  }
0x35: {  	s10 =	sld [smem:$0x3FB9];
	_ =	sdelay $0x3  }
0x36: {  	p1 =	seq.s32 s10, $0x1;
	s10 =	sld [smem:$0x3FBA];
	_ =	sdelay $0x3  }
0x37: {  	[smem:$0x3FBA] =	sst s10  }
0x38: {  	s10 =	sld [smem:$0x3FBB]  }
0x39: {  	_ = 	snop;
	(pc) =	sbr.ind lr, $3  }
0x3a: {  	_ = 	snop  }
0x3b: {  	_ = 	snop  }
0x3c: {  	p2 =	seq.s32 s10, $0x1;
	s10 =	sld [smem:$0x3FBA]  }
0x3d: {  	_ =	shalt  }
0x3e: {  	_ =	shalt  }
0x3f: {  	_ =	shalt  }
0x40: {  	_ =	shalt  }
0x41: {  	_ =	shalt  }
0x42: {  	_ =	shalt  }
0x43: {  	_ =	shalt  }
0x44: {  	_ =	shalt  }
0x45: {  	_ =	shalt  }
0x46: {  	_ =	shalt  }
0x47: {  	_ =	shalt  }
0x48: {  	_ =	shalt  }
0x49: {  	_ =	shalt  }
0x4a: {  	_ =	shalt  }
0x4b: {  	_ =	shalt  }
0x4c: {  	_ =	shalt  }
0x4d: {  	_ =	shalt  }
0x4e: {  	_ =	shalt  }
0x4f: {  	_ =	shalt  }
0x50: {  	_ =	shalt  }
0x51: {  	_ =	shalt  }
0x52: {  	_ =	shalt  }
0x53: {  	_ =	shalt  }
0x54: {  	_ =	shalt  }
0x55: {  	_ =	shalt  }
0x56: {  	_ =	shalt  }
0x57: {  	_ =	shalt  }
0x58: {  	_ =	shalt  }
0x59: {  	_ =	shalt  }
0x5a: {  	_ =	shalt  }
0x5b: {  	_ =	shalt  }
0x5c: {  	_ =	shalt  }
0x5d: {  	_ =	shalt  }
0x5e: {  	_ =	shalt  }
0x5f: {  	_ =	shalt  }
0x60: {  	_ =	shalt  }
0x61: {  	_ =	shalt  }
0x62: {  	_ =	shalt  }
0x63: {  	_ =	shalt  }
0x64: {  	_ =	shalt  }
0x65: {  	_ =	shalt  }
0x66: {  	_ =	shalt  }
0x67: {  	_ =	shalt  }
0x68: {  	_ =	shalt  }
0x69: {  	_ =	shalt  }
0x6a: {  	_ =	shalt  }
0x6b: {  	_ =	shalt  }
0x6c: {  	_ =	shalt  }
0x6d: {  	_ =	shalt  }
0x6e: {  	_ =	shalt  }
0x6f: {  	_ =	shalt  }
0x70: {  	_ =	shalt  }
0x71: {  	_ =	shalt  }
0x72: {  	_ =	shalt  }
0x73: {  	_ =	shalt  }
0x74: {  	_ =	shalt  }
0x75: {  	_ =	shalt  }
0x76: {  	_ =	shalt  }
0x77: {  	_ =	shalt  }
0x78: {  	_ =	shalt  }
0x79: {  	_ =	shalt  }
0x7a: {  	_ =	shalt  }
0x7b: {  	_ =	shalt  }
0x7c: {  	_ =	shalt  }
0x7d: {  	_ =	shalt  }
0x7e: {  	_ =	shalt  }
0x7f: {  	_ =	shalt  }
0x80: {  	_ =	shalt  }
0x81: {  	_ =	shalt  }
0x82: {  	_ =	shalt  }
0x83: {  	_ =	shalt  }
0x84: {  	_ =	shalt  }
0x85: {  	_ =	shalt  }
0x86: {  	_ =	shalt  }
0x87: {  	_ =	shalt  }
.Lfunc_end0:
.L_simem_size_0:
called_computation_lowered:
.L_overlay_start_0:
0x88: {  	s2 =	sld [smem:$0x3FD9]  }
0x89: {  	s3 =	sld [smem:$0x3FFE];
	_ =	sdelay $0x1  }
0x8a: {  	s1 =	srdreg.scid  }
0x8b: {  	s0 =	sand.u32 $0x1, s1  }
0x8c: {  	s16 =	sshll.u32 s0, $0xA;
	s2 =	sadd.s32 s3, s2  }
0x8d: {  	s2 =	sadd.s32 s2, s16  }
0x8e: {  	[smem:$0x3FC6] =	sst s2  }
0x8f: {  	_ = 	snop  }
0x90: {  	(tm) =	ssettm $0x1  }
0x91: {  	s17 =	sld [smem:$0x3FFB];
	_ =	sdelay $0x3  }
0x92: {  	_ =	strace s17  }
0x93: {  	s2 =	sld [smem:$0x3FFC];
	_ =	sdelay $0x3  }
0x94: {  	_ =	strace s2  }
0x95: {  	s2 =	sld [smem:$0x3FFD];
	_ =	sdelay $0x3  }
0x96: {  	_ =	strace s2  }
0x97: {  	_ =	strace $0x8FFFFFFF  }
0x98: {  	s18 =	sld [smem:$0x3FDB];
	_ =	sdelay $0x1  }
0x99: {  	s19 =	simm.s32 $_scs_section_size  }
0x9a: {  	s4 =	simm.s32 $_size__tile_overlayer_lowered;
	s5 =	simm.s32 $_tile_overlayer_lowered  }
0x9b: {  	s22 =	simm.s32 $0x1BFF;
	s21 =	sshll.u32 s5, $0x1;
	s2 =	sadd.s32 s19, s18  }
0x9c: {  	s6 =	simm.s32 $0x0;
	s20 =	sshll.u32 s4, $0x1;
	s4 =	sadd.s32 s21, s2  }
0x9d: {  	[timem:s6], [sflag:s22] =	dma.local [hbm:s4], s20  }
0x9e: {  	_ =	swait.ge [sflag:s22], s20  }
0x9f: {  	s3 =	ssub.s32 $0x0, s20;
	[sflag:s22] =	ssyncset.done $0x0  }
0xa0: {  	[sflag:s22] =	ssyncadd.s32 s3;
	_ =	sdelay $0x1  }
0xa1: {  	s23 =	simm.s32 $0x1B8B  }
0xa2: {  	_ =	swait.ge [sflag:s23], $0x1  }
0xa3: {  	[sflag:s23] =	ssyncset.done $0x0  }
0xa4: {  	s25 =	simm.s32 $0x1B8E;
	s24 =	sld [smem:$0x3FFE];
	[sflag:s23] =	ssyncadd.s32 $0xFFFFFFFF  }
0xa5: {  	s26 =	simm.s32 $execute0_lowered;
	[smem:$0x3FD2] =	sst s25  }
0xa6: {  	s4 =	sshll.u32 s26, $0x1;
	_ =	strace $0x80000046;
	[dreg:$0x1] =	wrdreg $0xFFFFFFFF  }
0xa7: {  	s28 =	simm.s32 $_size_execute0_lowered;
	s2 =	sadd.s32 s2, s4;
	[dreg:$0x0] =	wrdreg $0x0  }
0xa8: {  	s4 =	sshll.u32 s28, $0x1;
	[dreg:$0x2] =	wrdreg s2  }
0xa9: {  	[dreg:$0x3] =	wrdreg s4  }
0xaa: {  	[dreg:$0x4] =	wrdreg $0xC0  }
0xab: {  	_ =	task [dreg:s6], $0x5FFFF  }
0xac: {  	[dreg:$0x1] =	wrdreg $0xFFFFFFFF  }
0xad: {  	[dreg:$0x0] =	wrdreg $0x60  }
0xae: {  	[dreg:$0x2] =	wrdreg s24  }
0xaf: {  	[dreg:$0x3] =	wrdreg $0x9  }
0xb0: {  	_ =	task.clear_ibuf [dreg:s6], $0x4FFFF;
	_ =	strace $0x90000046  }
0xb1: {  	s29 =	simm.s32 $0x9;
	_ =	strace $0x80000048  }
0xb2: {  	_ =	swait.ge [sflag:s29], $0x1  }
0xb3: {  	[sflag:s29] =	ssyncadd.s32 $0xFFFFFFFF  }
0xb4: {  	_ =	strace $0x90000048  }
0xb5: {  	_ =	sfence  }
0xb6: {  	s30 =	sld [smem:$0x0];
	_ =	sdelay $0x2  }
0xb7: {  	s31 =	sshll.u32 s1, $0xD;
	s1 =	sshrl.u32 s1, $0x2  }
0xb8: {  	s3 =	sand.u32 $0x4000, s31;
	s1 =	sadd.s32 s1, s30  }
0xb9: {  	s0 =	sor.u32 s3, s0;
	s1 =	sshll.u32 s1, $0x11  }
0xba: {  	s0 =	sor.u32 s1, s0  }
0xbb: {  	s0 =	sadd.s32 $0x8F2B, s0  }
0xbc: {  	[sflag:s0] =	ssyncadd.remote.s32 $0x1  }
0xbd: {  	_ =	sfence.sel $0xFFFF  }
0xbe: {  	[dreg:$0x0] =	wrdreg $0xFFFFFFFF;
	(pc) =	sbr.abs _section_cstart, $3  }
0xbf: {  	[dreg:$0x1] =	wrdreg $0xFFFFFFFF  }
0xc0: {  	_ =	task.clear_ibuf [dreg:s6], $0x2FFFF;
	_ =	strace $0x9FFFFFFF  }
0xc1: {  	(tm) =	ssettm $0x7FFFFFFF  }
tec
execute0_lowered:
.L_overlay_start_1:
0x0: {  	(tag) =	ssettag $0x1  }
0x1: {  	s1 =	srdreg.scid;
	s0 =	stileid.u32  }
0x2: {  	s3 =	rddreg [dreg:$0x0];
	s2 =	simm.s32 $0x0;
	s8 =	simm.s32 $0x0  }
0x3: {  	s4 =	sand.u32 $0x1, s1;
	s5 =	sshll.u32 s0, $0x1;
	s1 =	rddreg [dreg:$0x1]  }
0x4: {  	[smem:$0x7FF] =	sst s2;
	s5 =	sor.u32 s4, s5;
	s4 =	ssub.s32 $0x2, s4  }
0x5: {  	s6 =	smul.u32 $0x500, s5;
	s5 =	sshll.u32 s5, $0xD;
	s7 =	sshrl.u32 s4, $0x1  }
0x6: {  	_ =	strace $0x80000047;
	s5 =	sadd.s32 s5, s3;
	s7 =	ssub.s32 s4, s7  }
0x7: {  	s6 =	sadd.s32 s6, s3;
	s3 =	sadd.s32 $0x1800, s5;
	s5 =	smax.u32 s7, $0x1  }
0x8: {  	s7 =	simm.s32 $0x10000;
	s4 =	sadd.s32 $0x41800, s6;
	s6 =	simm.s32 $0x1  }
.LBB2_1:
0x9: {  	[tilespmem:s2], [sflag:$0x1] =	stream.linear.gather [hbm4b:s3+s2], $0x10000, $0x38;
	[tilespmem:$0x12800] =	vst v63  }
0xa: {  	_ =	swait.ge [sflag:s6], $0x10000  }
0xb: {  	[sflag:s6] =	ssyncset.done $0x0  }
0xc: {  	s9 =	simm.s32 $0x4;
	[sflag:s6] =	ssyncadd.s32 $0xFFFF0000  }
0xd: {  	v0 =	vld [tilespmem:s9+$0xFFFFFFFC]  }
0xe: {  	s10 =	simm.s32 $0x50;
	s11 =	simm.s32 $0x0;
	v1 =	vld [tilespmem:s9+$0x0]  }
.LBB2_2:
0xf: {  	p0 =	sne.s32 s10, $0x9FB0;
	_ =	sdelay $0x1  }
.Ltmp0:
0x10: {  	s12 =	sshra.s32 s11, $0x2;
	s11 =	smov.u32 s10;
	(pc) =	sbr.rel @p0 .LBB2_2-.Ltmp0, $4  }
0x11: {  	[tilespmem:s12+$0x10000] =	vst v0  }
0x12: {  	s9 =	sadd.s32 $0x80, s9;
	[tilespmem:s12+$0x10004] =	vst v1  }
0x13: {  	v0 =	vld [tilespmem:s9+$0xFFFFFFFC]  }
0x14: {  	s10 =	sadd.s32 $0x50, s10;
	v1 =	vld [tilespmem:s9+$0x0]  }
0x15: {  	_ =	sdelay $0x1  }
0x16: {  	s9 =	sshra.s32 s11, $0x2;
	s8 =	sadd.s32 $0x1, s8  }
0x17: {  	p0 =	sne.s32 s8, s5;
	[tilespmem:s9+$0x10000] =	vst v0  }
.Ltmp1:
0x18: {  	[tilespmem:s9+$0x10004] =	vst v1;
	(pc) =	sbr.rel @p0 .LBB2_1-.Ltmp1, $4  }
0x19: {  	[hbm4b:s4+s2] =	stream.linear.scatter [tilespmem:s7], [sflag:$0x1], $0x2800, $0x38;
	[tilespmem:$0x12800] =	vst v63  }
0x1a: {  	_ =	swait.ge [sflag:s6], $0x2800  }
0x1b: {  	[sflag:s6] =	ssyncset.done $0x0  }
0x1c: {  	[sflag:s6] =	ssyncadd.s32 $0xFFFFD800  }
0x1d: {  	_ =	sfence.sel $0x180000  }
0x1e: {  	[bflag:$0x0] =	sbarrier.arrive $0xFFFF  }
0x1f: {  	p0 =	sne.s32 s0, $0x0;
	_ =	strace $0x90000047  }
0x20: {  	s0 =	sadd.s32 @!p0 $0x100000, s1;
	[bflag:$0x2] =	sbarrier.arrive $0xFFFF  }
0x21: {  	[sflag:s0] =	ssyncadd.tile.s32 @!p0 $0x1;
	_ =	shalt  }
.Lfunc_end2:
_tile_overlayer_lowered:
.L_overlay_start_2:
0x22: {  	(tag) =	ssettag $0x2  }
0x23: {  	s0 =	rddreg [dreg:$0x0];
	s2 =	stileid.u32  }
0x24: {  	s1 =	rddreg [dreg:$0x1];
	p0 =	sne.s32 s2, $0x0  }
0x25: {  	s3 =	rddreg [dreg:$0x2];
	[bflag:$0x3] =	sbarrier.arrive $0xFFFF;
	s2 =	simm.s32 @!p0 $0x1C01  }
0x26: {  	[timem:s3], [sflag:s2] =	dma.local @!p0 [hbm:s0], s1  }
0x27: {  	s0 =	simm.s32 @!p0 $0x1  }
0x28: {  	_ =	swait.ge @!p0 [sflag:s0], s1  }
0x29: {  	s1 =	ssub.s32 @!p0 $0x0, s1;
	[sflag:s0] =	ssyncset.done @!p0 $0x0  }
0x2a: {  	[sflag:s0] =	ssyncadd.s32 @!p0 s1  }
0x2b: {  	[bflag:$0x3] =	sbarrier.arrive $0xFFFF  }
0x2c: {  	_ =	shalt  }

// kernel: kernel.7.cloned.1.call-start
scs
__scs_entry_jumppad:
0x0: {  	(pc) =	sbr.rel $0x88, $3  }
0x1: {  	(tag) =	ssettag $0x0;
	lr =	simm.s32 $0x1  }
0x2: {  	[smem:$0x3F9F] =	sst lr;
	_ =	strace $0xD0000000  }
0x3: {  	_ = 	snop  }
0x4: {  	_ = 	snop  }
0x5: {  	_ = 	snop  }
0x6: {  	_ = 	snop  }
0x7: {  	_ = 	snop  }
__scs_overlays_trampoline_lowered:
0x8: {  	[smem:$0x3FAE] =	sst s0  }
0x9: {  	[smem:$0x3FAF] =	sst s1  }
0xa: {  	[smem:$0x3FB0] =	sst s2  }
0xb: {  	[smem:$0x3FB1] =	sst s3  }
0xc: {  	[smem:$0x3FB2] =	sst s4  }
0xd: {  	[smem:$0x3FB3] =	sst s5  }
0xe: {  	[smem:$0x3FB4] =	sst s6  }
0xf: {  	[smem:$0x3FB5] =	sst s7  }
0x10: {  	[smem:$0x3FB6] =	sst s8  }
0x11: {  	[smem:$0x3FB7] =	sst s9;
	s0 =	simm.s32 @!p0 $0x0  }
0x12: {  	s1 =	sld [smem:$0x3F9D];
	s0 =	simm.s32 @p0 $0x1  }
0x13: {  	[smem:$0x3FB8] =	sst s0;
	s0 =	simm.s32 @!p1 $0x0  }
0x14: {  	s2 =	sld [smem:$0x3F9C];
	s0 =	simm.s32 @p1 $0x1  }
0x15: {  	[smem:$0x3FB9] =	sst s0;
	s0 =	simm.s32 @!p2 $0x0  }
0x16: {  	s3 =	sld [smem:$0x3FDB];
	s0 =	simm.s32 @p2 $0x1  }
0x17: {  	s4 =	simm.s32 $0x1BF5;
	[smem:$0x3FBB] =	sst s0  }
0x18: {  	s0 =	sld [smem:$0x3F9E];
	_ =	swait.ge [sflag:s4], $0x0  }
0x19: {  	s7 =	sld [smem:$0x3F9F]  }
0x1a: {  	s8 =	sadd.s32 $0xFFFFE003, lr  }
0x1b: {  	s9 =	sadd.s32 $0xFFFFFEF7, lr;
	s5 =	simm.s32 $0xFFFFFFFF;
	p2 =	slt.u32 s8, $0xFFFFF086  }
0x1c: {  	p1 =	slt.u32 s9, $0xF7A;
	s5 =	simm.s32 @!p2 $0x0  }
0x1d: {  	s5 =	simm.s32 @p1 $0x1;
	p0 =	seq.s32 s7, s2  }
0x1e: {  	s7 =	smul.u32 @!p0 $0xF7A, s2;
	p2 =	seq.s32 @!p0 s5, $0x0  }
0x1f: {  	s9 =	smul.u32 $0xF7A, s1;
	s8 =	simm.s32 @!p0 $0x1BF5;
	p2 =	por !p2, p0  }
0x20: {  	[sflag:s8] =	ssyncset.s32 @!p0 $0xFFFFF086;
	s6 =	sadd.s32 @!p0 s3, s7;
	s7 =	simm.s32 @!p0 $0x108  }
0x21: {  	s3 =	sadd.s32 s3, s9;
	s6 =	sadd.s32 @!p0 $0x88, s6;
	s7 =	simm.s32 @p2 $0x1082  }
0x22: {  	[simem:s7], [sflag:s8] =	dma.local @!p0 [hbm:s6], $0xF7A  }
0x23: {  	s9 =	sor.u32 $0xD0000000, s2;
	s6 =	simm.s32 $0x108;
	_ =	swait.ge @!p0 [sflag:s8], $0x0  }
0x24: {  	s3 =	sadd.s32 $0x88, s3;
	s6 =	simm.s32 @!p1 $0x1082;
	[sflag:s4] =	ssyncset.s32 $0xFFFFF086  }
0x25: {  	[simem:s6], [sflag:s4] =	dma.local [hbm:s3], $0xF7A  }
0x26: {  	[smem:$0x3F9F] =	sst s1;
	(tag) =	ssettag s2;
	_ =	strace s9  }
0x27: {  	s1 =	sld [smem:$0x3FAF]  }
0x28: {  	s2 =	sld [smem:$0x3FB0]  }
0x29: {  	s4 =	sld [smem:$0x3FB2]  }
0x2a: {  	p0 =	seq.s32 s5, $0x0;
	s5 =	sld [smem:$0x3FB3]  }
0x2b: {  	s6 =	sld [smem:$0x3FB4]  }
0x2c: {  	s7 =	sld [smem:$0x3FB5]  }
0x2d: {  	s3 =	simm.s32 $0x108;
	s8 =	sld [smem:$0x3FB6]  }
0x2e: {  	s3 =	simm.s32 @!p0 $0x1082;
	s9 =	sld [smem:$0x3FB7]  }
0x2f: {  	lr =	sadd.s32 s0, s3;
	s0 =	sld [smem:$0x3FAE]  }
0x30: {  	s3 =	sld [smem:$0x3FB1]  }
0x31: {  	[smem:$0x3FBA] =	sst s10  }
0x32: {  	s10 =	sld [smem:$0x3FB8];
	_ =	sdelay $0x3  }
0x33: {  	p0 =	seq.s32 s10, $0x1;
	s10 =	sld [smem:$0x3FBA];
	_ =	sdelay $0x3  }
0x34: {  	[smem:$0x3FBA] =	sst s10  }
0x35: {  	s10 =	sld [smem:$0x3FB9];
	_ =	sdelay $0x3  }
0x36: {  	p1 =	seq.s32 s10, $0x1;
	s10 =	sld [smem:$0x3FBA];
	_ =	sdelay $0x3  }
0x37: {  	[smem:$0x3FBA] =	sst s10  }
0x38: {  	s10 =	sld [smem:$0x3FBB]  }
0x39: {  	_ = 	snop;
	(pc) =	sbr.ind lr, $3  }
0x3a: {  	_ = 	snop  }
0x3b: {  	_ = 	snop  }
0x3c: {  	p2 =	seq.s32 s10, $0x1;
	s10 =	sld [smem:$0x3FBA]  }
0x3d: {  	_ =	shalt  }
0x3e: {  	_ =	shalt  }
0x3f: {  	_ =	shalt  }
0x40: {  	_ =	shalt  }
0x41: {  	_ =	shalt  }
0x42: {  	_ =	shalt  }
0x43: {  	_ =	shalt  }
0x44: {  	_ =	shalt  }
0x45: {  	_ =	shalt  }
0x46: {  	_ =	shalt  }
0x47: {  	_ =	shalt  }
0x48: {  	_ =	shalt  }
0x49: {  	_ =	shalt  }
0x4a: {  	_ =	shalt  }
0x4b: {  	_ =	shalt  }
0x4c: {  	_ =	shalt  }
0x4d: {  	_ =	shalt  }
0x4e: {  	_ =	shalt  }
0x4f: {  	_ =	shalt  }
0x50: {  	_ =	shalt  }
0x51: {  	_ =	shalt  }
0x52: {  	_ =	shalt  }
0x53: {  	_ =	shalt  }
0x54: {  	_ =	shalt  }
0x55: {  	_ =	shalt  }
0x56: {  	_ =	shalt  }
0x57: {  	_ =	shalt  }
0x58: {  	_ =	shalt  }
0x59: {  	_ =	shalt  }
0x5a: {  	_ =	shalt  }
0x5b: {  	_ =	shalt  }
0x5c: {  	_ =	shalt  }
0x5d: {  	_ =	shalt  }
0x5e: {  	_ =	shalt  }
0x5f: {  	_ =	shalt  }
0x60: {  	_ =	shalt  }
0x61: {  	_ =	shalt  }
0x62: {  	_ =	shalt  }
0x63: {  	_ =	shalt  }
0x64: {  	_ =	shalt  }
0x65: {  	_ =	shalt  }
0x66: {  	_ =	shalt  }
0x67: {  	_ =	shalt  }
0x68: {  	_ =	shalt  }
0x69: {  	_ =	shalt  }
0x6a: {  	_ =	shalt  }
0x6b: {  	_ =	shalt  }
0x6c: {  	_ =	shalt  }
0x6d: {  	_ =	shalt  }
0x6e: {  	_ =	shalt  }
0x6f: {  	_ =	shalt  }
0x70: {  	_ =	shalt  }
0x71: {  	_ =	shalt  }
0x72: {  	_ =	shalt  }
0x73: {  	_ =	shalt  }
0x74: {  	_ =	shalt  }
0x75: {  	_ =	shalt  }
0x76: {  	_ =	shalt  }
0x77: {  	_ =	shalt  }
0x78: {  	_ =	shalt  }
0x79: {  	_ =	shalt  }
0x7a: {  	_ =	shalt  }
0x7b: {  	_ =	shalt  }
0x7c: {  	_ =	shalt  }
0x7d: {  	_ =	shalt  }
0x7e: {  	_ =	shalt  }
0x7f: {  	_ =	shalt  }
0x80: {  	_ =	shalt  }
0x81: {  	_ =	shalt  }
0x82: {  	_ =	shalt  }
0x83: {  	_ =	shalt  }
0x84: {  	_ =	shalt  }
0x85: {  	_ =	shalt  }
0x86: {  	_ =	shalt  }
0x87: {  	_ =	shalt  }
.Lfunc_end0:
.L_simem_size_0:
called_computation.1_lowered:
.L_overlay_start_0:
0x88: {  	s2 =	sld [smem:$0x3FD9]  }
0x89: {  	s3 =	sld [smem:$0x3FFE];
	_ =	sdelay $0x1  }
0x8a: {  	s1 =	srdreg.scid  }
0x8b: {  	s0 =	sand.u32 $0x1, s1  }
0x8c: {  	s17 =	sshll.u32 s0, $0xA;
	s2 =	sadd.s32 s3, s2  }
0x8d: {  	s2 =	sadd.s32 s2, s17  }
0x8e: {  	[smem:$0x3FC6] =	sst s2  }
0x8f: {  	_ = 	snop  }
0x90: {  	s2 =	sld [smem:$0x3FD0];
	(tm) =	ssettm $0x1  }
0x91: {  	s18 =	sld [smem:$0x3FFB];
	_ =	sdelay $0x3  }
0x92: {  	_ =	strace s18  }
0x93: {  	s3 =	sld [smem:$0x3FFC];
	_ =	sdelay $0x3  }
0x94: {  	_ =	strace s3  }
0x95: {  	s3 =	sld [smem:$0x3FFD];
	_ =	sdelay $0x3  }
0x96: {  	_ =	strace s3  }
0x97: {  	_ =	strace $0x8FFFFFFF  }
0x98: {  	s19 =	sld [smem:$0x3FDB];
	_ =	sdelay $0x1  }
0x99: {  	s4 =	simm.s32 $_scs_section_size  }
0x9a: {  	s5 =	simm.s32 $_size__tile_overlayer_lowered;
	s6 =	simm.s32 $_tile_overlayer_lowered  }
0x9b: {  	s22 =	simm.s32 $0x1BFF;
	s21 =	sshll.u32 s6, $0x1;
	s3 =	sadd.s32 s4, s19  }
0x9c: {  	s7 =	simm.s32 $0x0;
	s20 =	sshll.u32 s5, $0x1;
	s5 =	sadd.s32 s21, s3  }
0x9d: {  	[timem:s7], [sflag:s22] =	dma.local [hbm:s5], s20  }
0x9e: {  	_ =	swait.ge [sflag:s22], s20  }
0x9f: {  	s4 =	ssub.s32 $0x0, s20;
	[sflag:s22] =	ssyncset.done $0x0  }
0xa0: {  	[sflag:s22] =	ssyncadd.s32 s4;
	_ =	sdelay $0x1  }
0xa1: {  	s23 =	simm.s32 $0x1B8B  }
0xa2: {  	_ =	swait.ge [sflag:s23], $0x1  }
0xa3: {  	[sflag:s23] =	ssyncset.done $0x0  }
0xa4: {  	s25 =	simm.s32 $0x1B8E;
	s24 =	sld [smem:$0x3FFE];
	[sflag:s23] =	ssyncadd.s32 $0xFFFFFFFF  }
0xa5: {  	s26 =	simm.s32 $execute0_lowered;
	[smem:$0x3FD2] =	sst s25  }
0xa6: {  	s5 =	sshll.u32 s26, $0x1;
	_ =	strace $0x80000049;
	[dreg:$0x1] =	wrdreg $0xFFFFFFFF  }
0xa7: {  	s28 =	simm.s32 $_size_execute0_lowered;
	s3 =	sadd.s32 s3, s5;
	[dreg:$0x0] =	wrdreg $0x0  }
0xa8: {  	s5 =	sshll.u32 s28, $0x1;
	[dreg:$0x2] =	wrdreg s3  }
0xa9: {  	[dreg:$0x3] =	wrdreg s5  }
0xaa: {  	[dreg:$0x4] =	wrdreg $0xC0  }
0xab: {  	_ =	task [dreg:s7], $0x5FFFF  }
0xac: {  	[dreg:$0x1] =	wrdreg $0xFFFFFFFF  }
0xad: {  	[dreg:$0x0] =	wrdreg $0x60  }
0xae: {  	[dreg:$0x2] =	wrdreg s24  }
0xaf: {  	[dreg:$0x3] =	wrdreg s2  }
0xb0: {  	[dreg:$0x4] =	wrdreg $0x9  }
0xb1: {  	_ =	task.clear_ibuf [dreg:s7], $0x5FFFF;
	_ =	strace $0x90000049  }
0xb2: {  	s29 =	simm.s32 $0x9;
	_ =	strace $0x8000004B  }
0xb3: {  	_ =	swait.ge [sflag:s29], $0x1  }
0xb4: {  	[sflag:s29] =	ssyncadd.s32 $0xFFFFFFFF  }
0xb5: {  	_ =	strace $0x9000004B  }
0xb6: {  	_ =	sfence  }
0xb7: {  	s30 =	sld [smem:$0x0];
	_ =	sdelay $0x2  }
0xb8: {  	s31 =	sshll.u32 s1, $0xD;
	s1 =	sshrl.u32 s1, $0x2  }
0xb9: {  	s3 =	sand.u32 $0x4000, s31;
	s1 =	sadd.s32 s1, s30  }
0xba: {  	s0 =	sor.u32 s3, s0;
	s1 =	sshll.u32 s1, $0x11  }
0xbb: {  	s0 =	sor.u32 s1, s0  }
0xbc: {  	s0 =	sadd.s32 $0x8F2B, s0  }
0xbd: {  	[sflag:s0] =	ssyncadd.remote.s32 $0x1  }
0xbe: {  	_ =	sfence.sel $0xFFFF  }
0xbf: {  	[dreg:$0x0] =	wrdreg $0xFFFFFFFF;
	(pc) =	sbr.abs _section_cstart, $3  }
0xc0: {  	[dreg:$0x1] =	wrdreg $0xFFFFFFFF  }
0xc1: {  	_ =	task.clear_ibuf [dreg:s7], $0x2FFFF;
	_ =	strace $0x9FFFFFFF  }
0xc2: {  	(tm) =	ssettm $0x7FFFFFFF  }
0xc3: {  	_ =	shalt  }
tec
execute0_lowered:
.L_overlay_start_1:
0x0: {  	(tag) =	ssettag $0x1  }
0x1: {  	s0 =	rddreg [dreg:$0x0];
	s1 =	srdreg.scid  }
0x2: {  	s2 =	stileid.u32;
	s4 =	rddreg [dreg:$0x1];
	s7 =	simm.s32 $0x3  }
0x3: {  	s8 =	simm.s32 $0x80;
	s9 =	simm.s32 $0x2800;
	s10 =	simm.s32 $0x3800  }
0x4: {  	s12 =	simm.s32 $0x4800;
	s14 =	simm.s32 $0x5800;
	s16 =	simm.s32 $0x6800  }
0x5: {  	s18 =	simm.s32 $0x7800;
	s20 =	simm.s32 $0x8800;
	s22 =	simm.s32 $0x9800  }
0x6: {  	s24 =	simm.s32 $0xA800;
	s28 =	simm.s32 $0x1;
	s30 =	simm.s32 $0xC800  }
0x7: {  	s11 =	simm.s32 $0xE800;
	s15 =	simm.s32 $0xF800;
	s19 =	simm.s32 $0x10800  }
0x8: {  	s23 =	simm.s32 $0x11800;
	s29 =	simm.s32 $0x12800;
	s17 =	simm.s32 $0x14800  }
0x9: {  	s31 =	simm.s32 $0x2;
	s1 =	sand.u32 $0x1, s1;
	s3 =	sshll.u32 s2, $0x1  }
0xa: {  	s21 =	simm.s32 $0x0;
	s2 =	simm.s32 $0x0;
	s5 =	sor.u32 s1, s3  }
0xb: {  	[smem:$0x7FF] =	sst s2;
	s3 =	sadd.s32 $0x1D2200, s0;
	s1 =	ssub.s32 $0x2, s1  }
0xc: {  	s6 =	smul.u32 $0x500, s5;
	s25 =	sshrl.u32 s1, $0x1;
	s5 =	sshll.u32 s5, $0xB  }
0xd: {  	_ =	strace $0x8000004A;
	s1 =	ssub.s32 s1, s25;
	s26 =	sadd.s32 s4, s5  }
0xe: {  	s25 =	simm.s32 $0x15800;
	s0 =	sadd.s32 s6, s0;
	[dreg:$0x4] =	wrdreg s26  }
0xf: {  	s6 =	smax.u32 s1, $0x1;
	s26 =	simm.s32 $0xB800;
	s0 =	sadd.s32 $0x41800, s0  }
0x10: {  	s1 =	simm.s32 $0xD800;
	[dreg:$0x3] =	wrdreg s0;
	s0 =	simm.s32 $0x13800  }
.LBB2_1:
0x11: {  	s4 =	rddreg [dreg:$0x3]  }
0x12: {  	[tilespmem:s2], [sflag:$0x3] =	stream.linear.gather [hbm4b:s4+s2], $0x2800, $0x38;
	[tilespmem:$0x1A800] =	vst v63  }
0x13: {  	_ =	swait.ge [sflag:s7], $0x2800  }
0x14: {  	[sflag:s7] =	ssyncset.done $0x0  }
0x15: {  	[sflag:s7] =	ssyncadd.s32 $0xFFFFD800  }
0x16: {  	[tilespmem:s9], [sflag:$0x1] =	stream.indirect.gather [hbm4b:s3+s8], $0x20, s2, s8, $0xb8;
	[tilespmem:$0x1A800] =	vst v63  }
0x17: {  	_ = 	snop  }
0x18: {  	[tilespmem:s10], [sflag:$0x1] =	stream.indirect.gather [hbm4b:s3+s8], $0x20, s8, s8, $0xb8;
	[tilespmem:$0x1A800] =	vst v63  }
0x19: {  	s5 =	simm.s32 $0x100  }
0x1a: {  	[tilespmem:s12], [sflag:$0x1] =	stream.indirect.gather [hbm4b:s3+s8], $0x20, s5, s8, $0xb8;
	[tilespmem:$0x1A800] =	vst v63  }
0x1b: {  	s13 =	simm.s32 $0x180  }
0x1c: {  	[tilespmem:s14], [sflag:$0x1] =	stream.indirect.gather [hbm4b:s3+s8], $0x20, s13, s8, $0xb8;
	[tilespmem:$0x1A800] =	vst v63  }
0x1d: {  	s5 =	simm.s32 $0x200  }
0x1e: {  	[tilespmem:s16], [sflag:$0x1] =	stream.indirect.gather [hbm4b:s3+s8], $0x20, s5, s8, $0xb8;
	[tilespmem:$0x1A800] =	vst v63  }
0x1f: {  	s13 =	simm.s32 $0x280  }
0x20: {  	[tilespmem:s18], [sflag:$0x1] =	stream.indirect.gather [hbm4b:s3+s8], $0x20, s13, s8, $0xb8;
	[tilespmem:$0x1A800] =	vst v63  }
0x21: {  	s5 =	simm.s32 $0x300  }
0x22: {  	[tilespmem:s20], [sflag:$0x1] =	stream.indirect.gather [hbm4b:s3+s8], $0x20, s5, s8, $0xb8;
	[tilespmem:$0x1A800] =	vst v63  }
0x23: {  	s13 =	simm.s32 $0x380  }
0x24: {  	[tilespmem:s22], [sflag:$0x1] =	stream.indirect.gather [hbm4b:s3+s8], $0x20, s13, s8, $0xb8;
	[tilespmem:$0x1A800] =	vst v63  }
0x25: {  	s5 =	simm.s32 $0x400  }
0x26: {  	[tilespmem:s24], [sflag:$0x1] =	stream.indirect.gather [hbm4b:s3+s8], $0x20, s5, s8, $0xb8;
	[tilespmem:$0x1A800] =	vst v63  }
0x27: {  	s13 =	simm.s32 $0x480  }
0x28: {  	[tilespmem:s26], [sflag:$0x1] =	stream.indirect.gather [hbm4b:s3+s8], $0x20, s13, s8, $0xb8;
	[tilespmem:$0x1A800] =	vst v63  }
0x29: {  	_ =	swait.ge [sflag:s28], $0x1000  }
0x2a: {  	[sflag:s28] =	ssyncset.done $0x0  }
0x2b: {  	[sflag:s28] =	ssyncadd.s32 $0xFFFFF000  }
0x2c: {  	_ =	swait.ge [sflag:s28], $0x1000  }
0x2d: {  	[sflag:s28] =	ssyncset.done $0x0  }
0x2e: {  	[sflag:s28] =	ssyncadd.s32 $0xFFFFF000  }
0x2f: {  	_ =	swait.ge [sflag:s28], $0x1000  }
0x30: {  	[sflag:s28] =	ssyncset.done $0x0  }
0x31: {  	[sflag:s28] =	ssyncadd.s32 $0xFFFFF000  }
0x32: {  	_ =	swait.ge [sflag:s28], $0x1000  }
0x33: {  	[sflag:s28] =	ssyncset.done $0x0  }
0x34: {  	[sflag:s28] =	ssyncadd.s32 $0xFFFFF000  }
0x35: {  	_ =	swait.ge [sflag:s28], $0x1000  }
0x36: {  	[sflag:s28] =	ssyncset.done $0x0  }
0x37: {  	[sflag:s28] =	ssyncadd.s32 $0xFFFFF000  }
0x38: {  	_ =	swait.ge [sflag:s28], $0x1000  }
0x39: {  	[sflag:s28] =	ssyncset.done $0x0  }
0x3a: {  	[sflag:s28] =	ssyncadd.s32 $0xFFFFF000  }
0x3b: {  	_ =	swait.ge [sflag:s28], $0x1000  }
0x3c: {  	[sflag:s28] =	ssyncset.done $0x0  }
0x3d: {  	[sflag:s28] =	ssyncadd.s32 $0xFFFFF000  }
0x3e: {  	_ =	swait.ge [sflag:s28], $0x1000  }
0x3f: {  	[sflag:s28] =	ssyncset.done $0x0  }
0x40: {  	[sflag:s28] =	ssyncadd.s32 $0xFFFFF000  }
0x41: {  	_ =	swait.ge [sflag:s28], $0x1000  }
0x42: {  	[sflag:s28] =	ssyncset.done $0x0  }
0x43: {  	[sflag:s28] =	ssyncadd.s32 $0xFFFFF000  }
0x44: {  	_ =	swait.ge [sflag:s28], $0x1000  }
0x45: {  	[sflag:s28] =	ssyncset.done $0x0  }
0x46: {  	s5 =	simm.s32 $0x500;
	[sflag:s28] =	ssyncadd.s32 $0xFFFFF000  }
0x47: {  	[tilespmem:s30], [sflag:$0x2] =	stream.indirect.gather [hbm4b:s3+s8], $0x20, s5, s8, $0xb8;
	[tilespmem:$0x1A800] =	vst v63  }
0x48: {  	s13 =	simm.s32 $0x580  }
0x49: {  	[tilespmem:s1], [sflag:$0x2] =	stream.indirect.gather [hbm4b:s3+s8], $0x20, s13, s8, $0xb8;
	[tilespmem:$0x1A800] =	vst v63  }
0x4a: {  	s5 =	simm.s32 $0x600  }
0x4b: {  	[tilespmem:s11], [sflag:$0x2] =	stream.indirect.gather [hbm4b:s3+s8], $0x20, s5, s8, $0xb8;
	[tilespmem:$0x1A800] =	vst v63  }
0x4c: {  	s13 =	simm.s32 $0x680  }
0x4d: {  	[tilespmem:s15], [sflag:$0x2] =	stream.indirect.gather [hbm4b:s3+s8], $0x20, s13, s8, $0xb8;
	[tilespmem:$0x1A800] =	vst v63  }
0x4e: {  	s5 =	simm.s32 $0x700  }
0x4f: {  	[tilespmem:s19], [sflag:$0x2] =	stream.indirect.gather [hbm4b:s3+s8], $0x20, s5, s8, $0xb8;
	[tilespmem:$0x1A800] =	vst v63  }
0x50: {  	s13 =	simm.s32 $0x780  }
0x51: {  	[tilespmem:s23], [sflag:$0x2] =	stream.indirect.gather [hbm4b:s3+s8], $0x20, s13, s8, $0xb8;
	[tilespmem:$0x1A800] =	vst v63  }
0x52: {  	s5 =	simm.s32 $0x800  }
0x53: {  	[tilespmem:s29], [sflag:$0x2] =	stream.indirect.gather [hbm4b:s3+s8], $0x20, s5, s8, $0xb8;
	[tilespmem:$0x1A800] =	vst v63  }
0x54: {  	s13 =	simm.s32 $0x880  }
0x55: {  	[tilespmem:s0], [sflag:$0x2] =	stream.indirect.gather [hbm4b:s3+s8], $0x20, s13, s8, $0xb8;
	[tilespmem:$0x1A800] =	vst v63  }
0x56: {  	s5 =	simm.s32 $0x900  }
0x57: {  	[tilespmem:s17], [sflag:$0x2] =	stream.indirect.gather [hbm4b:s3+s8], $0x20, s5, s8, $0xb8;
	[tilespmem:$0x1A800] =	vst v63  }
0x58: {  	s13 =	simm.s32 $0x980  }
0x59: {  	[tilespmem:s25], [sflag:$0x2] =	stream.indirect.gather [hbm4b:s3+s8], $0x20, s13, s8, $0xb8;
	[tilespmem:$0x1A800] =	vst v63  }
0x5a: {  	s13 =	simm.s32 $0x2940  }
0x5b: {  	v0 =	vld [tilespmem:s13+$0xFFFFFEF0]  }
0x5c: {  	v1 =	vld [tilespmem:s13+$0xFFFFFEC0]  }
0x5d: {  	v2 =	vld [tilespmem:s13+$0xFFFFFEE0]  }
0x5e: {  	v3 =	vld [tilespmem:s13+$0xFFFFFED0]  }
0x5f: {  	v4 =	vld [tilespmem:s13+$0xFFFFFF00]  }
0x60: {  	v5 =	vld [tilespmem:s13+$0xFFFFFF10]  }
0x61: {  	v6 =	vld [tilespmem:s13+$0xFFFFFF20]  }
0x62: {  	v7 =	vld [tilespmem:s13+$0xFFFFFF40];
	v1 =	vadd.f32 v2, v1  }
0x63: {  	v2 =	vld [tilespmem:s13+$0xFFFFFF30]  }
0x64: {  	v44 =	vld [tilespmem:s13+$0xFFFFFF60];
	v0 =	vadd.f32 v0, v3;
	v1 =	vadd.f32 v4, v1  }
0x65: {  	v3 =	vld [tilespmem:s13+$0xFFFFFF50]  }
0x66: {  	v45 =	vld [tilespmem:s13+$0xFFFFFF70];
	v0 =	vadd.f32 v5, v0;
	v1 =	vadd.f32 v6, v1  }
0x67: {  	v46 =	vld [tilespmem:s13+$0xFFFFFF80]  }
0x68: {  	v47 =	vld [tilespmem:s13+$0xFFFFFFA0];
	v0 =	vadd.f32 v2, v0;
	v1 =	vadd.f32 v7, v1  }
0x69: {  	v2 =	vld [tilespmem:s13+$0xFFFFFF90]  }
0x6a: {  	v48 =	vld [tilespmem:s13+$0xFFFFFFC0];
	v0 =	vadd.f32 v3, v0;
	v1 =	vadd.f32 v44, v1  }
0x6b: {  	v3 =	vld [tilespmem:s13+$0xFFFFFFB0]  }
0x6c: {  	v49 =	vld [tilespmem:s13+$0xFFFFFFD0];
	v0 =	vadd.f32 v45, v0;
	v1 =	vadd.f32 v46, v1  }
0x6d: {  	v50 =	vld [tilespmem:s13+$0xFFFFFFE0]  }
0x6e: {  	v51 =	vld [tilespmem:s13+$0x0];
	v0 =	vadd.f32 v2, v0;
	v1 =	vadd.f32 v47, v1  }
0x6f: {  	v2 =	vld [tilespmem:s13+$0xFFFFFFF0]  }
0x70: {  	v52 =	vld [tilespmem:s13+$0x20];
	v0 =	vadd.f32 v3, v0;
	v1 =	vadd.f32 v48, v1  }
0x71: {  	v3 =	vld [tilespmem:s13+$0x10]  }
0x72: {  	v53 =	vld [tilespmem:s13+$0x30];
	v0 =	vadd.f32 v49, v0;
	v1 =	vadd.f32 v50, v1  }
0x73: {  	v54 =	vld [tilespmem:s13+$0x40]  }
0x74: {  	v55 =	vld [tilespmem:s13+$0x60];
	v0 =	vadd.f32 v2, v0;
	v1 =	vadd.f32 v51, v1  }
0x75: {  	v2 =	vld [tilespmem:s13+$0x50]  }
0x76: {  	v56 =	vld [tilespmem:s13+$0x80];
	v0 =	vadd.f32 v3, v0;
	v1 =	vadd.f32 v52, v1  }
0x77: {  	v3 =	vld [tilespmem:s13+$0x70]  }
0x78: {  	v57 =	vld [tilespmem:s13+$0x90];
	v0 =	vadd.f32 v53, v0;
	v1 =	vadd.f32 v54, v1  }
0x79: {  	v58 =	vld [tilespmem:s13+$0xA0]  }
0x7a: {  	v59 =	vld [tilespmem:s13+$0xC0];
	v0 =	vadd.f32 v2, v0;
	v1 =	vadd.f32 v55, v1  }
0x7b: {  	v2 =	vld [tilespmem:s13+$0xB0]  }
0x7c: {  	v60 =	vld [tilespmem:s13+$0xE0];
	v0 =	vadd.f32 v3, v0;
	v1 =	vadd.f32 v56, v1  }
0x7d: {  	v3 =	vld [tilespmem:s13+$0xD0]  }
0x7e: {  	v61 =	vld [tilespmem:s13+$0xF0];
	v0 =	vadd.f32 v57, v0;
	v1 =	vadd.f32 v58, v1  }
0x7f: {  	v62 =	vld [tilespmem:s13+$0x100]  }
0x80: {  	v63 =	vld [tilespmem:s13+$0x120];
	v0 =	vadd.f32 v2, v0;
	v1 =	vadd.f32 v59, v1  }
0x81: {  	v2 =	vld [tilespmem:s13+$0x110]  }
0x82: {  	v0 =	vadd.f32 v3, v0;
	v1 =	vadd.f32 v60, v1  }
0x83: {  	v3 =	vld [tilespmem:s13+$0x130]  }
0x84: {  	v0 =	vadd.f32 v61, v0;
	v1 =	vadd.f32 v62, v1;
	_ =	sdelay $0x1  }
0x85: {  	v0 =	vadd.f32 v2, v0;
	v1 =	vadd.f32 v63, v1  }
0x86: {  	s5 =	simm.s32 $0x0  }
0x87: {  	s4 =	simm.s32 $0x80;
	v0 =	vadd.f32 v3, v0;
	[tilespmem:s5+$0x16800] =	vst v1  }
.LBB2_2:
0x88: {  	p0 =	sne.s32 s4, $0x1F80  }
0x89: {  	[tilespmem:s5+$0x16810] =	vst v0;
	s13 =	sadd.s32 $0x280, s13;
	s5 =	smov.u32 s4;
	s4 =	sadd.s32 $0x80, s4  }
0x8a: {  	v0 =	vld [tilespmem:s13+$0xFFFFFEF0]  }
0x8b: {  	v1 =	vld [tilespmem:s13+$0xFFFFFEC0]  }
0x8c: {  	v2 =	vld [tilespmem:s13+$0xFFFFFEE0]  }
0x8d: {  	v3 =	vld [tilespmem:s13+$0xFFFFFED0]  }
0x8e: {  	v4 =	vld [tilespmem:s13+$0xFFFFFF00]  }
0x8f: {  	v5 =	vld [tilespmem:s13+$0xFFFFFF10]  }
0x90: {  	v6 =	vld [tilespmem:s13+$0xFFFFFF20]  }
0x91: {  	v1 =	vadd.f32 v2, v1;
	v2 =	vld [tilespmem:s13+$0xFFFFFF30]  }
0x92: {  	v0 =	vadd.f32 v0, v3;
	v3 =	vld [tilespmem:s13+$0xFFFFFF40]  }
0x93: {  	v1 =	vadd.f32 v4, v1;
	v4 =	vld [tilespmem:s13+$0xFFFFFF50]  }
0x94: {  	v0 =	vadd.f32 v5, v0;
	v5 =	vld [tilespmem:s13+$0xFFFFFF60]  }
0x95: {  	v1 =	vadd.f32 v6, v1;
	v6 =	vld [tilespmem:s13+$0xFFFFFF70]  }
0x96: {  	v0 =	vadd.f32 v2, v0;
	v2 =	vld [tilespmem:s13+$0xFFFFFF80]  }
0x97: {  	v1 =	vadd.f32 v3, v1;
	v3 =	vld [tilespmem:s13+$0xFFFFFF90]  }
0x98: {  	v0 =	vadd.f32 v4, v0;
	v4 =	vld [tilespmem:s13+$0xFFFFFFA0]  }
0x99: {  	v1 =	vadd.f32 v5, v1;
	v5 =	vld [tilespmem:s13+$0xFFFFFFB0]  }
0x9a: {  	v0 =	vadd.f32 v6, v0;
	v6 =	vld [tilespmem:s13+$0xFFFFFFC0]  }
0x9b: {  	v1 =	vadd.f32 v2, v1;
	v2 =	vld [tilespmem:s13+$0xFFFFFFD0]  }
0x9c: {  	v0 =	vadd.f32 v3, v0;
	v3 =	vld [tilespmem:s13+$0xFFFFFFE0]  }
0x9d: {  	v1 =	vadd.f32 v4, v1;
	v4 =	vld [tilespmem:s13+$0xFFFFFFF0]  }
0x9e: {  	v0 =	vadd.f32 v5, v0;
	v5 =	vld [tilespmem:s13+$0x0]  }
0x9f: {  	v1 =	vadd.f32 v6, v1;
	v6 =	vld [tilespmem:s13+$0x10]  }
0xa0: {  	v0 =	vadd.f32 v2, v0;
	v2 =	vld [tilespmem:s13+$0x20]  }
0xa1: {  	v1 =	vadd.f32 v3, v1;
	v3 =	vld [tilespmem:s13+$0x30]  }
0xa2: {  	v0 =	vadd.f32 v4, v0;
	v4 =	vld [tilespmem:s13+$0x40]  }
0xa3: {  	v1 =	vadd.f32 v5, v1;
	v5 =	vld [tilespmem:s13+$0x50]  }
0xa4: {  	v0 =	vadd.f32 v6, v0;
	v6 =	vld [tilespmem:s13+$0x60]  }
0xa5: {  	v1 =	vadd.f32 v2, v1;
	v2 =	vld [tilespmem:s13+$0x70]  }
0xa6: {  	v0 =	vadd.f32 v3, v0;
	v3 =	vld [tilespmem:s13+$0x80]  }
0xa7: {  	v1 =	vadd.f32 v4, v1;
	v4 =	vld [tilespmem:s13+$0x90]  }
0xa8: {  	v0 =	vadd.f32 v5, v0;
	v5 =	vld [tilespmem:s13+$0xA0]  }
0xa9: {  	v1 =	vadd.f32 v6, v1;
	v6 =	vld [tilespmem:s13+$0xB0]  }
0xaa: {  	v0 =	vadd.f32 v2, v0;
	v2 =	vld [tilespmem:s13+$0xC0]  }
0xab: {  	v1 =	vadd.f32 v3, v1;
	v3 =	vld [tilespmem:s13+$0xD0]  }
0xac: {  	v0 =	vadd.f32 v4, v0;
	v4 =	vld [tilespmem:s13+$0xE0]  }
0xad: {  	v1 =	vadd.f32 v5, v1;
	v5 =	vld [tilespmem:s13+$0xF0]  }
0xae: {  	v0 =	vadd.f32 v6, v0;
	v6 =	vld [tilespmem:s13+$0x100]  }
0xaf: {  	v1 =	vadd.f32 v2, v1;
	v2 =	vld [tilespmem:s13+$0x110]  }
0xb0: {  	v0 =	vadd.f32 v3, v0;
	v3 =	vld [tilespmem:s13+$0x120]  }
0xb1: {  	v1 =	vadd.f32 v4, v1;
	v4 =	vld [tilespmem:s13+$0x130]  }
0xb2: {  	v0 =	vadd.f32 v5, v0  }
.Ltmp0:
0xb3: {  	v1 =	vadd.f32 v6, v1;
	(pc) =	sbr.rel @p0 .LBB2_2-.Ltmp0, $4  }
0xb4: {  	v0 =	vadd.f32 v2, v0  }
0xb5: {  	v1 =	vadd.f32 v3, v1  }
0xb6: {  	s5 =	sshra.s32 s5, $0x2;
	v0 =	vadd.f32 v4, v0  }
0xb7: {  	[tilespmem:s5+$0x16800] =	vst v1  }
0xb8: {  	[tilespmem:s5+$0x16810] =	vst v0  }
0xb9: {  	_ =	swait.ge [sflag:s31], $0x1000  }
0xba: {  	[sflag:s31] =	ssyncset.done $0x0  }
0xbb: {  	[sflag:s31] =	ssyncadd.s32 $0xFFFFF000  }
0xbc: {  	_ =	swait.ge [sflag:s31], $0x1000  }
0xbd: {  	[sflag:s31] =	ssyncset.done $0x0  }
0xbe: {  	[sflag:s31] =	ssyncadd.s32 $0xFFFFF000  }
0xbf: {  	_ =	swait.ge [sflag:s31], $0x1000  }
0xc0: {  	[sflag:s31] =	ssyncset.done $0x0  }
0xc1: {  	[sflag:s31] =	ssyncadd.s32 $0xFFFFF000  }
0xc2: {  	_ =	swait.ge [sflag:s31], $0x1000  }
0xc3: {  	[sflag:s31] =	ssyncset.done $0x0  }
0xc4: {  	[sflag:s31] =	ssyncadd.s32 $0xFFFFF000  }
0xc5: {  	_ =	swait.ge [sflag:s31], $0x1000  }
0xc6: {  	[sflag:s31] =	ssyncset.done $0x0  }
0xc7: {  	[sflag:s31] =	ssyncadd.s32 $0xFFFFF000  }
0xc8: {  	_ =	swait.ge [sflag:s31], $0x1000  }
0xc9: {  	[sflag:s31] =	ssyncset.done $0x0  }
0xca: {  	[sflag:s31] =	ssyncadd.s32 $0xFFFFF000  }
0xcb: {  	_ =	swait.ge [sflag:s31], $0x1000  }
0xcc: {  	[sflag:s31] =	ssyncset.done $0x0  }
0xcd: {  	[sflag:s31] =	ssyncadd.s32 $0xFFFFF000  }
0xce: {  	_ =	swait.ge [sflag:s31], $0x1000  }
0xcf: {  	[sflag:s31] =	ssyncset.done $0x0  }
0xd0: {  	[sflag:s31] =	ssyncadd.s32 $0xFFFFF000  }
0xd1: {  	_ =	swait.ge [sflag:s31], $0x1000  }
0xd2: {  	[sflag:s31] =	ssyncset.done $0x0  }
0xd3: {  	[sflag:s31] =	ssyncadd.s32 $0xFFFFF000  }
0xd4: {  	_ =	swait.ge [sflag:s31], $0x1000  }
0xd5: {  	[sflag:s31] =	ssyncset.done $0x0  }
0xd6: {  	s4 =	simm.s32 $0xA00;
	[sflag:s31] =	ssyncadd.s32 $0xFFFFF000  }
0xd7: {  	[tilespmem:s9], [sflag:$0x1] =	stream.indirect.gather [hbm4b:s3+s8], $0x20, s4, s8, $0xb8;
	[tilespmem:$0x1A800] =	vst v63  }
0xd8: {  	s13 =	simm.s32 $0xA80  }
0xd9: {  	[tilespmem:s10], [sflag:$0x1] =	stream.indirect.gather [hbm4b:s3+s8], $0x20, s13, s8, $0xb8;
	[tilespmem:$0x1A800] =	vst v63  }
0xda: {  	s5 =	simm.s32 $0xB00  }
0xdb: {  	[tilespmem:s12], [sflag:$0x1] =	stream.indirect.gather [hbm4b:s3+s8], $0x20, s5, s8, $0xb8;
	[tilespmem:$0x1A800] =	vst v63  }
0xdc: {  	s13 =	simm.s32 $0xB80  }
0xdd: {  	[tilespmem:s14], [sflag:$0x1] =	stream.indirect.gather [hbm4b:s3+s8], $0x20, s13, s8, $0xb8;
	[tilespmem:$0x1A800] =	vst v63  }
0xde: {  	s5 =	simm.s32 $0xC00  }
0xdf: {  	[tilespmem:s16], [sflag:$0x1] =	stream.indirect.gather [hbm4b:s3+s8], $0x20, s5, s8, $0xb8;
	[tilespmem:$0x1A800] =	vst v63  }
0xe0: {  	s13 =	simm.s32 $0xC80  }
0xe1: {  	[tilespmem:s18], [sflag:$0x1] =	stream.indirect.gather [hbm4b:s3+s8], $0x20, s13, s8, $0xb8;
	[tilespmem:$0x1A800] =	vst v63  }
0xe2: {  	s5 =	simm.s32 $0xD00  }
0xe3: {  	[tilespmem:s20], [sflag:$0x1] =	stream.indirect.gather [hbm4b:s3+s8], $0x20, s5, s8, $0xb8;
	[tilespmem:$0x1A800] =	vst v63  }
0xe4: {  	s13 =	simm.s32 $0xD80  }
0xe5: {  	[tilespmem:s22], [sflag:$0x1] =	stream.indirect.gather [hbm4b:s3+s8], $0x20, s13, s8, $0xb8;
	[tilespmem:$0x1A800] =	vst v63  }
0xe6: {  	s5 =	simm.s32 $0xE00  }
0xe7: {  	[tilespmem:s24], [sflag:$0x1] =	stream.indirect.gather [hbm4b:s3+s8], $0x20, s5, s8, $0xb8;
	[tilespmem:$0x1A800] =	vst v63  }
0xe8: {  	s13 =	simm.s32 $0xE80  }
0xe9: {  	[tilespmem:s26], [sflag:$0x1] =	stream.indirect.gather [hbm4b:s3+s8], $0x20, s13, s8, $0xb8;
	[tilespmem:$0x1A800] =	vst v63  }
0xea: {  	s13 =	simm.s32 $0xC940  }
0xeb: {  	v0 =	vld [tilespmem:s13+$0xFFFFFEF0]  }
0xec: {  	v1 =	vld [tilespmem:s13+$0xFFFFFEC0]  }
0xed: {  	v2 =	vld [tilespmem:s13+$0xFFFFFEE0]  }
0xee: {  	v3 =	vld [tilespmem:s13+$0xFFFFFED0]  }
0xef: {  	v4 =	vld [tilespmem:s13+$0xFFFFFF00]  }
0xf0: {  	v5 =	vld [tilespmem:s13+$0xFFFFFF10]  }
0xf1: {  	v6 =	vld [tilespmem:s13+$0xFFFFFF20]  }
0xf2: {  	v7 =	vld [tilespmem:s13+$0xFFFFFF40];
	v1 =	vadd.f32 v2, v1  }
0xf3: {  	v2 =	vld [tilespmem:s13+$0xFFFFFF30]  }
0xf4: {  	v44 =	vld [tilespmem:s13+$0xFFFFFF60];
	v0 =	vadd.f32 v0, v3;
	v1 =	vadd.f32 v4, v1  }
0xf5: {  	v3 =	vld [tilespmem:s13+$0xFFFFFF50]  }
0xf6: {  	v45 =	vld [tilespmem:s13+$0xFFFFFF70];
	v0 =	vadd.f32 v5, v0;
	v1 =	vadd.f32 v6, v1  }
0xf7: {  	v46 =	vld [tilespmem:s13+$0xFFFFFF80]  }
0xf8: {  	v47 =	vld [tilespmem:s13+$0xFFFFFFA0];
	v0 =	vadd.f32 v2, v0;
	v1 =	vadd.f32 v7, v1  }
0xf9: {  	v2 =	vld [tilespmem:s13+$0xFFFFFF90]  }
0xfa: {  	v48 =	vld [tilespmem:s13+$0xFFFFFFC0];
	v0 =	vadd.f32 v3, v0;
	v1 =	vadd.f32 v44, v1  }
0xfb: {  	v3 =	vld [tilespmem:s13+$0xFFFFFFB0]  }
0xfc: {  	v49 =	vld [tilespmem:s13+$0xFFFFFFD0];
	v0 =	vadd.f32 v45, v0;
	v1 =	vadd.f32 v46, v1  }
0xfd: {  	v50 =	vld [tilespmem:s13+$0xFFFFFFE0]  }
0xfe: {  	v51 =	vld [tilespmem:s13+$0x0];
	v0 =	vadd.f32 v2, v0;
	v1 =	vadd.f32 v47, v1  }
0xff: {  	v2 =	vld [tilespmem:s13+$0xFFFFFFF0]  }
0x100: {  	v52 =	vld [tilespmem:s13+$0x20];
	v0 =	vadd.f32 v3, v0;
	v1 =	vadd.f32 v48, v1  }
0x101: {  	v3 =	vld [tilespmem:s13+$0x10]  }
0x102: {  	v53 =	vld [tilespmem:s13+$0x30];
	v0 =	vadd.f32 v49, v0;
	v1 =	vadd.f32 v50, v1  }
0x103: {  	v54 =	vld [tilespmem:s13+$0x40]  }
0x104: {  	v55 =	vld [tilespmem:s13+$0x60];
	v0 =	vadd.f32 v2, v0;
	v1 =	vadd.f32 v51, v1  }
0x105: {  	v2 =	vld [tilespmem:s13+$0x50]  }
0x106: {  	v56 =	vld [tilespmem:s13+$0x80];
	v0 =	vadd.f32 v3, v0;
	v1 =	vadd.f32 v52, v1  }
0x107: {  	v3 =	vld [tilespmem:s13+$0x70]  }
0x108: {  	v57 =	vld [tilespmem:s13+$0x90];
	v0 =	vadd.f32 v53, v0;
	v1 =	vadd.f32 v54, v1  }
0x109: {  	v58 =	vld [tilespmem:s13+$0xA0]  }
0x10a: {  	v59 =	vld [tilespmem:s13+$0xC0];
	v0 =	vadd.f32 v2, v0;
	v1 =	vadd.f32 v55, v1  }
0x10b: {  	v2 =	vld [tilespmem:s13+$0xB0]  }
0x10c: {  	v60 =	vld [tilespmem:s13+$0xE0];
	v0 =	vadd.f32 v3, v0;
	v1 =	vadd.f32 v56, v1  }
0x10d: {  	v3 =	vld [tilespmem:s13+$0xD0]  }
0x10e: {  	v61 =	vld [tilespmem:s13+$0xF0];
	v0 =	vadd.f32 v57, v0;
	v1 =	vadd.f32 v58, v1  }
0x10f: {  	v62 =	vld [tilespmem:s13+$0x100]  }
0x110: {  	v63 =	vld [tilespmem:s13+$0x120];
	v0 =	vadd.f32 v2, v0;
	v1 =	vadd.f32 v59, v1  }
0x111: {  	v2 =	vld [tilespmem:s13+$0x110]  }
0x112: {  	v0 =	vadd.f32 v3, v0;
	v1 =	vadd.f32 v60, v1  }
0x113: {  	v3 =	vld [tilespmem:s13+$0x130]  }
0x114: {  	v0 =	vadd.f32 v61, v0;
	v1 =	vadd.f32 v62, v1;
	_ =	sdelay $0x1  }
0x115: {  	v0 =	vadd.f32 v2, v0;
	v1 =	vadd.f32 v63, v1  }
0x116: {  	s5 =	simm.s32 $0x0  }
0x117: {  	s4 =	simm.s32 $0x80;
	v0 =	vadd.f32 v3, v0;
	[tilespmem:s5+$0x17000] =	vst v1  }
.LBB2_4:
0x118: {  	p0 =	sne.s32 s4, $0x1F80  }
0x119: {  	[tilespmem:s5+$0x17010] =	vst v0;
	s13 =	sadd.s32 $0x280, s13;
	s5 =	smov.u32 s4;
	s4 =	sadd.s32 $0x80, s4  }
0x11a: {  	v0 =	vld [tilespmem:s13+$0xFFFFFEF0]  }
0x11b: {  	v1 =	vld [tilespmem:s13+$0xFFFFFEC0]  }
0x11c: {  	v2 =	vld [tilespmem:s13+$0xFFFFFEE0]  }
0x11d: {  	v3 =	vld [tilespmem:s13+$0xFFFFFED0]  }
0x11e: {  	v4 =	vld [tilespmem:s13+$0xFFFFFF00]  }
0x11f: {  	v5 =	vld [tilespmem:s13+$0xFFFFFF10]  }
0x120: {  	v6 =	vld [tilespmem:s13+$0xFFFFFF20]  }
0x121: {  	v1 =	vadd.f32 v2, v1;
	v2 =	vld [tilespmem:s13+$0xFFFFFF30]  }
0x122: {  	v0 =	vadd.f32 v0, v3;
	v3 =	vld [tilespmem:s13+$0xFFFFFF40]  }
0x123: {  	v1 =	vadd.f32 v4, v1;
	v4 =	vld [tilespmem:s13+$0xFFFFFF50]  }
0x124: {  	v0 =	vadd.f32 v5, v0;
	v5 =	vld [tilespmem:s13+$0xFFFFFF60]  }
0x125: {  	v1 =	vadd.f32 v6, v1;
	v6 =	vld [tilespmem:s13+$0xFFFFFF70]  }
0x126: {  	v0 =	vadd.f32 v2, v0;
	v2 =	vld [tilespmem:s13+$0xFFFFFF80]  }
0x127: {  	v1 =	vadd.f32 v3, v1;
	v3 =	vld [tilespmem:s13+$0xFFFFFF90]  }
0x128: {  	v0 =	vadd.f32 v4, v0;
	v4 =	vld [tilespmem:s13+$0xFFFFFFA0]  }
0x129: {  	v1 =	vadd.f32 v5, v1;
	v5 =	vld [tilespmem:s13+$0xFFFFFFB0]  }
0x12a: {  	v0 =	vadd.f32 v6, v0;
	v6 =	vld [tilespmem:s13+$0xFFFFFFC0]  }
0x12b: {  	v1 =	vadd.f32 v2, v1;
	v2 =	vld [tilespmem:s13+$0xFFFFFFD0]  }
0x12c: {  	v0 =	vadd.f32 v3, v0;
	v3 =	vld [tilespmem:s13+$0xFFFFFFE0]  }
0x12d: {  	v1 =	vadd.f32 v4, v1;
	v4 =	vld [tilespmem:s13+$0xFFFFFFF0]  }
0x12e: {  	v0 =	vadd.f32 v5, v0;
	v5 =	vld [tilespmem:s13+$0x0]  }
0x12f: {  	v1 =	vadd.f32 v6, v1;
	v6 =	vld [tilespmem:s13+$0x10]  }
0x130: {  	v0 =	vadd.f32 v2, v0;
	v2 =	vld [tilespmem:s13+$0x20]  }
0x131: {  	v1 =	vadd.f32 v3, v1;
	v3 =	vld [tilespmem:s13+$0x30]  }
0x132: {  	v0 =	vadd.f32 v4, v0;
	v4 =	vld [tilespmem:s13+$0x40]  }
0x133: {  	v1 =	vadd.f32 v5, v1;
	v5 =	vld [tilespmem:s13+$0x50]  }
0x134: {  	v0 =	vadd.f32 v6, v0;
	v6 =	vld [tilespmem:s13+$0x60]  }
0x135: {  	v1 =	vadd.f32 v2, v1;
	v2 =	vld [tilespmem:s13+$0x70]  }
0x136: {  	v0 =	vadd.f32 v3, v0;
	v3 =	vld [tilespmem:s13+$0x80]  }
0x137: {  	v1 =	vadd.f32 v4, v1;
	v4 =	vld [tilespmem:s13+$0x90]  }
0x138: {  	v0 =	vadd.f32 v5, v0;
	v5 =	vld [tilespmem:s13+$0xA0]  }
0x139: {  	v1 =	vadd.f32 v6, v1;
	v6 =	vld [tilespmem:s13+$0xB0]  }
0x13a: {  	v0 =	vadd.f32 v2, v0;
	v2 =	vld [tilespmem:s13+$0xC0]  }
0x13b: {  	v1 =	vadd.f32 v3, v1;
	v3 =	vld [tilespmem:s13+$0xD0]  }
0x13c: {  	v0 =	vadd.f32 v4, v0;
	v4 =	vld [tilespmem:s13+$0xE0]  }
0x13d: {  	v1 =	vadd.f32 v5, v1;
	v5 =	vld [tilespmem:s13+$0xF0]  }
0x13e: {  	v0 =	vadd.f32 v6, v0;
	v6 =	vld [tilespmem:s13+$0x100]  }
0x13f: {  	v1 =	vadd.f32 v2, v1;
	v2 =	vld [tilespmem:s13+$0x110]  }
0x140: {  	v0 =	vadd.f32 v3, v0;
	v3 =	vld [tilespmem:s13+$0x120]  }
0x141: {  	v1 =	vadd.f32 v4, v1;
	v4 =	vld [tilespmem:s13+$0x130]  }
0x142: {  	v0 =	vadd.f32 v5, v0  }
.Ltmp1:
0x143: {  	v1 =	vadd.f32 v6, v1;
	(pc) =	sbr.rel @p0 .LBB2_4-.Ltmp1, $4  }
0x144: {  	v0 =	vadd.f32 v2, v0  }
0x145: {  	v1 =	vadd.f32 v3, v1  }
0x146: {  	s5 =	sshra.s32 s5, $0x2;
	v0 =	vadd.f32 v4, v0  }
0x147: {  	[tilespmem:s5+$0x17000] =	vst v1  }
0x148: {  	[tilespmem:s5+$0x17010] =	vst v0  }
0x149: {  	_ =	swait.ge [sflag:s28], $0x1000  }
0x14a: {  	[sflag:s28] =	ssyncset.done $0x0  }
0x14b: {  	[sflag:s28] =	ssyncadd.s32 $0xFFFFF000  }
0x14c: {  	_ =	swait.ge [sflag:s28], $0x1000  }
0x14d: {  	[sflag:s28] =	ssyncset.done $0x0  }
0x14e: {  	[sflag:s28] =	ssyncadd.s32 $0xFFFFF000  }
0x14f: {  	_ =	swait.ge [sflag:s28], $0x1000  }
0x150: {  	[sflag:s28] =	ssyncset.done $0x0  }
0x151: {  	[sflag:s28] =	ssyncadd.s32 $0xFFFFF000  }
0x152: {  	_ =	swait.ge [sflag:s28], $0x1000  }
0x153: {  	[sflag:s28] =	ssyncset.done $0x0  }
0x154: {  	[sflag:s28] =	ssyncadd.s32 $0xFFFFF000  }
0x155: {  	_ =	swait.ge [sflag:s28], $0x1000  }
0x156: {  	[sflag:s28] =	ssyncset.done $0x0  }
0x157: {  	[sflag:s28] =	ssyncadd.s32 $0xFFFFF000  }
0x158: {  	_ =	swait.ge [sflag:s28], $0x1000  }
0x159: {  	[sflag:s28] =	ssyncset.done $0x0  }
0x15a: {  	[sflag:s28] =	ssyncadd.s32 $0xFFFFF000  }
0x15b: {  	_ =	swait.ge [sflag:s28], $0x1000  }
0x15c: {  	[sflag:s28] =	ssyncset.done $0x0  }
0x15d: {  	[sflag:s28] =	ssyncadd.s32 $0xFFFFF000  }
0x15e: {  	_ =	swait.ge [sflag:s28], $0x1000  }
0x15f: {  	[sflag:s28] =	ssyncset.done $0x0  }
0x160: {  	[sflag:s28] =	ssyncadd.s32 $0xFFFFF000  }
0x161: {  	_ =	swait.ge [sflag:s28], $0x1000  }
0x162: {  	[sflag:s28] =	ssyncset.done $0x0  }
0x163: {  	[sflag:s28] =	ssyncadd.s32 $0xFFFFF000  }
0x164: {  	_ =	swait.ge [sflag:s28], $0x1000  }
0x165: {  	[sflag:s28] =	ssyncset.done $0x0  }
0x166: {  	s4 =	simm.s32 $0xF00;
	[sflag:s28] =	ssyncadd.s32 $0xFFFFF000  }
0x167: {  	[tilespmem:s30], [sflag:$0x2] =	stream.indirect.gather [hbm4b:s3+s8], $0x20, s4, s8, $0xb8;
	[tilespmem:$0x1A800] =	vst v63  }
0x168: {  	s13 =	simm.s32 $0xF80  }
0x169: {  	[tilespmem:s1], [sflag:$0x2] =	stream.indirect.gather [hbm4b:s3+s8], $0x20, s13, s8, $0xb8;
	[tilespmem:$0x1A800] =	vst v63  }
0x16a: {  	s5 =	simm.s32 $0x1000  }
0x16b: {  	[tilespmem:s11], [sflag:$0x2] =	stream.indirect.gather [hbm4b:s3+s8], $0x20, s5, s8, $0xb8;
	[tilespmem:$0x1A800] =	vst v63  }
0x16c: {  	s13 =	simm.s32 $0x1080  }
0x16d: {  	[tilespmem:s15], [sflag:$0x2] =	stream.indirect.gather [hbm4b:s3+s8], $0x20, s13, s8, $0xb8;
	[tilespmem:$0x1A800] =	vst v63  }
0x16e: {  	s5 =	simm.s32 $0x1100  }
0x16f: {  	[tilespmem:s19], [sflag:$0x2] =	stream.indirect.gather [hbm4b:s3+s8], $0x20, s5, s8, $0xb8;
	[tilespmem:$0x1A800] =	vst v63  }
0x170: {  	s13 =	simm.s32 $0x1180  }
0x171: {  	[tilespmem:s23], [sflag:$0x2] =	stream.indirect.gather [hbm4b:s3+s8], $0x20, s13, s8, $0xb8;
	[tilespmem:$0x1A800] =	vst v63  }
0x172: {  	s5 =	simm.s32 $0x1200  }
0x173: {  	[tilespmem:s29], [sflag:$0x2] =	stream.indirect.gather [hbm4b:s3+s8], $0x20, s5, s8, $0xb8;
	[tilespmem:$0x1A800] =	vst v63  }
0x174: {  	s13 =	simm.s32 $0x1280  }
0x175: {  	[tilespmem:s0], [sflag:$0x2] =	stream.indirect.gather [hbm4b:s3+s8], $0x20, s13, s8, $0xb8;
	[tilespmem:$0x1A800] =	vst v63  }
0x176: {  	s5 =	simm.s32 $0x1300  }
0x177: {  	[tilespmem:s17], [sflag:$0x2] =	stream.indirect.gather [hbm4b:s3+s8], $0x20, s5, s8, $0xb8;
	[tilespmem:$0x1A800] =	vst v63  }
0x178: {  	s13 =	simm.s32 $0x1380  }
0x179: {  	[tilespmem:s25], [sflag:$0x2] =	stream.indirect.gather [hbm4b:s3+s8], $0x20, s13, s8, $0xb8;
	[tilespmem:$0x1A800] =	vst v63  }
0x17a: {  	s13 =	simm.s32 $0x2940  }
0x17b: {  	v0 =	vld [tilespmem:s13+$0xFFFFFEF0]  }
0x17c: {  	v1 =	vld [tilespmem:s13+$0xFFFFFEC0]  }
0x17d: {  	v2 =	vld [tilespmem:s13+$0xFFFFFEE0]  }
0x17e: {  	v3 =	vld [tilespmem:s13+$0xFFFFFED0]  }
0x17f: {  	v4 =	vld [tilespmem:s13+$0xFFFFFF00]  }
0x180: {  	v5 =	vld [tilespmem:s13+$0xFFFFFF10]  }
0x181: {  	v6 =	vld [tilespmem:s13+$0xFFFFFF20]  }
0x182: {  	v7 =	vld [tilespmem:s13+$0xFFFFFF40];
	v1 =	vadd.f32 v2, v1  }
0x183: {  	v2 =	vld [tilespmem:s13+$0xFFFFFF30]  }
0x184: {  	v44 =	vld [tilespmem:s13+$0xFFFFFF60];
	v0 =	vadd.f32 v0, v3;
	v1 =	vadd.f32 v4, v1  }
0x185: {  	v3 =	vld [tilespmem:s13+$0xFFFFFF50]  }
0x186: {  	v45 =	vld [tilespmem:s13+$0xFFFFFF70];
	v0 =	vadd.f32 v5, v0;
	v1 =	vadd.f32 v6, v1  }
0x187: {  	v46 =	vld [tilespmem:s13+$0xFFFFFF80]  }
0x188: {  	v47 =	vld [tilespmem:s13+$0xFFFFFFA0];
	v0 =	vadd.f32 v2, v0;
	v1 =	vadd.f32 v7, v1  }
0x189: {  	v2 =	vld [tilespmem:s13+$0xFFFFFF90]  }
0x18a: {  	v48 =	vld [tilespmem:s13+$0xFFFFFFC0];
	v0 =	vadd.f32 v3, v0;
	v1 =	vadd.f32 v44, v1  }
0x18b: {  	v3 =	vld [tilespmem:s13+$0xFFFFFFB0]  }
0x18c: {  	v49 =	vld [tilespmem:s13+$0xFFFFFFD0];
	v0 =	vadd.f32 v45, v0;
	v1 =	vadd.f32 v46, v1  }
0x18d: {  	v50 =	vld [tilespmem:s13+$0xFFFFFFE0]  }
0x18e: {  	v51 =	vld [tilespmem:s13+$0x0];
	v0 =	vadd.f32 v2, v0;
	v1 =	vadd.f32 v47, v1  }
0x18f: {  	v2 =	vld [tilespmem:s13+$0xFFFFFFF0]  }
0x190: {  	v52 =	vld [tilespmem:s13+$0x20];
	v0 =	vadd.f32 v3, v0;
	v1 =	vadd.f32 v48, v1  }
0x191: {  	v3 =	vld [tilespmem:s13+$0x10]  }
0x192: {  	v53 =	vld [tilespmem:s13+$0x30];
	v0 =	vadd.f32 v49, v0;
	v1 =	vadd.f32 v50, v1  }
0x193: {  	v54 =	vld [tilespmem:s13+$0x40]  }
0x194: {  	v55 =	vld [tilespmem:s13+$0x60];
	v0 =	vadd.f32 v2, v0;
	v1 =	vadd.f32 v51, v1  }
0x195: {  	v2 =	vld [tilespmem:s13+$0x50]  }
0x196: {  	v56 =	vld [tilespmem:s13+$0x80];
	v0 =	vadd.f32 v3, v0;
	v1 =	vadd.f32 v52, v1  }
0x197: {  	v3 =	vld [tilespmem:s13+$0x70]  }
0x198: {  	v57 =	vld [tilespmem:s13+$0x90];
	v0 =	vadd.f32 v53, v0;
	v1 =	vadd.f32 v54, v1  }
0x199: {  	v58 =	vld [tilespmem:s13+$0xA0]  }
0x19a: {  	v59 =	vld [tilespmem:s13+$0xC0];
	v0 =	vadd.f32 v2, v0;
	v1 =	vadd.f32 v55, v1  }
0x19b: {  	v2 =	vld [tilespmem:s13+$0xB0]  }
0x19c: {  	v60 =	vld [tilespmem:s13+$0xE0];
	v0 =	vadd.f32 v3, v0;
	v1 =	vadd.f32 v56, v1  }
0x19d: {  	v3 =	vld [tilespmem:s13+$0xD0]  }
0x19e: {  	v61 =	vld [tilespmem:s13+$0xF0];
	v0 =	vadd.f32 v57, v0;
	v1 =	vadd.f32 v58, v1  }
0x19f: {  	v62 =	vld [tilespmem:s13+$0x100]  }
0x1a0: {  	v63 =	vld [tilespmem:s13+$0x120];
	v0 =	vadd.f32 v2, v0;
	v1 =	vadd.f32 v59, v1  }
0x1a1: {  	v2 =	vld [tilespmem:s13+$0x110]  }
0x1a2: {  	v0 =	vadd.f32 v3, v0;
	v1 =	vadd.f32 v60, v1  }
0x1a3: {  	v3 =	vld [tilespmem:s13+$0x130]  }
0x1a4: {  	v0 =	vadd.f32 v61, v0;
	v1 =	vadd.f32 v62, v1;
	_ =	sdelay $0x1  }
0x1a5: {  	v0 =	vadd.f32 v2, v0;
	v1 =	vadd.f32 v63, v1  }
0x1a6: {  	s5 =	simm.s32 $0x0  }
0x1a7: {  	s4 =	simm.s32 $0x80;
	v0 =	vadd.f32 v3, v0;
	[tilespmem:s5+$0x17800] =	vst v1  }
.LBB2_6:
0x1a8: {  	p0 =	sne.s32 s4, $0x1F80  }
0x1a9: {  	[tilespmem:s5+$0x17810] =	vst v0;
	s13 =	sadd.s32 $0x280, s13;
	s5 =	smov.u32 s4;
	s4 =	sadd.s32 $0x80, s4  }
0x1aa: {  	v0 =	vld [tilespmem:s13+$0xFFFFFEF0]  }
0x1ab: {  	v1 =	vld [tilespmem:s13+$0xFFFFFEC0]  }
0x1ac: {  	v2 =	vld [tilespmem:s13+$0xFFFFFEE0]  }
0x1ad: {  	v3 =	vld [tilespmem:s13+$0xFFFFFED0]  }
0x1ae: {  	v4 =	vld [tilespmem:s13+$0xFFFFFF00]  }
0x1af: {  	v5 =	vld [tilespmem:s13+$0xFFFFFF10]  }
0x1b0: {  	v6 =	vld [tilespmem:s13+$0xFFFFFF20]  }
0x1b1: {  	v1 =	vadd.f32 v2, v1;
	v2 =	vld [tilespmem:s13+$0xFFFFFF30]  }
0x1b2: {  	v0 =	vadd.f32 v0, v3;
	v3 =	vld [tilespmem:s13+$0xFFFFFF40]  }
0x1b3: {  	v1 =	vadd.f32 v4, v1;
	v4 =	vld [tilespmem:s13+$0xFFFFFF50]  }
0x1b4: {  	v0 =	vadd.f32 v5, v0;
	v5 =	vld [tilespmem:s13+$0xFFFFFF60]  }
0x1b5: {  	v1 =	vadd.f32 v6, v1;
	v6 =	vld [tilespmem:s13+$0xFFFFFF70]  }
0x1b6: {  	v0 =	vadd.f32 v2, v0;
	v2 =	vld [tilespmem:s13+$0xFFFFFF80]  }
0x1b7: {  	v1 =	vadd.f32 v3, v1;
	v3 =	vld [tilespmem:s13+$0xFFFFFF90]  }
0x1b8: {  	v0 =	vadd.f32 v4, v0;
	v4 =	vld [tilespmem:s13+$0xFFFFFFA0]  }
0x1b9: {  	v1 =	vadd.f32 v5, v1;
	v5 =	vld [tilespmem:s13+$0xFFFFFFB0]  }
0x1ba: {  	v0 =	vadd.f32 v6, v0;
	v6 =	vld [tilespmem:s13+$0xFFFFFFC0]  }
0x1bb: {  	v1 =	vadd.f32 v2, v1;
	v2 =	vld [tilespmem:s13+$0xFFFFFFD0]  }
0x1bc: {  	v0 =	vadd.f32 v3, v0;
	v3 =	vld [tilespmem:s13+$0xFFFFFFE0]  }
0x1bd: {  	v1 =	vadd.f32 v4, v1;
	v4 =	vld [tilespmem:s13+$0xFFFFFFF0]  }
0x1be: {  	v0 =	vadd.f32 v5, v0;
	v5 =	vld [tilespmem:s13+$0x0]  }
0x1bf: {  	v1 =	vadd.f32 v6, v1;
	v6 =	vld [tilespmem:s13+$0x10]  }
0x1c0: {  	v0 =	vadd.f32 v2, v0;
	v2 =	vld [tilespmem:s13+$0x20]  }
0x1c1: {  	v1 =	vadd.f32 v3, v1;
	v3 =	vld [tilespmem:s13+$0x30]  }
0x1c2: {  	v0 =	vadd.f32 v4, v0;
	v4 =	vld [tilespmem:s13+$0x40]  }
0x1c3: {  	v1 =	vadd.f32 v5, v1;
	v5 =	vld [tilespmem:s13+$0x50]  }
0x1c4: {  	v0 =	vadd.f32 v6, v0;
	v6 =	vld [tilespmem:s13+$0x60]  }
0x1c5: {  	v1 =	vadd.f32 v2, v1;
	v2 =	vld [tilespmem:s13+$0x70]  }
0x1c6: {  	v0 =	vadd.f32 v3, v0;
	v3 =	vld [tilespmem:s13+$0x80]  }
0x1c7: {  	v1 =	vadd.f32 v4, v1;
	v4 =	vld [tilespmem:s13+$0x90]  }
0x1c8: {  	v0 =	vadd.f32 v5, v0;
	v5 =	vld [tilespmem:s13+$0xA0]  }
0x1c9: {  	v1 =	vadd.f32 v6, v1;
	v6 =	vld [tilespmem:s13+$0xB0]  }
0x1ca: {  	v0 =	vadd.f32 v2, v0;
	v2 =	vld [tilespmem:s13+$0xC0]  }
0x1cb: {  	v1 =	vadd.f32 v3, v1;
	v3 =	vld [tilespmem:s13+$0xD0]  }
0x1cc: {  	v0 =	vadd.f32 v4, v0;
	v4 =	vld [tilespmem:s13+$0xE0]  }
0x1cd: {  	v1 =	vadd.f32 v5, v1;
	v5 =	vld [tilespmem:s13+$0xF0]  }
0x1ce: {  	v0 =	vadd.f32 v6, v0;
	v6 =	vld [tilespmem:s13+$0x100]  }
0x1cf: {  	v1 =	vadd.f32 v2, v1;
	v2 =	vld [tilespmem:s13+$0x110]  }
0x1d0: {  	v0 =	vadd.f32 v3, v0;
	v3 =	vld [tilespmem:s13+$0x120]  }
0x1d1: {  	v1 =	vadd.f32 v4, v1;
	v4 =	vld [tilespmem:s13+$0x130]  }
0x1d2: {  	v0 =	vadd.f32 v5, v0  }
.Ltmp2:
0x1d3: {  	v1 =	vadd.f32 v6, v1;
	(pc) =	sbr.rel @p0 .LBB2_6-.Ltmp2, $4  }
0x1d4: {  	v0 =	vadd.f32 v2, v0  }
0x1d5: {  	v1 =	vadd.f32 v3, v1  }
0x1d6: {  	s5 =	sshra.s32 s5, $0x2;
	v0 =	vadd.f32 v4, v0  }
0x1d7: {  	[tilespmem:s5+$0x17800] =	vst v1  }
0x1d8: {  	[tilespmem:s5+$0x17810] =	vst v0  }
0x1d9: {  	_ =	swait.ge [sflag:s31], $0x1000  }
0x1da: {  	[sflag:s31] =	ssyncset.done $0x0  }
0x1db: {  	[sflag:s31] =	ssyncadd.s32 $0xFFFFF000  }
0x1dc: {  	_ =	swait.ge [sflag:s31], $0x1000  }
0x1dd: {  	[sflag:s31] =	ssyncset.done $0x0  }
0x1de: {  	[sflag:s31] =	ssyncadd.s32 $0xFFFFF000  }
0x1df: {  	_ =	swait.ge [sflag:s31], $0x1000  }
0x1e0: {  	[sflag:s31] =	ssyncset.done $0x0  }
0x1e1: {  	[sflag:s31] =	ssyncadd.s32 $0xFFFFF000  }
0x1e2: {  	_ =	swait.ge [sflag:s31], $0x1000  }
0x1e3: {  	[sflag:s31] =	ssyncset.done $0x0  }
0x1e4: {  	[sflag:s31] =	ssyncadd.s32 $0xFFFFF000  }
0x1e5: {  	_ =	swait.ge [sflag:s31], $0x1000  }
0x1e6: {  	[sflag:s31] =	ssyncset.done $0x0  }
0x1e7: {  	[sflag:s31] =	ssyncadd.s32 $0xFFFFF000  }
0x1e8: {  	_ =	swait.ge [sflag:s31], $0x1000  }
0x1e9: {  	[sflag:s31] =	ssyncset.done $0x0  }
0x1ea: {  	[sflag:s31] =	ssyncadd.s32 $0xFFFFF000  }
0x1eb: {  	_ =	swait.ge [sflag:s31], $0x1000  }
0x1ec: {  	[sflag:s31] =	ssyncset.done $0x0  }
0x1ed: {  	[sflag:s31] =	ssyncadd.s32 $0xFFFFF000  }
0x1ee: {  	_ =	swait.ge [sflag:s31], $0x1000  }
0x1ef: {  	[sflag:s31] =	ssyncset.done $0x0  }
0x1f0: {  	[sflag:s31] =	ssyncadd.s32 $0xFFFFF000  }
0x1f1: {  	_ =	swait.ge [sflag:s31], $0x1000  }
0x1f2: {  	[sflag:s31] =	ssyncset.done $0x0  }
0x1f3: {  	[sflag:s31] =	ssyncadd.s32 $0xFFFFF000  }
0x1f4: {  	_ =	swait.ge [sflag:s31], $0x1000  }
0x1f5: {  	[sflag:s31] =	ssyncset.done $0x0  }
0x1f6: {  	s4 =	simm.s32 $0x1400;
	[sflag:s31] =	ssyncadd.s32 $0xFFFFF000  }
0x1f7: {  	[tilespmem:s9], [sflag:$0x1] =	stream.indirect.gather [hbm4b:s3+s8], $0x20, s4, s8, $0xb8;
	[tilespmem:$0x1A800] =	vst v63  }
0x1f8: {  	s13 =	simm.s32 $0x1480  }
0x1f9: {  	[tilespmem:s10], [sflag:$0x1] =	stream.indirect.gather [hbm4b:s3+s8], $0x20, s13, s8, $0xb8;
	[tilespmem:$0x1A800] =	vst v63  }
0x1fa: {  	s5 =	simm.s32 $0x1500  }
0x1fb: {  	[tilespmem:s12], [sflag:$0x1] =	stream.indirect.gather [hbm4b:s3+s8], $0x20, s5, s8, $0xb8;
	[tilespmem:$0x1A800] =	vst v63  }
0x1fc: {  	s13 =	simm.s32 $0x1580  }
0x1fd: {  	[tilespmem:s14], [sflag:$0x1] =	stream.indirect.gather [hbm4b:s3+s8], $0x20, s13, s8, $0xb8;
	[tilespmem:$0x1A800] =	vst v63  }
0x1fe: {  	s5 =	simm.s32 $0x1600  }
0x1ff: {  	[tilespmem:s16], [sflag:$0x1] =	stream.indirect.gather [hbm4b:s3+s8], $0x20, s5, s8, $0xb8;
	[tilespmem:$0x1A800] =	vst v63  }
0x200: {  	s13 =	simm.s32 $0x1680  }
0x201: {  	[tilespmem:s18], [sflag:$0x1] =	stream.indirect.gather [hbm4b:s3+s8], $0x20, s13, s8, $0xb8;
	[tilespmem:$0x1A800] =	vst v63  }
0x202: {  	s5 =	simm.s32 $0x1700  }
0x203: {  	[tilespmem:s20], [sflag:$0x1] =	stream.indirect.gather [hbm4b:s3+s8], $0x20, s5, s8, $0xb8;
	[tilespmem:$0x1A800] =	vst v63  }
0x204: {  	s13 =	simm.s32 $0x1780  }
0x205: {  	[tilespmem:s22], [sflag:$0x1] =	stream.indirect.gather [hbm4b:s3+s8], $0x20, s13, s8, $0xb8;
	[tilespmem:$0x1A800] =	vst v63  }
0x206: {  	s5 =	simm.s32 $0x1800  }
0x207: {  	[tilespmem:s24], [sflag:$0x1] =	stream.indirect.gather [hbm4b:s3+s8], $0x20, s5, s8, $0xb8;
	[tilespmem:$0x1A800] =	vst v63  }
0x208: {  	s13 =	simm.s32 $0x1880  }
0x209: {  	[tilespmem:s26], [sflag:$0x1] =	stream.indirect.gather [hbm4b:s3+s8], $0x20, s13, s8, $0xb8;
	[tilespmem:$0x1A800] =	vst v63  }
0x20a: {  	s13 =	simm.s32 $0xC940  }
0x20b: {  	v0 =	vld [tilespmem:s13+$0xFFFFFEF0]  }
0x20c: {  	v1 =	vld [tilespmem:s13+$0xFFFFFEC0]  }
0x20d: {  	v2 =	vld [tilespmem:s13+$0xFFFFFEE0]  }
0x20e: {  	v3 =	vld [tilespmem:s13+$0xFFFFFED0]  }
0x20f: {  	v4 =	vld [tilespmem:s13+$0xFFFFFF00]  }
0x210: {  	v5 =	vld [tilespmem:s13+$0xFFFFFF10]  }
0x211: {  	v6 =	vld [tilespmem:s13+$0xFFFFFF20]  }
0x212: {  	v7 =	vld [tilespmem:s13+$0xFFFFFF40];
	v1 =	vadd.f32 v2, v1  }
0x213: {  	v2 =	vld [tilespmem:s13+$0xFFFFFF30]  }
0x214: {  	v44 =	vld [tilespmem:s13+$0xFFFFFF60];
	v0 =	vadd.f32 v0, v3;
	v1 =	vadd.f32 v4, v1  }
0x215: {  	v3 =	vld [tilespmem:s13+$0xFFFFFF50]  }
0x216: {  	v45 =	vld [tilespmem:s13+$0xFFFFFF70];
	v0 =	vadd.f32 v5, v0;
	v1 =	vadd.f32 v6, v1  }
0x217: {  	v46 =	vld [tilespmem:s13+$0xFFFFFF80]  }
0x218: {  	v47 =	vld [tilespmem:s13+$0xFFFFFFA0];
	v0 =	vadd.f32 v2, v0;
	v1 =	vadd.f32 v7, v1  }
0x219: {  	v2 =	vld [tilespmem:s13+$0xFFFFFF90]  }
0x21a: {  	v48 =	vld [tilespmem:s13+$0xFFFFFFC0];
	v0 =	vadd.f32 v3, v0;
	v1 =	vadd.f32 v44, v1  }
0x21b: {  	v3 =	vld [tilespmem:s13+$0xFFFFFFB0]  }
0x21c: {  	v49 =	vld [tilespmem:s13+$0xFFFFFFD0];
	v0 =	vadd.f32 v45, v0;
	v1 =	vadd.f32 v46, v1  }
0x21d: {  	v50 =	vld [tilespmem:s13+$0xFFFFFFE0]  }
0x21e: {  	v51 =	vld [tilespmem:s13+$0x0];
	v0 =	vadd.f32 v2, v0;
	v1 =	vadd.f32 v47, v1  }
0x21f: {  	v2 =	vld [tilespmem:s13+$0xFFFFFFF0]  }
0x220: {  	v52 =	vld [tilespmem:s13+$0x20];
	v0 =	vadd.f32 v3, v0;
	v1 =	vadd.f32 v48, v1  }
0x221: {  	v3 =	vld [tilespmem:s13+$0x10]  }
0x222: {  	v53 =	vld [tilespmem:s13+$0x30];
	v0 =	vadd.f32 v49, v0;
	v1 =	vadd.f32 v50, v1  }
0x223: {  	v54 =	vld [tilespmem:s13+$0x40]  }
0x224: {  	v55 =	vld [tilespmem:s13+$0x60];
	v0 =	vadd.f32 v2, v0;
	v1 =	vadd.f32 v51, v1  }
0x225: {  	v2 =	vld [tilespmem:s13+$0x50]  }
0x226: {  	v56 =	vld [tilespmem:s13+$0x80];
	v0 =	vadd.f32 v3, v0;
	v1 =	vadd.f32 v52, v1  }
0x227: {  	v3 =	vld [tilespmem:s13+$0x70]  }
0x228: {  	v57 =	vld [tilespmem:s13+$0x90];
	v0 =	vadd.f32 v53, v0;
	v1 =	vadd.f32 v54, v1  }
0x229: {  	v58 =	vld [tilespmem:s13+$0xA0]  }
0x22a: {  	v59 =	vld [tilespmem:s13+$0xC0];
	v0 =	vadd.f32 v2, v0;
	v1 =	vadd.f32 v55, v1  }
0x22b: {  	v2 =	vld [tilespmem:s13+$0xB0]  }
0x22c: {  	v60 =	vld [tilespmem:s13+$0xE0];
	v0 =	vadd.f32 v3, v0;
	v1 =	vadd.f32 v56, v1  }
0x22d: {  	v3 =	vld [tilespmem:s13+$0xD0]  }
0x22e: {  	v61 =	vld [tilespmem:s13+$0xF0];
	v0 =	vadd.f32 v57, v0;
	v1 =	vadd.f32 v58, v1  }
0x22f: {  	v62 =	vld [tilespmem:s13+$0x100]  }
0x230: {  	v63 =	vld [tilespmem:s13+$0x120];
	v0 =	vadd.f32 v2, v0;
	v1 =	vadd.f32 v59, v1  }
0x231: {  	v2 =	vld [tilespmem:s13+$0x110]  }
0x232: {  	v0 =	vadd.f32 v3, v0;
	v1 =	vadd.f32 v60, v1  }
0x233: {  	v3 =	vld [tilespmem:s13+$0x130]  }
0x234: {  	v0 =	vadd.f32 v61, v0;
	v1 =	vadd.f32 v62, v1;
	_ =	sdelay $0x1  }
0x235: {  	v0 =	vadd.f32 v2, v0;
	v1 =	vadd.f32 v63, v1  }
0x236: {  	s5 =	simm.s32 $0x0  }
0x237: {  	s4 =	simm.s32 $0x80;
	v0 =	vadd.f32 v3, v0;
	[tilespmem:s5+$0x18000] =	vst v1  }
.LBB2_8:
0x238: {  	p0 =	sne.s32 s4, $0x1F80  }
0x239: {  	[tilespmem:s5+$0x18010] =	vst v0;
	s13 =	sadd.s32 $0x280, s13;
	s5 =	smov.u32 s4;
	s4 =	sadd.s32 $0x80, s4  }
0x23a: {  	v0 =	vld [tilespmem:s13+$0xFFFFFEF0]  }
0x23b: {  	v1 =	vld [tilespmem:s13+$0xFFFFFEC0]  }
0x23c: {  	v2 =	vld [tilespmem:s13+$0xFFFFFEE0]  }
0x23d: {  	v3 =	vld [tilespmem:s13+$0xFFFFFED0]  }
0x23e: {  	v4 =	vld [tilespmem:s13+$0xFFFFFF00]  }
0x23f: {  	v5 =	vld [tilespmem:s13+$0xFFFFFF10]  }
0x240: {  	v6 =	vld [tilespmem:s13+$0xFFFFFF20]  }
0x241: {  	v1 =	vadd.f32 v2, v1;
	v2 =	vld [tilespmem:s13+$0xFFFFFF30]  }
0x242: {  	v0 =	vadd.f32 v0, v3;
	v3 =	vld [tilespmem:s13+$0xFFFFFF40]  }
0x243: {  	v1 =	vadd.f32 v4, v1;
	v4 =	vld [tilespmem:s13+$0xFFFFFF50]  }
0x244: {  	v0 =	vadd.f32 v5, v0;
	v5 =	vld [tilespmem:s13+$0xFFFFFF60]  }
0x245: {  	v1 =	vadd.f32 v6, v1;
	v6 =	vld [tilespmem:s13+$0xFFFFFF70]  }
0x246: {  	v0 =	vadd.f32 v2, v0;
	v2 =	vld [tilespmem:s13+$0xFFFFFF80]  }
0x247: {  	v1 =	vadd.f32 v3, v1;
	v3 =	vld [tilespmem:s13+$0xFFFFFF90]  }
0x248: {  	v0 =	vadd.f32 v4, v0;
	v4 =	vld [tilespmem:s13+$0xFFFFFFA0]  }
0x249: {  	v1 =	vadd.f32 v5, v1;
	v5 =	vld [tilespmem:s13+$0xFFFFFFB0]  }
0x24a: {  	v0 =	vadd.f32 v6, v0;
	v6 =	vld [tilespmem:s13+$0xFFFFFFC0]  }
0x24b: {  	v1 =	vadd.f32 v2, v1;
	v2 =	vld [tilespmem:s13+$0xFFFFFFD0]  }
0x24c: {  	v0 =	vadd.f32 v3, v0;
	v3 =	vld [tilespmem:s13+$0xFFFFFFE0]  }
0x24d: {  	v1 =	vadd.f32 v4, v1;
	v4 =	vld [tilespmem:s13+$0xFFFFFFF0]  }
0x24e: {  	v0 =	vadd.f32 v5, v0;
	v5 =	vld [tilespmem:s13+$0x0]  }
0x24f: {  	v1 =	vadd.f32 v6, v1;
	v6 =	vld [tilespmem:s13+$0x10]  }
0x250: {  	v0 =	vadd.f32 v2, v0;
	v2 =	vld [tilespmem:s13+$0x20]  }
0x251: {  	v1 =	vadd.f32 v3, v1;
	v3 =	vld [tilespmem:s13+$0x30]  }
0x252: {  	v0 =	vadd.f32 v4, v0;
	v4 =	vld [tilespmem:s13+$0x40]  }
0x253: {  	v1 =	vadd.f32 v5, v1;
	v5 =	vld [tilespmem:s13+$0x50]  }
0x254: {  	v0 =	vadd.f32 v6, v0;
	v6 =	vld [tilespmem:s13+$0x60]  }
0x255: {  	v1 =	vadd.f32 v2, v1;
	v2 =	vld [tilespmem:s13+$0x70]  }
0x256: {  	v0 =	vadd.f32 v3, v0;
	v3 =	vld [tilespmem:s13+$0x80]  }
0x257: {  	v1 =	vadd.f32 v4, v1;
	v4 =	vld [tilespmem:s13+$0x90]  }
0x258: {  	v0 =	vadd.f32 v5, v0;
	v5 =	vld [tilespmem:s13+$0xA0]  }
0x259: {  	v1 =	vadd.f32 v6, v1;
	v6 =	vld [tilespmem:s13+$0xB0]  }
0x25a: {  	v0 =	vadd.f32 v2, v0;
	v2 =	vld [tilespmem:s13+$0xC0]  }
0x25b: {  	v1 =	vadd.f32 v3, v1;
	v3 =	vld [tilespmem:s13+$0xD0]  }
0x25c: {  	v0 =	vadd.f32 v4, v0;
	v4 =	vld [tilespmem:s13+$0xE0]  }
0x25d: {  	v1 =	vadd.f32 v5, v1;
	v5 =	vld [tilespmem:s13+$0xF0]  }
0x25e: {  	v0 =	vadd.f32 v6, v0;
	v6 =	vld [tilespmem:s13+$0x100]  }
0x25f: {  	v1 =	vadd.f32 v2, v1;
	v2 =	vld [tilespmem:s13+$0x110]  }
0x260: {  	v0 =	vadd.f32 v3, v0;
	v3 =	vld [tilespmem:s13+$0x120]  }
0x261: {  	v1 =	vadd.f32 v4, v1;
	v4 =	vld [tilespmem:s13+$0x130]  }
0x262: {  	v0 =	vadd.f32 v5, v0  }
.Ltmp3:
0x263: {  	v1 =	vadd.f32 v6, v1;
	(pc) =	sbr.rel @p0 .LBB2_8-.Ltmp3, $4  }
0x264: {  	v0 =	vadd.f32 v2, v0  }
0x265: {  	v1 =	vadd.f32 v3, v1  }
0x266: {  	s5 =	sshra.s32 s5, $0x2;
	v0 =	vadd.f32 v4, v0  }
0x267: {  	[tilespmem:s5+$0x18000] =	vst v1  }
0x268: {  	[tilespmem:s5+$0x18010] =	vst v0  }
0x269: {  	_ =	swait.ge [sflag:s28], $0x1000  }
0x26a: {  	[sflag:s28] =	ssyncset.done $0x0  }
0x26b: {  	[sflag:s28] =	ssyncadd.s32 $0xFFFFF000  }
0x26c: {  	_ =	swait.ge [sflag:s28], $0x1000  }
0x26d: {  	[sflag:s28] =	ssyncset.done $0x0  }
0x26e: {  	[sflag:s28] =	ssyncadd.s32 $0xFFFFF000  }
0x26f: {  	_ =	swait.ge [sflag:s28], $0x1000  }
0x270: {  	[sflag:s28] =	ssyncset.done $0x0  }
0x271: {  	[sflag:s28] =	ssyncadd.s32 $0xFFFFF000  }
0x272: {  	_ =	swait.ge [sflag:s28], $0x1000  }
0x273: {  	[sflag:s28] =	ssyncset.done $0x0  }
0x274: {  	[sflag:s28] =	ssyncadd.s32 $0xFFFFF000  }
0x275: {  	_ =	swait.ge [sflag:s28], $0x1000  }
0x276: {  	[sflag:s28] =	ssyncset.done $0x0  }
0x277: {  	[sflag:s28] =	ssyncadd.s32 $0xFFFFF000  }
0x278: {  	_ =	swait.ge [sflag:s28], $0x1000  }
0x279: {  	[sflag:s28] =	ssyncset.done $0x0  }
0x27a: {  	[sflag:s28] =	ssyncadd.s32 $0xFFFFF000  }
0x27b: {  	_ =	swait.ge [sflag:s28], $0x1000  }
0x27c: {  	[sflag:s28] =	ssyncset.done $0x0  }
0x27d: {  	[sflag:s28] =	ssyncadd.s32 $0xFFFFF000  }
0x27e: {  	_ =	swait.ge [sflag:s28], $0x1000  }
0x27f: {  	[sflag:s28] =	ssyncset.done $0x0  }
0x280: {  	[sflag:s28] =	ssyncadd.s32 $0xFFFFF000  }
0x281: {  	_ =	swait.ge [sflag:s28], $0x1000  }
0x282: {  	[sflag:s28] =	ssyncset.done $0x0  }
0x283: {  	[sflag:s28] =	ssyncadd.s32 $0xFFFFF000  }
0x284: {  	_ =	swait.ge [sflag:s28], $0x1000  }
0x285: {  	[sflag:s28] =	ssyncset.done $0x0  }
0x286: {  	s4 =	simm.s32 $0x1900;
	[sflag:s28] =	ssyncadd.s32 $0xFFFFF000  }
0x287: {  	[tilespmem:s30], [sflag:$0x2] =	stream.indirect.gather [hbm4b:s3+s8], $0x20, s4, s8, $0xb8;
	[tilespmem:$0x1A800] =	vst v63  }
0x288: {  	s13 =	simm.s32 $0x1980  }
0x289: {  	[tilespmem:s1], [sflag:$0x2] =	stream.indirect.gather [hbm4b:s3+s8], $0x20, s13, s8, $0xb8;
	[tilespmem:$0x1A800] =	vst v63  }
0x28a: {  	s5 =	simm.s32 $0x1A00  }
0x28b: {  	[tilespmem:s11], [sflag:$0x2] =	stream.indirect.gather [hbm4b:s3+s8], $0x20, s5, s8, $0xb8;
	[tilespmem:$0x1A800] =	vst v63  }
0x28c: {  	s13 =	simm.s32 $0x1A80  }
0x28d: {  	[tilespmem:s15], [sflag:$0x2] =	stream.indirect.gather [hbm4b:s3+s8], $0x20, s13, s8, $0xb8;
	[tilespmem:$0x1A800] =	vst v63  }
0x28e: {  	s5 =	simm.s32 $0x1B00  }
0x28f: {  	[tilespmem:s19], [sflag:$0x2] =	stream.indirect.gather [hbm4b:s3+s8], $0x20, s5, s8, $0xb8;
	[tilespmem:$0x1A800] =	vst v63  }
0x290: {  	s13 =	simm.s32 $0x1B80  }
0x291: {  	[tilespmem:s23], [sflag:$0x2] =	stream.indirect.gather [hbm4b:s3+s8], $0x20, s13, s8, $0xb8;
	[tilespmem:$0x1A800] =	vst v63  }
0x292: {  	s5 =	simm.s32 $0x1C00  }
0x293: {  	[tilespmem:s29], [sflag:$0x2] =	stream.indirect.gather [hbm4b:s3+s8], $0x20, s5, s8, $0xb8;
	[tilespmem:$0x1A800] =	vst v63  }
0x294: {  	s13 =	simm.s32 $0x1C80  }
0x295: {  	[tilespmem:s0], [sflag:$0x2] =	stream.indirect.gather [hbm4b:s3+s8], $0x20, s13, s8, $0xb8;
	[tilespmem:$0x1A800] =	vst v63  }
0x296: {  	s5 =	simm.s32 $0x1D00  }
0x297: {  	[tilespmem:s17], [sflag:$0x2] =	stream.indirect.gather [hbm4b:s3+s8], $0x20, s5, s8, $0xb8;
	[tilespmem:$0x1A800] =	vst v63  }
0x298: {  	s13 =	simm.s32 $0x1D80  }
0x299: {  	[tilespmem:s25], [sflag:$0x2] =	stream.indirect.gather [hbm4b:s3+s8], $0x20, s13, s8, $0xb8;
	[tilespmem:$0x1A800] =	vst v63  }
0x29a: {  	s13 =	simm.s32 $0x2940  }
0x29b: {  	v0 =	vld [tilespmem:s13+$0xFFFFFEF0]  }
0x29c: {  	v1 =	vld [tilespmem:s13+$0xFFFFFEC0]  }
0x29d: {  	v2 =	vld [tilespmem:s13+$0xFFFFFEE0]  }
0x29e: {  	v3 =	vld [tilespmem:s13+$0xFFFFFED0]  }
0x29f: {  	v4 =	vld [tilespmem:s13+$0xFFFFFF00]  }
0x2a0: {  	v5 =	vld [tilespmem:s13+$0xFFFFFF10]  }
0x2a1: {  	v6 =	vld [tilespmem:s13+$0xFFFFFF20]  }
0x2a2: {  	v7 =	vld [tilespmem:s13+$0xFFFFFF40];
	v1 =	vadd.f32 v2, v1  }
0x2a3: {  	v2 =	vld [tilespmem:s13+$0xFFFFFF30]  }
0x2a4: {  	v44 =	vld [tilespmem:s13+$0xFFFFFF60];
	v0 =	vadd.f32 v0, v3;
	v1 =	vadd.f32 v4, v1  }
0x2a5: {  	v3 =	vld [tilespmem:s13+$0xFFFFFF50]  }
0x2a6: {  	v45 =	vld [tilespmem:s13+$0xFFFFFF70];
	v0 =	vadd.f32 v5, v0;
	v1 =	vadd.f32 v6, v1  }
0x2a7: {  	v46 =	vld [tilespmem:s13+$0xFFFFFF80]  }
0x2a8: {  	v47 =	vld [tilespmem:s13+$0xFFFFFFA0];
	v0 =	vadd.f32 v2, v0;
	v1 =	vadd.f32 v7, v1  }
0x2a9: {  	v2 =	vld [tilespmem:s13+$0xFFFFFF90]  }
0x2aa: {  	v48 =	vld [tilespmem:s13+$0xFFFFFFC0];
	v0 =	vadd.f32 v3, v0;
	v1 =	vadd.f32 v44, v1  }
0x2ab: {  	v3 =	vld [tilespmem:s13+$0xFFFFFFB0]  }
0x2ac: {  	v49 =	vld [tilespmem:s13+$0xFFFFFFD0];
	v0 =	vadd.f32 v45, v0;
	v1 =	vadd.f32 v46, v1  }
0x2ad: {  	v50 =	vld [tilespmem:s13+$0xFFFFFFE0]  }
0x2ae: {  	v51 =	vld [tilespmem:s13+$0x0];
	v0 =	vadd.f32 v2, v0;
	v1 =	vadd.f32 v47, v1  }
0x2af: {  	v2 =	vld [tilespmem:s13+$0xFFFFFFF0]  }
0x2b0: {  	v52 =	vld [tilespmem:s13+$0x20];
	v0 =	vadd.f32 v3, v0;
	v1 =	vadd.f32 v48, v1  }
0x2b1: {  	v3 =	vld [tilespmem:s13+$0x10]  }
0x2b2: {  	v53 =	vld [tilespmem:s13+$0x30];
	v0 =	vadd.f32 v49, v0;
	v1 =	vadd.f32 v50, v1  }
0x2b3: {  	v54 =	vld [tilespmem:s13+$0x40]  }
0x2b4: {  	v55 =	vld [tilespmem:s13+$0x60];
	v0 =	vadd.f32 v2, v0;
	v1 =	vadd.f32 v51, v1  }
0x2b5: {  	v2 =	vld [tilespmem:s13+$0x50]  }
0x2b6: {  	v56 =	vld [tilespmem:s13+$0x80];
	v0 =	vadd.f32 v3, v0;
	v1 =	vadd.f32 v52, v1  }
0x2b7: {  	v3 =	vld [tilespmem:s13+$0x70]  }
0x2b8: {  	v57 =	vld [tilespmem:s13+$0x90];
	v0 =	vadd.f32 v53, v0;
	v1 =	vadd.f32 v54, v1  }
0x2b9: {  	v58 =	vld [tilespmem:s13+$0xA0]  }
0x2ba: {  	v59 =	vld [tilespmem:s13+$0xC0];
	v0 =	vadd.f32 v2, v0;
	v1 =	vadd.f32 v55, v1  }
0x2bb: {  	v2 =	vld [tilespmem:s13+$0xB0]  }
0x2bc: {  	v60 =	vld [tilespmem:s13+$0xE0];
	v0 =	vadd.f32 v3, v0;
	v1 =	vadd.f32 v56, v1  }
0x2bd: {  	v3 =	vld [tilespmem:s13+$0xD0]  }
0x2be: {  	v61 =	vld [tilespmem:s13+$0xF0];
	v0 =	vadd.f32 v57, v0;
	v1 =	vadd.f32 v58, v1  }
0x2bf: {  	v62 =	vld [tilespmem:s13+$0x100]  }
0x2c0: {  	v63 =	vld [tilespmem:s13+$0x120];
	v0 =	vadd.f32 v2, v0;
	v1 =	vadd.f32 v59, v1  }
0x2c1: {  	v2 =	vld [tilespmem:s13+$0x110]  }
0x2c2: {  	v0 =	vadd.f32 v3, v0;
	v1 =	vadd.f32 v60, v1  }
0x2c3: {  	v3 =	vld [tilespmem:s13+$0x130]  }
0x2c4: {  	v0 =	vadd.f32 v61, v0;
	v1 =	vadd.f32 v62, v1;
	_ =	sdelay $0x1  }
0x2c5: {  	v0 =	vadd.f32 v2, v0;
	v1 =	vadd.f32 v63, v1  }
0x2c6: {  	s5 =	simm.s32 $0x0  }
0x2c7: {  	s4 =	simm.s32 $0x80;
	v0 =	vadd.f32 v3, v0;
	[tilespmem:s5+$0x18800] =	vst v1  }
.LBB2_10:
0x2c8: {  	p0 =	sne.s32 s4, $0x1F80  }
0x2c9: {  	[tilespmem:s5+$0x18810] =	vst v0;
	s13 =	sadd.s32 $0x280, s13;
	s5 =	smov.u32 s4;
	s4 =	sadd.s32 $0x80, s4  }
0x2ca: {  	v0 =	vld [tilespmem:s13+$0xFFFFFEF0]  }
0x2cb: {  	v1 =	vld [tilespmem:s13+$0xFFFFFEC0]  }
0x2cc: {  	v2 =	vld [tilespmem:s13+$0xFFFFFEE0]  }
0x2cd: {  	v3 =	vld [tilespmem:s13+$0xFFFFFED0]  }
0x2ce: {  	v4 =	vld [tilespmem:s13+$0xFFFFFF00]  }
0x2cf: {  	v5 =	vld [tilespmem:s13+$0xFFFFFF10]  }
0x2d0: {  	v6 =	vld [tilespmem:s13+$0xFFFFFF20]  }
0x2d1: {  	v1 =	vadd.f32 v2, v1;
	v2 =	vld [tilespmem:s13+$0xFFFFFF30]  }
0x2d2: {  	v0 =	vadd.f32 v0, v3;
	v3 =	vld [tilespmem:s13+$0xFFFFFF40]  }
0x2d3: {  	v1 =	vadd.f32 v4, v1;
	v4 =	vld [tilespmem:s13+$0xFFFFFF50]  }
0x2d4: {  	v0 =	vadd.f32 v5, v0;
	v5 =	vld [tilespmem:s13+$0xFFFFFF60]  }
0x2d5: {  	v1 =	vadd.f32 v6, v1;
	v6 =	vld [tilespmem:s13+$0xFFFFFF70]  }
0x2d6: {  	v0 =	vadd.f32 v2, v0;
	v2 =	vld [tilespmem:s13+$0xFFFFFF80]  }
0x2d7: {  	v1 =	vadd.f32 v3, v1;
	v3 =	vld [tilespmem:s13+$0xFFFFFF90]  }
0x2d8: {  	v0 =	vadd.f32 v4, v0;
	v4 =	vld [tilespmem:s13+$0xFFFFFFA0]  }
0x2d9: {  	v1 =	vadd.f32 v5, v1;
	v5 =	vld [tilespmem:s13+$0xFFFFFFB0]  }
0x2da: {  	v0 =	vadd.f32 v6, v0;
	v6 =	vld [tilespmem:s13+$0xFFFFFFC0]  }
0x2db: {  	v1 =	vadd.f32 v2, v1;
	v2 =	vld [tilespmem:s13+$0xFFFFFFD0]  }
0x2dc: {  	v0 =	vadd.f32 v3, v0;
	v3 =	vld [tilespmem:s13+$0xFFFFFFE0]  }
0x2dd: {  	v1 =	vadd.f32 v4, v1;
	v4 =	vld [tilespmem:s13+$0xFFFFFFF0]  }
0x2de: {  	v0 =	vadd.f32 v5, v0;
	v5 =	vld [tilespmem:s13+$0x0]  }
0x2df: {  	v1 =	vadd.f32 v6, v1;
	v6 =	vld [tilespmem:s13+$0x10]  }
0x2e0: {  	v0 =	vadd.f32 v2, v0;
	v2 =	vld [tilespmem:s13+$0x20]  }
0x2e1: {  	v1 =	vadd.f32 v3, v1;
	v3 =	vld [tilespmem:s13+$0x30]  }
0x2e2: {  	v0 =	vadd.f32 v4, v0;
	v4 =	vld [tilespmem:s13+$0x40]  }
0x2e3: {  	v1 =	vadd.f32 v5, v1;
	v5 =	vld [tilespmem:s13+$0x50]  }
0x2e4: {  	v0 =	vadd.f32 v6, v0;
	v6 =	vld [tilespmem:s13+$0x60]  }
0x2e5: {  	v1 =	vadd.f32 v2, v1;
	v2 =	vld [tilespmem:s13+$0x70]  }
0x2e6: {  	v0 =	vadd.f32 v3, v0;
	v3 =	vld [tilespmem:s13+$0x80]  }
0x2e7: {  	v1 =	vadd.f32 v4, v1;
	v4 =	vld [tilespmem:s13+$0x90]  }
0x2e8: {  	v0 =	vadd.f32 v5, v0;
	v5 =	vld [tilespmem:s13+$0xA0]  }
0x2e9: {  	v1 =	vadd.f32 v6, v1;
	v6 =	vld [tilespmem:s13+$0xB0]  }
0x2ea: {  	v0 =	vadd.f32 v2, v0;
	v2 =	vld [tilespmem:s13+$0xC0]  }
0x2eb: {  	v1 =	vadd.f32 v3, v1;
	v3 =	vld [tilespmem:s13+$0xD0]  }
0x2ec: {  	v0 =	vadd.f32 v4, v0;
	v4 =	vld [tilespmem:s13+$0xE0]  }
0x2ed: {  	v1 =	vadd.f32 v5, v1;
	v5 =	vld [tilespmem:s13+$0xF0]  }
0x2ee: {  	v0 =	vadd.f32 v6, v0;
	v6 =	vld [tilespmem:s13+$0x100]  }
0x2ef: {  	v1 =	vadd.f32 v2, v1;
	v2 =	vld [tilespmem:s13+$0x110]  }
0x2f0: {  	v0 =	vadd.f32 v3, v0;
	v3 =	vld [tilespmem:s13+$0x120]  }
0x2f1: {  	v1 =	vadd.f32 v4, v1;
	v4 =	vld [tilespmem:s13+$0x130]  }
0x2f2: {  	v0 =	vadd.f32 v5, v0  }
.Ltmp4:
0x2f3: {  	v1 =	vadd.f32 v6, v1;
	(pc) =	sbr.rel @p0 .LBB2_10-.Ltmp4, $4  }
0x2f4: {  	v0 =	vadd.f32 v2, v0  }
0x2f5: {  	v1 =	vadd.f32 v3, v1  }
0x2f6: {  	s5 =	sshra.s32 s5, $0x2;
	v0 =	vadd.f32 v4, v0  }
0x2f7: {  	[tilespmem:s5+$0x18800] =	vst v1  }
0x2f8: {  	[tilespmem:s5+$0x18810] =	vst v0  }
0x2f9: {  	_ =	swait.ge [sflag:s31], $0x1000  }
0x2fa: {  	[sflag:s31] =	ssyncset.done $0x0  }
0x2fb: {  	[sflag:s31] =	ssyncadd.s32 $0xFFFFF000  }
0x2fc: {  	_ =	swait.ge [sflag:s31], $0x1000  }
0x2fd: {  	[sflag:s31] =	ssyncset.done $0x0  }
0x2fe: {  	[sflag:s31] =	ssyncadd.s32 $0xFFFFF000  }
0x2ff: {  	_ =	swait.ge [sflag:s31], $0x1000  }
0x300: {  	[sflag:s31] =	ssyncset.done $0x0  }
0x301: {  	[sflag:s31] =	ssyncadd.s32 $0xFFFFF000  }
0x302: {  	_ =	swait.ge [sflag:s31], $0x1000  }
0x303: {  	[sflag:s31] =	ssyncset.done $0x0  }
0x304: {  	[sflag:s31] =	ssyncadd.s32 $0xFFFFF000  }
0x305: {  	_ =	swait.ge [sflag:s31], $0x1000  }
0x306: {  	[sflag:s31] =	ssyncset.done $0x0  }
0x307: {  	[sflag:s31] =	ssyncadd.s32 $0xFFFFF000  }
0x308: {  	_ =	swait.ge [sflag:s31], $0x1000  }
0x309: {  	[sflag:s31] =	ssyncset.done $0x0  }
0x30a: {  	[sflag:s31] =	ssyncadd.s32 $0xFFFFF000  }
0x30b: {  	_ =	swait.ge [sflag:s31], $0x1000  }
0x30c: {  	[sflag:s31] =	ssyncset.done $0x0  }
0x30d: {  	[sflag:s31] =	ssyncadd.s32 $0xFFFFF000  }
0x30e: {  	_ =	swait.ge [sflag:s31], $0x1000  }
0x30f: {  	[sflag:s31] =	ssyncset.done $0x0  }
0x310: {  	[sflag:s31] =	ssyncadd.s32 $0xFFFFF000  }
0x311: {  	_ =	swait.ge [sflag:s31], $0x1000  }
0x312: {  	[sflag:s31] =	ssyncset.done $0x0  }
0x313: {  	[sflag:s31] =	ssyncadd.s32 $0xFFFFF000  }
0x314: {  	_ =	swait.ge [sflag:s31], $0x1000  }
0x315: {  	[sflag:s31] =	ssyncset.done $0x0  }
0x316: {  	s4 =	simm.s32 $0x1E00;
	[sflag:s31] =	ssyncadd.s32 $0xFFFFF000  }
0x317: {  	[tilespmem:s9], [sflag:$0x1] =	stream.indirect.gather [hbm4b:s3+s8], $0x20, s4, s8, $0xb8;
	[tilespmem:$0x1A800] =	vst v63  }
0x318: {  	s13 =	simm.s32 $0x1E80  }
0x319: {  	[tilespmem:s10], [sflag:$0x1] =	stream.indirect.gather [hbm4b:s3+s8], $0x20, s13, s8, $0xb8;
	[tilespmem:$0x1A800] =	vst v63  }
0x31a: {  	s5 =	simm.s32 $0x1F00  }
0x31b: {  	[tilespmem:s12], [sflag:$0x1] =	stream.indirect.gather [hbm4b:s3+s8], $0x20, s5, s8, $0xb8;
	[tilespmem:$0x1A800] =	vst v63  }
0x31c: {  	s13 =	simm.s32 $0x1F80  }
0x31d: {  	[tilespmem:s14], [sflag:$0x1] =	stream.indirect.gather [hbm4b:s3+s8], $0x20, s13, s8, $0xb8;
	[tilespmem:$0x1A800] =	vst v63  }
0x31e: {  	s5 =	simm.s32 $0x2000  }
0x31f: {  	[tilespmem:s16], [sflag:$0x1] =	stream.indirect.gather [hbm4b:s3+s8], $0x20, s5, s8, $0xb8;
	[tilespmem:$0x1A800] =	vst v63  }
0x320: {  	s13 =	simm.s32 $0x2080  }
0x321: {  	[tilespmem:s18], [sflag:$0x1] =	stream.indirect.gather [hbm4b:s3+s8], $0x20, s13, s8, $0xb8;
	[tilespmem:$0x1A800] =	vst v63  }
0x322: {  	s5 =	simm.s32 $0x2100  }
0x323: {  	[tilespmem:s20], [sflag:$0x1] =	stream.indirect.gather [hbm4b:s3+s8], $0x20, s5, s8, $0xb8;
	[tilespmem:$0x1A800] =	vst v63  }
0x324: {  	s13 =	simm.s32 $0x2180  }
0x325: {  	[tilespmem:s22], [sflag:$0x1] =	stream.indirect.gather [hbm4b:s3+s8], $0x20, s13, s8, $0xb8;
	[tilespmem:$0x1A800] =	vst v63  }
0x326: {  	s5 =	simm.s32 $0x2200  }
0x327: {  	[tilespmem:s24], [sflag:$0x1] =	stream.indirect.gather [hbm4b:s3+s8], $0x20, s5, s8, $0xb8;
	[tilespmem:$0x1A800] =	vst v63  }
0x328: {  	s13 =	simm.s32 $0x2280  }
0x329: {  	[tilespmem:s26], [sflag:$0x1] =	stream.indirect.gather [hbm4b:s3+s8], $0x20, s13, s8, $0xb8;
	[tilespmem:$0x1A800] =	vst v63  }
0x32a: {  	s13 =	simm.s32 $0xC940  }
0x32b: {  	v0 =	vld [tilespmem:s13+$0xFFFFFEF0]  }
0x32c: {  	v1 =	vld [tilespmem:s13+$0xFFFFFEC0]  }
0x32d: {  	v2 =	vld [tilespmem:s13+$0xFFFFFEE0]  }
0x32e: {  	v3 =	vld [tilespmem:s13+$0xFFFFFED0]  }
0x32f: {  	v4 =	vld [tilespmem:s13+$0xFFFFFF00]  }
0x330: {  	v5 =	vld [tilespmem:s13+$0xFFFFFF10]  }
0x331: {  	v6 =	vld [tilespmem:s13+$0xFFFFFF20]  }
0x332: {  	v7 =	vld [tilespmem:s13+$0xFFFFFF40];
	v1 =	vadd.f32 v2, v1  }
0x333: {  	v2 =	vld [tilespmem:s13+$0xFFFFFF30]  }
0x334: {  	v44 =	vld [tilespmem:s13+$0xFFFFFF60];
	v0 =	vadd.f32 v0, v3;
	v1 =	vadd.f32 v4, v1  }
0x335: {  	v3 =	vld [tilespmem:s13+$0xFFFFFF50]  }
0x336: {  	v45 =	vld [tilespmem:s13+$0xFFFFFF70];
	v0 =	vadd.f32 v5, v0;
	v1 =	vadd.f32 v6, v1  }
0x337: {  	v46 =	vld [tilespmem:s13+$0xFFFFFF80]  }
0x338: {  	v47 =	vld [tilespmem:s13+$0xFFFFFFA0];
	v0 =	vadd.f32 v2, v0;
	v1 =	vadd.f32 v7, v1  }
0x339: {  	v2 =	vld [tilespmem:s13+$0xFFFFFF90]  }
0x33a: {  	v48 =	vld [tilespmem:s13+$0xFFFFFFC0];
	v0 =	vadd.f32 v3, v0;
	v1 =	vadd.f32 v44, v1  }
0x33b: {  	v3 =	vld [tilespmem:s13+$0xFFFFFFB0]  }
0x33c: {  	v49 =	vld [tilespmem:s13+$0xFFFFFFD0];
	v0 =	vadd.f32 v45, v0;
	v1 =	vadd.f32 v46, v1  }
0x33d: {  	v50 =	vld [tilespmem:s13+$0xFFFFFFE0]  }
0x33e: {  	v51 =	vld [tilespmem:s13+$0x0];
	v0 =	vadd.f32 v2, v0;
	v1 =	vadd.f32 v47, v1  }
0x33f: {  	v2 =	vld [tilespmem:s13+$0xFFFFFFF0]  }
0x340: {  	v52 =	vld [tilespmem:s13+$0x20];
	v0 =	vadd.f32 v3, v0;
	v1 =	vadd.f32 v48, v1  }
0x341: {  	v3 =	vld [tilespmem:s13+$0x10]  }
0x342: {  	v53 =	vld [tilespmem:s13+$0x30];
	v0 =	vadd.f32 v49, v0;
	v1 =	vadd.f32 v50, v1  }
0x343: {  	v54 =	vld [tilespmem:s13+$0x40]  }
0x344: {  	v55 =	vld [tilespmem:s13+$0x60];
	v0 =	vadd.f32 v2, v0;
	v1 =	vadd.f32 v51, v1  }
0x345: {  	v2 =	vld [tilespmem:s13+$0x50]  }
0x346: {  	v56 =	vld [tilespmem:s13+$0x80];
	v0 =	vadd.f32 v3, v0;
	v1 =	vadd.f32 v52, v1  }
0x347: {  	v3 =	vld [tilespmem:s13+$0x70]  }
0x348: {  	v57 =	vld [tilespmem:s13+$0x90];
	v0 =	vadd.f32 v53, v0;
	v1 =	vadd.f32 v54, v1  }
0x349: {  	v58 =	vld [tilespmem:s13+$0xA0]  }
0x34a: {  	v59 =	vld [tilespmem:s13+$0xC0];
	v0 =	vadd.f32 v2, v0;
	v1 =	vadd.f32 v55, v1  }
0x34b: {  	v2 =	vld [tilespmem:s13+$0xB0]  }
0x34c: {  	v60 =	vld [tilespmem:s13+$0xE0];
	v0 =	vadd.f32 v3, v0;
	v1 =	vadd.f32 v56, v1  }
0x34d: {  	v3 =	vld [tilespmem:s13+$0xD0]  }
0x34e: {  	v61 =	vld [tilespmem:s13+$0xF0];
	v0 =	vadd.f32 v57, v0;
	v1 =	vadd.f32 v58, v1  }
0x34f: {  	v62 =	vld [tilespmem:s13+$0x100]  }
0x350: {  	v63 =	vld [tilespmem:s13+$0x120];
	v0 =	vadd.f32 v2, v0;
	v1 =	vadd.f32 v59, v1  }
0x351: {  	v2 =	vld [tilespmem:s13+$0x110]  }
0x352: {  	v0 =	vadd.f32 v3, v0;
	v1 =	vadd.f32 v60, v1  }
0x353: {  	v3 =	vld [tilespmem:s13+$0x130]  }
0x354: {  	v0 =	vadd.f32 v61, v0;
	v1 =	vadd.f32 v62, v1;
	_ =	sdelay $0x1  }
0x355: {  	v0 =	vadd.f32 v2, v0;
	v1 =	vadd.f32 v63, v1  }
0x356: {  	s5 =	simm.s32 $0x0  }
0x357: {  	s4 =	simm.s32 $0x80;
	v0 =	vadd.f32 v3, v0;
	[tilespmem:s5+$0x19000] =	vst v1  }
.LBB2_12:
0x358: {  	p0 =	sne.s32 s4, $0x1F80  }
0x359: {  	[tilespmem:s5+$0x19010] =	vst v0;
	s13 =	sadd.s32 $0x280, s13;
	s5 =	smov.u32 s4;
	s4 =	sadd.s32 $0x80, s4  }
0x35a: {  	v0 =	vld [tilespmem:s13+$0xFFFFFEF0]  }
0x35b: {  	v1 =	vld [tilespmem:s13+$0xFFFFFEC0]  }
0x35c: {  	v2 =	vld [tilespmem:s13+$0xFFFFFEE0]  }
0x35d: {  	v3 =	vld [tilespmem:s13+$0xFFFFFED0]  }
0x35e: {  	v4 =	vld [tilespmem:s13+$0xFFFFFF00]  }
0x35f: {  	v5 =	vld [tilespmem:s13+$0xFFFFFF10]  }
0x360: {  	v6 =	vld [tilespmem:s13+$0xFFFFFF20]  }
0x361: {  	v1 =	vadd.f32 v2, v1;
	v2 =	vld [tilespmem:s13+$0xFFFFFF30]  }
0x362: {  	v0 =	vadd.f32 v0, v3;
	v3 =	vld [tilespmem:s13+$0xFFFFFF40]  }
0x363: {  	v1 =	vadd.f32 v4, v1;
	v4 =	vld [tilespmem:s13+$0xFFFFFF50]  }
0x364: {  	v0 =	vadd.f32 v5, v0;
	v5 =	vld [tilespmem:s13+$0xFFFFFF60]  }
0x365: {  	v1 =	vadd.f32 v6, v1;
	v6 =	vld [tilespmem:s13+$0xFFFFFF70]  }
0x366: {  	v0 =	vadd.f32 v2, v0;
	v2 =	vld [tilespmem:s13+$0xFFFFFF80]  }
0x367: {  	v1 =	vadd.f32 v3, v1;
	v3 =	vld [tilespmem:s13+$0xFFFFFF90]  }
0x368: {  	v0 =	vadd.f32 v4, v0;
	v4 =	vld [tilespmem:s13+$0xFFFFFFA0]  }
0x369: {  	v1 =	vadd.f32 v5, v1;
	v5 =	vld [tilespmem:s13+$0xFFFFFFB0]  }
0x36a: {  	v0 =	vadd.f32 v6, v0;
	v6 =	vld [tilespmem:s13+$0xFFFFFFC0]  }
0x36b: {  	v1 =	vadd.f32 v2, v1;
	v2 =	vld [tilespmem:s13+$0xFFFFFFD0]  }
0x36c: {  	v0 =	vadd.f32 v3, v0;
	v3 =	vld [tilespmem:s13+$0xFFFFFFE0]  }
0x36d: {  	v1 =	vadd.f32 v4, v1;
	v4 =	vld [tilespmem:s13+$0xFFFFFFF0]  }
0x36e: {  	v0 =	vadd.f32 v5, v0;
	v5 =	vld [tilespmem:s13+$0x0]  }
0x36f: {  	v1 =	vadd.f32 v6, v1;
	v6 =	vld [tilespmem:s13+$0x10]  }
0x370: {  	v0 =	vadd.f32 v2, v0;
	v2 =	vld [tilespmem:s13+$0x20]  }
0x371: {  	v1 =	vadd.f32 v3, v1;
	v3 =	vld [tilespmem:s13+$0x30]  }
0x372: {  	v0 =	vadd.f32 v4, v0;
	v4 =	vld [tilespmem:s13+$0x40]  }
0x373: {  	v1 =	vadd.f32 v5, v1;
	v5 =	vld [tilespmem:s13+$0x50]  }
0x374: {  	v0 =	vadd.f32 v6, v0;
	v6 =	vld [tilespmem:s13+$0x60]  }
0x375: {  	v1 =	vadd.f32 v2, v1;
	v2 =	vld [tilespmem:s13+$0x70]  }
0x376: {  	v0 =	vadd.f32 v3, v0;
	v3 =	vld [tilespmem:s13+$0x80]  }
0x377: {  	v1 =	vadd.f32 v4, v1;
	v4 =	vld [tilespmem:s13+$0x90]  }
0x378: {  	v0 =	vadd.f32 v5, v0;
	v5 =	vld [tilespmem:s13+$0xA0]  }
0x379: {  	v1 =	vadd.f32 v6, v1;
	v6 =	vld [tilespmem:s13+$0xB0]  }
0x37a: {  	v0 =	vadd.f32 v2, v0;
	v2 =	vld [tilespmem:s13+$0xC0]  }
0x37b: {  	v1 =	vadd.f32 v3, v1;
	v3 =	vld [tilespmem:s13+$0xD0]  }
0x37c: {  	v0 =	vadd.f32 v4, v0;
	v4 =	vld [tilespmem:s13+$0xE0]  }
0x37d: {  	v1 =	vadd.f32 v5, v1;
	v5 =	vld [tilespmem:s13+$0xF0]  }
0x37e: {  	v0 =	vadd.f32 v6, v0;
	v6 =	vld [tilespmem:s13+$0x100]  }
0x37f: {  	v1 =	vadd.f32 v2, v1;
	v2 =	vld [tilespmem:s13+$0x110]  }
0x380: {  	v0 =	vadd.f32 v3, v0;
	v3 =	vld [tilespmem:s13+$0x120]  }
0x381: {  	v1 =	vadd.f32 v4, v1;
	v4 =	vld [tilespmem:s13+$0x130]  }
0x382: {  	v0 =	vadd.f32 v5, v0  }
.Ltmp5:
0x383: {  	v1 =	vadd.f32 v6, v1;
	(pc) =	sbr.rel @p0 .LBB2_12-.Ltmp5, $4  }
0x384: {  	v0 =	vadd.f32 v2, v0  }
0x385: {  	v1 =	vadd.f32 v3, v1  }
0x386: {  	s5 =	sshra.s32 s5, $0x2;
	v0 =	vadd.f32 v4, v0  }
0x387: {  	[tilespmem:s5+$0x19000] =	vst v1  }
0x388: {  	[tilespmem:s5+$0x19010] =	vst v0  }
0x389: {  	_ =	swait.ge [sflag:s28], $0x1000  }
0x38a: {  	[sflag:s28] =	ssyncset.done $0x0  }
0x38b: {  	[sflag:s28] =	ssyncadd.s32 $0xFFFFF000  }
0x38c: {  	_ =	swait.ge [sflag:s28], $0x1000  }
0x38d: {  	[sflag:s28] =	ssyncset.done $0x0  }
0x38e: {  	[sflag:s28] =	ssyncadd.s32 $0xFFFFF000  }
0x38f: {  	_ =	swait.ge [sflag:s28], $0x1000  }
0x390: {  	[sflag:s28] =	ssyncset.done $0x0  }
0x391: {  	[sflag:s28] =	ssyncadd.s32 $0xFFFFF000  }
0x392: {  	_ =	swait.ge [sflag:s28], $0x1000  }
0x393: {  	[sflag:s28] =	ssyncset.done $0x0  }
0x394: {  	[sflag:s28] =	ssyncadd.s32 $0xFFFFF000  }
0x395: {  	_ =	swait.ge [sflag:s28], $0x1000  }
0x396: {  	[sflag:s28] =	ssyncset.done $0x0  }
0x397: {  	[sflag:s28] =	ssyncadd.s32 $0xFFFFF000  }
0x398: {  	_ =	swait.ge [sflag:s28], $0x1000  }
0x399: {  	[sflag:s28] =	ssyncset.done $0x0  }
0x39a: {  	[sflag:s28] =	ssyncadd.s32 $0xFFFFF000  }
0x39b: {  	_ =	swait.ge [sflag:s28], $0x1000  }
0x39c: {  	[sflag:s28] =	ssyncset.done $0x0  }
0x39d: {  	[sflag:s28] =	ssyncadd.s32 $0xFFFFF000  }
0x39e: {  	_ =	swait.ge [sflag:s28], $0x1000  }
0x39f: {  	[sflag:s28] =	ssyncset.done $0x0  }
0x3a0: {  	[sflag:s28] =	ssyncadd.s32 $0xFFFFF000  }
0x3a1: {  	_ =	swait.ge [sflag:s28], $0x1000  }
0x3a2: {  	[sflag:s28] =	ssyncset.done $0x0  }
0x3a3: {  	[sflag:s28] =	ssyncadd.s32 $0xFFFFF000  }
0x3a4: {  	_ =	swait.ge [sflag:s28], $0x1000  }
0x3a5: {  	[sflag:s28] =	ssyncset.done $0x0  }
0x3a6: {  	s4 =	simm.s32 $0x2300;
	[sflag:s28] =	ssyncadd.s32 $0xFFFFF000  }
0x3a7: {  	[tilespmem:s30], [sflag:$0x2] =	stream.indirect.gather [hbm4b:s3+s8], $0x20, s4, s8, $0xb8;
	[tilespmem:$0x1A800] =	vst v63  }
0x3a8: {  	s13 =	simm.s32 $0x2380  }
0x3a9: {  	[tilespmem:s1], [sflag:$0x2] =	stream.indirect.gather [hbm4b:s3+s8], $0x20, s13, s8, $0xb8;
	[tilespmem:$0x1A800] =	vst v63  }
0x3aa: {  	s5 =	simm.s32 $0x2400  }
0x3ab: {  	[tilespmem:s11], [sflag:$0x2] =	stream.indirect.gather [hbm4b:s3+s8], $0x20, s5, s8, $0xb8;
	[tilespmem:$0x1A800] =	vst v63  }
0x3ac: {  	s13 =	simm.s32 $0x2480  }
0x3ad: {  	[tilespmem:s15], [sflag:$0x2] =	stream.indirect.gather [hbm4b:s3+s8], $0x20, s13, s8, $0xb8;
	[tilespmem:$0x1A800] =	vst v63  }
0x3ae: {  	s5 =	simm.s32 $0x2500  }
0x3af: {  	[tilespmem:s19], [sflag:$0x2] =	stream.indirect.gather [hbm4b:s3+s8], $0x20, s5, s8, $0xb8;
	[tilespmem:$0x1A800] =	vst v63  }
0x3b0: {  	s13 =	simm.s32 $0x2580  }
0x3b1: {  	[tilespmem:s23], [sflag:$0x2] =	stream.indirect.gather [hbm4b:s3+s8], $0x20, s13, s8, $0xb8;
	[tilespmem:$0x1A800] =	vst v63  }
0x3b2: {  	s5 =	simm.s32 $0x2600  }
0x3b3: {  	[tilespmem:s29], [sflag:$0x2] =	stream.indirect.gather [hbm4b:s3+s8], $0x20, s5, s8, $0xb8;
	[tilespmem:$0x1A800] =	vst v63  }
0x3b4: {  	s13 =	simm.s32 $0x2680  }
0x3b5: {  	[tilespmem:s0], [sflag:$0x2] =	stream.indirect.gather [hbm4b:s3+s8], $0x20, s13, s8, $0xb8;
	[tilespmem:$0x1A800] =	vst v63  }
0x3b6: {  	s5 =	simm.s32 $0x2700  }
0x3b7: {  	[tilespmem:s17], [sflag:$0x2] =	stream.indirect.gather [hbm4b:s3+s8], $0x20, s5, s8, $0xb8;
	[tilespmem:$0x1A800] =	vst v63  }
0x3b8: {  	s13 =	simm.s32 $0x2780  }
0x3b9: {  	[tilespmem:s25], [sflag:$0x2] =	stream.indirect.gather [hbm4b:s3+s8], $0x20, s13, s8, $0xb8;
	[tilespmem:$0x1A800] =	vst v63  }
0x3ba: {  	s13 =	simm.s32 $0x2940  }
0x3bb: {  	v0 =	vld [tilespmem:s13+$0xFFFFFEF0]  }
0x3bc: {  	v1 =	vld [tilespmem:s13+$0xFFFFFEC0]  }
0x3bd: {  	v2 =	vld [tilespmem:s13+$0xFFFFFEE0]  }
0x3be: {  	v3 =	vld [tilespmem:s13+$0xFFFFFED0]  }
0x3bf: {  	v4 =	vld [tilespmem:s13+$0xFFFFFF00]  }
0x3c0: {  	v5 =	vld [tilespmem:s13+$0xFFFFFF10]  }
0x3c1: {  	v6 =	vld [tilespmem:s13+$0xFFFFFF20]  }
0x3c2: {  	v7 =	vld [tilespmem:s13+$0xFFFFFF40];
	v1 =	vadd.f32 v2, v1  }
0x3c3: {  	v2 =	vld [tilespmem:s13+$0xFFFFFF30]  }
0x3c4: {  	v44 =	vld [tilespmem:s13+$0xFFFFFF60];
	v0 =	vadd.f32 v0, v3;
	v1 =	vadd.f32 v4, v1  }
0x3c5: {  	v3 =	vld [tilespmem:s13+$0xFFFFFF50]  }
0x3c6: {  	v45 =	vld [tilespmem:s13+$0xFFFFFF70];
	v0 =	vadd.f32 v5, v0;
	v1 =	vadd.f32 v6, v1  }
0x3c7: {  	v46 =	vld [tilespmem:s13+$0xFFFFFF80]  }
0x3c8: {  	v47 =	vld [tilespmem:s13+$0xFFFFFFA0];
	v0 =	vadd.f32 v2, v0;
	v1 =	vadd.f32 v7, v1  }
0x3c9: {  	v2 =	vld [tilespmem:s13+$0xFFFFFF90]  }
0x3ca: {  	v48 =	vld [tilespmem:s13+$0xFFFFFFC0];
	v0 =	vadd.f32 v3, v0;
	v1 =	vadd.f32 v44, v1  }
0x3cb: {  	v3 =	vld [tilespmem:s13+$0xFFFFFFB0]  }
0x3cc: {  	v49 =	vld [tilespmem:s13+$0xFFFFFFD0];
	v0 =	vadd.f32 v45, v0;
	v1 =	vadd.f32 v46, v1  }
0x3cd: {  	v50 =	vld [tilespmem:s13+$0xFFFFFFE0]  }
0x3ce: {  	v51 =	vld [tilespmem:s13+$0x0];
	v0 =	vadd.f32 v2, v0;
	v1 =	vadd.f32 v47, v1  }
0x3cf: {  	v2 =	vld [tilespmem:s13+$0xFFFFFFF0]  }
0x3d0: {  	v52 =	vld [tilespmem:s13+$0x20];
	v0 =	vadd.f32 v3, v0;
	v1 =	vadd.f32 v48, v1  }
0x3d1: {  	v3 =	vld [tilespmem:s13+$0x10]  }
0x3d2: {  	v53 =	vld [tilespmem:s13+$0x30];
	v0 =	vadd.f32 v49, v0;
	v1 =	vadd.f32 v50, v1  }
0x3d3: {  	v54 =	vld [tilespmem:s13+$0x40]  }
0x3d4: {  	v55 =	vld [tilespmem:s13+$0x60];
	v0 =	vadd.f32 v2, v0;
	v1 =	vadd.f32 v51, v1  }
0x3d5: {  	v2 =	vld [tilespmem:s13+$0x50]  }
0x3d6: {  	v56 =	vld [tilespmem:s13+$0x80];
	v0 =	vadd.f32 v3, v0;
	v1 =	vadd.f32 v52, v1  }
0x3d7: {  	v3 =	vld [tilespmem:s13+$0x70]  }
0x3d8: {  	v57 =	vld [tilespmem:s13+$0x90];
	v0 =	vadd.f32 v53, v0;
	v1 =	vadd.f32 v54, v1  }
0x3d9: {  	v58 =	vld [tilespmem:s13+$0xA0]  }
0x3da: {  	v59 =	vld [tilespmem:s13+$0xC0];
	v0 =	vadd.f32 v2, v0;
	v1 =	vadd.f32 v55, v1  }
0x3db: {  	v2 =	vld [tilespmem:s13+$0xB0]  }
0x3dc: {  	v60 =	vld [tilespmem:s13+$0xE0];
	v0 =	vadd.f32 v3, v0;
	v1 =	vadd.f32 v56, v1  }
0x3dd: {  	v3 =	vld [tilespmem:s13+$0xD0]  }
0x3de: {  	v61 =	vld [tilespmem:s13+$0xF0];
	v0 =	vadd.f32 v57, v0;
	v1 =	vadd.f32 v58, v1  }
0x3df: {  	v62 =	vld [tilespmem:s13+$0x100]  }
0x3e0: {  	v63 =	vld [tilespmem:s13+$0x120];
	v0 =	vadd.f32 v2, v0;
	v1 =	vadd.f32 v59, v1  }
0x3e1: {  	v2 =	vld [tilespmem:s13+$0x110]  }
0x3e2: {  	v0 =	vadd.f32 v3, v0;
	v1 =	vadd.f32 v60, v1  }
0x3e3: {  	v3 =	vld [tilespmem:s13+$0x130]  }
0x3e4: {  	v0 =	vadd.f32 v61, v0;
	v1 =	vadd.f32 v62, v1;
	_ =	sdelay $0x1  }
0x3e5: {  	v0 =	vadd.f32 v2, v0;
	v1 =	vadd.f32 v63, v1  }
0x3e6: {  	s5 =	simm.s32 $0x0  }
0x3e7: {  	s4 =	simm.s32 $0x80;
	v0 =	vadd.f32 v3, v0;
	[tilespmem:s5+$0x19800] =	vst v1  }
.LBB2_14:
0x3e8: {  	p0 =	sne.s32 s4, $0x1F80  }
0x3e9: {  	[tilespmem:s5+$0x19810] =	vst v0;
	s13 =	sadd.s32 $0x280, s13;
	s5 =	smov.u32 s4;
	s4 =	sadd.s32 $0x80, s4  }
0x3ea: {  	v0 =	vld [tilespmem:s13+$0xFFFFFEF0]  }
0x3eb: {  	v1 =	vld [tilespmem:s13+$0xFFFFFEC0]  }
0x3ec: {  	v2 =	vld [tilespmem:s13+$0xFFFFFEE0]  }
0x3ed: {  	v3 =	vld [tilespmem:s13+$0xFFFFFED0]  }
0x3ee: {  	v4 =	vld [tilespmem:s13+$0xFFFFFF00]  }
0x3ef: {  	v5 =	vld [tilespmem:s13+$0xFFFFFF10]  }
0x3f0: {  	v6 =	vld [tilespmem:s13+$0xFFFFFF20]  }
0x3f1: {  	v1 =	vadd.f32 v2, v1;
	v2 =	vld [tilespmem:s13+$0xFFFFFF30]  }
0x3f2: {  	v0 =	vadd.f32 v0, v3;
	v3 =	vld [tilespmem:s13+$0xFFFFFF40]  }
0x3f3: {  	v1 =	vadd.f32 v4, v1;
	v4 =	vld [tilespmem:s13+$0xFFFFFF50]  }
0x3f4: {  	v0 =	vadd.f32 v5, v0;
	v5 =	vld [tilespmem:s13+$0xFFFFFF60]  }
0x3f5: {  	v1 =	vadd.f32 v6, v1;
	v6 =	vld [tilespmem:s13+$0xFFFFFF70]  }
0x3f6: {  	v0 =	vadd.f32 v2, v0;
	v2 =	vld [tilespmem:s13+$0xFFFFFF80]  }
0x3f7: {  	v1 =	vadd.f32 v3, v1;
	v3 =	vld [tilespmem:s13+$0xFFFFFF90]  }
0x3f8: {  	v0 =	vadd.f32 v4, v0;
	v4 =	vld [tilespmem:s13+$0xFFFFFFA0]  }
0x3f9: {  	v1 =	vadd.f32 v5, v1;
	v5 =	vld [tilespmem:s13+$0xFFFFFFB0]  }
0x3fa: {  	v0 =	vadd.f32 v6, v0;
	v6 =	vld [tilespmem:s13+$0xFFFFFFC0]  }
0x3fb: {  	v1 =	vadd.f32 v2, v1;
	v2 =	vld [tilespmem:s13+$0xFFFFFFD0]  }
0x3fc: {  	v0 =	vadd.f32 v3, v0;
	v3 =	vld [tilespmem:s13+$0xFFFFFFE0]  }
0x3fd: {  	v1 =	vadd.f32 v4, v1;
	v4 =	vld [tilespmem:s13+$0xFFFFFFF0]  }
0x3fe: {  	v0 =	vadd.f32 v5, v0;
	v5 =	vld [tilespmem:s13+$0x0]  }
0x3ff: {  	v1 =	vadd.f32 v6, v1;
	v6 =	vld [tilespmem:s13+$0x10]  }
0x400: {  	v0 =	vadd.f32 v2, v0;
	v2 =	vld [tilespmem:s13+$0x20]  }
0x401: {  	v1 =	vadd.f32 v3, v1;
	v3 =	vld [tilespmem:s13+$0x30]  }
0x402: {  	v0 =	vadd.f32 v4, v0;
	v4 =	vld [tilespmem:s13+$0x40]  }
0x403: {  	v1 =	vadd.f32 v5, v1;
	v5 =	vld [tilespmem:s13+$0x50]  }
0x404: {  	v0 =	vadd.f32 v6, v0;
	v6 =	vld [tilespmem:s13+$0x60]  }
0x405: {  	v1 =	vadd.f32 v2, v1;
	v2 =	vld [tilespmem:s13+$0x70]  }
0x406: {  	v0 =	vadd.f32 v3, v0;
	v3 =	vld [tilespmem:s13+$0x80]  }
0x407: {  	v1 =	vadd.f32 v4, v1;
	v4 =	vld [tilespmem:s13+$0x90]  }
0x408: {  	v0 =	vadd.f32 v5, v0;
	v5 =	vld [tilespmem:s13+$0xA0]  }
0x409: {  	v1 =	vadd.f32 v6, v1;
	v6 =	vld [tilespmem:s13+$0xB0]  }
0x40a: {  	v0 =	vadd.f32 v2, v0;
	v2 =	vld [tilespmem:s13+$0xC0]  }
0x40b: {  	v1 =	vadd.f32 v3, v1;
	v3 =	vld [tilespmem:s13+$0xD0]  }
0x40c: {  	v0 =	vadd.f32 v4, v0;
	v4 =	vld [tilespmem:s13+$0xE0]  }
0x40d: {  	v1 =	vadd.f32 v5, v1;
	v5 =	vld [tilespmem:s13+$0xF0]  }
0x40e: {  	v0 =	vadd.f32 v6, v0;
	v6 =	vld [tilespmem:s13+$0x100]  }
0x40f: {  	v1 =	vadd.f32 v2, v1;
	v2 =	vld [tilespmem:s13+$0x110]  }
0x410: {  	v0 =	vadd.f32 v3, v0;
	v3 =	vld [tilespmem:s13+$0x120]  }
0x411: {  	v1 =	vadd.f32 v4, v1;
	v4 =	vld [tilespmem:s13+$0x130]  }
0x412: {  	v0 =	vadd.f32 v5, v0  }
.Ltmp6:
0x413: {  	v1 =	vadd.f32 v6, v1;
	(pc) =	sbr.rel @p0 .LBB2_14-.Ltmp6, $4  }
0x414: {  	v0 =	vadd.f32 v2, v0  }
0x415: {  	v1 =	vadd.f32 v3, v1  }
0x416: {  	s5 =	sshra.s32 s5, $0x2;
	v0 =	vadd.f32 v4, v0  }
0x417: {  	[tilespmem:s5+$0x19800] =	vst v1  }
0x418: {  	[tilespmem:s5+$0x19810] =	vst v0  }
0x419: {  	_ =	swait.ge [sflag:s31], $0x1000  }
0x41a: {  	[sflag:s31] =	ssyncset.done $0x0  }
0x41b: {  	[sflag:s31] =	ssyncadd.s32 $0xFFFFF000  }
0x41c: {  	_ =	swait.ge [sflag:s31], $0x1000  }
0x41d: {  	[sflag:s31] =	ssyncset.done $0x0  }
0x41e: {  	[sflag:s31] =	ssyncadd.s32 $0xFFFFF000  }
0x41f: {  	_ =	swait.ge [sflag:s31], $0x1000  }
0x420: {  	[sflag:s31] =	ssyncset.done $0x0  }
0x421: {  	[sflag:s31] =	ssyncadd.s32 $0xFFFFF000  }
0x422: {  	_ =	swait.ge [sflag:s31], $0x1000  }
0x423: {  	[sflag:s31] =	ssyncset.done $0x0  }
0x424: {  	[sflag:s31] =	ssyncadd.s32 $0xFFFFF000  }
0x425: {  	_ =	swait.ge [sflag:s31], $0x1000  }
0x426: {  	[sflag:s31] =	ssyncset.done $0x0  }
0x427: {  	[sflag:s31] =	ssyncadd.s32 $0xFFFFF000  }
0x428: {  	_ =	swait.ge [sflag:s31], $0x1000  }
0x429: {  	[sflag:s31] =	ssyncset.done $0x0  }
0x42a: {  	[sflag:s31] =	ssyncadd.s32 $0xFFFFF000  }
0x42b: {  	_ =	swait.ge [sflag:s31], $0x1000  }
0x42c: {  	[sflag:s31] =	ssyncset.done $0x0  }
0x42d: {  	[sflag:s31] =	ssyncadd.s32 $0xFFFFF000  }
0x42e: {  	_ =	swait.ge [sflag:s31], $0x1000  }
0x42f: {  	[sflag:s31] =	ssyncset.done $0x0  }
0x430: {  	[sflag:s31] =	ssyncadd.s32 $0xFFFFF000  }
0x431: {  	_ =	swait.ge [sflag:s31], $0x1000  }
0x432: {  	[sflag:s31] =	ssyncset.done $0x0  }
0x433: {  	[sflag:s31] =	ssyncadd.s32 $0xFFFFF000  }
0x434: {  	_ =	swait.ge [sflag:s31], $0x1000  }
0x435: {  	[sflag:s31] =	ssyncset.done $0x0  }
0x436: {  	s13 =	simm.s32 $0xC940;
	[sflag:s31] =	ssyncadd.s32 $0xFFFFF000  }
0x437: {  	v0 =	vld [tilespmem:s13+$0xFFFFFEF0]  }
0x438: {  	v1 =	vld [tilespmem:s13+$0xFFFFFEC0]  }
0x439: {  	v2 =	vld [tilespmem:s13+$0xFFFFFEE0]  }
0x43a: {  	v3 =	vld [tilespmem:s13+$0xFFFFFED0]  }
0x43b: {  	v4 =	vld [tilespmem:s13+$0xFFFFFF00]  }
0x43c: {  	v5 =	vld [tilespmem:s13+$0xFFFFFF10]  }
0x43d: {  	v6 =	vld [tilespmem:s13+$0xFFFFFF20]  }
0x43e: {  	v7 =	vld [tilespmem:s13+$0xFFFFFF40];
	v1 =	vadd.f32 v2, v1  }
0x43f: {  	v2 =	vld [tilespmem:s13+$0xFFFFFF30]  }
0x440: {  	v44 =	vld [tilespmem:s13+$0xFFFFFF60];
	v0 =	vadd.f32 v0, v3;
	v1 =	vadd.f32 v4, v1  }
0x441: {  	v3 =	vld [tilespmem:s13+$0xFFFFFF50]  }
0x442: {  	v45 =	vld [tilespmem:s13+$0xFFFFFF70];
	v0 =	vadd.f32 v5, v0;
	v1 =	vadd.f32 v6, v1  }
0x443: {  	v46 =	vld [tilespmem:s13+$0xFFFFFF80]  }
0x444: {  	v47 =	vld [tilespmem:s13+$0xFFFFFFA0];
	v0 =	vadd.f32 v2, v0;
	v1 =	vadd.f32 v7, v1  }
0x445: {  	v2 =	vld [tilespmem:s13+$0xFFFFFF90]  }
0x446: {  	v48 =	vld [tilespmem:s13+$0xFFFFFFC0];
	v0 =	vadd.f32 v3, v0;
	v1 =	vadd.f32 v44, v1  }
0x447: {  	v3 =	vld [tilespmem:s13+$0xFFFFFFB0]  }
0x448: {  	v49 =	vld [tilespmem:s13+$0xFFFFFFD0];
	v0 =	vadd.f32 v45, v0;
	v1 =	vadd.f32 v46, v1  }
0x449: {  	v50 =	vld [tilespmem:s13+$0xFFFFFFE0]  }
0x44a: {  	v51 =	vld [tilespmem:s13+$0x0];
	v0 =	vadd.f32 v2, v0;
	v1 =	vadd.f32 v47, v1  }
0x44b: {  	v2 =	vld [tilespmem:s13+$0xFFFFFFF0]  }
0x44c: {  	v52 =	vld [tilespmem:s13+$0x20];
	v0 =	vadd.f32 v3, v0;
	v1 =	vadd.f32 v48, v1  }
0x44d: {  	v3 =	vld [tilespmem:s13+$0x10]  }
0x44e: {  	v53 =	vld [tilespmem:s13+$0x30];
	v0 =	vadd.f32 v49, v0;
	v1 =	vadd.f32 v50, v1  }
0x44f: {  	v54 =	vld [tilespmem:s13+$0x40]  }
0x450: {  	v55 =	vld [tilespmem:s13+$0x60];
	v0 =	vadd.f32 v2, v0;
	v1 =	vadd.f32 v51, v1  }
0x451: {  	v2 =	vld [tilespmem:s13+$0x50]  }
0x452: {  	v56 =	vld [tilespmem:s13+$0x80];
	v0 =	vadd.f32 v3, v0;
	v1 =	vadd.f32 v52, v1  }
0x453: {  	v3 =	vld [tilespmem:s13+$0x70]  }
0x454: {  	v57 =	vld [tilespmem:s13+$0x90];
	v0 =	vadd.f32 v53, v0;
	v1 =	vadd.f32 v54, v1  }
0x455: {  	v58 =	vld [tilespmem:s13+$0xA0]  }
0x456: {  	v59 =	vld [tilespmem:s13+$0xC0];
	v0 =	vadd.f32 v2, v0;
	v1 =	vadd.f32 v55, v1  }
0x457: {  	v2 =	vld [tilespmem:s13+$0xB0]  }
0x458: {  	v60 =	vld [tilespmem:s13+$0xE0];
	v0 =	vadd.f32 v3, v0;
	v1 =	vadd.f32 v56, v1  }
0x459: {  	v3 =	vld [tilespmem:s13+$0xD0]  }
0x45a: {  	v61 =	vld [tilespmem:s13+$0xF0];
	v0 =	vadd.f32 v57, v0;
	v1 =	vadd.f32 v58, v1  }
0x45b: {  	v62 =	vld [tilespmem:s13+$0x100]  }
0x45c: {  	v63 =	vld [tilespmem:s13+$0x120];
	v0 =	vadd.f32 v2, v0;
	v1 =	vadd.f32 v59, v1  }
0x45d: {  	v2 =	vld [tilespmem:s13+$0x110]  }
0x45e: {  	v0 =	vadd.f32 v3, v0;
	v1 =	vadd.f32 v60, v1  }
0x45f: {  	v3 =	vld [tilespmem:s13+$0x130]  }
0x460: {  	v0 =	vadd.f32 v61, v0;
	v1 =	vadd.f32 v62, v1;
	_ =	sdelay $0x1  }
0x461: {  	v0 =	vadd.f32 v2, v0;
	v1 =	vadd.f32 v63, v1  }
0x462: {  	s5 =	simm.s32 $0x0  }
0x463: {  	s4 =	simm.s32 $0x80;
	v0 =	vadd.f32 v3, v0;
	[tilespmem:s5+$0x1A000] =	vst v1  }
.LBB2_16:
0x464: {  	p0 =	sne.s32 s4, $0x1F80  }
0x465: {  	[tilespmem:s5+$0x1A010] =	vst v0;
	s13 =	sadd.s32 $0x280, s13;
	s5 =	smov.u32 s4;
	s4 =	sadd.s32 $0x80, s4  }
0x466: {  	v0 =	vld [tilespmem:s13+$0xFFFFFEF0]  }
0x467: {  	v1 =	vld [tilespmem:s13+$0xFFFFFEC0]  }
0x468: {  	v2 =	vld [tilespmem:s13+$0xFFFFFEE0]  }
0x469: {  	v3 =	vld [tilespmem:s13+$0xFFFFFED0]  }
0x46a: {  	v4 =	vld [tilespmem:s13+$0xFFFFFF00]  }
0x46b: {  	v5 =	vld [tilespmem:s13+$0xFFFFFF10]  }
0x46c: {  	v6 =	vld [tilespmem:s13+$0xFFFFFF20]  }
0x46d: {  	v1 =	vadd.f32 v2, v1;
	v2 =	vld [tilespmem:s13+$0xFFFFFF30]  }
0x46e: {  	v0 =	vadd.f32 v0, v3;
	v3 =	vld [tilespmem:s13+$0xFFFFFF40]  }
0x46f: {  	v1 =	vadd.f32 v4, v1;
	v4 =	vld [tilespmem:s13+$0xFFFFFF50]  }
0x470: {  	v0 =	vadd.f32 v5, v0;
	v5 =	vld [tilespmem:s13+$0xFFFFFF60]  }
0x471: {  	v1 =	vadd.f32 v6, v1;
	v6 =	vld [tilespmem:s13+$0xFFFFFF70]  }
0x472: {  	v0 =	vadd.f32 v2, v0;
	v2 =	vld [tilespmem:s13+$0xFFFFFF80]  }
0x473: {  	v1 =	vadd.f32 v3, v1;
	v3 =	vld [tilespmem:s13+$0xFFFFFF90]  }
0x474: {  	v0 =	vadd.f32 v4, v0;
	v4 =	vld [tilespmem:s13+$0xFFFFFFA0]  }
0x475: {  	v1 =	vadd.f32 v5, v1;
	v5 =	vld [tilespmem:s13+$0xFFFFFFB0]  }
0x476: {  	v0 =	vadd.f32 v6, v0;
	v6 =	vld [tilespmem:s13+$0xFFFFFFC0]  }
0x477: {  	v1 =	vadd.f32 v2, v1;
	v2 =	vld [tilespmem:s13+$0xFFFFFFD0]  }
0x478: {  	v0 =	vadd.f32 v3, v0;
	v3 =	vld [tilespmem:s13+$0xFFFFFFE0]  }
0x479: {  	v1 =	vadd.f32 v4, v1;
	v4 =	vld [tilespmem:s13+$0xFFFFFFF0]  }
0x47a: {  	v0 =	vadd.f32 v5, v0;
	v5 =	vld [tilespmem:s13+$0x0]  }
0x47b: {  	v1 =	vadd.f32 v6, v1;
	v6 =	vld [tilespmem:s13+$0x10]  }
0x47c: {  	v0 =	vadd.f32 v2, v0;
	v2 =	vld [tilespmem:s13+$0x20]  }
0x47d: {  	v1 =	vadd.f32 v3, v1;
	v3 =	vld [tilespmem:s13+$0x30]  }
0x47e: {  	v0 =	vadd.f32 v4, v0;
	v4 =	vld [tilespmem:s13+$0x40]  }
0x47f: {  	v1 =	vadd.f32 v5, v1;
	v5 =	vld [tilespmem:s13+$0x50]  }
0x480: {  	v0 =	vadd.f32 v6, v0;
	v6 =	vld [tilespmem:s13+$0x60]  }
0x481: {  	v1 =	vadd.f32 v2, v1;
	v2 =	vld [tilespmem:s13+$0x70]  }
0x482: {  	v0 =	vadd.f32 v3, v0;
	v3 =	vld [tilespmem:s13+$0x80]  }
0x483: {  	v1 =	vadd.f32 v4, v1;
	v4 =	vld [tilespmem:s13+$0x90]  }
0x484: {  	v0 =	vadd.f32 v5, v0;
	v5 =	vld [tilespmem:s13+$0xA0]  }
0x485: {  	v1 =	vadd.f32 v6, v1;
	v6 =	vld [tilespmem:s13+$0xB0]  }
0x486: {  	v0 =	vadd.f32 v2, v0;
	v2 =	vld [tilespmem:s13+$0xC0]  }
0x487: {  	v1 =	vadd.f32 v3, v1;
	v3 =	vld [tilespmem:s13+$0xD0]  }
0x488: {  	v0 =	vadd.f32 v4, v0;
	v4 =	vld [tilespmem:s13+$0xE0]  }
0x489: {  	v1 =	vadd.f32 v5, v1;
	v5 =	vld [tilespmem:s13+$0xF0]  }
0x48a: {  	v0 =	vadd.f32 v6, v0;
	v6 =	vld [tilespmem:s13+$0x100]  }
0x48b: {  	v1 =	vadd.f32 v2, v1;
	v2 =	vld [tilespmem:s13+$0x110]  }
0x48c: {  	v0 =	vadd.f32 v3, v0;
	v3 =	vld [tilespmem:s13+$0x120]  }
0x48d: {  	v1 =	vadd.f32 v4, v1;
	v4 =	vld [tilespmem:s13+$0x130]  }
0x48e: {  	v0 =	vadd.f32 v5, v0  }
.Ltmp7:
0x48f: {  	v1 =	vadd.f32 v6, v1;
	(pc) =	sbr.rel @p0 .LBB2_16-.Ltmp7, $4  }
0x490: {  	v0 =	vadd.f32 v2, v0  }
0x491: {  	v1 =	vadd.f32 v3, v1  }
0x492: {  	s5 =	sshra.s32 s5, $0x2;
	v0 =	vadd.f32 v4, v0  }
0x493: {  	[tilespmem:s5+$0x1A000] =	vst v1  }
0x494: {  	s21 =	sadd.s32 $0x1, s21  }
0x495: {  	p0 =	sne.s32 s21, s6  }
.Ltmp8:
0x496: {  	[tilespmem:s5+$0x1A010] =	vst v0;
	s4 =	rddreg [dreg:$0x4];
	s13 =	simm.s32 $0x16800;
	(pc) =	sbr.rel @p0 .LBB2_1-.Ltmp8, $4  }
0x497: {  	[hbm4b:s4+s2] =	stream.linear.scatter [tilespmem:s13], [sflag:$0x3], $0x4000, $0x38;
	[tilespmem:$0x1A800] =	vst v63  }
0x498: {  	_ =	swait.ge [sflag:s7], $0x4000  }
0x499: {  	[sflag:s7] =	ssyncset.done $0x0  }
0x49a: {  	[sflag:s7] =	ssyncadd.s32 $0xFFFFC000  }
0x49b: {  	_ =	sfence.sel $0x180000  }
0x49c: {  	[bflag:$0x0] =	sbarrier.arrive $0xFFFF  }
0x49d: {  	_ =	strace $0x9000004A  }
0x49e: {  	s0 =	stileid.u32;
	[bflag:$0x2] =	sbarrier.arrive $0xFFFF  }
0x49f: {  	p0 =	sne.s32 s0, $0x0;
	s0 =	rddreg [dreg:$0x2]  }
0x4a0: {  	s0 =	sadd.s32 @!p0 $0x100000, s0  }
0x4a1: {  	[sflag:s0] =	ssyncadd.tile.s32 @!p0 $0x1;
	_ =	shalt  }
.Lfunc_end2:
_tile_overlayer_lowered:
.L_overlay_start_2:
0x4a2: {  	(tag) =	ssettag $0x2  }
0x4a3: {  	s0 =	rddreg [dreg:$0x0];
	s2 =	stileid.u32  }
0x4a4: {  	s1 =	rddreg [dreg:$0x1];
	p0 =	sne.s32 s2, $0x0  }
0x4a5: {  	s3 =	rddreg [dreg:$0x2];
	[bflag:$0x3] =	sbarrier.arrive $0xFFFF;
	s2 =	simm.s32 @!p0 $0x1C03  }
0x4a6: {  	[timem:s3], [sflag:s2] =	dma.local @!p0 [hbm:s0], s1  }
0x4a7: {  	s0 =	simm.s32 @!p0 $0x3  }
0x4a8: {  	_ =	swait.ge @!p0 [sflag:s0], s1  }
0x4a9: {  	s1 =	ssub.s32 @!p0 $0x0, s1;
	[sflag:s0] =	ssyncset.done @!p0 $0x0  }
0x4aa: {  	[sflag:s0] =	ssyncadd.s32 @!p0 s1  }
0x4ab: {  	[bflag:$0x3] =	sbarrier.arrive $0xFFFF  }
0x4ac: {  	_ =	shalt  }

</sc_bundles>
